<compile_context>
chip_gen: v7x
topology: tpu7x:2x2x1
jax: 0.10.2.dev20260603
libtpu: 0.0.44.dev20260713+nightly
codegen_flags: <defaults>
</compile_context>

<pallas_src>
import functools

import jax
import jax.numpy as jnp
from jax import lax
from jax.experimental import pallas as pl
from jax.experimental.pallas import tpu as pltpu
from jax.experimental.pallas import tpu_sc as plsc

_NUM_WORKERS = 32
_LANES = 16
_E_BLK = 80


def _pack_pairs(x_bf16):
    d = x_bf16.shape[1]
    lo = lax.bitcast_convert_type(x_bf16[:, :d // 2], jnp.uint16)
    hi = lax.bitcast_convert_type(x_bf16[:, d // 2:], jnp.uint16)
    packed = lo.astype(jnp.uint32) | (hi.astype(jnp.uint32) << 16)
    return packed.astype(jnp.int32)


def _prep_body(x_ref, r_ref, zo_ref, ro_ref):
    x = x_ref[...]
    n = jnp.sqrt(jnp.sum(x * x, axis=1, keepdims=True))
    z = (x / jnp.maximum(n, 1e-12)).astype(jnp.bfloat16)
    zo_ref[...] = _pack_pairs(z)
    ro_ref[...] = _pack_pairs(r_ref[...].astype(jnp.bfloat16))


def _prep_tables_tc(node_emb, rel_emb):
    nn, d = node_emb.shape
    nr = rel_emb.shape[0]
    return pl.pallas_call(
        _prep_body,
        out_shape=(jax.ShapeDtypeStruct((nn, d // 2), jnp.int32),
                   jax.ShapeDtypeStruct((nr, d // 2), jnp.int32)),
    )(node_emb, rel_emb)


@functools.cache
def _make_sc_score(num_edges, hidden):
    epw = num_edges // _NUM_WORKERS
    nblk = epw // _E_BLK
    hw = hidden // 2
    nch = hw // _LANES
    mesh = plsc.VectorSubcoreMesh(core_axis_name="c", subcore_axis_name="s")

    @functools.partial(
        pl.kernel,
        out_type=jax.ShapeDtypeStruct((num_edges,), jnp.float32),
        mesh=mesh,
        compiler_params=pltpu.CompilerParams(needs_layout_passes=False,
                                             use_tc_tiling_on_sc=False),
        scratch_types=[
            pltpu.VMEM((epw,), jnp.int32),
            pltpu.VMEM((epw,), jnp.int32),
            pltpu.VMEM((epw,), jnp.int32),
            pltpu.VMEM((_E_BLK, hw), jnp.int32),
            pltpu.VMEM((_E_BLK, hw), jnp.int32),
            pltpu.VMEM((_E_BLK, hw), jnp.int32),
            pltpu.VMEM((_E_BLK, hw), jnp.int32),
            pltpu.VMEM((_E_BLK, hw), jnp.int32),
            pltpu.VMEM((_E_BLK, hw), jnp.int32),
            pltpu.VMEM((epw,), jnp.float32),
            pltpu.VMEM((_LANES * (_LANES + 1),), jnp.float32),
            pltpu.SemaphoreType.DMA,
            pltpu.SemaphoreType.DMA,
        ],
    )
    def sc_score(z_hbm, rel_hbm, ei_hbm, typ_hbm, out_hbm,
                 si_v, di_v, ri_v, sr_a, dr_a, rr_a, sr_b, dr_b, rr_b,
                 out_v, acc_v, sem_a, sem_b):
        wid = lax.axis_index("s") * 2 + lax.axis_index("c")
        base = wid * epw

        pltpu.sync_copy(ei_hbm.at[0, pl.ds(base, epw)], si_v)
        pltpu.sync_copy(ei_hbm.at[1, pl.ds(base, epw)], di_v)
        pltpu.sync_copy(typ_hbm.at[pl.ds(base, epw)], ri_v)

        def issue(off, n, sr, dr, rr, sem):
            pltpu.async_copy(z_hbm.at[si_v.at[pl.ds(off, n)]],
                             sr.at[pl.ds(0, n)], sem)
            pltpu.async_copy(z_hbm.at[di_v.at[pl.ds(off, n)]],
                             dr.at[pl.ds(0, n)], sem)
            pltpu.async_copy(rel_hbm.at[ri_v.at[pl.ds(off, n)]],
                             rr.at[pl.ds(0, n)], sem)

        def wait(n, sr, dr, rr, sem):
            pltpu.make_async_copy(z_hbm.at[pl.ds(0, n)],
                                  sr.at[pl.ds(0, n)], sem).wait()
            pltpu.make_async_copy(z_hbm.at[pl.ds(0, n)],
                                  dr.at[pl.ds(0, n)], sem).wait()
            pltpu.make_async_copy(rel_hbm.at[pl.ds(0, n)],
                                  rr.at[pl.ds(0, n)], sem).wait()

        cols = lax.iota(jnp.int32, _LANES) * (_LANES + 1)

        def compute(off, n, sr, dr, rr):
            for g in range(n // _LANES):
                def ebody(e, carry):
                    re = g * _LANES + e
                    acc = None
                    for j in range(nch):
                        sv = plsc.bitcast(sr[re, pl.ds(j * _LANES, _LANES)],
                                          jnp.bfloat16)
                        dv = plsc.bitcast(dr[re, pl.ds(j * _LANES, _LANES)],
                                          jnp.bfloat16)
                        rv = plsc.bitcast(rr[re, pl.ds(j * _LANES, _LANES)],
                                          jnp.bfloat16)
                        t = sv * rv * dv
                        lo, hi = plsc.unpack(
                            t, format=plsc.PackFormat.INTERLEAVED,
                            preferred_element_type=jnp.float32)
                        u = lo + hi
                        acc = u if acc is None else acc + u
                    acc_v[pl.ds(e * (_LANES + 1), _LANES)] = acc
                    return carry

                lax.fori_loop(0, _LANES, ebody, 0, unroll=2)

                s0 = plsc.load_gather(acc_v, [cols])
                s1 = plsc.load_gather(acc_v, [cols + 1])
                for c in range(2, _LANES, 2):
                    s0 = s0 + plsc.load_gather(acc_v, [cols + c])
                    s1 = s1 + plsc.load_gather(acc_v, [cols + c + 1])
                out_v[pl.ds(off + g * _LANES, _LANES)] = s0 + s1

        issue(0, _E_BLK, sr_a, dr_a, rr_a, sem_a)

        def step(it, carry):
            i = 2 * it
            issue((i + 1) * _E_BLK, _E_BLK, sr_b, dr_b, rr_b, sem_b)
            wait(_E_BLK, sr_a, dr_a, rr_a, sem_a)
            compute(i * _E_BLK, _E_BLK, sr_a, dr_a, rr_a)
            issue((i + 2) * _E_BLK, _E_BLK, sr_a, dr_a, rr_a, sem_a)
            wait(_E_BLK, sr_b, dr_b, rr_b, sem_b)
            compute((i + 1) * _E_BLK, _E_BLK, sr_b, dr_b, rr_b)
            return carry

        lax.fori_loop(0, (nblk - 1) // 2, step, 0)
        wait(_E_BLK, sr_a, dr_a, rr_a, sem_a)
        compute((nblk - 1) * _E_BLK, _E_BLK, sr_a, dr_a, rr_a)

        pltpu.sync_copy(out_v, out_hbm.at[pl.ds(base, epw)])

    return sc_score


def kernel(node_emb, rel_emb, edge_index, edge_type):
    z_packed, rel_packed = _prep_tables_tc(node_emb, rel_emb)
    num_edges = edge_index.shape[1]
    sc_score = _make_sc_score(num_edges, node_emb.shape[1])
    return sc_score(z_packed, rel_packed, edge_index, edge_type)

# --- scband reference (transcript-rebuilt; emitter-appended) ---
"""Pipeline reference for scband-kge-model-30674656428507 (READ-ONLY COPY).

The authoritative reference and input builder live on the scoring server;
editing this copy changes nothing except your own understanding.
"""

import jax, jax.numpy as jnp
import numpy as np

NUM_NODES = 10000
NUM_RELATIONS = 1000
HIDDEN_DIM = 128
NUM_EDGES = 320000


def _xavier(key, shape):
    fan_in, fan_out = shape[0], shape[1]
    limit = float(np.sqrt(6.0 / (fan_in + fan_out)))
    return jax.random.uniform(key, shape, dtype=jnp.float32, minval=-limit, maxval=limit)


def setup_inputs(seed: int = 0) -> dict:
    key = jax.random.key(seed)
    k1, k2, k3, k4 = jax.random.split(key, 4)
    edge_index = jax.random.randint(k1, (2, NUM_EDGES), 0, NUM_NODES, dtype=jnp.int64 if jax.config.jax_enable_x64 else jnp.int32).astype(jnp.int32)
    edge_type = jax.random.randint(k2, (NUM_EDGES,), 0, NUM_RELATIONS, dtype=jnp.int32)
    node_emb = _xavier(k3, (NUM_NODES, HIDDEN_DIM))
    rel_emb = _xavier(k4, (NUM_RELATIONS, HIDDEN_DIM))
    return {"node_emb": node_emb, "rel_emb": rel_emb, "edge_index": edge_index, "edge_type": edge_type}


def _l2_normalize(z, eps=1e-12):
    # mirrors torch.nn.functional.normalize(z, p=2, dim=1)
    n = jnp.linalg.norm(z, ord=2, axis=1, keepdims=True)
    return z / jnp.maximum(n, eps)


def reference(node_emb, rel_emb, edge_index, edge_type):
    # KGE_Model.forward with DistMult decoder:
    # z = node embedding table; score = sum(z_src * rel * z_dst, dim=1)
    z = _l2_normalize(node_emb)
    z_src = jnp.take(z, edge_index[0], axis=0)
    z_dst = jnp.take(z, edge_index[1], axis=0)
    rel = jnp.take(rel_emb, edge_type, axis=0)
    score = jnp.sum(z_src * rel * z_dst, axis=1)
    return score

if __name__ == "__main__":
    import jax
    _d = setup_inputs()
    print(jax.jit(kernel)(*tuple(_d.values())))

</pallas_src>

<mosaic_0001>
#map = affine_map<(d0, d1) -> (0, 0)>
#map1 = affine_map<(d0, d1) -> (0)>
module attributes {stable_mosaic.version = 14 : i64} {
  func.func @sc_score(%arg0: i32, %arg1: i32, %arg2: memref<10000x64xi32, #tpu.memory_space<hbm>>, %arg3: memref<1000x64xi32, #tpu.memory_space<hbm>>, %arg4: memref<2x320000xi32, #tpu.memory_space<hbm>>, %arg5: memref<320000xi32, #tpu.memory_space<hbm>>, %arg6: memref<320000xf32, #tpu.memory_space<hbm>>, %arg7: memref<10000xi32, #tpu.memory_space<vmem>>, %arg8: memref<10000xi32, #tpu.memory_space<vmem>>, %arg9: memref<10000xi32, #tpu.memory_space<vmem>>, %arg10: memref<80x64xi32, #tpu.memory_space<vmem>>, %arg11: memref<80x64xi32, #tpu.memory_space<vmem>>, %arg12: memref<80x64xi32, #tpu.memory_space<vmem>>, %arg13: memref<80x64xi32, #tpu.memory_space<vmem>>, %arg14: memref<80x64xi32, #tpu.memory_space<vmem>>, %arg15: memref<80x64xi32, #tpu.memory_space<vmem>>, %arg16: memref<10000xf32, #tpu.memory_space<vmem>>, %arg17: memref<272xf32, #tpu.memory_space<vmem>>, %arg18: memref<!tpu.dma_semaphore, #tpu.memory_space<semaphore_mem>>, %arg19: memref<!tpu.dma_semaphore, #tpu.memory_space<semaphore_mem>>) attributes {dimension_semantics = [#tpu.dimension_semantics<core_parallel>, #tpu.dimension_semantics<subcore_parallel>], iteration_bounds = array<i64: 2, 16>, scalar_prefetch = 0 : i64, scratch_operands = 13 : i64, tpu.core_type = #tpu.core_type<sc_vector_subcore>, window_params = [{transform_indices = #map}, {transform_indices = #map}, {transform_indices = #map}, {transform_indices = #map1}, {transform_indices = #map1}]} {
    %mul3A = arith.constant 2 : i32
    %mul3A_0 = arith.muli %arg1, %mul3A : i32
    %add3A = arith.addi %mul3A_0, %arg0 : i32
    %mul3A_1 = arith.constant 10000 : i32
    %mul3A_2 = arith.muli %add3A, %mul3A_1 : i32
    %run_scoped3A = arith.constant 0 : i32
    "tpu.region"() ({
      %run_scoped3A_593 = tpu.sem_alloc : memref<!tpu.dma_semaphore, #tpu.memory_space<semaphore_mem>>
      %dma_start3A_594 = tpu.memref_slice %arg4[%run_scoped3A, %mul3A_2] : memref<2x320000xi32, #tpu.memory_space<hbm>> -> memref<1x10000xi32, #tpu.memory_space<hbm>>
      %dma_start3A_595 = tpu.memref_squeeze %dma_start3A_594 : memref<1x10000xi32, #tpu.memory_space<hbm>> -> memref<10000xi32, #tpu.memory_space<hbm>>
      %dma_start3A_596 = tpu.memref_slice %arg4[%run_scoped3A, %mul3A_2] : memref<2x320000xi32, #tpu.memory_space<hbm>> -> memref<1x10000xi32, #tpu.memory_space<hbm>>
      %dma_start3A_597 = tpu.memref_squeeze %dma_start3A_596 : memref<1x10000xi32, #tpu.memory_space<hbm>> -> memref<10000xi32, #tpu.memory_space<hbm>>
      tpu.enqueue_dma source(%dma_start3A_597 : memref<10000xi32, #tpu.memory_space<hbm>>) target(%arg7 : memref<10000xi32, #tpu.memory_space<vmem>>) target_semaphore(%run_scoped3A_593 : memref<!tpu.dma_semaphore, #tpu.memory_space<semaphore_mem>>)
      %dma_wait3A_598 = tpu.memref_slice %arg4[%run_scoped3A, %mul3A_2] : memref<2x320000xi32, #tpu.memory_space<hbm>> -> memref<1x10000xi32, #tpu.memory_space<hbm>>
      %dma_wait3A_599 = tpu.memref_squeeze %dma_wait3A_598 : memref<1x10000xi32, #tpu.memory_space<hbm>> -> memref<10000xi32, #tpu.memory_space<hbm>>
      %dma_wait3A_600 = tpu.memref_slice %arg4[%run_scoped3A, %mul3A_2] : memref<2x320000xi32, #tpu.memory_space<hbm>> -> memref<1x10000xi32, #tpu.memory_space<hbm>>
      %dma_wait3A_601 = tpu.memref_squeeze %dma_wait3A_600 : memref<1x10000xi32, #tpu.memory_space<hbm>> -> memref<10000xi32, #tpu.memory_space<hbm>>
      tpu.wait_dma2 semaphore(%run_scoped3A_593 : memref<!tpu.dma_semaphore, #tpu.memory_space<semaphore_mem>>) src(%dma_wait3A_601 : memref<10000xi32, #tpu.memory_space<hbm>>) dst(%arg7 : memref<10000xi32, #tpu.memory_space<vmem>>)
      tpu.yield
    }) : () -> ()
    %run_scoped3A_3 = arith.constant 1 : i32
    "tpu.region"() ({
      %run_scoped3A_593 = tpu.sem_alloc : memref<!tpu.dma_semaphore, #tpu.memory_space<semaphore_mem>>
      %dma_start3A_594 = tpu.memref_slice %arg4[%run_scoped3A_3, %mul3A_2] : memref<2x320000xi32, #tpu.memory_space<hbm>> -> memref<1x10000xi32, #tpu.memory_space<hbm>>
      %dma_start3A_595 = tpu.memref_squeeze %dma_start3A_594 : memref<1x10000xi32, #tpu.memory_space<hbm>> -> memref<10000xi32, #tpu.memory_space<hbm>>
      %dma_start3A_596 = tpu.memref_slice %arg4[%run_scoped3A_3, %mul3A_2] : memref<2x320000xi32, #tpu.memory_space<hbm>> -> memref<1x10000xi32, #tpu.memory_space<hbm>>
      %dma_start3A_597 = tpu.memref_squeeze %dma_start3A_596 : memref<1x10000xi32, #tpu.memory_space<hbm>> -> memref<10000xi32, #tpu.memory_space<hbm>>
      tpu.enqueue_dma source(%dma_start3A_597 : memref<10000xi32, #tpu.memory_space<hbm>>) target(%arg8 : memref<10000xi32, #tpu.memory_space<vmem>>) target_semaphore(%run_scoped3A_593 : memref<!tpu.dma_semaphore, #tpu.memory_space<semaphore_mem>>)
      %dma_wait3A_598 = tpu.memref_slice %arg4[%run_scoped3A_3, %mul3A_2] : memref<2x320000xi32, #tpu.memory_space<hbm>> -> memref<1x10000xi32, #tpu.memory_space<hbm>>
      %dma_wait3A_599 = tpu.memref_squeeze %dma_wait3A_598 : memref<1x10000xi32, #tpu.memory_space<hbm>> -> memref<10000xi32, #tpu.memory_space<hbm>>
      %dma_wait3A_600 = tpu.memref_slice %arg4[%run_scoped3A_3, %mul3A_2] : memref<2x320000xi32, #tpu.memory_space<hbm>> -> memref<1x10000xi32, #tpu.memory_space<hbm>>
      %dma_wait3A_601 = tpu.memref_squeeze %dma_wait3A_600 : memref<1x10000xi32, #tpu.memory_space<hbm>> -> memref<10000xi32, #tpu.memory_space<hbm>>
      tpu.wait_dma2 semaphore(%run_scoped3A_593 : memref<!tpu.dma_semaphore, #tpu.memory_space<semaphore_mem>>) src(%dma_wait3A_601 : memref<10000xi32, #tpu.memory_space<hbm>>) dst(%arg8 : memref<10000xi32, #tpu.memory_space<vmem>>)
      tpu.yield
    }) : () -> ()
    "tpu.region"() ({
      %run_scoped3A_593 = tpu.sem_alloc : memref<!tpu.dma_semaphore, #tpu.memory_space<semaphore_mem>>
      %dma_start3A_594 = tpu.memref_slice %arg5[%mul3A_2] : memref<320000xi32, #tpu.memory_space<hbm>> -> memref<10000xi32, #tpu.memory_space<hbm>>
      %dma_start3A_595 = tpu.memref_slice %arg5[%mul3A_2] : memref<320000xi32, #tpu.memory_space<hbm>> -> memref<10000xi32, #tpu.memory_space<hbm>>
      tpu.enqueue_dma source(%dma_start3A_595 : memref<10000xi32, #tpu.memory_space<hbm>>) target(%arg9 : memref<10000xi32, #tpu.memory_space<vmem>>) target_semaphore(%run_scoped3A_593 : memref<!tpu.dma_semaphore, #tpu.memory_space<semaphore_mem>>)
      %dma_wait3A_596 = tpu.memref_slice %arg5[%mul3A_2] : memref<320000xi32, #tpu.memory_space<hbm>> -> memref<10000xi32, #tpu.memory_space<hbm>>
      %dma_wait3A_597 = tpu.memref_slice %arg5[%mul3A_2] : memref<320000xi32, #tpu.memory_space<hbm>> -> memref<10000xi32, #tpu.memory_space<hbm>>
      tpu.wait_dma2 semaphore(%run_scoped3A_593 : memref<!tpu.dma_semaphore, #tpu.memory_space<semaphore_mem>>) src(%dma_wait3A_597 : memref<10000xi32, #tpu.memory_space<hbm>>) dst(%arg9 : memref<10000xi32, #tpu.memory_space<vmem>>)
      tpu.yield
    }) : () -> ()
    %iota3A = tpu.iota {dimensions = array<i32: 0>} : vector<16xi32>
    %mul3A_4 = arith.constant 17 : i32
    %mul3A_5 = vector.broadcast %mul3A_4 : i32 to vector<16xi32>
    %mul3A_6 = arith.muli %iota3A, %mul3A_5 : vector<16xi32>
    %dma_start3A = arith.constant 0 : i32
    %dma_start3A_7 = arith.constant 0 : i32
    %dma_start3A_8 = tpu.memref_slice %arg10[%dma_start3A, %dma_start3A_7] : memref<80x64xi32, #tpu.memory_space<vmem>> -> memref<80x64xi32, #tpu.memory_space<vmem>>
    %dma_start3A_9 = arith.constant 0 : i32
    %dma_start3A_10 = tpu.memref_slice %arg7[%dma_start3A_9] : memref<10000xi32, #tpu.memory_space<vmem>> -> memref<80xi32, #tpu.memory_space<vmem>>
    %dma_start3A_11 = arith.constant 0 : i32
    %dma_start3A_12 = arith.constant 0 : i32
    %dma_start3A_13 = tpu.memref_slice %arg2[%dma_start3A_11, %dma_start3A_12] : memref<10000x64xi32, #tpu.memory_space<hbm>> -> memref<10000x64xi32, #tpu.memory_space<hbm>>
    tpu.enqueue_indirect_dma source(%dma_start3A_13 : memref<10000x64xi32, #tpu.memory_space<hbm>>) target(%dma_start3A_8 : memref<80x64xi32, #tpu.memory_space<vmem>>) offsets(%dma_start3A_10 : memref<80xi32, #tpu.memory_space<vmem>>) semaphore(%arg18 : memref<!tpu.dma_semaphore, #tpu.memory_space<semaphore_mem>>)
    %dma_start3A_14 = arith.constant 0 : i32
    %dma_start3A_15 = arith.constant 0 : i32
    %dma_start3A_16 = tpu.memref_slice %arg11[%dma_start3A_14, %dma_start3A_15] : memref<80x64xi32, #tpu.memory_space<vmem>> -> memref<80x64xi32, #tpu.memory_space<vmem>>
    %dma_start3A_17 = arith.constant 0 : i32
    %dma_start3A_18 = tpu.memref_slice %arg8[%dma_start3A_17] : memref<10000xi32, #tpu.memory_space<vmem>> -> memref<80xi32, #tpu.memory_space<vmem>>
    %dma_start3A_19 = arith.constant 0 : i32
    %dma_start3A_20 = arith.constant 0 : i32
    %dma_start3A_21 = tpu.memref_slice %arg2[%dma_start3A_19, %dma_start3A_20] : memref<10000x64xi32, #tpu.memory_space<hbm>> -> memref<10000x64xi32, #tpu.memory_space<hbm>>
    tpu.enqueue_indirect_dma source(%dma_start3A_21 : memref<10000x64xi32, #tpu.memory_space<hbm>>) target(%dma_start3A_16 : memref<80x64xi32, #tpu.memory_space<vmem>>) offsets(%dma_start3A_18 : memref<80xi32, #tpu.memory_space<vmem>>) semaphore(%arg18 : memref<!tpu.dma_semaphore, #tpu.memory_space<semaphore_mem>>)
    %dma_start3A_22 = arith.constant 0 : i32
    %dma_start3A_23 = arith.constant 0 : i32
    %dma_start3A_24 = tpu.memref_slice %arg12[%dma_start3A_22, %dma_start3A_23] : memref<80x64xi32, #tpu.memory_space<vmem>> -> memref<80x64xi32, #tpu.memory_space<vmem>>
    %dma_start3A_25 = arith.constant 0 : i32
    %dma_start3A_26 = tpu.memref_slice %arg9[%dma_start3A_25] : memref<10000xi32, #tpu.memory_space<vmem>> -> memref<80xi32, #tpu.memory_space<vmem>>
    %dma_start3A_27 = arith.constant 0 : i32
    %dma_start3A_28 = arith.constant 0 : i32
    %dma_start3A_29 = tpu.memref_slice %arg3[%dma_start3A_27, %dma_start3A_28] : memref<1000x64xi32, #tpu.memory_space<hbm>> -> memref<1000x64xi32, #tpu.memory_space<hbm>>
    tpu.enqueue_indirect_dma source(%dma_start3A_29 : memref<1000x64xi32, #tpu.memory_space<hbm>>) target(%dma_start3A_24 : memref<80x64xi32, #tpu.memory_space<vmem>>) offsets(%dma_start3A_26 : memref<80xi32, #tpu.memory_space<vmem>>) semaphore(%arg18 : memref<!tpu.dma_semaphore, #tpu.memory_space<semaphore_mem>>)
    %scan3A = arith.constant 0 : i32
    %scan3A_30 = arith.constant 0 : i32
    %scan3A_31 = arith.constant 62 : i32
    %scan3A_32 = arith.addi %scan3A_30, %scan3A_31 : i32
    %scan3A_33 = arith.constant 1 : i32
    scf.for %scan3A_593 = %scan3A_30 to %scan3A_32 step %scan3A_33  : i32 {
      %mul3A_594 = arith.constant 2 : i32
      %mul3A_595 = arith.muli %mul3A_594, %scan3A_593 : i32
      %add3A_596 = arith.constant 1 : i32
      %add3A_597 = arith.addi %mul3A_595, %add3A_596 : i32
      %mul3A_598 = arith.constant 80 : i32
      %mul3A_599 = arith.muli %add3A_597, %mul3A_598 : i32
      %dma_start3A_600 = arith.constant 0 : i32
      %dma_start3A_601 = arith.constant 0 : i32
      %dma_start3A_602 = tpu.memref_slice %arg13[%dma_start3A_600, %dma_start3A_601] : memref<80x64xi32, #tpu.memory_space<vmem>> -> memref<80x64xi32, #tpu.memory_space<vmem>>
      %dma_start3A_603 = tpu.memref_slice %arg7[%mul3A_599] : memref<10000xi32, #tpu.memory_space<vmem>> -> memref<80xi32, #tpu.memory_space<vmem>>
      %dma_start3A_604 = arith.constant 0 : i32
      %dma_start3A_605 = arith.constant 0 : i32
      %dma_start3A_606 = tpu.memref_slice %arg2[%dma_start3A_604, %dma_start3A_605] : memref<10000x64xi32, #tpu.memory_space<hbm>> -> memref<10000x64xi32, #tpu.memory_space<hbm>>
      tpu.enqueue_indirect_dma source(%dma_start3A_606 : memref<10000x64xi32, #tpu.memory_space<hbm>>) target(%dma_start3A_602 : memref<80x64xi32, #tpu.memory_space<vmem>>) offsets(%dma_start3A_603 : memref<80xi32, #tpu.memory_space<vmem>>) semaphore(%arg19 : memref<!tpu.dma_semaphore, #tpu.memory_space<semaphore_mem>>)
      %dma_start3A_607 = arith.constant 0 : i32
      %dma_start3A_608 = arith.constant 0 : i32
      %dma_start3A_609 = tpu.memref_slice %arg14[%dma_start3A_607, %dma_start3A_608] : memref<80x64xi32, #tpu.memory_space<vmem>> -> memref<80x64xi32, #tpu.memory_space<vmem>>
      %dma_start3A_610 = tpu.memref_slice %arg8[%mul3A_599] : memref<10000xi32, #tpu.memory_space<vmem>> -> memref<80xi32, #tpu.memory_space<vmem>>
      %dma_start3A_611 = arith.constant 0 : i32
      %dma_start3A_612 = arith.constant 0 : i32
      %dma_start3A_613 = tpu.memref_slice %arg2[%dma_start3A_611, %dma_start3A_612] : memref<10000x64xi32, #tpu.memory_space<hbm>> -> memref<10000x64xi32, #tpu.memory_space<hbm>>
      tpu.enqueue_indirect_dma source(%dma_start3A_613 : memref<10000x64xi32, #tpu.memory_space<hbm>>) target(%dma_start3A_609 : memref<80x64xi32, #tpu.memory_space<vmem>>) offsets(%dma_start3A_610 : memref<80xi32, #tpu.memory_space<vmem>>) semaphore(%arg19 : memref<!tpu.dma_semaphore, #tpu.memory_space<semaphore_mem>>)
      %dma_start3A_614 = arith.constant 0 : i32
      %dma_start3A_615 = arith.constant 0 : i32
      %dma_start3A_616 = tpu.memref_slice %arg15[%dma_start3A_614, %dma_start3A_615] : memref<80x64xi32, #tpu.memory_space<vmem>> -> memref<80x64xi32, #tpu.memory_space<vmem>>
      %dma_start3A_617 = tpu.memref_slice %arg9[%mul3A_599] : memref<10000xi32, #tpu.memory_space<vmem>> -> memref<80xi32, #tpu.memory_space<vmem>>
      %dma_start3A_618 = arith.constant 0 : i32
      %dma_start3A_619 = arith.constant 0 : i32
      %dma_start3A_620 = tpu.memref_slice %arg3[%dma_start3A_618, %dma_start3A_619] : memref<1000x64xi32, #tpu.memory_space<hbm>> -> memref<1000x64xi32, #tpu.memory_space<hbm>>
      tpu.enqueue_indirect_dma source(%dma_start3A_620 : memref<1000x64xi32, #tpu.memory_space<hbm>>) target(%dma_start3A_616 : memref<80x64xi32, #tpu.memory_space<vmem>>) offsets(%dma_start3A_617 : memref<80xi32, #tpu.memory_space<vmem>>) semaphore(%arg19 : memref<!tpu.dma_semaphore, #tpu.memory_space<semaphore_mem>>)
      %dma_wait3A_621 = arith.constant 0 : i32
      %dma_wait3A_622 = arith.constant 0 : i32
      %dma_wait3A_623 = tpu.memref_slice %arg10[%dma_wait3A_621, %dma_wait3A_622] : memref<80x64xi32, #tpu.memory_space<vmem>> -> memref<80x64xi32, #tpu.memory_space<vmem>>
      %dma_wait3A_624 = arith.constant 0 : i32
      %dma_wait3A_625 = arith.constant 0 : i32
      %dma_wait3A_626 = tpu.memref_slice %arg2[%dma_wait3A_624, %dma_wait3A_625] : memref<10000x64xi32, #tpu.memory_space<hbm>> -> memref<80x64xi32, #tpu.memory_space<hbm>>
      %dma_wait3A_627 = arith.constant 0 : i32
      %dma_wait3A_628 = arith.constant 0 : i32
      %dma_wait3A_629 = tpu.memref_slice %arg10[%dma_wait3A_627, %dma_wait3A_628] : memref<80x64xi32, #tpu.memory_space<vmem>> -> memref<80x64xi32, #tpu.memory_space<vmem>>
      %dma_wait3A_630 = arith.constant 0 : i32
      %dma_wait3A_631 = arith.constant 0 : i32
      %dma_wait3A_632 = tpu.memref_slice %arg2[%dma_wait3A_630, %dma_wait3A_631] : memref<10000x64xi32, #tpu.memory_space<hbm>> -> memref<80x64xi32, #tpu.memory_space<hbm>>
      tpu.wait_dma2 semaphore(%arg18 : memref<!tpu.dma_semaphore, #tpu.memory_space<semaphore_mem>>) src(%dma_wait3A_632 : memref<80x64xi32, #tpu.memory_space<hbm>>) dst(%dma_wait3A_629 : memref<80x64xi32, #tpu.memory_space<vmem>>)
      %dma_wait3A_633 = arith.constant 0 : i32
      %dma_wait3A_634 = arith.constant 0 : i32
      %dma_wait3A_635 = tpu.memref_slice %arg11[%dma_wait3A_633, %dma_wait3A_634] : memref<80x64xi32, #tpu.memory_space<vmem>> -> memref<80x64xi32, #tpu.memory_space<vmem>>
      %dma_wait3A_636 = arith.constant 0 : i32
      %dma_wait3A_637 = arith.constant 0 : i32
      %dma_wait3A_638 = tpu.memref_slice %arg2[%dma_wait3A_636, %dma_wait3A_637] : memref<10000x64xi32, #tpu.memory_space<hbm>> -> memref<80x64xi32, #tpu.memory_space<hbm>>
      %dma_wait3A_639 = arith.constant 0 : i32
      %dma_wait3A_640 = arith.constant 0 : i32
      %dma_wait3A_641 = tpu.memref_slice %arg11[%dma_wait3A_639, %dma_wait3A_640] : memref<80x64xi32, #tpu.memory_space<vmem>> -> memref<80x64xi32, #tpu.memory_space<vmem>>
      %dma_wait3A_642 = arith.constant 0 : i32
      %dma_wait3A_643 = arith.constant 0 : i32
      %dma_wait3A_644 = tpu.memref_slice %arg2[%dma_wait3A_642, %dma_wait3A_643] : memref<10000x64xi32, #tpu.memory_space<hbm>> -> memref<80x64xi32, #tpu.memory_space<hbm>>
      tpu.wait_dma2 semaphore(%arg18 : memref<!tpu.dma_semaphore, #tpu.memory_space<semaphore_mem>>) src(%dma_wait3A_644 : memref<80x64xi32, #tpu.memory_space<hbm>>) dst(%dma_wait3A_641 : memref<80x64xi32, #tpu.memory_space<vmem>>)
      %dma_wait3A_645 = arith.constant 0 : i32
      %dma_wait3A_646 = arith.constant 0 : i32
      %dma_wait3A_647 = tpu.memref_slice %arg12[%dma_wait3A_645, %dma_wait3A_646] : memref<80x64xi32, #tpu.memory_space<vmem>> -> memref<80x64xi32, #tpu.memory_space<vmem>>
      %dma_wait3A_648 = arith.constant 0 : i32
      %dma_wait3A_649 = arith.constant 0 : i32
      %dma_wait3A_650 = tpu.memref_slice %arg3[%dma_wait3A_648, %dma_wait3A_649] : memref<1000x64xi32, #tpu.memory_space<hbm>> -> memref<80x64xi32, #tpu.memory_space<hbm>>
      %dma_wait3A_651 = arith.constant 0 : i32
      %dma_wait3A_652 = arith.constant 0 : i32
      %dma_wait3A_653 = tpu.memref_slice %arg12[%dma_wait3A_651, %dma_wait3A_652] : memref<80x64xi32, #tpu.memory_space<vmem>> -> memref<80x64xi32, #tpu.memory_space<vmem>>
      %dma_wait3A_654 = arith.constant 0 : i32
      %dma_wait3A_655 = arith.constant 0 : i32
      %dma_wait3A_656 = tpu.memref_slice %arg3[%dma_wait3A_654, %dma_wait3A_655] : memref<1000x64xi32, #tpu.memory_space<hbm>> -> memref<80x64xi32, #tpu.memory_space<hbm>>
      tpu.wait_dma2 semaphore(%arg18 : memref<!tpu.dma_semaphore, #tpu.memory_space<semaphore_mem>>) src(%dma_wait3A_656 : memref<80x64xi32, #tpu.memory_space<hbm>>) dst(%dma_wait3A_653 : memref<80x64xi32, #tpu.memory_space<vmem>>)
      %mul3A_657 = arith.constant 80 : i32
      %mul3A_658 = arith.muli %mul3A_595, %mul3A_657 : i32
      %scan3A_659 = arith.constant 0 : i32
      %scan3A_660 = arith.constant 0 : i32
      %scan3A_661 = arith.constant 16 : i32
      %scan3A_662 = arith.addi %scan3A_660, %scan3A_661 : i32
      %scan3A_663 = arith.constant 2 : i32
      scf.for %scan3A_1794 = %scan3A_660 to %scan3A_662 step %scan3A_663  : i32 {
        %add3A_1795 = arith.constant 0 : i32
        %add3A_1796 = arith.addi %add3A_1795, %scan3A_1794 : i32
        %get3A = arith.index_cast %add3A_1796 : i32 to index
        %get3A_1797 = arith.constant 0 : index
        %get3A_1798 = tpu.vector_load %arg10[%get3A, %get3A_1797] {strides = array<i32>} : memref<80x64xi32, #tpu.memory_space<vmem>>, vector<16xi32>,
        %bitcast3A = vector.bitcast %get3A_1798 : vector<16xi32> to vector<32xbf16>
        %get3A_1799 = arith.index_cast %add3A_1796 : i32 to index
        %get3A_1800 = arith.constant 0 : index
        %get3A_1801 = tpu.vector_load %arg11[%get3A_1799, %get3A_1800] {strides = array<i32>} : memref<80x64xi32, #tpu.memory_space<vmem>>, vector<16xi32>,
        %bitcast3A_1802 = vector.bitcast %get3A_1801 : vector<16xi32> to vector<32xbf16>
        %get3A_1803 = arith.index_cast %add3A_1796 : i32 to index
        %get3A_1804 = arith.constant 0 : index
        %get3A_1805 = tpu.vector_load %arg12[%get3A_1803, %get3A_1804] {strides = array<i32>} : memref<80x64xi32, #tpu.memory_space<vmem>>, vector<16xi32>,
        %bitcast3A_1806 = vector.bitcast %get3A_1805 : vector<16xi32> to vector<32xbf16>
        %mul3A_1807 = arith.mulf %bitcast3A, %bitcast3A_1806 : vector<32xbf16>
        %mul3A_1808 = arith.mulf %mul3A_1807, %bitcast3A_1802 : vector<32xbf16>
        %unpack3A = tpu.unpack_subelements %mul3A_1808, 0 {pack_format = #tpu.pack_format<interleaved>} : vector<32xbf16> -> vector<16xf32>
        %unpack3A_1809 = tpu.unpack_subelements %mul3A_1808, 1 {pack_format = #tpu.pack_format<interleaved>} : vector<32xbf16> -> vector<16xf32>
        %add3A_1810 = arith.addf %unpack3A, %unpack3A_1809 : vector<16xf32>
        %get3A_1811 = arith.index_cast %add3A_1796 : i32 to index
        %get3A_1812 = arith.constant 16 : index
        %get3A_1813 = tpu.vector_load %arg10[%get3A_1811, %get3A_1812] {strides = array<i32>} : memref<80x64xi32, #tpu.memory_space<vmem>>, vector<16xi32>,
        %bitcast3A_1814 = vector.bitcast %get3A_1813 : vector<16xi32> to vector<32xbf16>
        %get3A_1815 = arith.index_cast %add3A_1796 : i32 to index
        %get3A_1816 = arith.constant 16 : index
        %get3A_1817 = tpu.vector_load %arg11[%get3A_1815, %get3A_1816] {strides = array<i32>} : memref<80x64xi32, #tpu.memory_space<vmem>>, vector<16xi32>,
        %bitcast3A_1818 = vector.bitcast %get3A_1817 : vector<16xi32> to vector<32xbf16>
        %get3A_1819 = arith.index_cast %add3A_1796 : i32 to index
        %get3A_1820 = arith.constant 16 : index
        %get3A_1821 = tpu.vector_load %arg12[%get3A_1819, %get3A_1820] {strides = array<i32>} : memref<80x64xi32, #tpu.memory_space<vmem>>, vector<16xi32>,
        %bitcast3A_1822 = vector.bitcast %get3A_1821 : vector<16xi32> to vector<32xbf16>
        %mul3A_1823 = arith.mulf %bitcast3A_1814, %bitcast3A_1822 : vector<32xbf16>
        %mul3A_1824 = arith.mulf %mul3A_1823, %bitcast3A_1818 : vector<32xbf16>
        %unpack3A_1825 = tpu.unpack_subelements %mul3A_1824, 0 {pack_format = #tpu.pack_format<interleaved>} : vector<32xbf16> -> vector<16xf32>
        %unpack3A_1826 = tpu.unpack_subelements %mul3A_1824, 1 {pack_format = #tpu.pack_format<interleaved>} : vector<32xbf16> -> vector<16xf32>
        %add3A_1827 = arith.addf %unpack3A_1825, %unpack3A_1826 : vector<16xf32>
        %add3A_1828 = arith.addf %add3A_1810, %add3A_1827 : vector<16xf32>
        %get3A_1829 = arith.index_cast %add3A_1796 : i32 to index
        %get3A_1830 = arith.constant 32 : index
        %get3A_1831 = tpu.vector_load %arg10[%get3A_1829, %get3A_1830] {strides = array<i32>} : memref<80x64xi32, #tpu.memory_space<vmem>>, vector<16xi32>,
        %bitcast3A_1832 = vector.bitcast %get3A_1831 : vector<16xi32> to vector<32xbf16>
        %get3A_1833 = arith.index_cast %add3A_1796 : i32 to index
        %get3A_1834 = arith.constant 32 : index
        %get3A_1835 = tpu.vector_load %arg11[%get3A_1833, %get3A_1834] {strides = array<i32>} : memref<80x64xi32, #tpu.memory_space<vmem>>, vector<16xi32>,
        %bitcast3A_1836 = vector.bitcast %get3A_1835 : vector<16xi32> to vector<32xbf16>
        %get3A_1837 = arith.index_cast %add3A_1796 : i32 to index
        %get3A_1838 = arith.constant 32 : index
        %get3A_1839 = tpu.vector_load %arg12[%get3A_1837, %get3A_1838] {strides = array<i32>} : memref<80x64xi32, #tpu.memory_space<vmem>>, vector<16xi32>,
        %bitcast3A_1840 = vector.bitcast %get3A_1839 : vector<16xi32> to vector<32xbf16>
        %mul3A_1841 = arith.mulf %bitcast3A_1832, %bitcast3A_1840 : vector<32xbf16>
        %mul3A_1842 = arith.mulf %mul3A_1841, %bitcast3A_1836 : vector<32xbf16>
        %unpack3A_1843 = tpu.unpack_subelements %mul3A_1842, 0 {pack_format = #tpu.pack_format<interleaved>} : vector<32xbf16> -> vector<16xf32>
        %unpack3A_1844 = tpu.unpack_subelements %mul3A_1842, 1 {pack_format = #tpu.pack_format<interleaved>} : vector<32xbf16> -> vector<16xf32>
        %add3A_1845 = arith.addf %unpack3A_1843, %unpack3A_1844 : vector<16xf32>
        %add3A_1846 = arith.addf %add3A_1828, %add3A_1845 : vector<16xf32>
        %get3A_1847 = arith.index_cast %add3A_1796 : i32 to index
        %get3A_1848 = arith.constant 48 : index
        %get3A_1849 = tpu.vector_load %arg10[%get3A_1847, %get3A_1848] {strides = array<i32>} : memref<80x64xi32, #tpu.memory_space<vmem>>, vector<16xi32>,
        %bitcast3A_1850 = vector.bitcast %get3A_1849 : vector<16xi32> to vector<32xbf16>
        %get3A_1851 = arith.index_cast %add3A_1796 : i32 to index
        %get3A_1852 = arith.constant 48 : index
        %get3A_1853 = tpu.vector_load %arg11[%get3A_1851, %get3A_1852] {strides = array<i32>} : memref<80x64xi32, #tpu.memory_space<vmem>>, vector<16xi32>,
        %bitcast3A_1854 = vector.bitcast %get3A_1853 : vector<16xi32> to vector<32xbf16>
        %get3A_1855 = arith.index_cast %add3A_1796 : i32 to index
        %get3A_1856 = arith.constant 48 : index
        %get3A_1857 = tpu.vector_load %arg12[%get3A_1855, %get3A_1856] {strides = array<i32>} : memref<80x64xi32, #tpu.memory_space<vmem>>, vector<16xi32>,
        %bitcast3A_1858 = vector.bitcast %get3A_1857 : vector<16xi32> to vector<32xbf16>
        %mul3A_1859 = arith.mulf %bitcast3A_1850, %bitcast3A_1858 : vector<32xbf16>
        %mul3A_1860 = arith.mulf %mul3A_1859, %bitcast3A_1854 : vector<32xbf16>
        %unpack3A_1861 = tpu.unpack_subelements %mul3A_1860, 0 {pack_format = #tpu.pack_format<interleaved>} : vector<32xbf16> -> vector<16xf32>
        %unpack3A_1862 = tpu.unpack_subelements %mul3A_1860, 1 {pack_format = #tpu.pack_format<interleaved>} : vector<32xbf16> -> vector<16xf32>
        %add3A_1863 = arith.addf %unpack3A_1861, %unpack3A_1862 : vector<16xf32>
        %add3A_1864 = arith.addf %add3A_1846, %add3A_1863 : vector<16xf32>
        %mul3A_1865 = arith.constant 17 : i32
        %mul3A_1866 = arith.muli %scan3A_1794, %mul3A_1865 : i32
        %swap3A_1867 = arith.index_cast %mul3A_1866 : i32 to index
        %swap3A_1868 = tpu.vector_load %arg17[%swap3A_1867] {strides = array<i32>} : memref<272xf32, #tpu.memory_space<vmem>>, vector<16xf32>,
        tpu.vector_store %arg17[%swap3A_1867], %add3A_1864 {strides = array<i32>} : memref<272xf32, #tpu.memory_space<vmem>>, vector<16xf32>,
        %scan3A_1869 = arith.constant 1 : i32
        %scan3A_1870 = arith.addi %scan3A_1794, %scan3A_1869 : i32
        %add3A_1871 = arith.constant 0 : i32
        %add3A_1872 = arith.addi %add3A_1871, %scan3A_1870 : i32
        %get3A_1873 = arith.index_cast %add3A_1872 : i32 to index
        %get3A_1874 = arith.constant 0 : index
        %get3A_1875 = tpu.vector_load %arg10[%get3A_1873, %get3A_1874] {strides = array<i32>} : memref<80x64xi32, #tpu.memory_space<vmem>>, vector<16xi32>,
        %bitcast3A_1876 = vector.bitcast %get3A_1875 : vector<16xi32> to vector<32xbf16>
        %get3A_1877 = arith.index_cast %add3A_1872 : i32 to index
        %get3A_1878 = arith.constant 0 : index
        %get3A_1879 = tpu.vector_load %arg11[%get3A_1877, %get3A_1878] {strides = array<i32>} : memref<80x64xi32, #tpu.memory_space<vmem>>, vector<16xi32>,
        %bitcast3A_1880 = vector.bitcast %get3A_1879 : vector<16xi32> to vector<32xbf16>
        %get3A_1881 = arith.index_cast %add3A_1872 : i32 to index
        %get3A_1882 = arith.constant 0 : index
        %get3A_1883 = tpu.vector_load %arg12[%get3A_1881, %get3A_1882] {strides = array<i32>} : memref<80x64xi32, #tpu.memory_space<vmem>>, vector<16xi32>,
        %bitcast3A_1884 = vector.bitcast %get3A_1883 : vector<16xi32> to vector<32xbf16>
        %mul3A_1885 = arith.mulf %bitcast3A_1876, %bitcast3A_1884 : vector<32xbf16>
        %mul3A_1886 = arith.mulf %mul3A_1885, %bitcast3A_1880 : vector<32xbf16>
        %unpack3A_1887 = tpu.unpack_subelements %mul3A_1886, 0 {pack_format = #tpu.pack_format<interleaved>} : vector<32xbf16> -> vector<16xf32>
        %unpack3A_1888 = tpu.unpack_subelements %mul3A_1886, 1 {pack_format = #tpu.pack_format<interleaved>} : vector<32xbf16> -> vector<16xf32>
        %add3A_1889 = arith.addf %unpack3A_1887, %unpack3A_1888 : vector<16xf32>
        %get3A_1890 = arith.index_cast %add3A_1872 : i32 to index
        %get3A_1891 = arith.constant 16 : index
        %get3A_1892 = tpu.vector_load %arg10[%get3A_1890, %get3A_1891] {strides = array<i32>} : memref<80x64xi32, #tpu.memory_space<vmem>>, vector<16xi32>,
        %bitcast3A_1893 = vector.bitcast %get3A_1892 : vector<16xi32> to vector<32xbf16>
        %get3A_1894 = arith.index_cast %add3A_1872 : i32 to index
        %get3A_1895 = arith.constant 16 : index
        %get3A_1896 = tpu.vector_load %arg11[%get3A_1894, %get3A_1895] {strides = array<i32>} : memref<80x64xi32, #tpu.memory_space<vmem>>, vector<16xi32>,
        %bitcast3A_1897 = vector.bitcast %get3A_1896 : vector<16xi32> to vector<32xbf16>
        %get3A_1898 = arith.index_cast %add3A_1872 : i32 to index
        %get3A_1899 = arith.constant 16 : index
        %get3A_1900 = tpu.vector_load %arg12[%get3A_1898, %get3A_1899] {strides = array<i32>} : memref<80x64xi32, #tpu.memory_space<vmem>>, vector<16xi32>,
        %bitcast3A_1901 = vector.bitcast %get3A_1900 : vector<16xi32> to vector<32xbf16>
        %mul3A_1902 = arith.mulf %bitcast3A_1893, %bitcast3A_1901 : vector<32xbf16>
        %mul3A_1903 = arith.mulf %mul3A_1902, %bitcast3A_1897 : vector<32xbf16>
        %unpack3A_1904 = tpu.unpack_subelements %mul3A_1903, 0 {pack_format = #tpu.pack_format<interleaved>} : vector<32xbf16> -> vector<16xf32>
        %unpack3A_1905 = tpu.unpack_subelements %mul3A_1903, 1 {pack_format = #tpu.pack_format<interleaved>} : vector<32xbf16> -> vector<16xf32>
        %add3A_1906 = arith.addf %unpack3A_1904, %unpack3A_1905 : vector<16xf32>
        %add3A_1907 = arith.addf %add3A_1889, %add3A_1906 : vector<16xf32>
        %get3A_1908 = arith.index_cast %add3A_1872 : i32 to index
        %get3A_1909 = arith.constant 32 : index
        %get3A_1910 = tpu.vector_load %arg10[%get3A_1908, %get3A_1909] {strides = array<i32>} : memref<80x64xi32, #tpu.memory_space<vmem>>, vector<16xi32>,
        %bitcast3A_1911 = vector.bitcast %get3A_1910 : vector<16xi32> to vector<32xbf16>
        %get3A_1912 = arith.index_cast %add3A_1872 : i32 to index
        %get3A_1913 = arith.constant 32 : index
        %get3A_1914 = tpu.vector_load %arg11[%get3A_1912, %get3A_1913] {strides = array<i32>} : memref<80x64xi32, #tpu.memory_space<vmem>>, vector<16xi32>,
        %bitcast3A_1915 = vector.bitcast %get3A_1914 : vector<16xi32> to vector<32xbf16>
        %get3A_1916 = arith.index_cast %add3A_1872 : i32 to index
        %get3A_1917 = arith.constant 32 : index
        %get3A_1918 = tpu.vector_load %arg12[%get3A_1916, %get3A_1917] {strides = array<i32>} : memref<80x64xi32, #tpu.memory_space<vmem>>, vector<16xi32>,
        %bitcast3A_1919 = vector.bitcast %get3A_1918 : vector<16xi32> to vector<32xbf16>
        %mul3A_1920 = arith.mulf %bitcast3A_1911, %bitcast3A_1919 : vector<32xbf16>
        %mul3A_1921 = arith.mulf %mul3A_1920, %bitcast3A_1915 : vector<32xbf16>
        %unpack3A_1922 = tpu.unpack_subelements %mul3A_1921, 0 {pack_format = #tpu.pack_format<interleaved>} : vector<32xbf16> -> vector<16xf32>
        %unpack3A_1923 = tpu.unpack_subelements %mul3A_1921, 1 {pack_format = #tpu.pack_format<interleaved>} : vector<32xbf16> -> vector<16xf32>
        %add3A_1924 = arith.addf %unpack3A_1922, %unpack3A_1923 : vector<16xf32>
        %add3A_1925 = arith.addf %add3A_1907, %add3A_1924 : vector<16xf32>
        %get3A_1926 = arith.index_cast %add3A_1872 : i32 to index
        %get3A_1927 = arith.constant 48 : index
        %get3A_1928 = tpu.vector_load %arg10[%get3A_1926, %get3A_1927] {strides = array<i32>} : memref<80x64xi32, #tpu.memory_space<vmem>>, vector<16xi32>,
        %bitcast3A_1929 = vector.bitcast %get3A_1928 : vector<16xi32> to vector<32xbf16>
        %get3A_1930 = arith.index_cast %add3A_1872 : i32 to index
        %get3A_1931 = arith.constant 48 : index
        %get3A_1932 = tpu.vector_load %arg11[%get3A_1930, %get3A_1931] {strides = array<i32>} : memref<80x64xi32, #tpu.memory_space<vmem>>, vector<16xi32>,
        %bitcast3A_1933 = vector.bitcast %get3A_1932 : vector<16xi32> to vector<32xbf16>
        %get3A_1934 = arith.index_cast %add3A_1872 : i32 to index
        %get3A_1935 = arith.constant 48 : index
        %get3A_1936 = tpu.vector_load %arg12[%get3A_1934, %get3A_1935] {strides = array<i32>} : memref<80x64xi32, #tpu.memory_space<vmem>>, vector<16xi32>,
        %bitcast3A_1937 = vector.bitcast %get3A_1936 : vector<16xi32> to vector<32xbf16>
        %mul3A_1938 = arith.mulf %bitcast3A_1929, %bitcast3A_1937 : vector<32xbf16>
        %mul3A_1939 = arith.mulf %mul3A_1938, %bitcast3A_1933 : vector<32xbf16>
        %unpack3A_1940 = tpu.unpack_subelements %mul3A_1939, 0 {pack_format = #tpu.pack_format<interleaved>} : vector<32xbf16> -> vector<16xf32>
        %unpack3A_1941 = tpu.unpack_subelements %mul3A_1939, 1 {pack_format = #tpu.pack_format<interleaved>} : vector<32xbf16> -> vector<16xf32>
        %add3A_1942 = arith.addf %unpack3A_1940, %unpack3A_1941 : vector<16xf32>
        %add3A_1943 = arith.addf %add3A_1925, %add3A_1942 : vector<16xf32>
        %mul3A_1944 = arith.constant 17 : i32
        %mul3A_1945 = arith.muli %scan3A_1870, %mul3A_1944 : i32
        %swap3A_1946 = arith.index_cast %mul3A_1945 : i32 to index
        %swap3A_1947 = tpu.vector_load %arg17[%swap3A_1946] {strides = array<i32>} : memref<272xf32, #tpu.memory_space<vmem>>, vector<16xf32>,
        tpu.vector_store %arg17[%swap3A_1946], %add3A_1943 {strides = array<i32>} : memref<272xf32, #tpu.memory_space<vmem>>, vector<16xf32>,
      }
      %scan3A_664 = arith.constant 16 : i32
      %gather3A_665 = tpu.vector_load_idx %arg17[%mul3A_6] : memref<272xf32, #tpu.memory_space<vmem>>[vector<16xi32>], vector<16xf32>,
      %add3A_666 = arith.constant 1 : i32
      %add3A_667 = vector.broadcast %add3A_666 : i32 to vector<16xi32>
      %add3A_668 = arith.addi %mul3A_6, %add3A_667 : vector<16xi32>
      %gather3A_669 = tpu.vector_load_idx %arg17[%add3A_668] : memref<272xf32, #tpu.memory_space<vmem>>[vector<16xi32>], vector<16xf32>,
      %add3A_670 = arith.constant 2 : i32
      %add3A_671 = vector.broadcast %add3A_670 : i32 to vector<16xi32>
      %add3A_672 = arith.addi %mul3A_6, %add3A_671 : vector<16xi32>
      %gather3A_673 = tpu.vector_load_idx %arg17[%add3A_672] : memref<272xf32, #tpu.memory_space<vmem>>[vector<16xi32>], vector<16xf32>,
      %add3A_674 = arith.addf %gather3A_665, %gather3A_673 : vector<16xf32>
      %add3A_675 = arith.constant 2 : i32
      %add3A_676 = vector.broadcast %add3A_675 : i32 to vector<16xi32>
      %add3A_677 = arith.addi %mul3A_6, %add3A_676 : vector<16xi32>
      %add3A_678 = arith.constant 1 : i32
      %add3A_679 = vector.broadcast %add3A_678 : i32 to vector<16xi32>
      %add3A_680 = arith.addi %add3A_677, %add3A_679 : vector<16xi32>
      %gather3A_681 = tpu.vector_load_idx %arg17[%add3A_680] : memref<272xf32, #tpu.memory_space<vmem>>[vector<16xi32>], vector<16xf32>,
      %add3A_682 = arith.addf %gather3A_669, %gather3A_681 : vector<16xf32>
      %add3A_683 = arith.constant 4 : i32
      %add3A_684 = vector.broadcast %add3A_683 : i32 to vector<16xi32>
      %add3A_685 = arith.addi %mul3A_6, %add3A_684 : vector<16xi32>
      %gather3A_686 = tpu.vector_load_idx %arg17[%add3A_685] : memref<272xf32, #tpu.memory_space<vmem>>[vector<16xi32>], vector<16xf32>,
      %add3A_687 = arith.addf %add3A_674, %gather3A_686 : vector<16xf32>
      %add3A_688 = arith.constant 4 : i32
      %add3A_689 = vector.broadcast %add3A_688 : i32 to vector<16xi32>
      %add3A_690 = arith.addi %mul3A_6, %add3A_689 : vector<16xi32>
      %add3A_691 = arith.constant 1 : i32
      %add3A_692 = vector.broadcast %add3A_691 : i32 to vector<16xi32>
      %add3A_693 = arith.addi %add3A_690, %add3A_692 : vector<16xi32>
      %gather3A_694 = tpu.vector_load_idx %arg17[%add3A_693] : memref<272xf32, #tpu.memory_space<vmem>>[vector<16xi32>], vector<16xf32>,
      %add3A_695 = arith.addf %add3A_682, %gather3A_694 : vector<16xf32>
      %add3A_696 = arith.constant 6 : i32
      %add3A_697 = vector.broadcast %add3A_696 : i32 to vector<16xi32>
      %add3A_698 = arith.addi %mul3A_6, %add3A_697 : vector<16xi32>
      %gather3A_699 = tpu.vector_load_idx %arg17[%add3A_698] : memref<272xf32, #tpu.memory_space<vmem>>[vector<16xi32>], vector<16xf32>,
      %add3A_700 = arith.addf %add3A_687, %gather3A_699 : vector<16xf32>
      %add3A_701 = arith.constant 6 : i32
      %add3A_702 = vector.broadcast %add3A_701 : i32 to vector<16xi32>
      %add3A_703 = arith.addi %mul3A_6, %add3A_702 : vector<16xi32>
      %add3A_704 = arith.constant 1 : i32
      %add3A_705 = vector.broadcast %add3A_704 : i32 to vector<16xi32>
      %add3A_706 = arith.addi %add3A_703, %add3A_705 : vector<16xi32>
      %gather3A_707 = tpu.vector_load_idx %arg17[%add3A_706] : memref<272xf32, #tpu.memory_space<vmem>>[vector<16xi32>], vector<16xf32>,
      %add3A_708 = arith.addf %add3A_695, %gather3A_707 : vector<16xf32>
      %add3A_709 = arith.constant 8 : i32
      %add3A_710 = vector.broadcast %add3A_709 : i32 to vector<16xi32>
      %add3A_711 = arith.addi %mul3A_6, %add3A_710 : vector<16xi32>
      %gather3A_712 = tpu.vector_load_idx %arg17[%add3A_711] : memref<272xf32, #tpu.memory_space<vmem>>[vector<16xi32>], vector<16xf32>,
      %add3A_713 = arith.addf %add3A_700, %gather3A_712 : vector<16xf32>
      %add3A_714 = arith.constant 8 : i32
      %add3A_715 = vector.broadcast %add3A_714 : i32 to vector<16xi32>
      %add3A_716 = arith.addi %mul3A_6, %add3A_715 : vector<16xi32>
      %add3A_717 = arith.constant 1 : i32
      %add3A_718 = vector.broadcast %add3A_717 : i32 to vector<16xi32>
      %add3A_719 = arith.addi %add3A_716, %add3A_718 : vector<16xi32>
      %gather3A_720 = tpu.vector_load_idx %arg17[%add3A_719] : memref<272xf32, #tpu.memory_space<vmem>>[vector<16xi32>], vector<16xf32>,
      %add3A_721 = arith.addf %add3A_708, %gather3A_720 : vector<16xf32>
      %add3A_722 = arith.constant 10 : i32
      %add3A_723 = vector.broadcast %add3A_722 : i32 to vector<16xi32>
      %add3A_724 = arith.addi %mul3A_6, %add3A_723 : vector<16xi32>
      %gather3A_725 = tpu.vector_load_idx %arg17[%add3A_724] : memref<272xf32, #tpu.memory_space<vmem>>[vector<16xi32>], vector<16xf32>,
      %add3A_726 = arith.addf %add3A_713, %gather3A_725 : vector<16xf32>
      %add3A_727 = arith.constant 10 : i32
      %add3A_728 = vector.broadcast %add3A_727 : i32 to vector<16xi32>
      %add3A_729 = arith.addi %mul3A_6, %add3A_728 : vector<16xi32>
      %add3A_730 = arith.constant 1 : i32
      %add3A_731 = vector.broadcast %add3A_730 : i32 to vector<16xi32>
      %add3A_732 = arith.addi %add3A_729, %add3A_731 : vector<16xi32>
      %gather3A_733 = tpu.vector_load_idx %arg17[%add3A_732] : memref<272xf32, #tpu.memory_space<vmem>>[vector<16xi32>], vector<16xf32>,
      %add3A_734 = arith.addf %add3A_721, %gather3A_733 : vector<16xf32>
      %add3A_735 = arith.constant 12 : i32
      %add3A_736 = vector.broadcast %add3A_735 : i32 to vector<16xi32>
      %add3A_737 = arith.addi %mul3A_6, %add3A_736 : vector<16xi32>
      %gather3A_738 = tpu.vector_load_idx %arg17[%add3A_737] : memref<272xf32, #tpu.memory_space<vmem>>[vector<16xi32>], vector<16xf32>,
      %add3A_739 = arith.addf %add3A_726, %gather3A_738 : vector<16xf32>
      %add3A_740 = arith.constant 12 : i32
      %add3A_741 = vector.broadcast %add3A_740 : i32 to vector<16xi32>
      %add3A_742 = arith.addi %mul3A_6, %add3A_741 : vector<16xi32>
      %add3A_743 = arith.constant 1 : i32
      %add3A_744 = vector.broadcast %add3A_743 : i32 to vector<16xi32>
      %add3A_745 = arith.addi %add3A_742, %add3A_744 : vector<16xi32>
      %gather3A_746 = tpu.vector_load_idx %arg17[%add3A_745] : memref<272xf32, #tpu.memory_space<vmem>>[vector<16xi32>], vector<16xf32>,
      %add3A_747 = arith.addf %add3A_734, %gather3A_746 : vector<16xf32>
      %add3A_748 = arith.constant 14 : i32
      %add3A_749 = vector.broadcast %add3A_748 : i32 to vector<16xi32>
      %add3A_750 = arith.addi %mul3A_6, %add3A_749 : vector<16xi32>
      %gather3A_751 = tpu.vector_load_idx %arg17[%add3A_750] : memref<272xf32, #tpu.memory_space<vmem>>[vector<16xi32>], vector<16xf32>,
      %add3A_752 = arith.addf %add3A_739, %gather3A_751 : vector<16xf32>
      %add3A_753 = arith.constant 14 : i32
      %add3A_754 = vector.broadcast %add3A_753 : i32 to vector<16xi32>
      %add3A_755 = arith.addi %mul3A_6, %add3A_754 : vector<16xi32>
      %add3A_756 = arith.constant 1 : i32
      %add3A_757 = vector.broadcast %add3A_756 : i32 to vector<16xi32>
      %add3A_758 = arith.addi %add3A_755, %add3A_757 : vector<16xi32>
      %gather3A_759 = tpu.vector_load_idx %arg17[%add3A_758] : memref<272xf32, #tpu.memory_space<vmem>>[vector<16xi32>], vector<16xf32>,
      %add3A_760 = arith.addf %add3A_747, %gather3A_759 : vector<16xf32>
      %add3A_761 = arith.addf %add3A_752, %add3A_760 : vector<16xf32>
      %add3A_762 = arith.constant 0 : i32
      %add3A_763 = arith.addi %mul3A_658, %add3A_762 : i32
      %swap3A_764 = arith.index_cast %add3A_763 : i32 to index
      %swap3A_765 = tpu.vector_load %arg16[%swap3A_764] {strides = array<i32>} : memref<10000xf32, #tpu.memory_space<vmem>>, vector<16xf32>,
      tpu.vector_store %arg16[%swap3A_764], %add3A_761 {strides = array<i32>} : memref<10000xf32, #tpu.memory_space<vmem>>, vector<16xf32>,
      %scan3A_766 = arith.constant 0 : i32
      %scan3A_767 = arith.constant 0 : i32
      %scan3A_768 = arith.constant 16 : i32
      %scan3A_769 = arith.addi %scan3A_767, %scan3A_768 : i32
      %scan3A_770 = arith.constant 2 : i32
      scf.for %scan3A_1794 = %scan3A_767 to %scan3A_769 step %scan3A_770  : i32 {
        %add3A_1795 = arith.constant 16 : i32
        %add3A_1796 = arith.addi %add3A_1795, %scan3A_1794 : i32
        %get3A = arith.index_cast %add3A_1796 : i32 to index
        %get3A_1797 = arith.constant 0 : index
        %get3A_1798 = tpu.vector_load %arg10[%get3A, %get3A_1797] {strides = array<i32>} : memref<80x64xi32, #tpu.memory_space<vmem>>, vector<16xi32>,
        %bitcast3A = vector.bitcast %get3A_1798 : vector<16xi32> to vector<32xbf16>
        %get3A_1799 = arith.index_cast %add3A_1796 : i32 to index
        %get3A_1800 = arith.constant 0 : index
        %get3A_1801 = tpu.vector_load %arg11[%get3A_1799, %get3A_1800] {strides = array<i32>} : memref<80x64xi32, #tpu.memory_space<vmem>>, vector<16xi32>,
        %bitcast3A_1802 = vector.bitcast %get3A_1801 : vector<16xi32> to vector<32xbf16>
        %get3A_1803 = arith.index_cast %add3A_1796 : i32 to index
        %get3A_1804 = arith.constant 0 : index
        %get3A_1805 = tpu.vector_load %arg12[%get3A_1803, %get3A_1804] {strides = array<i32>} : memref<80x64xi32, #tpu.memory_space<vmem>>, vector<16xi32>,
        %bitcast3A_1806 = vector.bitcast %get3A_1805 : vector<16xi32> to vector<32xbf16>
        %mul3A_1807 = arith.mulf %bitcast3A, %bitcast3A_1806 : vector<32xbf16>
        %mul3A_1808 = arith.mulf %mul3A_1807, %bitcast3A_1802 : vector<32xbf16>
        %unpack3A = tpu.unpack_subelements %mul3A_1808, 0 {pack_format = #tpu.pack_format<interleaved>} : vector<32xbf16> -> vector<16xf32>
        %unpack3A_1809 = tpu.unpack_subelements %mul3A_1808, 1 {pack_format = #tpu.pack_format<interleaved>} : vector<32xbf16> -> vector<16xf32>
        %add3A_1810 = arith.addf %unpack3A, %unpack3A_1809 : vector<16xf32>
        %get3A_1811 = arith.index_cast %add3A_1796 : i32 to index
        %get3A_1812 = arith.constant 16 : index
        %get3A_1813 = tpu.vector_load %arg10[%get3A_1811, %get3A_1812] {strides = array<i32>} : memref<80x64xi32, #tpu.memory_space<vmem>>, vector<16xi32>,
        %bitcast3A_1814 = vector.bitcast %get3A_1813 : vector<16xi32> to vector<32xbf16>
        %get3A_1815 = arith.index_cast %add3A_1796 : i32 to index
        %get3A_1816 = arith.constant 16 : index
        %get3A_1817 = tpu.vector_load %arg11[%get3A_1815, %get3A_1816] {strides = array<i32>} : memref<80x64xi32, #tpu.memory_space<vmem>>, vector<16xi32>,
        %bitcast3A_1818 = vector.bitcast %get3A_1817 : vector<16xi32> to vector<32xbf16>
        %get3A_1819 = arith.index_cast %add3A_1796 : i32 to index
        %get3A_1820 = arith.constant 16 : index
        %get3A_1821 = tpu.vector_load %arg12[%get3A_1819, %get3A_1820] {strides = array<i32>} : memref<80x64xi32, #tpu.memory_space<vmem>>, vector<16xi32>,
        %bitcast3A_1822 = vector.bitcast %get3A_1821 : vector<16xi32> to vector<32xbf16>
        %mul3A_1823 = arith.mulf %bitcast3A_1814, %bitcast3A_1822 : vector<32xbf16>
        %mul3A_1824 = arith.mulf %mul3A_1823, %bitcast3A_1818 : vector<32xbf16>
        %unpack3A_1825 = tpu.unpack_subelements %mul3A_1824, 0 {pack_format = #tpu.pack_format<interleaved>} : vector<32xbf16> -> vector<16xf32>
        %unpack3A_1826 = tpu.unpack_subelements %mul3A_1824, 1 {pack_format = #tpu.pack_format<interleaved>} : vector<32xbf16> -> vector<16xf32>
        %add3A_1827 = arith.addf %unpack3A_1825, %unpack3A_1826 : vector<16xf32>
        %add3A_1828 = arith.addf %add3A_1810, %add3A_1827 : vector<16xf32>
        %get3A_1829 = arith.index_cast %add3A_1796 : i32 to index
        %get3A_1830 = arith.constant 32 : index
        %get3A_1831 = tpu.vector_load %arg10[%get3A_1829, %get3A_1830] {strides = array<i32>} : memref<80x64xi32, #tpu.memory_space<vmem>>, vector<16xi32>,
        %bitcast3A_1832 = vector.bitcast %get3A_1831 : vector<16xi32> to vector<32xbf16>
        %get3A_1833 = arith.index_cast %add3A_1796 : i32 to index
        %get3A_1834 = arith.constant 32 : index
        %get3A_1835 = tpu.vector_load %arg11[%get3A_1833, %get3A_1834] {strides = array<i32>} : memref<80x64xi32, #tpu.memory_space<vmem>>, vector<16xi32>,
        %bitcast3A_1836 = vector.bitcast %get3A_1835 : vector<16xi32> to vector<32xbf16>
        %get3A_1837 = arith.index_cast %add3A_1796 : i32 to index
        %get3A_1838 = arith.constant 32 : index
        %get3A_1839 = tpu.vector_load %arg12[%get3A_1837, %get3A_1838] {strides = array<i32>} : memref<80x64xi32, #tpu.memory_space<vmem>>, vector<16xi32>,
        %bitcast3A_1840 = vector.bitcast %get3A_1839 : vector<16xi32> to vector<32xbf16>
        %mul3A_1841 = arith.mulf %bitcast3A_1832, %bitcast3A_1840 : vector<32xbf16>
        %mul3A_1842 = arith.mulf %mul3A_1841, %bitcast3A_1836 : vector<32xbf16>
        %unpack3A_1843 = tpu.unpack_subelements %mul3A_1842, 0 {pack_format = #tpu.pack_format<interleaved>} : vector<32xbf16> -> vector<16xf32>
        %unpack3A_1844 = tpu.unpack_subelements %mul3A_1842, 1 {pack_format = #tpu.pack_format<interleaved>} : vector<32xbf16> -> vector<16xf32>
        %add3A_1845 = arith.addf %unpack3A_1843, %unpack3A_1844 : vector<16xf32>
        %add3A_1846 = arith.addf %add3A_1828, %add3A_1845 : vector<16xf32>
        %get3A_1847 = arith.index_cast %add3A_1796 : i32 to index
        %get3A_1848 = arith.constant 48 : index
        %get3A_1849 = tpu.vector_load %arg10[%get3A_1847, %get3A_1848] {strides = array<i32>} : memref<80x64xi32, #tpu.memory_space<vmem>>, vector<16xi32>,
        %bitcast3A_1850 = vector.bitcast %get3A_1849 : vector<16xi32> to vector<32xbf16>
        %get3A_1851 = arith.index_cast %add3A_1796 : i32 to index
        %get3A_1852 = arith.constant 48 : index
        %get3A_1853 = tpu.vector_load %arg11[%get3A_1851, %get3A_1852] {strides = array<i32>} : memref<80x64xi32, #tpu.memory_space<vmem>>, vector<16xi32>,
        %bitcast3A_1854 = vector.bitcast %get3A_1853 : vector<16xi32> to vector<32xbf16>
        %get3A_1855 = arith.index_cast %add3A_1796 : i32 to index
        %get3A_1856 = arith.constant 48 : index
        %get3A_1857 = tpu.vector_load %arg12[%get3A_1855, %get3A_1856] {strides = array<i32>} : memref<80x64xi32, #tpu.memory_space<vmem>>, vector<16xi32>,
        %bitcast3A_1858 = vector.bitcast %get3A_1857 : vector<16xi32> to vector<32xbf16>
        %mul3A_1859 = arith.mulf %bitcast3A_1850, %bitcast3A_1858 : vector<32xbf16>
        %mul3A_1860 = arith.mulf %mul3A_1859, %bitcast3A_1854 : vector<32xbf16>
        %unpack3A_1861 = tpu.unpack_subelements %mul3A_1860, 0 {pack_format = #tpu.pack_format<interleaved>} : vector<32xbf16> -> vector<16xf32>
        %unpack3A_1862 = tpu.unpack_subelements %mul3A_1860, 1 {pack_format = #tpu.pack_format<interleaved>} : vector<32xbf16> -> vector<16xf32>
        %add3A_1863 = arith.addf %unpack3A_1861, %unpack3A_1862 : vector<16xf32>
        %add3A_1864 = arith.addf %add3A_1846, %add3A_1863 : vector<16xf32>
        %mul3A_1865 = arith.constant 17 : i32
        %mul3A_1866 = arith.muli %scan3A_1794, %mul3A_1865 : i32
        %swap3A_1867 = arith.index_cast %mul3A_1866 : i32 to index
        %swap3A_1868 = tpu.vector_load %arg17[%swap3A_1867] {strides = array<i32>} : memref<272xf32, #tpu.memory_space<vmem>>, vector<16xf32>,
        tpu.vector_store %arg17[%swap3A_1867], %add3A_1864 {strides = array<i32>} : memref<272xf32, #tpu.memory_space<vmem>>, vector<16xf32>,
        %scan3A_1869 = arith.constant 1 : i32
        %scan3A_1870 = arith.addi %scan3A_1794, %scan3A_1869 : i32
        %add3A_1871 = arith.constant 16 : i32
        %add3A_1872 = arith.addi %add3A_1871, %scan3A_1870 : i32
        %get3A_1873 = arith.index_cast %add3A_1872 : i32 to index
        %get3A_1874 = arith.constant 0 : index
        %get3A_1875 = tpu.vector_load %arg10[%get3A_1873, %get3A_1874] {strides = array<i32>} : memref<80x64xi32, #tpu.memory_space<vmem>>, vector<16xi32>,
        %bitcast3A_1876 = vector.bitcast %get3A_1875 : vector<16xi32> to vector<32xbf16>
        %get3A_1877 = arith.index_cast %add3A_1872 : i32 to index
        %get3A_1878 = arith.constant 0 : index
        %get3A_1879 = tpu.vector_load %arg11[%get3A_1877, %get3A_1878] {strides = array<i32>} : memref<80x64xi32, #tpu.memory_space<vmem>>, vector<16xi32>,
        %bitcast3A_1880 = vector.bitcast %get3A_1879 : vector<16xi32> to vector<32xbf16>
        %get3A_1881 = arith.index_cast %add3A_1872 : i32 to index
        %get3A_1882 = arith.constant 0 : index
        %get3A_1883 = tpu.vector_load %arg12[%get3A_1881, %get3A_1882] {strides = array<i32>} : memref<80x64xi32, #tpu.memory_space<vmem>>, vector<16xi32>,
        %bitcast3A_1884 = vector.bitcast %get3A_1883 : vector<16xi32> to vector<32xbf16>
        %mul3A_1885 = arith.mulf %bitcast3A_1876, %bitcast3A_1884 : vector<32xbf16>
        %mul3A_1886 = arith.mulf %mul3A_1885, %bitcast3A_1880 : vector<32xbf16>
        %unpack3A_1887 = tpu.unpack_subelements %mul3A_1886, 0 {pack_format = #tpu.pack_format<interleaved>} : vector<32xbf16> -> vector<16xf32>
        %unpack3A_1888 = tpu.unpack_subelements %mul3A_1886, 1 {pack_format = #tpu.pack_format<interleaved>} : vector<32xbf16> -> vector<16xf32>
        %add3A_1889 = arith.addf %unpack3A_1887, %unpack3A_1888 : vector<16xf32>
        %get3A_1890 = arith.index_cast %add3A_1872 : i32 to index
        %get3A_1891 = arith.constant 16 : index
        %get3A_1892 = tpu.vector_load %arg10[%get3A_1890, %get3A_1891] {strides = array<i32>} : memref<80x64xi32, #tpu.memory_space<vmem>>, vector<16xi32>,
        %bitcast3A_1893 = vector.bitcast %get3A_1892 : vector<16xi32> to vector<32xbf16>
        %get3A_1894 = arith.index_cast %add3A_1872 : i32 to index
        %get3A_1895 = arith.constant 16 : index
        %get3A_1896 = tpu.vector_load %arg11[%get3A_1894, %get3A_1895] {strides = array<i32>} : memref<80x64xi32, #tpu.memory_space<vmem>>, vector<16xi32>,
        %bitcast3A_1897 = vector.bitcast %get3A_1896 : vector<16xi32> to vector<32xbf16>
        %get3A_1898 = arith.index_cast %add3A_1872 : i32 to index
        %get3A_1899 = arith.constant 16 : index
        %get3A_1900 = tpu.vector_load %arg12[%get3A_1898, %get3A_1899] {strides = array<i32>} : memref<80x64xi32, #tpu.memory_space<vmem>>, vector<16xi32>,
        %bitcast3A_1901 = vector.bitcast %get3A_1900 : vector<16xi32> to vector<32xbf16>
        %mul3A_1902 = arith.mulf %bitcast3A_1893, %bitcast3A_1901 : vector<32xbf16>
        %mul3A_1903 = arith.mulf %mul3A_1902, %bitcast3A_1897 : vector<32xbf16>
        %unpack3A_1904 = tpu.unpack_subelements %mul3A_1903, 0 {pack_format = #tpu.pack_format<interleaved>} : vector<32xbf16> -> vector<16xf32>
        %unpack3A_1905 = tpu.unpack_subelements %mul3A_1903, 1 {pack_format = #tpu.pack_format<interleaved>} : vector<32xbf16> -> vector<16xf32>
        %add3A_1906 = arith.addf %unpack3A_1904, %unpack3A_1905 : vector<16xf32>
        %add3A_1907 = arith.addf %add3A_1889, %add3A_1906 : vector<16xf32>
        %get3A_1908 = arith.index_cast %add3A_1872 : i32 to index
        %get3A_1909 = arith.constant 32 : index
        %get3A_1910 = tpu.vector_load %arg10[%get3A_1908, %get3A_1909] {strides = array<i32>} : memref<80x64xi32, #tpu.memory_space<vmem>>, vector<16xi32>,
        %bitcast3A_1911 = vector.bitcast %get3A_1910 : vector<16xi32> to vector<32xbf16>
        %get3A_1912 = arith.index_cast %add3A_1872 : i32 to index
        %get3A_1913 = arith.constant 32 : index
        %get3A_1914 = tpu.vector_load %arg11[%get3A_1912, %get3A_1913] {strides = array<i32>} : memref<80x64xi32, #tpu.memory_space<vmem>>, vector<16xi32>,
        %bitcast3A_1915 = vector.bitcast %get3A_1914 : vector<16xi32> to vector<32xbf16>
        %get3A_1916 = arith.index_cast %add3A_1872 : i32 to index
        %get3A_1917 = arith.constant 32 : index
        %get3A_1918 = tpu.vector_load %arg12[%get3A_1916, %get3A_1917] {strides = array<i32>} : memref<80x64xi32, #tpu.memory_space<vmem>>, vector<16xi32>,
        %bitcast3A_1919 = vector.bitcast %get3A_1918 : vector<16xi32> to vector<32xbf16>
        %mul3A_1920 = arith.mulf %bitcast3A_1911, %bitcast3A_1919 : vector<32xbf16>
        %mul3A_1921 = arith.mulf %mul3A_1920, %bitcast3A_1915 : vector<32xbf16>
        %unpack3A_1922 = tpu.unpack_subelements %mul3A_1921, 0 {pack_format = #tpu.pack_format<interleaved>} : vector<32xbf16> -> vector<16xf32>
        %unpack3A_1923 = tpu.unpack_subelements %mul3A_1921, 1 {pack_format = #tpu.pack_format<interleaved>} : vector<32xbf16> -> vector<16xf32>
        %add3A_1924 = arith.addf %unpack3A_1922, %unpack3A_1923 : vector<16xf32>
        %add3A_1925 = arith.addf %add3A_1907, %add3A_1924 : vector<16xf32>
        %get3A_1926 = arith.index_cast %add3A_1872 : i32 to index
        %get3A_1927 = arith.constant 48 : index
        %get3A_1928 = tpu.vector_load %arg10[%get3A_1926, %get3A_1927] {strides = array<i32>} : memref<80x64xi32, #tpu.memory_space<vmem>>, vector<16xi32>,
        %bitcast3A_1929 = vector.bitcast %get3A_1928 : vector<16xi32> to vector<32xbf16>
        %get3A_1930 = arith.index_cast %add3A_1872 : i32 to index
        %get3A_1931 = arith.constant 48 : index
        %get3A_1932 = tpu.vector_load %arg11[%get3A_1930, %get3A_1931] {strides = array<i32>} : memref<80x64xi32, #tpu.memory_space<vmem>>, vector<16xi32>,
        %bitcast3A_1933 = vector.bitcast %get3A_1932 : vector<16xi32> to vector<32xbf16>
        %get3A_1934 = arith.index_cast %add3A_1872 : i32 to index
        %get3A_1935 = arith.constant 48 : index
        %get3A_1936 = tpu.vector_load %arg12[%get3A_1934, %get3A_1935] {strides = array<i32>} : memref<80x64xi32, #tpu.memory_space<vmem>>, vector<16xi32>,
        %bitcast3A_1937 = vector.bitcast %get3A_1936 : vector<16xi32> to vector<32xbf16>
        %mul3A_1938 = arith.mulf %bitcast3A_1929, %bitcast3A_1937 : vector<32xbf16>
        %mul3A_1939 = arith.mulf %mul3A_1938, %bitcast3A_1933 : vector<32xbf16>
        %unpack3A_1940 = tpu.unpack_subelements %mul3A_1939, 0 {pack_format = #tpu.pack_format<interleaved>} : vector<32xbf16> -> vector<16xf32>
        %unpack3A_1941 = tpu.unpack_subelements %mul3A_1939, 1 {pack_format = #tpu.pack_format<interleaved>} : vector<32xbf16> -> vector<16xf32>
        %add3A_1942 = arith.addf %unpack3A_1940, %unpack3A_1941 : vector<16xf32>
        %add3A_1943 = arith.addf %add3A_1925, %add3A_1942 : vector<16xf32>
        %mul3A_1944 = arith.constant 17 : i32
        %mul3A_1945 = arith.muli %scan3A_1870, %mul3A_1944 : i32
        %swap3A_1946 = arith.index_cast %mul3A_1945 : i32 to index
        %swap3A_1947 = tpu.vector_load %arg17[%swap3A_1946] {strides = array<i32>} : memref<272xf32, #tpu.memory_space<vmem>>, vector<16xf32>,
        tpu.vector_store %arg17[%swap3A_1946], %add3A_1943 {strides = array<i32>} : memref<272xf32, #tpu.memory_space<vmem>>, vector<16xf32>,
      }
      %scan3A_771 = arith.constant 16 : i32
      %gather3A_772 = tpu.vector_load_idx %arg17[%mul3A_6] : memref<272xf32, #tpu.memory_space<vmem>>[vector<16xi32>], vector<16xf32>,
      %add3A_773 = arith.constant 1 : i32
      %add3A_774 = vector.broadcast %add3A_773 : i32 to vector<16xi32>
      %add3A_775 = arith.addi %mul3A_6, %add3A_774 : vector<16xi32>
      %gather3A_776 = tpu.vector_load_idx %arg17[%add3A_775] : memref<272xf32, #tpu.memory_space<vmem>>[vector<16xi32>], vector<16xf32>,
      %add3A_777 = arith.constant 2 : i32
      %add3A_778 = vector.broadcast %add3A_777 : i32 to vector<16xi32>
      %add3A_779 = arith.addi %mul3A_6, %add3A_778 : vector<16xi32>
      %gather3A_780 = tpu.vector_load_idx %arg17[%add3A_779] : memref<272xf32, #tpu.memory_space<vmem>>[vector<16xi32>], vector<16xf32>,
      %add3A_781 = arith.addf %gather3A_772, %gather3A_780 : vector<16xf32>
      %add3A_782 = arith.constant 2 : i32
      %add3A_783 = vector.broadcast %add3A_782 : i32 to vector<16xi32>
      %add3A_784 = arith.addi %mul3A_6, %add3A_783 : vector<16xi32>
      %add3A_785 = arith.constant 1 : i32
      %add3A_786 = vector.broadcast %add3A_785 : i32 to vector<16xi32>
      %add3A_787 = arith.addi %add3A_784, %add3A_786 : vector<16xi32>
      %gather3A_788 = tpu.vector_load_idx %arg17[%add3A_787] : memref<272xf32, #tpu.memory_space<vmem>>[vector<16xi32>], vector<16xf32>,
      %add3A_789 = arith.addf %gather3A_776, %gather3A_788 : vector<16xf32>
      %add3A_790 = arith.constant 4 : i32
      %add3A_791 = vector.broadcast %add3A_790 : i32 to vector<16xi32>
      %add3A_792 = arith.addi %mul3A_6, %add3A_791 : vector<16xi32>
      %gather3A_793 = tpu.vector_load_idx %arg17[%add3A_792] : memref<272xf32, #tpu.memory_space<vmem>>[vector<16xi32>], vector<16xf32>,
      %add3A_794 = arith.addf %add3A_781, %gather3A_793 : vector<16xf32>
      %add3A_795 = arith.constant 4 : i32
      %add3A_796 = vector.broadcast %add3A_795 : i32 to vector<16xi32>
      %add3A_797 = arith.addi %mul3A_6, %add3A_796 : vector<16xi32>
      %add3A_798 = arith.constant 1 : i32
      %add3A_799 = vector.broadcast %add3A_798 : i32 to vector<16xi32>
      %add3A_800 = arith.addi %add3A_797, %add3A_799 : vector<16xi32>
      %gather3A_801 = tpu.vector_load_idx %arg17[%add3A_800] : memref<272xf32, #tpu.memory_space<vmem>>[vector<16xi32>], vector<16xf32>,
      %add3A_802 = arith.addf %add3A_789, %gather3A_801 : vector<16xf32>
      %add3A_803 = arith.constant 6 : i32
      %add3A_804 = vector.broadcast %add3A_803 : i32 to vector<16xi32>
      %add3A_805 = arith.addi %mul3A_6, %add3A_804 : vector<16xi32>
      %gather3A_806 = tpu.vector_load_idx %arg17[%add3A_805] : memref<272xf32, #tpu.memory_space<vmem>>[vector<16xi32>], vector<16xf32>,
      %add3A_807 = arith.addf %add3A_794, %gather3A_806 : vector<16xf32>
      %add3A_808 = arith.constant 6 : i32
      %add3A_809 = vector.broadcast %add3A_808 : i32 to vector<16xi32>
      %add3A_810 = arith.addi %mul3A_6, %add3A_809 : vector<16xi32>
      %add3A_811 = arith.constant 1 : i32
      %add3A_812 = vector.broadcast %add3A_811 : i32 to vector<16xi32>
      %add3A_813 = arith.addi %add3A_810, %add3A_812 : vector<16xi32>
      %gather3A_814 = tpu.vector_load_idx %arg17[%add3A_813] : memref<272xf32, #tpu.memory_space<vmem>>[vector<16xi32>], vector<16xf32>,
      %add3A_815 = arith.addf %add3A_802, %gather3A_814 : vector<16xf32>
      %add3A_816 = arith.constant 8 : i32
      %add3A_817 = vector.broadcast %add3A_816 : i32 to vector<16xi32>
      %add3A_818 = arith.addi %mul3A_6, %add3A_817 : vector<16xi32>
      %gather3A_819 = tpu.vector_load_idx %arg17[%add3A_818] : memref<272xf32, #tpu.memory_space<vmem>>[vector<16xi32>], vector<16xf32>,
      %add3A_820 = arith.addf %add3A_807, %gather3A_819 : vector<16xf32>
      %add3A_821 = arith.constant 8 : i32
      %add3A_822 = vector.broadcast %add3A_821 : i32 to vector<16xi32>
      %add3A_823 = arith.addi %mul3A_6, %add3A_822 : vector<16xi32>
      %add3A_824 = arith.constant 1 : i32
      %add3A_825 = vector.broadcast %add3A_824 : i32 to vector<16xi32>
      %add3A_826 = arith.addi %add3A_823, %add3A_825 : vector<16xi32>
      %gather3A_827 = tpu.vector_load_idx %arg17[%add3A_826] : memref<272xf32, #tpu.memory_space<vmem>>[vector<16xi32>], vector<16xf32>,
      %add3A_828 = arith.addf %add3A_815, %gather3A_827 : vector<16xf32>
      %add3A_829 = arith.constant 10 : i32
      %add3A_830 = vector.broadcast %add3A_829 : i32 to vector<16xi32>
      %add3A_831 = arith.addi %mul3A_6, %add3A_830 : vector<16xi32>
      %gather3A_832 = tpu.vector_load_idx %arg17[%add3A_831] : memref<272xf32, #tpu.memory_space<vmem>>[vector<16xi32>], vector<16xf32>,
      %add3A_833 = arith.addf %add3A_820, %gather3A_832 : vector<16xf32>
      %add3A_834 = arith.constant 10 : i32
      %add3A_835 = vector.broadcast %add3A_834 : i32 to vector<16xi32>
      %add3A_836 = arith.addi %mul3A_6, %add3A_835 : vector<16xi32>
      %add3A_837 = arith.constant 1 : i32
      %add3A_838 = vector.broadcast %add3A_837 : i32 to vector<16xi32>
      %add3A_839 = arith.addi %add3A_836, %add3A_838 : vector<16xi32>
      %gather3A_840 = tpu.vector_load_idx %arg17[%add3A_839] : memref<272xf32, #tpu.memory_space<vmem>>[vector<16xi32>], vector<16xf32>,
      %add3A_841 = arith.addf %add3A_828, %gather3A_840 : vector<16xf32>
      %add3A_842 = arith.constant 12 : i32
      %add3A_843 = vector.broadcast %add3A_842 : i32 to vector<16xi32>
      %add3A_844 = arith.addi %mul3A_6, %add3A_843 : vector<16xi32>
      %gather3A_845 = tpu.vector_load_idx %arg17[%add3A_844] : memref<272xf32, #tpu.memory_space<vmem>>[vector<16xi32>], vector<16xf32>,
      %add3A_846 = arith.addf %add3A_833, %gather3A_845 : vector<16xf32>
      %add3A_847 = arith.constant 12 : i32
      %add3A_848 = vector.broadcast %add3A_847 : i32 to vector<16xi32>
      %add3A_849 = arith.addi %mul3A_6, %add3A_848 : vector<16xi32>
      %add3A_850 = arith.constant 1 : i32
      %add3A_851 = vector.broadcast %add3A_850 : i32 to vector<16xi32>
      %add3A_852 = arith.addi %add3A_849, %add3A_851 : vector<16xi32>
      %gather3A_853 = tpu.vector_load_idx %arg17[%add3A_852] : memref<272xf32, #tpu.memory_space<vmem>>[vector<16xi32>], vector<16xf32>,
      %add3A_854 = arith.addf %add3A_841, %gather3A_853 : vector<16xf32>
      %add3A_855 = arith.constant 14 : i32
      %add3A_856 = vector.broadcast %add3A_855 : i32 to vector<16xi32>
      %add3A_857 = arith.addi %mul3A_6, %add3A_856 : vector<16xi32>
      %gather3A_858 = tpu.vector_load_idx %arg17[%add3A_857] : memref<272xf32, #tpu.memory_space<vmem>>[vector<16xi32>], vector<16xf32>,
      %add3A_859 = arith.addf %add3A_846, %gather3A_858 : vector<16xf32>
      %add3A_860 = arith.constant 14 : i32
      %add3A_861 = vector.broadcast %add3A_860 : i32 to vector<16xi32>
      %add3A_862 = arith.addi %mul3A_6, %add3A_861 : vector<16xi32>
      %add3A_863 = arith.constant 1 : i32
      %add3A_864 = vector.broadcast %add3A_863 : i32 to vector<16xi32>
      %add3A_865 = arith.addi %add3A_862, %add3A_864 : vector<16xi32>
      %gather3A_866 = tpu.vector_load_idx %arg17[%add3A_865] : memref<272xf32, #tpu.memory_space<vmem>>[vector<16xi32>], vector<16xf32>,
      %add3A_867 = arith.addf %add3A_854, %gather3A_866 : vector<16xf32>
      %add3A_868 = arith.addf %add3A_859, %add3A_867 : vector<16xf32>
      %add3A_869 = arith.constant 16 : i32
      %add3A_870 = arith.addi %mul3A_658, %add3A_869 : i32
      %swap3A_871 = arith.index_cast %add3A_870 : i32 to index
      %swap3A_872 = tpu.vector_load %arg16[%swap3A_871] {strides = array<i32>} : memref<10000xf32, #tpu.memory_space<vmem>>, vector<16xf32>,
      tpu.vector_store %arg16[%swap3A_871], %add3A_868 {strides = array<i32>} : memref<10000xf32, #tpu.memory_space<vmem>>, vector<16xf32>,
      %scan3A_873 = arith.constant 0 : i32
      %scan3A_874 = arith.constant 0 : i32
      %scan3A_875 = arith.constant 16 : i32
      %scan3A_876 = arith.addi %scan3A_874, %scan3A_875 : i32
      %scan3A_877 = arith.constant 2 : i32
      scf.for %scan3A_1794 = %scan3A_874 to %scan3A_876 step %scan3A_877  : i32 {
        %add3A_1795 = arith.constant 32 : i32
        %add3A_1796 = arith.addi %add3A_1795, %scan3A_1794 : i32
        %get3A = arith.index_cast %add3A_1796 : i32 to index
        %get3A_1797 = arith.constant 0 : index
        %get3A_1798 = tpu.vector_load %arg10[%get3A, %get3A_1797] {strides = array<i32>} : memref<80x64xi32, #tpu.memory_space<vmem>>, vector<16xi32>,
        %bitcast3A = vector.bitcast %get3A_1798 : vector<16xi32> to vector<32xbf16>
        %get3A_1799 = arith.index_cast %add3A_1796 : i32 to index
        %get3A_1800 = arith.constant 0 : index
        %get3A_1801 = tpu.vector_load %arg11[%get3A_1799, %get3A_1800] {strides = array<i32>} : memref<80x64xi32, #tpu.memory_space<vmem>>, vector<16xi32>,
        %bitcast3A_1802 = vector.bitcast %get3A_1801 : vector<16xi32> to vector<32xbf16>
        %get3A_1803 = arith.index_cast %add3A_1796 : i32 to index
        %get3A_1804 = arith.constant 0 : index
        %get3A_1805 = tpu.vector_load %arg12[%get3A_1803, %get3A_1804] {strides = array<i32>} : memref<80x64xi32, #tpu.memory_space<vmem>>, vector<16xi32>,
        %bitcast3A_1806 = vector.bitcast %get3A_1805 : vector<16xi32> to vector<32xbf16>
        %mul3A_1807 = arith.mulf %bitcast3A, %bitcast3A_1806 : vector<32xbf16>
        %mul3A_1808 = arith.mulf %mul3A_1807, %bitcast3A_1802 : vector<32xbf16>
        %unpack3A = tpu.unpack_subelements %mul3A_1808, 0 {pack_format = #tpu.pack_format<interleaved>} : vector<32xbf16> -> vector<16xf32>
        %unpack3A_1809 = tpu.unpack_subelements %mul3A_1808, 1 {pack_format = #tpu.pack_format<interleaved>} : vector<32xbf16> -> vector<16xf32>
        %add3A_1810 = arith.addf %unpack3A, %unpack3A_1809 : vector<16xf32>
        %get3A_1811 = arith.index_cast %add3A_1796 : i32 to index
        %get3A_1812 = arith.constant 16 : index
        %get3A_1813 = tpu.vector_load %arg10[%get3A_1811, %get3A_1812] {strides = array<i32>} : memref<80x64xi32, #tpu.memory_space<vmem>>, vector<16xi32>,
        %bitcast3A_1814 = vector.bitcast %get3A_1813 : vector<16xi32> to vector<32xbf16>
        %get3A_1815 = arith.index_cast %add3A_1796 : i32 to index
        %get3A_1816 = arith.constant 16 : index
        %get3A_1817 = tpu.vector_load %arg11[%get3A_1815, %get3A_1816] {strides = array<i32>} : memref<80x64xi32, #tpu.memory_space<vmem>>, vector<16xi32>,
        %bitcast3A_1818 = vector.bitcast %get3A_1817 : vector<16xi32> to vector<32xbf16>
        %get3A_1819 = arith.index_cast %add3A_1796 : i32 to index
        %get3A_1820 = arith.constant 16 : index
        %get3A_1821 = tpu.vector_load %arg12[%get3A_1819, %get3A_1820] {strides = array<i32>} : memref<80x64xi32, #tpu.memory_space<vmem>>, vector<16xi32>,
        %bitcast3A_1822 = vector.bitcast %get3A_1821 : vector<16xi32> to vector<32xbf16>
        %mul3A_1823 = arith.mulf %bitcast3A_1814, %bitcast3A_1822 : vector<32xbf16>
        %mul3A_1824 = arith.mulf %mul3A_1823, %bitcast3A_1818 : vector<32xbf16>
        %unpack3A_1825 = tpu.unpack_subelements %mul3A_1824, 0 {pack_format = #tpu.pack_format<interleaved>} : vector<32xbf16> -> vector<16xf32>
        %unpack3A_1826 = tpu.unpack_subelements %mul3A_1824, 1 {pack_format = #tpu.pack_format<interleaved>} : vector<32xbf16> -> vector<16xf32>
        %add3A_1827 = arith.addf %unpack3A_1825, %unpack3A_1826 : vector<16xf32>
        %add3A_1828 = arith.addf %add3A_1810, %add3A_1827 : vector<16xf32>
        %get3A_1829 = arith.index_cast %add3A_1796 : i32 to index
        %get3A_1830 = arith.constant 32 : index
        %get3A_1831 = tpu.vector_load %arg10[%get3A_1829, %get3A_1830] {strides = array<i32>} : memref<80x64xi32, #tpu.memory_space<vmem>>, vector<16xi32>,
        %bitcast3A_1832 = vector.bitcast %get3A_1831 : vector<16xi32> to vector<32xbf16>
        %get3A_1833 = arith.index_cast %add3A_1796 : i32 to index
        %get3A_1834 = arith.constant 32 : index
        %get3A_1835 = tpu.vector_load %arg11[%get3A_1833, %get3A_1834] {strides = array<i32>} : memref<80x64xi32, #tpu.memory_space<vmem>>, vector<16xi32>,
        %bitcast3A_1836 = vector.bitcast %get3A_1835 : vector<16xi32> to vector<32xbf16>
        %get3A_1837 = arith.index_cast %add3A_1796 : i32 to index
        %get3A_1838 = arith.constant 32 : index
        %get3A_1839 = tpu.vector_load %arg12[%get3A_1837, %get3A_1838] {strides = array<i32>} : memref<80x64xi32, #tpu.memory_space<vmem>>, vector<16xi32>,
        %bitcast3A_1840 = vector.bitcast %get3A_1839 : vector<16xi32> to vector<32xbf16>
        %mul3A_1841 = arith.mulf %bitcast3A_1832, %bitcast3A_1840 : vector<32xbf16>
        %mul3A_1842 = arith.mulf %mul3A_1841, %bitcast3A_1836 : vector<32xbf16>
        %unpack3A_1843 = tpu.unpack_subelements %mul3A_1842, 0 {pack_format = #tpu.pack_format<interleaved>} : vector<32xbf16> -> vector<16xf32>
        %unpack3A_1844 = tpu.unpack_subelements %mul3A_1842, 1 {pack_format = #tpu.pack_format<interleaved>} : vector<32xbf16> -> vector<16xf32>
        %add3A_1845 = arith.addf %unpack3A_1843, %unpack3A_1844 : vector<16xf32>
        %add3A_1846 = arith.addf %add3A_1828, %add3A_1845 : vector<16xf32>
        %get3A_1847 = arith.index_cast %add3A_1796 : i32 to index
        %get3A_1848 = arith.constant 48 : index
        %get3A_1849 = tpu.vector_load %arg10[%get3A_1847, %get3A_1848] {strides = array<i32>} : memref<80x64xi32, #tpu.memory_space<vmem>>, vector<16xi32>,
        %bitcast3A_1850 = vector.bitcast %get3A_1849 : vector<16xi32> to vector<32xbf16>
        %get3A_1851 = arith.index_cast %add3A_1796 : i32 to index
        %get3A_1852 = arith.constant 48 : index
        %get3A_1853 = tpu.vector_load %arg11[%get3A_1851, %get3A_1852] {strides = array<i32>} : memref<80x64xi32, #tpu.memory_space<vmem>>, vector<16xi32>,
        %bitcast3A_1854 = vector.bitcast %get3A_1853 : vector<16xi32> to vector<32xbf16>
        %get3A_1855 = arith.index_cast %add3A_1796 : i32 to index
        %get3A_1856 = arith.constant 48 : index
        %get3A_1857 = tpu.vector_load %arg12[%get3A_1855, %get3A_1856] {strides = array<i32>} : memref<80x64xi32, #tpu.memory_space<vmem>>, vector<16xi32>,
        %bitcast3A_1858 = vector.bitcast %get3A_1857 : vector<16xi32> to vector<32xbf16>
        %mul3A_1859 = arith.mulf %bitcast3A_1850, %bitcast3A_1858 : vector<32xbf16>
        %mul3A_1860 = arith.mulf %mul3A_1859, %bitcast3A_1854 : vector<32xbf16>
        %unpack3A_1861 = tpu.unpack_subelements %mul3A_1860, 0 {pack_format = #tpu.pack_format<interleaved>} : vector<32xbf16> -> vector<16xf32>
        %unpack3A_1862 = tpu.unpack_subelements %mul3A_1860, 1 {pack_format = #tpu.pack_format<interleaved>} : vector<32xbf16> -> vector<16xf32>
        %add3A_1863 = arith.addf %unpack3A_1861, %unpack3A_1862 : vector<16xf32>
        %add3A_1864 = arith.addf %add3A_1846, %add3A_1863 : vector<16xf32>
        %mul3A_1865 = arith.constant 17 : i32
        %mul3A_1866 = arith.muli %scan3A_1794, %mul3A_1865 : i32
        %swap3A_1867 = arith.index_cast %mul3A_1866 : i32 to index
        %swap3A_1868 = tpu.vector_load %arg17[%swap3A_1867] {strides = array<i32>} : memref<272xf32, #tpu.memory_space<vmem>>, vector<16xf32>,
        tpu.vector_store %arg17[%swap3A_1867], %add3A_1864 {strides = array<i32>} : memref<272xf32, #tpu.memory_space<vmem>>, vector<16xf32>,
        %scan3A_1869 = arith.constant 1 : i32
        %scan3A_1870 = arith.addi %scan3A_1794, %scan3A_1869 : i32
        %add3A_1871 = arith.constant 32 : i32
        %add3A_1872 = arith.addi %add3A_1871, %scan3A_1870 : i32
        %get3A_1873 = arith.index_cast %add3A_1872 : i32 to index
        %get3A_1874 = arith.constant 0 : index
        %get3A_1875 = tpu.vector_load %arg10[%get3A_1873, %get3A_1874] {strides = array<i32>} : memref<80x64xi32, #tpu.memory_space<vmem>>, vector<16xi32>,
        %bitcast3A_1876 = vector.bitcast %get3A_1875 : vector<16xi32> to vector<32xbf16>
        %get3A_1877 = arith.index_cast %add3A_1872 : i32 to index
        %get3A_1878 = arith.constant 0 : index
        %get3A_1879 = tpu.vector_load %arg11[%get3A_1877, %get3A_1878] {strides = array<i32>} : memref<80x64xi32, #tpu.memory_space<vmem>>, vector<16xi32>,
        %bitcast3A_1880 = vector.bitcast %get3A_1879 : vector<16xi32> to vector<32xbf16>
        %get3A_1881 = arith.index_cast %add3A_1872 : i32 to index
        %get3A_1882 = arith.constant 0 : index
        %get3A_1883 = tpu.vector_load %arg12[%get3A_1881, %get3A_1882] {strides = array<i32>} : memref<80x64xi32, #tpu.memory_space<vmem>>, vector<16xi32>,
        %bitcast3A_1884 = vector.bitcast %get3A_1883 : vector<16xi32> to vector<32xbf16>
        %mul3A_1885 = arith.mulf %bitcast3A_1876, %bitcast3A_1884 : vector<32xbf16>
        %mul3A_1886 = arith.mulf %mul3A_1885, %bitcast3A_1880 : vector<32xbf16>
        %unpack3A_1887 = tpu.unpack_subelements %mul3A_1886, 0 {pack_format = #tpu.pack_format<interleaved>} : vector<32xbf16> -> vector<16xf32>
        %unpack3A_1888 = tpu.unpack_subelements %mul3A_1886, 1 {pack_format = #tpu.pack_format<interleaved>} : vector<32xbf16> -> vector<16xf32>
        %add3A_1889 = arith.addf %unpack3A_1887, %unpack3A_1888 : vector<16xf32>
        %get3A_1890 = arith.index_cast %add3A_1872 : i32 to index
        %get3A_1891 = arith.constant 16 : index
        %get3A_1892 = tpu.vector_load %arg10[%get3A_1890, %get3A_1891] {strides = array<i32>} : memref<80x64xi32, #tpu.memory_space<vmem>>, vector<16xi32>,
        %bitcast3A_1893 = vector.bitcast %get3A_1892 : vector<16xi32> to vector<32xbf16>
        %get3A_1894 = arith.index_cast %add3A_1872 : i32 to index
        %get3A_1895 = arith.constant 16 : index
        %get3A_1896 = tpu.vector_load %arg11[%get3A_1894, %get3A_1895] {strides = array<i32>} : memref<80x64xi32, #tpu.memory_space<vmem>>, vector<16xi32>,
        %bitcast3A_1897 = vector.bitcast %get3A_1896 : vector<16xi32> to vector<32xbf16>
        %get3A_1898 = arith.index_cast %add3A_1872 : i32 to index
        %get3A_1899 = arith.constant 16 : index
        %get3A_1900 = tpu.vector_load %arg12[%get3A_1898, %get3A_1899] {strides = array<i32>} : memref<80x64xi32, #tpu.memory_space<vmem>>, vector<16xi32>,
        %bitcast3A_1901 = vector.bitcast %get3A_1900 : vector<16xi32> to vector<32xbf16>
        %mul3A_1902 = arith.mulf %bitcast3A_1893, %bitcast3A_1901 : vector<32xbf16>
        %mul3A_1903 = arith.mulf %mul3A_1902, %bitcast3A_1897 : vector<32xbf16>
        %unpack3A_1904 = tpu.unpack_subelements %mul3A_1903, 0 {pack_format = #tpu.pack_format<interleaved>} : vector<32xbf16> -> vector<16xf32>
        %unpack3A_1905 = tpu.unpack_subelements %mul3A_1903, 1 {pack_format = #tpu.pack_format<interleaved>} : vector<32xbf16> -> vector<16xf32>
        %add3A_1906 = arith.addf %unpack3A_1904, %unpack3A_1905 : vector<16xf32>
        %add3A_1907 = arith.addf %add3A_1889, %add3A_1906 : vector<16xf32>
        %get3A_1908 = arith.index_cast %add3A_1872 : i32 to index
        %get3A_1909 = arith.constant 32 : index
        %get3A_1910 = tpu.vector_load %arg10[%get3A_1908, %get3A_1909] {strides = array<i32>} : memref<80x64xi32, #tpu.memory_space<vmem>>, vector<16xi32>,
        %bitcast3A_1911 = vector.bitcast %get3A_1910 : vector<16xi32> to vector<32xbf16>
        %get3A_1912 = arith.index_cast %add3A_1872 : i32 to index
        %get3A_1913 = arith.constant 32 : index
        %get3A_1914 = tpu.vector_load %arg11[%get3A_1912, %get3A_1913] {strides = array<i32>} : memref<80x64xi32, #tpu.memory_space<vmem>>, vector<16xi32>,
        %bitcast3A_1915 = vector.bitcast %get3A_1914 : vector<16xi32> to vector<32xbf16>
        %get3A_1916 = arith.index_cast %add3A_1872 : i32 to index
        %get3A_1917 = arith.constant 32 : index
        %get3A_1918 = tpu.vector_load %arg12[%get3A_1916, %get3A_1917] {strides = array<i32>} : memref<80x64xi32, #tpu.memory_space<vmem>>, vector<16xi32>,
        %bitcast3A_1919 = vector.bitcast %get3A_1918 : vector<16xi32> to vector<32xbf16>
        %mul3A_1920 = arith.mulf %bitcast3A_1911, %bitcast3A_1919 : vector<32xbf16>
        %mul3A_1921 = arith.mulf %mul3A_1920, %bitcast3A_1915 : vector<32xbf16>
        %unpack3A_1922 = tpu.unpack_subelements %mul3A_1921, 0 {pack_format = #tpu.pack_format<interleaved>} : vector<32xbf16> -> vector<16xf32>
        %unpack3A_1923 = tpu.unpack_subelements %mul3A_1921, 1 {pack_format = #tpu.pack_format<interleaved>} : vector<32xbf16> -> vector<16xf32>
        %add3A_1924 = arith.addf %unpack3A_1922, %unpack3A_1923 : vector<16xf32>
        %add3A_1925 = arith.addf %add3A_1907, %add3A_1924 : vector<16xf32>
        %get3A_1926 = arith.index_cast %add3A_1872 : i32 to index
        %get3A_1927 = arith.constant 48 : index
        %get3A_1928 = tpu.vector_load %arg10[%get3A_1926, %get3A_1927] {strides = array<i32>} : memref<80x64xi32, #tpu.memory_space<vmem>>, vector<16xi32>,
        %bitcast3A_1929 = vector.bitcast %get3A_1928 : vector<16xi32> to vector<32xbf16>
        %get3A_1930 = arith.index_cast %add3A_1872 : i32 to index
        %get3A_1931 = arith.constant 48 : index
        %get3A_1932 = tpu.vector_load %arg11[%get3A_1930, %get3A_1931] {strides = array<i32>} : memref<80x64xi32, #tpu.memory_space<vmem>>, vector<16xi32>,
        %bitcast3A_1933 = vector.bitcast %get3A_1932 : vector<16xi32> to vector<32xbf16>
        %get3A_1934 = arith.index_cast %add3A_1872 : i32 to index
        %get3A_1935 = arith.constant 48 : index
        %get3A_1936 = tpu.vector_load %arg12[%get3A_1934, %get3A_1935] {strides = array<i32>} : memref<80x64xi32, #tpu.memory_space<vmem>>, vector<16xi32>,
        %bitcast3A_1937 = vector.bitcast %get3A_1936 : vector<16xi32> to vector<32xbf16>
        %mul3A_1938 = arith.mulf %bitcast3A_1929, %bitcast3A_1937 : vector<32xbf16>
        %mul3A_1939 = arith.mulf %mul3A_1938, %bitcast3A_1933 : vector<32xbf16>
        %unpack3A_1940 = tpu.unpack_subelements %mul3A_1939, 0 {pack_format = #tpu.pack_format<interleaved>} : vector<32xbf16> -> vector<16xf32>
        %unpack3A_1941 = tpu.unpack_subelements %mul3A_1939, 1 {pack_format = #tpu.pack_format<interleaved>} : vector<32xbf16> -> vector<16xf32>
        %add3A_1942 = arith.addf %unpack3A_1940, %unpack3A_1941 : vector<16xf32>
        %add3A_1943 = arith.addf %add3A_1925, %add3A_1942 : vector<16xf32>
        %mul3A_1944 = arith.constant 17 : i32
        %mul3A_1945 = arith.muli %scan3A_1870, %mul3A_1944 : i32
        %swap3A_1946 = arith.index_cast %mul3A_1945 : i32 to index
        %swap3A_1947 = tpu.vector_load %arg17[%swap3A_1946] {strides = array<i32>} : memref<272xf32, #tpu.memory_space<vmem>>, vector<16xf32>,
        tpu.vector_store %arg17[%swap3A_1946], %add3A_1943 {strides = array<i32>} : memref<272xf32, #tpu.memory_space<vmem>>, vector<16xf32>,
      }
      %scan3A_878 = arith.constant 16 : i32
      %gather3A_879 = tpu.vector_load_idx %arg17[%mul3A_6] : memref<272xf32, #tpu.memory_space<vmem>>[vector<16xi32>], vector<16xf32>,
      %add3A_880 = arith.constant 1 : i32
      %add3A_881 = vector.broadcast %add3A_880 : i32 to vector<16xi32>
      %add3A_882 = arith.addi %mul3A_6, %add3A_881 : vector<16xi32>
      %gather3A_883 = tpu.vector_load_idx %arg17[%add3A_882] : memref<272xf32, #tpu.memory_space<vmem>>[vector<16xi32>], vector<16xf32>,
      %add3A_884 = arith.constant 2 : i32
      %add3A_885 = vector.broadcast %add3A_884 : i32 to vector<16xi32>
      %add3A_886 = arith.addi %mul3A_6, %add3A_885 : vector<16xi32>
      %gather3A_887 = tpu.vector_load_idx %arg17[%add3A_886] : memref<272xf32, #tpu.memory_space<vmem>>[vector<16xi32>], vector<16xf32>,
      %add3A_888 = arith.addf %gather3A_879, %gather3A_887 : vector<16xf32>
      %add3A_889 = arith.constant 2 : i32
      %add3A_890 = vector.broadcast %add3A_889 : i32 to vector<16xi32>
      %add3A_891 = arith.addi %mul3A_6, %add3A_890 : vector<16xi32>
      %add3A_892 = arith.constant 1 : i32
      %add3A_893 = vector.broadcast %add3A_892 : i32 to vector<16xi32>
      %add3A_894 = arith.addi %add3A_891, %add3A_893 : vector<16xi32>
      %gather3A_895 = tpu.vector_load_idx %arg17[%add3A_894] : memref<272xf32, #tpu.memory_space<vmem>>[vector<16xi32>], vector<16xf32>,
      %add3A_896 = arith.addf %gather3A_883, %gather3A_895 : vector<16xf32>
      %add3A_897 = arith.constant 4 : i32
      %add3A_898 = vector.broadcast %add3A_897 : i32 to vector<16xi32>
      %add3A_899 = arith.addi %mul3A_6, %add3A_898 : vector<16xi32>
      %gather3A_900 = tpu.vector_load_idx %arg17[%add3A_899] : memref<272xf32, #tpu.memory_space<vmem>>[vector<16xi32>], vector<16xf32>,
      %add3A_901 = arith.addf %add3A_888, %gather3A_900 : vector<16xf32>
      %add3A_902 = arith.constant 4 : i32
      %add3A_903 = vector.broadcast %add3A_902 : i32 to vector<16xi32>
      %add3A_904 = arith.addi %mul3A_6, %add3A_903 : vector<16xi32>
      %add3A_905 = arith.constant 1 : i32
      %add3A_906 = vector.broadcast %add3A_905 : i32 to vector<16xi32>
      %add3A_907 = arith.addi %add3A_904, %add3A_906 : vector<16xi32>
      %gather3A_908 = tpu.vector_load_idx %arg17[%add3A_907] : memref<272xf32, #tpu.memory_space<vmem>>[vector<16xi32>], vector<16xf32>,
      %add3A_909 = arith.addf %add3A_896, %gather3A_908 : vector<16xf32>
      %add3A_910 = arith.constant 6 : i32
      %add3A_911 = vector.broadcast %add3A_910 : i32 to vector<16xi32>
      %add3A_912 = arith.addi %mul3A_6, %add3A_911 : vector<16xi32>
      %gather3A_913 = tpu.vector_load_idx %arg17[%add3A_912] : memref<272xf32, #tpu.memory_space<vmem>>[vector<16xi32>], vector<16xf32>,
      %add3A_914 = arith.addf %add3A_901, %gather3A_913 : vector<16xf32>
      %add3A_915 = arith.constant 6 : i32
      %add3A_916 = vector.broadcast %add3A_915 : i32 to vector<16xi32>
      %add3A_917 = arith.addi %mul3A_6, %add3A_916 : vector<16xi32>
      %add3A_918 = arith.constant 1 : i32
      %add3A_919 = vector.broadcast %add3A_918 : i32 to vector<16xi32>
      %add3A_920 = arith.addi %add3A_917, %add3A_919 : vector<16xi32>
      %gather3A_921 = tpu.vector_load_idx %arg17[%add3A_920] : memref<272xf32, #tpu.memory_space<vmem>>[vector<16xi32>], vector<16xf32>,
      %add3A_922 = arith.addf %add3A_909, %gather3A_921 : vector<16xf32>
      %add3A_923 = arith.constant 8 : i32
      %add3A_924 = vector.broadcast %add3A_923 : i32 to vector<16xi32>
      %add3A_925 = arith.addi %mul3A_6, %add3A_924 : vector<16xi32>
      %gather3A_926 = tpu.vector_load_idx %arg17[%add3A_925] : memref<272xf32, #tpu.memory_space<vmem>>[vector<16xi32>], vector<16xf32>,
      %add3A_927 = arith.addf %add3A_914, %gather3A_926 : vector<16xf32>
      %add3A_928 = arith.constant 8 : i32
      %add3A_929 = vector.broadcast %add3A_928 : i32 to vector<16xi32>
      %add3A_930 = arith.addi %mul3A_6, %add3A_929 : vector<16xi32>
      %add3A_931 = arith.constant 1 : i32
      %add3A_932 = vector.broadcast %add3A_931 : i32 to vector<16xi32>
      %add3A_933 = arith.addi %add3A_930, %add3A_932 : vector<16xi32>
      %gather3A_934 = tpu.vector_load_idx %arg17[%add3A_933] : memref<272xf32, #tpu.memory_space<vmem>>[vector<16xi32>], vector<16xf32>,
      %add3A_935 = arith.addf %add3A_922, %gather3A_934 : vector<16xf32>
      %add3A_936 = arith.constant 10 : i32
      %add3A_937 = vector.broadcast %add3A_936 : i32 to vector<16xi32>
      %add3A_938 = arith.addi %mul3A_6, %add3A_937 : vector<16xi32>
      %gather3A_939 = tpu.vector_load_idx %arg17[%add3A_938] : memref<272xf32, #tpu.memory_space<vmem>>[vector<16xi32>], vector<16xf32>,
      %add3A_940 = arith.addf %add3A_927, %gather3A_939 : vector<16xf32>
      %add3A_941 = arith.constant 10 : i32
      %add3A_942 = vector.broadcast %add3A_941 : i32 to vector<16xi32>
      %add3A_943 = arith.addi %mul3A_6, %add3A_942 : vector<16xi32>
      %add3A_944 = arith.constant 1 : i32
      %add3A_945 = vector.broadcast %add3A_944 : i32 to vector<16xi32>
      %add3A_946 = arith.addi %add3A_943, %add3A_945 : vector<16xi32>
      %gather3A_947 = tpu.vector_load_idx %arg17[%add3A_946] : memref<272xf32, #tpu.memory_space<vmem>>[vector<16xi32>], vector<16xf32>,
      %add3A_948 = arith.addf %add3A_935, %gather3A_947 : vector<16xf32>
      %add3A_949 = arith.constant 12 : i32
      %add3A_950 = vector.broadcast %add3A_949 : i32 to vector<16xi32>
      %add3A_951 = arith.addi %mul3A_6, %add3A_950 : vector<16xi32>
      %gather3A_952 = tpu.vector_load_idx %arg17[%add3A_951] : memref<272xf32, #tpu.memory_space<vmem>>[vector<16xi32>], vector<16xf32>,
      %add3A_953 = arith.addf %add3A_940, %gather3A_952 : vector<16xf32>
      %add3A_954 = arith.constant 12 : i32
      %add3A_955 = vector.broadcast %add3A_954 : i32 to vector<16xi32>
      %add3A_956 = arith.addi %mul3A_6, %add3A_955 : vector<16xi32>
      %add3A_957 = arith.constant 1 : i32
      %add3A_958 = vector.broadcast %add3A_957 : i32 to vector<16xi32>
      %add3A_959 = arith.addi %add3A_956, %add3A_958 : vector<16xi32>
      %gather3A_960 = tpu.vector_load_idx %arg17[%add3A_959] : memref<272xf32, #tpu.memory_space<vmem>>[vector<16xi32>], vector<16xf32>,
      %add3A_961 = arith.addf %add3A_948, %gather3A_960 : vector<16xf32>
      %add3A_962 = arith.constant 14 : i32
      %add3A_963 = vector.broadcast %add3A_962 : i32 to vector<16xi32>
      %add3A_964 = arith.addi %mul3A_6, %add3A_963 : vector<16xi32>
      %gather3A_965 = tpu.vector_load_idx %arg17[%add3A_964] : memref<272xf32, #tpu.memory_space<vmem>>[vector<16xi32>], vector<16xf32>,
      %add3A_966 = arith.addf %add3A_953, %gather3A_965 : vector<16xf32>
      %add3A_967 = arith.constant 14 : i32
      %add3A_968 = vector.broadcast %add3A_967 : i32 to vector<16xi32>
      %add3A_969 = arith.addi %mul3A_6, %add3A_968 : vector<16xi32>
      %add3A_970 = arith.constant 1 : i32
      %add3A_971 = vector.broadcast %add3A_970 : i32 to vector<16xi32>
      %add3A_972 = arith.addi %add3A_969, %add3A_971 : vector<16xi32>
      %gather3A_973 = tpu.vector_load_idx %arg17[%add3A_972] : memref<272xf32, #tpu.memory_space<vmem>>[vector<16xi32>], vector<16xf32>,
      %add3A_974 = arith.addf %add3A_961, %gather3A_973 : vector<16xf32>
      %add3A_975 = arith.addf %add3A_966, %add3A_974 : vector<16xf32>
      %add3A_976 = arith.constant 32 : i32
      %add3A_977 = arith.addi %mul3A_658, %add3A_976 : i32
      %swap3A_978 = arith.index_cast %add3A_977 : i32 to index
      %swap3A_979 = tpu.vector_load %arg16[%swap3A_978] {strides = array<i32>} : memref<10000xf32, #tpu.memory_space<vmem>>, vector<16xf32>,
      tpu.vector_store %arg16[%swap3A_978], %add3A_975 {strides = array<i32>} : memref<10000xf32, #tpu.memory_space<vmem>>, vector<16xf32>,
      %scan3A_980 = arith.constant 0 : i32
      %scan3A_981 = arith.constant 0 : i32
      %scan3A_982 = arith.constant 16 : i32
      %scan3A_983 = arith.addi %scan3A_981, %scan3A_982 : i32
      %scan3A_984 = arith.constant 2 : i32
      scf.for %scan3A_1794 = %scan3A_981 to %scan3A_983 step %scan3A_984  : i32 {
        %add3A_1795 = arith.constant 48 : i32
        %add3A_1796 = arith.addi %add3A_1795, %scan3A_1794 : i32
        %get3A = arith.index_cast %add3A_1796 : i32 to index
        %get3A_1797 = arith.constant 0 : index
        %get3A_1798 = tpu.vector_load %arg10[%get3A, %get3A_1797] {strides = array<i32>} : memref<80x64xi32, #tpu.memory_space<vmem>>, vector<16xi32>,
        %bitcast3A = vector.bitcast %get3A_1798 : vector<16xi32> to vector<32xbf16>
        %get3A_1799 = arith.index_cast %add3A_1796 : i32 to index
        %get3A_1800 = arith.constant 0 : index
        %get3A_1801 = tpu.vector_load %arg11[%get3A_1799, %get3A_1800] {strides = array<i32>} : memref<80x64xi32, #tpu.memory_space<vmem>>, vector<16xi32>,
        %bitcast3A_1802 = vector.bitcast %get3A_1801 : vector<16xi32> to vector<32xbf16>
        %get3A_1803 = arith.index_cast %add3A_1796 : i32 to index
        %get3A_1804 = arith.constant 0 : index
        %get3A_1805 = tpu.vector_load %arg12[%get3A_1803, %get3A_1804] {strides = array<i32>} : memref<80x64xi32, #tpu.memory_space<vmem>>, vector<16xi32>,
        %bitcast3A_1806 = vector.bitcast %get3A_1805 : vector<16xi32> to vector<32xbf16>
        %mul3A_1807 = arith.mulf %bitcast3A, %bitcast3A_1806 : vector<32xbf16>
        %mul3A_1808 = arith.mulf %mul3A_1807, %bitcast3A_1802 : vector<32xbf16>
        %unpack3A = tpu.unpack_subelements %mul3A_1808, 0 {pack_format = #tpu.pack_format<interleaved>} : vector<32xbf16> -> vector<16xf32>
        %unpack3A_1809 = tpu.unpack_subelements %mul3A_1808, 1 {pack_format = #tpu.pack_format<interleaved>} : vector<32xbf16> -> vector<16xf32>
        %add3A_1810 = arith.addf %unpack3A, %unpack3A_1809 : vector<16xf32>
        %get3A_1811 = arith.index_cast %add3A_1796 : i32 to index
        %get3A_1812 = arith.constant 16 : index
        %get3A_1813 = tpu.vector_load %arg10[%get3A_1811, %get3A_1812] {strides = array<i32>} : memref<80x64xi32, #tpu.memory_space<vmem>>, vector<16xi32>,
        %bitcast3A_1814 = vector.bitcast %get3A_1813 : vector<16xi32> to vector<32xbf16>
        %get3A_1815 = arith.index_cast %add3A_1796 : i32 to index
        %get3A_1816 = arith.constant 16 : index
        %get3A_1817 = tpu.vector_load %arg11[%get3A_1815, %get3A_1816] {strides = array<i32>} : memref<80x64xi32, #tpu.memory_space<vmem>>, vector<16xi32>,
        %bitcast3A_1818 = vector.bitcast %get3A_1817 : vector<16xi32> to vector<32xbf16>
        %get3A_1819 = arith.index_cast %add3A_1796 : i32 to index
        %get3A_1820 = arith.constant 16 : index
        %get3A_1821 = tpu.vector_load %arg12[%get3A_1819, %get3A_1820] {strides = array<i32>} : memref<80x64xi32, #tpu.memory_space<vmem>>, vector<16xi32>,
        %bitcast3A_1822 = vector.bitcast %get3A_1821 : vector<16xi32> to vector<32xbf16>
        %mul3A_1823 = arith.mulf %bitcast3A_1814, %bitcast3A_1822 : vector<32xbf16>
        %mul3A_1824 = arith.mulf %mul3A_1823, %bitcast3A_1818 : vector<32xbf16>
        %unpack3A_1825 = tpu.unpack_subelements %mul3A_1824, 0 {pack_format = #tpu.pack_format<interleaved>} : vector<32xbf16> -> vector<16xf32>
        %unpack3A_1826 = tpu.unpack_subelements %mul3A_1824, 1 {pack_format = #tpu.pack_format<interleaved>} : vector<32xbf16> -> vector<16xf32>
        %add3A_1827 = arith.addf %unpack3A_1825, %unpack3A_1826 : vector<16xf32>
        %add3A_1828 = arith.addf %add3A_1810, %add3A_1827 : vector<16xf32>
        %get3A_1829 = arith.index_cast %add3A_1796 : i32 to index
        %get3A_1830 = arith.constant 32 : index
        %get3A_1831 = tpu.vector_load %arg10[%get3A_1829, %get3A_1830] {strides = array<i32>} : memref<80x64xi32, #tpu.memory_space<vmem>>, vector<16xi32>,
        %bitcast3A_1832 = vector.bitcast %get3A_1831 : vector<16xi32> to vector<32xbf16>
        %get3A_1833 = arith.index_cast %add3A_1796 : i32 to index
        %get3A_1834 = arith.constant 32 : index
        %get3A_1835 = tpu.vector_load %arg11[%get3A_1833, %get3A_1834] {strides = array<i32>} : memref<80x64xi32, #tpu.memory_space<vmem>>, vector<16xi32>,
        %bitcast3A_1836 = vector.bitcast %get3A_1835 : vector<16xi32> to vector<32xbf16>
        %get3A_1837 = arith.index_cast %add3A_1796 : i32 to index
        %get3A_1838 = arith.constant 32 : index
        %get3A_1839 = tpu.vector_load %arg12[%get3A_1837, %get3A_1838] {strides = array<i32>} : memref<80x64xi32, #tpu.memory_space<vmem>>, vector<16xi32>,
        %bitcast3A_1840 = vector.bitcast %get3A_1839 : vector<16xi32> to vector<32xbf16>
        %mul3A_1841 = arith.mulf %bitcast3A_1832, %bitcast3A_1840 : vector<32xbf16>
        %mul3A_1842 = arith.mulf %mul3A_1841, %bitcast3A_1836 : vector<32xbf16>
        %unpack3A_1843 = tpu.unpack_subelements %mul3A_1842, 0 {pack_format = #tpu.pack_format<interleaved>} : vector<32xbf16> -> vector<16xf32>
        %unpack3A_1844 = tpu.unpack_subelements %mul3A_1842, 1 {pack_format = #tpu.pack_format<interleaved>} : vector<32xbf16> -> vector<16xf32>
        %add3A_1845 = arith.addf %unpack3A_1843, %unpack3A_1844 : vector<16xf32>
        %add3A_1846 = arith.addf %add3A_1828, %add3A_1845 : vector<16xf32>
        %get3A_1847 = arith.index_cast %add3A_1796 : i32 to index
        %get3A_1848 = arith.constant 48 : index
        %get3A_1849 = tpu.vector_load %arg10[%get3A_1847, %get3A_1848] {strides = array<i32>} : memref<80x64xi32, #tpu.memory_space<vmem>>, vector<16xi32>,
        %bitcast3A_1850 = vector.bitcast %get3A_1849 : vector<16xi32> to vector<32xbf16>
        %get3A_1851 = arith.index_cast %add3A_1796 : i32 to index
        %get3A_1852 = arith.constant 48 : index
        %get3A_1853 = tpu.vector_load %arg11[%get3A_1851, %get3A_1852] {strides = array<i32>} : memref<80x64xi32, #tpu.memory_space<vmem>>, vector<16xi32>,
        %bitcast3A_1854 = vector.bitcast %get3A_1853 : vector<16xi32> to vector<32xbf16>
        %get3A_1855 = arith.index_cast %add3A_1796 : i32 to index
        %get3A_1856 = arith.constant 48 : index
        %get3A_1857 = tpu.vector_load %arg12[%get3A_1855, %get3A_1856] {strides = array<i32>} : memref<80x64xi32, #tpu.memory_space<vmem>>, vector<16xi32>,
        %bitcast3A_1858 = vector.bitcast %get3A_1857 : vector<16xi32> to vector<32xbf16>
        %mul3A_1859 = arith.mulf %bitcast3A_1850, %bitcast3A_1858 : vector<32xbf16>
        %mul3A_1860 = arith.mulf %mul3A_1859, %bitcast3A_1854 : vector<32xbf16>
        %unpack3A_1861 = tpu.unpack_subelements %mul3A_1860, 0 {pack_format = #tpu.pack_format<interleaved>} : vector<32xbf16> -> vector<16xf32>
        %unpack3A_1862 = tpu.unpack_subelements %mul3A_1860, 1 {pack_format = #tpu.pack_format<interleaved>} : vector<32xbf16> -> vector<16xf32>
        %add3A_1863 = arith.addf %unpack3A_1861, %unpack3A_1862 : vector<16xf32>
        %add3A_1864 = arith.addf %add3A_1846, %add3A_1863 : vector<16xf32>
        %mul3A_1865 = arith.constant 17 : i32
        %mul3A_1866 = arith.muli %scan3A_1794, %mul3A_1865 : i32
        %swap3A_1867 = arith.index_cast %mul3A_1866 : i32 to index
        %swap3A_1868 = tpu.vector_load %arg17[%swap3A_1867] {strides = array<i32>} : memref<272xf32, #tpu.memory_space<vmem>>, vector<16xf32>,
        tpu.vector_store %arg17[%swap3A_1867], %add3A_1864 {strides = array<i32>} : memref<272xf32, #tpu.memory_space<vmem>>, vector<16xf32>,
        %scan3A_1869 = arith.constant 1 : i32
        %scan3A_1870 = arith.addi %scan3A_1794, %scan3A_1869 : i32
        %add3A_1871 = arith.constant 48 : i32
        %add3A_1872 = arith.addi %add3A_1871, %scan3A_1870 : i32
        %get3A_1873 = arith.index_cast %add3A_1872 : i32 to index
        %get3A_1874 = arith.constant 0 : index
        %get3A_1875 = tpu.vector_load %arg10[%get3A_1873, %get3A_1874] {strides = array<i32>} : memref<80x64xi32, #tpu.memory_space<vmem>>, vector<16xi32>,
        %bitcast3A_1876 = vector.bitcast %get3A_1875 : vector<16xi32> to vector<32xbf16>
        %get3A_1877 = arith.index_cast %add3A_1872 : i32 to index
        %get3A_1878 = arith.constant 0 : index
        %get3A_1879 = tpu.vector_load %arg11[%get3A_1877, %get3A_1878] {strides = array<i32>} : memref<80x64xi32, #tpu.memory_space<vmem>>, vector<16xi32>,
        %bitcast3A_1880 = vector.bitcast %get3A_1879 : vector<16xi32> to vector<32xbf16>
        %get3A_1881 = arith.index_cast %add3A_1872 : i32 to index
        %get3A_1882 = arith.constant 0 : index
        %get3A_1883 = tpu.vector_load %arg12[%get3A_1881, %get3A_1882] {strides = array<i32>} : memref<80x64xi32, #tpu.memory_space<vmem>>, vector<16xi32>,
        %bitcast3A_1884 = vector.bitcast %get3A_1883 : vector<16xi32> to vector<32xbf16>
        %mul3A_1885 = arith.mulf %bitcast3A_1876, %bitcast3A_1884 : vector<32xbf16>
        %mul3A_1886 = arith.mulf %mul3A_1885, %bitcast3A_1880 : vector<32xbf16>
        %unpack3A_1887 = tpu.unpack_subelements %mul3A_1886, 0 {pack_format = #tpu.pack_format<interleaved>} : vector<32xbf16> -> vector<16xf32>
        %unpack3A_1888 = tpu.unpack_subelements %mul3A_1886, 1 {pack_format = #tpu.pack_format<interleaved>} : vector<32xbf16> -> vector<16xf32>
        %add3A_1889 = arith.addf %unpack3A_1887, %unpack3A_1888 : vector<16xf32>
        %get3A_1890 = arith.index_cast %add3A_1872 : i32 to index
        %get3A_1891 = arith.constant 16 : index
        %get3A_1892 = tpu.vector_load %arg10[%get3A_1890, %get3A_1891] {strides = array<i32>} : memref<80x64xi32, #tpu.memory_space<vmem>>, vector<16xi32>,
        %bitcast3A_1893 = vector.bitcast %get3A_1892 : vector<16xi32> to vector<32xbf16>
        %get3A_1894 = arith.index_cast %add3A_1872 : i32 to index
        %get3A_1895 = arith.constant 16 : index
        %get3A_1896 = tpu.vector_load %arg11[%get3A_1894, %get3A_1895] {strides = array<i32>} : memref<80x64xi32, #tpu.memory_space<vmem>>, vector<16xi32>,
        %bitcast3A_1897 = vector.bitcast %get3A_1896 : vector<16xi32> to vector<32xbf16>
        %get3A_1898 = arith.index_cast %add3A_1872 : i32 to index
        %get3A_1899 = arith.constant 16 : index
        %get3A_1900 = tpu.vector_load %arg12[%get3A_1898, %get3A_1899] {strides = array<i32>} : memref<80x64xi32, #tpu.memory_space<vmem>>, vector<16xi32>,
        %bitcast3A_1901 = vector.bitcast %get3A_1900 : vector<16xi32> to vector<32xbf16>
        %mul3A_1902 = arith.mulf %bitcast3A_1893, %bitcast3A_1901 : vector<32xbf16>
        %mul3A_1903 = arith.mulf %mul3A_1902, %bitcast3A_1897 : vector<32xbf16>
        %unpack3A_1904 = tpu.unpack_subelements %mul3A_1903, 0 {pack_format = #tpu.pack_format<interleaved>} : vector<32xbf16> -> vector<16xf32>
        %unpack3A_1905 = tpu.unpack_subelements %mul3A_1903, 1 {pack_format = #tpu.pack_format<interleaved>} : vector<32xbf16> -> vector<16xf32>
        %add3A_1906 = arith.addf %unpack3A_1904, %unpack3A_1905 : vector<16xf32>
        %add3A_1907 = arith.addf %add3A_1889, %add3A_1906 : vector<16xf32>
        %get3A_1908 = arith.index_cast %add3A_1872 : i32 to index
        %get3A_1909 = arith.constant 32 : index
        %get3A_1910 = tpu.vector_load %arg10[%get3A_1908, %get3A_1909] {strides = array<i32>} : memref<80x64xi32, #tpu.memory_space<vmem>>, vector<16xi32>,
        %bitcast3A_1911 = vector.bitcast %get3A_1910 : vector<16xi32> to vector<32xbf16>
        %get3A_1912 = arith.index_cast %add3A_1872 : i32 to index
        %get3A_1913 = arith.constant 32 : index
        %get3A_1914 = tpu.vector_load %arg11[%get3A_1912, %get3A_1913] {strides = array<i32>} : memref<80x64xi32, #tpu.memory_space<vmem>>, vector<16xi32>,
        %bitcast3A_1915 = vector.bitcast %get3A_1914 : vector<16xi32> to vector<32xbf16>
        %get3A_1916 = arith.index_cast %add3A_1872 : i32 to index
        %get3A_1917 = arith.constant 32 : index
        %get3A_1918 = tpu.vector_load %arg12[%get3A_1916, %get3A_1917] {strides = array<i32>} : memref<80x64xi32, #tpu.memory_space<vmem>>, vector<16xi32>,
        %bitcast3A_1919 = vector.bitcast %get3A_1918 : vector<16xi32> to vector<32xbf16>
        %mul3A_1920 = arith.mulf %bitcast3A_1911, %bitcast3A_1919 : vector<32xbf16>
        %mul3A_1921 = arith.mulf %mul3A_1920, %bitcast3A_1915 : vector<32xbf16>
        %unpack3A_1922 = tpu.unpack_subelements %mul3A_1921, 0 {pack_format = #tpu.pack_format<interleaved>} : vector<32xbf16> -> vector<16xf32>
        %unpack3A_1923 = tpu.unpack_subelements %mul3A_1921, 1 {pack_format = #tpu.pack_format<interleaved>} : vector<32xbf16> -> vector<16xf32>
        %add3A_1924 = arith.addf %unpack3A_1922, %unpack3A_1923 : vector<16xf32>
        %add3A_1925 = arith.addf %add3A_1907, %add3A_1924 : vector<16xf32>
        %get3A_1926 = arith.index_cast %add3A_1872 : i32 to index
        %get3A_1927 = arith.constant 48 : index
        %get3A_1928 = tpu.vector_load %arg10[%get3A_1926, %get3A_1927] {strides = array<i32>} : memref<80x64xi32, #tpu.memory_space<vmem>>, vector<16xi32>,
        %bitcast3A_1929 = vector.bitcast %get3A_1928 : vector<16xi32> to vector<32xbf16>
        %get3A_1930 = arith.index_cast %add3A_1872 : i32 to index
        %get3A_1931 = arith.constant 48 : index
        %get3A_1932 = tpu.vector_load %arg11[%get3A_1930, %get3A_1931] {strides = array<i32>} : memref<80x64xi32, #tpu.memory_space<vmem>>, vector<16xi32>,
        %bitcast3A_1933 = vector.bitcast %get3A_1932 : vector<16xi32> to vector<32xbf16>
        %get3A_1934 = arith.index_cast %add3A_1872 : i32 to index
        %get3A_1935 = arith.constant 48 : index
        %get3A_1936 = tpu.vector_load %arg12[%get3A_1934, %get3A_1935] {strides = array<i32>} : memref<80x64xi32, #tpu.memory_space<vmem>>, vector<16xi32>,
        %bitcast3A_1937 = vector.bitcast %get3A_1936 : vector<16xi32> to vector<32xbf16>
        %mul3A_1938 = arith.mulf %bitcast3A_1929, %bitcast3A_1937 : vector<32xbf16>
        %mul3A_1939 = arith.mulf %mul3A_1938, %bitcast3A_1933 : vector<32xbf16>
        %unpack3A_1940 = tpu.unpack_subelements %mul3A_1939, 0 {pack_format = #tpu.pack_format<interleaved>} : vector<32xbf16> -> vector<16xf32>
        %unpack3A_1941 = tpu.unpack_subelements %mul3A_1939, 1 {pack_format = #tpu.pack_format<interleaved>} : vector<32xbf16> -> vector<16xf32>
        %add3A_1942 = arith.addf %unpack3A_1940, %unpack3A_1941 : vector<16xf32>
        %add3A_1943 = arith.addf %add3A_1925, %add3A_1942 : vector<16xf32>
        %mul3A_1944 = arith.constant 17 : i32
        %mul3A_1945 = arith.muli %scan3A_1870, %mul3A_1944 : i32
        %swap3A_1946 = arith.index_cast %mul3A_1945 : i32 to index
        %swap3A_1947 = tpu.vector_load %arg17[%swap3A_1946] {strides = array<i32>} : memref<272xf32, #tpu.memory_space<vmem>>, vector<16xf32>,
        tpu.vector_store %arg17[%swap3A_1946], %add3A_1943 {strides = array<i32>} : memref<272xf32, #tpu.memory_space<vmem>>, vector<16xf32>,
      }
      %scan3A_985 = arith.constant 16 : i32
      %gather3A_986 = tpu.vector_load_idx %arg17[%mul3A_6] : memref<272xf32, #tpu.memory_space<vmem>>[vector<16xi32>], vector<16xf32>,
      %add3A_987 = arith.constant 1 : i32
      %add3A_988 = vector.broadcast %add3A_987 : i32 to vector<16xi32>
      %add3A_989 = arith.addi %mul3A_6, %add3A_988 : vector<16xi32>
      %gather3A_990 = tpu.vector_load_idx %arg17[%add3A_989] : memref<272xf32, #tpu.memory_space<vmem>>[vector<16xi32>], vector<16xf32>,
      %add3A_991 = arith.constant 2 : i32
      %add3A_992 = vector.broadcast %add3A_991 : i32 to vector<16xi32>
      %add3A_993 = arith.addi %mul3A_6, %add3A_992 : vector<16xi32>
      %gather3A_994 = tpu.vector_load_idx %arg17[%add3A_993] : memref<272xf32, #tpu.memory_space<vmem>>[vector<16xi32>], vector<16xf32>,
      %add3A_995 = arith.addf %gather3A_986, %gather3A_994 : vector<16xf32>
      %add3A_996 = arith.constant 2 : i32
      %add3A_997 = vector.broadcast %add3A_996 : i32 to vector<16xi32>
      %add3A_998 = arith.addi %mul3A_6, %add3A_997 : vector<16xi32>
      %add3A_999 = arith.constant 1 : i32
      %add3A_1000 = vector.broadcast %add3A_999 : i32 to vector<16xi32>
      %add3A_1001 = arith.addi %add3A_998, %add3A_1000 : vector<16xi32>
      %gather3A_1002 = tpu.vector_load_idx %arg17[%add3A_1001] : memref<272xf32, #tpu.memory_space<vmem>>[vector<16xi32>], vector<16xf32>,
      %add3A_1003 = arith.addf %gather3A_990, %gather3A_1002 : vector<16xf32>
      %add3A_1004 = arith.constant 4 : i32
      %add3A_1005 = vector.broadcast %add3A_1004 : i32 to vector<16xi32>
      %add3A_1006 = arith.addi %mul3A_6, %add3A_1005 : vector<16xi32>
      %gather3A_1007 = tpu.vector_load_idx %arg17[%add3A_1006] : memref<272xf32, #tpu.memory_space<vmem>>[vector<16xi32>], vector<16xf32>,
      %add3A_1008 = arith.addf %add3A_995, %gather3A_1007 : vector<16xf32>
      %add3A_1009 = arith.constant 4 : i32
      %add3A_1010 = vector.broadcast %add3A_1009 : i32 to vector<16xi32>
      %add3A_1011 = arith.addi %mul3A_6, %add3A_1010 : vector<16xi32>
      %add3A_1012 = arith.constant 1 : i32
      %add3A_1013 = vector.broadcast %add3A_1012 : i32 to vector<16xi32>
      %add3A_1014 = arith.addi %add3A_1011, %add3A_1013 : vector<16xi32>
      %gather3A_1015 = tpu.vector_load_idx %arg17[%add3A_1014] : memref<272xf32, #tpu.memory_space<vmem>>[vector<16xi32>], vector<16xf32>,
      %add3A_1016 = arith.addf %add3A_1003, %gather3A_1015 : vector<16xf32>
      %add3A_1017 = arith.constant 6 : i32
      %add3A_1018 = vector.broadcast %add3A_1017 : i32 to vector<16xi32>
      %add3A_1019 = arith.addi %mul3A_6, %add3A_1018 : vector<16xi32>
      %gather3A_1020 = tpu.vector_load_idx %arg17[%add3A_1019] : memref<272xf32, #tpu.memory_space<vmem>>[vector<16xi32>], vector<16xf32>,
      %add3A_1021 = arith.addf %add3A_1008, %gather3A_1020 : vector<16xf32>
      %add3A_1022 = arith.constant 6 : i32
      %add3A_1023 = vector.broadcast %add3A_1022 : i32 to vector<16xi32>
      %add3A_1024 = arith.addi %mul3A_6, %add3A_1023 : vector<16xi32>
      %add3A_1025 = arith.constant 1 : i32
      %add3A_1026 = vector.broadcast %add3A_1025 : i32 to vector<16xi32>
      %add3A_1027 = arith.addi %add3A_1024, %add3A_1026 : vector<16xi32>
      %gather3A_1028 = tpu.vector_load_idx %arg17[%add3A_1027] : memref<272xf32, #tpu.memory_space<vmem>>[vector<16xi32>], vector<16xf32>,
      %add3A_1029 = arith.addf %add3A_1016, %gather3A_1028 : vector<16xf32>
      %add3A_1030 = arith.constant 8 : i32
      %add3A_1031 = vector.broadcast %add3A_1030 : i32 to vector<16xi32>
      %add3A_1032 = arith.addi %mul3A_6, %add3A_1031 : vector<16xi32>
      %gather3A_1033 = tpu.vector_load_idx %arg17[%add3A_1032] : memref<272xf32, #tpu.memory_space<vmem>>[vector<16xi32>], vector<16xf32>,
      %add3A_1034 = arith.addf %add3A_1021, %gather3A_1033 : vector<16xf32>
      %add3A_1035 = arith.constant 8 : i32
      %add3A_1036 = vector.broadcast %add3A_1035 : i32 to vector<16xi32>
      %add3A_1037 = arith.addi %mul3A_6, %add3A_1036 : vector<16xi32>
      %add3A_1038 = arith.constant 1 : i32
      %add3A_1039 = vector.broadcast %add3A_1038 : i32 to vector<16xi32>
      %add3A_1040 = arith.addi %add3A_1037, %add3A_1039 : vector<16xi32>
      %gather3A_1041 = tpu.vector_load_idx %arg17[%add3A_1040] : memref<272xf32, #tpu.memory_space<vmem>>[vector<16xi32>], vector<16xf32>,
      %add3A_1042 = arith.addf %add3A_1029, %gather3A_1041 : vector<16xf32>
      %add3A_1043 = arith.constant 10 : i32
      %add3A_1044 = vector.broadcast %add3A_1043 : i32 to vector<16xi32>
      %add3A_1045 = arith.addi %mul3A_6, %add3A_1044 : vector<16xi32>
      %gather3A_1046 = tpu.vector_load_idx %arg17[%add3A_1045] : memref<272xf32, #tpu.memory_space<vmem>>[vector<16xi32>], vector<16xf32>,
      %add3A_1047 = arith.addf %add3A_1034, %gather3A_1046 : vector<16xf32>
      %add3A_1048 = arith.constant 10 : i32
      %add3A_1049 = vector.broadcast %add3A_1048 : i32 to vector<16xi32>
      %add3A_1050 = arith.addi %mul3A_6, %add3A_1049 : vector<16xi32>
      %add3A_1051 = arith.constant 1 : i32
      %add3A_1052 = vector.broadcast %add3A_1051 : i32 to vector<16xi32>
      %add3A_1053 = arith.addi %add3A_1050, %add3A_1052 : vector<16xi32>
      %gather3A_1054 = tpu.vector_load_idx %arg17[%add3A_1053] : memref<272xf32, #tpu.memory_space<vmem>>[vector<16xi32>], vector<16xf32>,
      %add3A_1055 = arith.addf %add3A_1042, %gather3A_1054 : vector<16xf32>
      %add3A_1056 = arith.constant 12 : i32
      %add3A_1057 = vector.broadcast %add3A_1056 : i32 to vector<16xi32>
      %add3A_1058 = arith.addi %mul3A_6, %add3A_1057 : vector<16xi32>
      %gather3A_1059 = tpu.vector_load_idx %arg17[%add3A_1058] : memref<272xf32, #tpu.memory_space<vmem>>[vector<16xi32>], vector<16xf32>,
      %add3A_1060 = arith.addf %add3A_1047, %gather3A_1059 : vector<16xf32>
      %add3A_1061 = arith.constant 12 : i32
      %add3A_1062 = vector.broadcast %add3A_1061 : i32 to vector<16xi32>
      %add3A_1063 = arith.addi %mul3A_6, %add3A_1062 : vector<16xi32>
      %add3A_1064 = arith.constant 1 : i32
      %add3A_1065 = vector.broadcast %add3A_1064 : i32 to vector<16xi32>
      %add3A_1066 = arith.addi %add3A_1063, %add3A_1065 : vector<16xi32>
      %gather3A_1067 = tpu.vector_load_idx %arg17[%add3A_1066] : memref<272xf32, #tpu.memory_space<vmem>>[vector<16xi32>], vector<16xf32>,
      %add3A_1068 = arith.addf %add3A_1055, %gather3A_1067 : vector<16xf32>
      %add3A_1069 = arith.constant 14 : i32
      %add3A_1070 = vector.broadcast %add3A_1069 : i32 to vector<16xi32>
      %add3A_1071 = arith.addi %mul3A_6, %add3A_1070 : vector<16xi32>
      %gather3A_1072 = tpu.vector_load_idx %arg17[%add3A_1071] : memref<272xf32, #tpu.memory_space<vmem>>[vector<16xi32>], vector<16xf32>,
      %add3A_1073 = arith.addf %add3A_1060, %gather3A_1072 : vector<16xf32>
      %add3A_1074 = arith.constant 14 : i32
      %add3A_1075 = vector.broadcast %add3A_1074 : i32 to vector<16xi32>
      %add3A_1076 = arith.addi %mul3A_6, %add3A_1075 : vector<16xi32>
      %add3A_1077 = arith.constant 1 : i32
      %add3A_1078 = vector.broadcast %add3A_1077 : i32 to vector<16xi32>
      %add3A_1079 = arith.addi %add3A_1076, %add3A_1078 : vector<16xi32>
      %gather3A_1080 = tpu.vector_load_idx %arg17[%add3A_1079] : memref<272xf32, #tpu.memory_space<vmem>>[vector<16xi32>], vector<16xf32>,
      %add3A_1081 = arith.addf %add3A_1068, %gather3A_1080 : vector<16xf32>
      %add3A_1082 = arith.addf %add3A_1073, %add3A_1081 : vector<16xf32>
      %add3A_1083 = arith.constant 48 : i32
      %add3A_1084 = arith.addi %mul3A_658, %add3A_1083 : i32
      %swap3A_1085 = arith.index_cast %add3A_1084 : i32 to index
      %swap3A_1086 = tpu.vector_load %arg16[%swap3A_1085] {strides = array<i32>} : memref<10000xf32, #tpu.memory_space<vmem>>, vector<16xf32>,
      tpu.vector_store %arg16[%swap3A_1085], %add3A_1082 {strides = array<i32>} : memref<10000xf32, #tpu.memory_space<vmem>>, vector<16xf32>,
      %scan3A_1087 = arith.constant 0 : i32
      %scan3A_1088 = arith.constant 0 : i32
      %scan3A_1089 = arith.constant 16 : i32
      %scan3A_1090 = arith.addi %scan3A_1088, %scan3A_1089 : i32
      %scan3A_1091 = arith.constant 2 : i32
      scf.for %scan3A_1794 = %scan3A_1088 to %scan3A_1090 step %scan3A_1091  : i32 {
        %add3A_1795 = arith.constant 64 : i32
        %add3A_1796 = arith.addi %add3A_1795, %scan3A_1794 : i32
        %get3A = arith.index_cast %add3A_1796 : i32 to index
        %get3A_1797 = arith.constant 0 : index
        %get3A_1798 = tpu.vector_load %arg10[%get3A, %get3A_1797] {strides = array<i32>} : memref<80x64xi32, #tpu.memory_space<vmem>>, vector<16xi32>,
        %bitcast3A = vector.bitcast %get3A_1798 : vector<16xi32> to vector<32xbf16>
        %get3A_1799 = arith.index_cast %add3A_1796 : i32 to index
        %get3A_1800 = arith.constant 0 : index
        %get3A_1801 = tpu.vector_load %arg11[%get3A_1799, %get3A_1800] {strides = array<i32>} : memref<80x64xi32, #tpu.memory_space<vmem>>, vector<16xi32>,
        %bitcast3A_1802 = vector.bitcast %get3A_1801 : vector<16xi32> to vector<32xbf16>
        %get3A_1803 = arith.index_cast %add3A_1796 : i32 to index
        %get3A_1804 = arith.constant 0 : index
        %get3A_1805 = tpu.vector_load %arg12[%get3A_1803, %get3A_1804] {strides = array<i32>} : memref<80x64xi32, #tpu.memory_space<vmem>>, vector<16xi32>,
        %bitcast3A_1806 = vector.bitcast %get3A_1805 : vector<16xi32> to vector<32xbf16>
        %mul3A_1807 = arith.mulf %bitcast3A, %bitcast3A_1806 : vector<32xbf16>
        %mul3A_1808 = arith.mulf %mul3A_1807, %bitcast3A_1802 : vector<32xbf16>
        %unpack3A = tpu.unpack_subelements %mul3A_1808, 0 {pack_format = #tpu.pack_format<interleaved>} : vector<32xbf16> -> vector<16xf32>
        %unpack3A_1809 = tpu.unpack_subelements %mul3A_1808, 1 {pack_format = #tpu.pack_format<interleaved>} : vector<32xbf16> -> vector<16xf32>
        %add3A_1810 = arith.addf %unpack3A, %unpack3A_1809 : vector<16xf32>
        %get3A_1811 = arith.index_cast %add3A_1796 : i32 to index
        %get3A_1812 = arith.constant 16 : index
        %get3A_1813 = tpu.vector_load %arg10[%get3A_1811, %get3A_1812] {strides = array<i32>} : memref<80x64xi32, #tpu.memory_space<vmem>>, vector<16xi32>,
        %bitcast3A_1814 = vector.bitcast %get3A_1813 : vector<16xi32> to vector<32xbf16>
        %get3A_1815 = arith.index_cast %add3A_1796 : i32 to index
        %get3A_1816 = arith.constant 16 : index
        %get3A_1817 = tpu.vector_load %arg11[%get3A_1815, %get3A_1816] {strides = array<i32>} : memref<80x64xi32, #tpu.memory_space<vmem>>, vector<16xi32>,
        %bitcast3A_1818 = vector.bitcast %get3A_1817 : vector<16xi32> to vector<32xbf16>
        %get3A_1819 = arith.index_cast %add3A_1796 : i32 to index
        %get3A_1820 = arith.constant 16 : index
        %get3A_1821 = tpu.vector_load %arg12[%get3A_1819, %get3A_1820] {strides = array<i32>} : memref<80x64xi32, #tpu.memory_space<vmem>>, vector<16xi32>,
        %bitcast3A_1822 = vector.bitcast %get3A_1821 : vector<16xi32> to vector<32xbf16>
        %mul3A_1823 = arith.mulf %bitcast3A_1814, %bitcast3A_1822 : vector<32xbf16>
        %mul3A_1824 = arith.mulf %mul3A_1823, %bitcast3A_1818 : vector<32xbf16>
        %unpack3A_1825 = tpu.unpack_subelements %mul3A_1824, 0 {pack_format = #tpu.pack_format<interleaved>} : vector<32xbf16> -> vector<16xf32>
        %unpack3A_1826 = tpu.unpack_subelements %mul3A_1824, 1 {pack_format = #tpu.pack_format<interleaved>} : vector<32xbf16> -> vector<16xf32>
        %add3A_1827 = arith.addf %unpack3A_1825, %unpack3A_1826 : vector<16xf32>
        %add3A_1828 = arith.addf %add3A_1810, %add3A_1827 : vector<16xf32>
        %get3A_1829 = arith.index_cast %add3A_1796 : i32 to index
        %get3A_1830 = arith.constant 32 : index
        %get3A_1831 = tpu.vector_load %arg10[%get3A_1829, %get3A_1830] {strides = array<i32>} : memref<80x64xi32, #tpu.memory_space<vmem>>, vector<16xi32>,
        %bitcast3A_1832 = vector.bitcast %get3A_1831 : vector<16xi32> to vector<32xbf16>
        %get3A_1833 = arith.index_cast %add3A_1796 : i32 to index
        %get3A_1834 = arith.constant 32 : index
        %get3A_1835 = tpu.vector_load %arg11[%get3A_1833, %get3A_1834] {strides = array<i32>} : memref<80x64xi32, #tpu.memory_space<vmem>>, vector<16xi32>,
        %bitcast3A_1836 = vector.bitcast %get3A_1835 : vector<16xi32> to vector<32xbf16>
        %get3A_1837 = arith.index_cast %add3A_1796 : i32 to index
        %get3A_1838 = arith.constant 32 : index
        %get3A_1839 = tpu.vector_load %arg12[%get3A_1837, %get3A_1838] {strides = array<i32>} : memref<80x64xi32, #tpu.memory_space<vmem>>, vector<16xi32>,
        %bitcast3A_1840 = vector.bitcast %get3A_1839 : vector<16xi32> to vector<32xbf16>
        %mul3A_1841 = arith.mulf %bitcast3A_1832, %bitcast3A_1840 : vector<32xbf16>
        %mul3A_1842 = arith.mulf %mul3A_1841, %bitcast3A_1836 : vector<32xbf16>
        %unpack3A_1843 = tpu.unpack_subelements %mul3A_1842, 0 {pack_format = #tpu.pack_format<interleaved>} : vector<32xbf16> -> vector<16xf32>
        %unpack3A_1844 = tpu.unpack_subelements %mul3A_1842, 1 {pack_format = #tpu.pack_format<interleaved>} : vector<32xbf16> -> vector<16xf32>
        %add3A_1845 = arith.addf %unpack3A_1843, %unpack3A_1844 : vector<16xf32>
        %add3A_1846 = arith.addf %add3A_1828, %add3A_1845 : vector<16xf32>
        %get3A_1847 = arith.index_cast %add3A_1796 : i32 to index
        %get3A_1848 = arith.constant 48 : index
        %get3A_1849 = tpu.vector_load %arg10[%get3A_1847, %get3A_1848] {strides = array<i32>} : memref<80x64xi32, #tpu.memory_space<vmem>>, vector<16xi32>,
        %bitcast3A_1850 = vector.bitcast %get3A_1849 : vector<16xi32> to vector<32xbf16>
        %get3A_1851 = arith.index_cast %add3A_1796 : i32 to index
        %get3A_1852 = arith.constant 48 : index
        %get3A_1853 = tpu.vector_load %arg11[%get3A_1851, %get3A_1852] {strides = array<i32>} : memref<80x64xi32, #tpu.memory_space<vmem>>, vector<16xi32>,
        %bitcast3A_1854 = vector.bitcast %get3A_1853 : vector<16xi32> to vector<32xbf16>
        %get3A_1855 = arith.index_cast %add3A_1796 : i32 to index
        %get3A_1856 = arith.constant 48 : index
        %get3A_1857 = tpu.vector_load %arg12[%get3A_1855, %get3A_1856] {strides = array<i32>} : memref<80x64xi32, #tpu.memory_space<vmem>>, vector<16xi32>,
        %bitcast3A_1858 = vector.bitcast %get3A_1857 : vector<16xi32> to vector<32xbf16>
        %mul3A_1859 = arith.mulf %bitcast3A_1850, %bitcast3A_1858 : vector<32xbf16>
        %mul3A_1860 = arith.mulf %mul3A_1859, %bitcast3A_1854 : vector<32xbf16>
        %unpack3A_1861 = tpu.unpack_subelements %mul3A_1860, 0 {pack_format = #tpu.pack_format<interleaved>} : vector<32xbf16> -> vector<16xf32>
        %unpack3A_1862 = tpu.unpack_subelements %mul3A_1860, 1 {pack_format = #tpu.pack_format<interleaved>} : vector<32xbf16> -> vector<16xf32>
        %add3A_1863 = arith.addf %unpack3A_1861, %unpack3A_1862 : vector<16xf32>
        %add3A_1864 = arith.addf %add3A_1846, %add3A_1863 : vector<16xf32>
        %mul3A_1865 = arith.constant 17 : i32
        %mul3A_1866 = arith.muli %scan3A_1794, %mul3A_1865 : i32
        %swap3A_1867 = arith.index_cast %mul3A_1866 : i32 to index
        %swap3A_1868 = tpu.vector_load %arg17[%swap3A_1867] {strides = array<i32>} : memref<272xf32, #tpu.memory_space<vmem>>, vector<16xf32>,
        tpu.vector_store %arg17[%swap3A_1867], %add3A_1864 {strides = array<i32>} : memref<272xf32, #tpu.memory_space<vmem>>, vector<16xf32>,
        %scan3A_1869 = arith.constant 1 : i32
        %scan3A_1870 = arith.addi %scan3A_1794, %scan3A_1869 : i32
        %add3A_1871 = arith.constant 64 : i32
        %add3A_1872 = arith.addi %add3A_1871, %scan3A_1870 : i32
        %get3A_1873 = arith.index_cast %add3A_1872 : i32 to index
        %get3A_1874 = arith.constant 0 : index
        %get3A_1875 = tpu.vector_load %arg10[%get3A_1873, %get3A_1874] {strides = array<i32>} : memref<80x64xi32, #tpu.memory_space<vmem>>, vector<16xi32>,
        %bitcast3A_1876 = vector.bitcast %get3A_1875 : vector<16xi32> to vector<32xbf16>
        %get3A_1877 = arith.index_cast %add3A_1872 : i32 to index
        %get3A_1878 = arith.constant 0 : index
        %get3A_1879 = tpu.vector_load %arg11[%get3A_1877, %get3A_1878] {strides = array<i32>} : memref<80x64xi32, #tpu.memory_space<vmem>>, vector<16xi32>,
        %bitcast3A_1880 = vector.bitcast %get3A_1879 : vector<16xi32> to vector<32xbf16>
        %get3A_1881 = arith.index_cast %add3A_1872 : i32 to index
        %get3A_1882 = arith.constant 0 : index
        %get3A_1883 = tpu.vector_load %arg12[%get3A_1881, %get3A_1882] {strides = array<i32>} : memref<80x64xi32, #tpu.memory_space<vmem>>, vector<16xi32>,
        %bitcast3A_1884 = vector.bitcast %get3A_1883 : vector<16xi32> to vector<32xbf16>
        %mul3A_1885 = arith.mulf %bitcast3A_1876, %bitcast3A_1884 : vector<32xbf16>
        %mul3A_1886 = arith.mulf %mul3A_1885, %bitcast3A_1880 : vector<32xbf16>
        %unpack3A_1887 = tpu.unpack_subelements %mul3A_1886, 0 {pack_format = #tpu.pack_format<interleaved>} : vector<32xbf16> -> vector<16xf32>
        %unpack3A_1888 = tpu.unpack_subelements %mul3A_1886, 1 {pack_format = #tpu.pack_format<interleaved>} : vector<32xbf16> -> vector<16xf32>
        %add3A_1889 = arith.addf %unpack3A_1887, %unpack3A_1888 : vector<16xf32>
        %get3A_1890 = arith.index_cast %add3A_1872 : i32 to index
        %get3A_1891 = arith.constant 16 : index
        %get3A_1892 = tpu.vector_load %arg10[%get3A_1890, %get3A_1891] {strides = array<i32>} : memref<80x64xi32, #tpu.memory_space<vmem>>, vector<16xi32>,
        %bitcast3A_1893 = vector.bitcast %get3A_1892 : vector<16xi32> to vector<32xbf16>
        %get3A_1894 = arith.index_cast %add3A_1872 : i32 to index
        %get3A_1895 = arith.constant 16 : index
        %get3A_1896 = tpu.vector_load %arg11[%get3A_1894, %get3A_1895] {strides = array<i32>} : memref<80x64xi32, #tpu.memory_space<vmem>>, vector<16xi32>,
        %bitcast3A_1897 = vector.bitcast %get3A_1896 : vector<16xi32> to vector<32xbf16>
        %get3A_1898 = arith.index_cast %add3A_1872 : i32 to index
        %get3A_1899 = arith.constant 16 : index
        %get3A_1900 = tpu.vector_load %arg12[%get3A_1898, %get3A_1899] {strides = array<i32>} : memref<80x64xi32, #tpu.memory_space<vmem>>, vector<16xi32>,
        %bitcast3A_1901 = vector.bitcast %get3A_1900 : vector<16xi32> to vector<32xbf16>
        %mul3A_1902 = arith.mulf %bitcast3A_1893, %bitcast3A_1901 : vector<32xbf16>
        %mul3A_1903 = arith.mulf %mul3A_1902, %bitcast3A_1897 : vector<32xbf16>
        %unpack3A_1904 = tpu.unpack_subelements %mul3A_1903, 0 {pack_format = #tpu.pack_format<interleaved>} : vector<32xbf16> -> vector<16xf32>
        %unpack3A_1905 = tpu.unpack_subelements %mul3A_1903, 1 {pack_format = #tpu.pack_format<interleaved>} : vector<32xbf16> -> vector<16xf32>
        %add3A_1906 = arith.addf %unpack3A_1904, %unpack3A_1905 : vector<16xf32>
        %add3A_1907 = arith.addf %add3A_1889, %add3A_1906 : vector<16xf32>
        %get3A_1908 = arith.index_cast %add3A_1872 : i32 to index
        %get3A_1909 = arith.constant 32 : index
        %get3A_1910 = tpu.vector_load %arg10[%get3A_1908, %get3A_1909] {strides = array<i32>} : memref<80x64xi32, #tpu.memory_space<vmem>>, vector<16xi32>,
        %bitcast3A_1911 = vector.bitcast %get3A_1910 : vector<16xi32> to vector<32xbf16>
        %get3A_1912 = arith.index_cast %add3A_1872 : i32 to index
        %get3A_1913 = arith.constant 32 : index
        %get3A_1914 = tpu.vector_load %arg11[%get3A_1912, %get3A_1913] {strides = array<i32>} : memref<80x64xi32, #tpu.memory_space<vmem>>, vector<16xi32>,
        %bitcast3A_1915 = vector.bitcast %get3A_1914 : vector<16xi32> to vector<32xbf16>
        %get3A_1916 = arith.index_cast %add3A_1872 : i32 to index
        %get3A_1917 = arith.constant 32 : index
        %get3A_1918 = tpu.vector_load %arg12[%get3A_1916, %get3A_1917] {strides = array<i32>} : memref<80x64xi32, #tpu.memory_space<vmem>>, vector<16xi32>,
        %bitcast3A_1919 = vector.bitcast %get3A_1918 : vector<16xi32> to vector<32xbf16>
        %mul3A_1920 = arith.mulf %bitcast3A_1911, %bitcast3A_1919 : vector<32xbf16>
        %mul3A_1921 = arith.mulf %mul3A_1920, %bitcast3A_1915 : vector<32xbf16>
        %unpack3A_1922 = tpu.unpack_subelements %mul3A_1921, 0 {pack_format = #tpu.pack_format<interleaved>} : vector<32xbf16> -> vector<16xf32>
        %unpack3A_1923 = tpu.unpack_subelements %mul3A_1921, 1 {pack_format = #tpu.pack_format<interleaved>} : vector<32xbf16> -> vector<16xf32>
        %add3A_1924 = arith.addf %unpack3A_1922, %unpack3A_1923 : vector<16xf32>
        %add3A_1925 = arith.addf %add3A_1907, %add3A_1924 : vector<16xf32>
        %get3A_1926 = arith.index_cast %add3A_1872 : i32 to index
        %get3A_1927 = arith.constant 48 : index
        %get3A_1928 = tpu.vector_load %arg10[%get3A_1926, %get3A_1927] {strides = array<i32>} : memref<80x64xi32, #tpu.memory_space<vmem>>, vector<16xi32>,
        %bitcast3A_1929 = vector.bitcast %get3A_1928 : vector<16xi32> to vector<32xbf16>
        %get3A_1930 = arith.index_cast %add3A_1872 : i32 to index
        %get3A_1931 = arith.constant 48 : index
        %get3A_1932 = tpu.vector_load %arg11[%get3A_1930, %get3A_1931] {strides = array<i32>} : memref<80x64xi32, #tpu.memory_space<vmem>>, vector<16xi32>,
        %bitcast3A_1933 = vector.bitcast %get3A_1932 : vector<16xi32> to vector<32xbf16>
        %get3A_1934 = arith.index_cast %add3A_1872 : i32 to index
        %get3A_1935 = arith.constant 48 : index
        %get3A_1936 = tpu.vector_load %arg12[%get3A_1934, %get3A_1935] {strides = array<i32>} : memref<80x64xi32, #tpu.memory_space<vmem>>, vector<16xi32>,
        %bitcast3A_1937 = vector.bitcast %get3A_1936 : vector<16xi32> to vector<32xbf16>
        %mul3A_1938 = arith.mulf %bitcast3A_1929, %bitcast3A_1937 : vector<32xbf16>
        %mul3A_1939 = arith.mulf %mul3A_1938, %bitcast3A_1933 : vector<32xbf16>
        %unpack3A_1940 = tpu.unpack_subelements %mul3A_1939, 0 {pack_format = #tpu.pack_format<interleaved>} : vector<32xbf16> -> vector<16xf32>
        %unpack3A_1941 = tpu.unpack_subelements %mul3A_1939, 1 {pack_format = #tpu.pack_format<interleaved>} : vector<32xbf16> -> vector<16xf32>
        %add3A_1942 = arith.addf %unpack3A_1940, %unpack3A_1941 : vector<16xf32>
        %add3A_1943 = arith.addf %add3A_1925, %add3A_1942 : vector<16xf32>
        %mul3A_1944 = arith.constant 17 : i32
        %mul3A_1945 = arith.muli %scan3A_1870, %mul3A_1944 : i32
        %swap3A_1946 = arith.index_cast %mul3A_1945 : i32 to index
        %swap3A_1947 = tpu.vector_load %arg17[%swap3A_1946] {strides = array<i32>} : memref<272xf32, #tpu.memory_space<vmem>>, vector<16xf32>,
        tpu.vector_store %arg17[%swap3A_1946], %add3A_1943 {strides = array<i32>} : memref<272xf32, #tpu.memory_space<vmem>>, vector<16xf32>,
      }
      %scan3A_1092 = arith.constant 16 : i32
      %gather3A_1093 = tpu.vector_load_idx %arg17[%mul3A_6] : memref<272xf32, #tpu.memory_space<vmem>>[vector<16xi32>], vector<16xf32>,
      %add3A_1094 = arith.constant 1 : i32
      %add3A_1095 = vector.broadcast %add3A_1094 : i32 to vector<16xi32>
      %add3A_1096 = arith.addi %mul3A_6, %add3A_1095 : vector<16xi32>
      %gather3A_1097 = tpu.vector_load_idx %arg17[%add3A_1096] : memref<272xf32, #tpu.memory_space<vmem>>[vector<16xi32>], vector<16xf32>,
      %add3A_1098 = arith.constant 2 : i32
      %add3A_1099 = vector.broadcast %add3A_1098 : i32 to vector<16xi32>
      %add3A_1100 = arith.addi %mul3A_6, %add3A_1099 : vector<16xi32>
      %gather3A_1101 = tpu.vector_load_idx %arg17[%add3A_1100] : memref<272xf32, #tpu.memory_space<vmem>>[vector<16xi32>], vector<16xf32>,
      %add3A_1102 = arith.addf %gather3A_1093, %gather3A_1101 : vector<16xf32>
      %add3A_1103 = arith.constant 2 : i32
      %add3A_1104 = vector.broadcast %add3A_1103 : i32 to vector<16xi32>
      %add3A_1105 = arith.addi %mul3A_6, %add3A_1104 : vector<16xi32>
      %add3A_1106 = arith.constant 1 : i32
      %add3A_1107 = vector.broadcast %add3A_1106 : i32 to vector<16xi32>
      %add3A_1108 = arith.addi %add3A_1105, %add3A_1107 : vector<16xi32>
      %gather3A_1109 = tpu.vector_load_idx %arg17[%add3A_1108] : memref<272xf32, #tpu.memory_space<vmem>>[vector<16xi32>], vector<16xf32>,
      %add3A_1110 = arith.addf %gather3A_1097, %gather3A_1109 : vector<16xf32>
      %add3A_1111 = arith.constant 4 : i32
      %add3A_1112 = vector.broadcast %add3A_1111 : i32 to vector<16xi32>
      %add3A_1113 = arith.addi %mul3A_6, %add3A_1112 : vector<16xi32>
      %gather3A_1114 = tpu.vector_load_idx %arg17[%add3A_1113] : memref<272xf32, #tpu.memory_space<vmem>>[vector<16xi32>], vector<16xf32>,
      %add3A_1115 = arith.addf %add3A_1102, %gather3A_1114 : vector<16xf32>
      %add3A_1116 = arith.constant 4 : i32
      %add3A_1117 = vector.broadcast %add3A_1116 : i32 to vector<16xi32>
      %add3A_1118 = arith.addi %mul3A_6, %add3A_1117 : vector<16xi32>
      %add3A_1119 = arith.constant 1 : i32
      %add3A_1120 = vector.broadcast %add3A_1119 : i32 to vector<16xi32>
      %add3A_1121 = arith.addi %add3A_1118, %add3A_1120 : vector<16xi32>
      %gather3A_1122 = tpu.vector_load_idx %arg17[%add3A_1121] : memref<272xf32, #tpu.memory_space<vmem>>[vector<16xi32>], vector<16xf32>,
      %add3A_1123 = arith.addf %add3A_1110, %gather3A_1122 : vector<16xf32>
      %add3A_1124 = arith.constant 6 : i32
      %add3A_1125 = vector.broadcast %add3A_1124 : i32 to vector<16xi32>
      %add3A_1126 = arith.addi %mul3A_6, %add3A_1125 : vector<16xi32>
      %gather3A_1127 = tpu.vector_load_idx %arg17[%add3A_1126] : memref<272xf32, #tpu.memory_space<vmem>>[vector<16xi32>], vector<16xf32>,
      %add3A_1128 = arith.addf %add3A_1115, %gather3A_1127 : vector<16xf32>
      %add3A_1129 = arith.constant 6 : i32
      %add3A_1130 = vector.broadcast %add3A_1129 : i32 to vector<16xi32>
      %add3A_1131 = arith.addi %mul3A_6, %add3A_1130 : vector<16xi32>
      %add3A_1132 = arith.constant 1 : i32
      %add3A_1133 = vector.broadcast %add3A_1132 : i32 to vector<16xi32>
      %add3A_1134 = arith.addi %add3A_1131, %add3A_1133 : vector<16xi32>
      %gather3A_1135 = tpu.vector_load_idx %arg17[%add3A_1134] : memref<272xf32, #tpu.memory_space<vmem>>[vector<16xi32>], vector<16xf32>,
      %add3A_1136 = arith.addf %add3A_1123, %gather3A_1135 : vector<16xf32>
      %add3A_1137 = arith.constant 8 : i32
      %add3A_1138 = vector.broadcast %add3A_1137 : i32 to vector<16xi32>
      %add3A_1139 = arith.addi %mul3A_6, %add3A_1138 : vector<16xi32>
      %gather3A_1140 = tpu.vector_load_idx %arg17[%add3A_1139] : memref<272xf32, #tpu.memory_space<vmem>>[vector<16xi32>], vector<16xf32>,
      %add3A_1141 = arith.addf %add3A_1128, %gather3A_1140 : vector<16xf32>
      %add3A_1142 = arith.constant 8 : i32
      %add3A_1143 = vector.broadcast %add3A_1142 : i32 to vector<16xi32>
      %add3A_1144 = arith.addi %mul3A_6, %add3A_1143 : vector<16xi32>
      %add3A_1145 = arith.constant 1 : i32
      %add3A_1146 = vector.broadcast %add3A_1145 : i32 to vector<16xi32>
      %add3A_1147 = arith.addi %add3A_1144, %add3A_1146 : vector<16xi32>
      %gather3A_1148 = tpu.vector_load_idx %arg17[%add3A_1147] : memref<272xf32, #tpu.memory_space<vmem>>[vector<16xi32>], vector<16xf32>,
      %add3A_1149 = arith.addf %add3A_1136, %gather3A_1148 : vector<16xf32>
      %add3A_1150 = arith.constant 10 : i32
      %add3A_1151 = vector.broadcast %add3A_1150 : i32 to vector<16xi32>
      %add3A_1152 = arith.addi %mul3A_6, %add3A_1151 : vector<16xi32>
      %gather3A_1153 = tpu.vector_load_idx %arg17[%add3A_1152] : memref<272xf32, #tpu.memory_space<vmem>>[vector<16xi32>], vector<16xf32>,
      %add3A_1154 = arith.addf %add3A_1141, %gather3A_1153 : vector<16xf32>
      %add3A_1155 = arith.constant 10 : i32
      %add3A_1156 = vector.broadcast %add3A_1155 : i32 to vector<16xi32>
      %add3A_1157 = arith.addi %mul3A_6, %add3A_1156 : vector<16xi32>
      %add3A_1158 = arith.constant 1 : i32
      %add3A_1159 = vector.broadcast %add3A_1158 : i32 to vector<16xi32>
      %add3A_1160 = arith.addi %add3A_1157, %add3A_1159 : vector<16xi32>
      %gather3A_1161 = tpu.vector_load_idx %arg17[%add3A_1160] : memref<272xf32, #tpu.memory_space<vmem>>[vector<16xi32>], vector<16xf32>,
      %add3A_1162 = arith.addf %add3A_1149, %gather3A_1161 : vector<16xf32>
      %add3A_1163 = arith.constant 12 : i32
      %add3A_1164 = vector.broadcast %add3A_1163 : i32 to vector<16xi32>
      %add3A_1165 = arith.addi %mul3A_6, %add3A_1164 : vector<16xi32>
      %gather3A_1166 = tpu.vector_load_idx %arg17[%add3A_1165] : memref<272xf32, #tpu.memory_space<vmem>>[vector<16xi32>], vector<16xf32>,
      %add3A_1167 = arith.addf %add3A_1154, %gather3A_1166 : vector<16xf32>
      %add3A_1168 = arith.constant 12 : i32
      %add3A_1169 = vector.broadcast %add3A_1168 : i32 to vector<16xi32>
      %add3A_1170 = arith.addi %mul3A_6, %add3A_1169 : vector<16xi32>
      %add3A_1171 = arith.constant 1 : i32
      %add3A_1172 = vector.broadcast %add3A_1171 : i32 to vector<16xi32>
      %add3A_1173 = arith.addi %add3A_1170, %add3A_1172 : vector<16xi32>
      %gather3A_1174 = tpu.vector_load_idx %arg17[%add3A_1173] : memref<272xf32, #tpu.memory_space<vmem>>[vector<16xi32>], vector<16xf32>,
      %add3A_1175 = arith.addf %add3A_1162, %gather3A_1174 : vector<16xf32>
      %add3A_1176 = arith.constant 14 : i32
      %add3A_1177 = vector.broadcast %add3A_1176 : i32 to vector<16xi32>
      %add3A_1178 = arith.addi %mul3A_6, %add3A_1177 : vector<16xi32>
      %gather3A_1179 = tpu.vector_load_idx %arg17[%add3A_1178] : memref<272xf32, #tpu.memory_space<vmem>>[vector<16xi32>], vector<16xf32>,
      %add3A_1180 = arith.addf %add3A_1167, %gather3A_1179 : vector<16xf32>
      %add3A_1181 = arith.constant 14 : i32
      %add3A_1182 = vector.broadcast %add3A_1181 : i32 to vector<16xi32>
      %add3A_1183 = arith.addi %mul3A_6, %add3A_1182 : vector<16xi32>
      %add3A_1184 = arith.constant 1 : i32
      %add3A_1185 = vector.broadcast %add3A_1184 : i32 to vector<16xi32>
      %add3A_1186 = arith.addi %add3A_1183, %add3A_1185 : vector<16xi32>
      %gather3A_1187 = tpu.vector_load_idx %arg17[%add3A_1186] : memref<272xf32, #tpu.memory_space<vmem>>[vector<16xi32>], vector<16xf32>,
      %add3A_1188 = arith.addf %add3A_1175, %gather3A_1187 : vector<16xf32>
      %add3A_1189 = arith.addf %add3A_1180, %add3A_1188 : vector<16xf32>
      %add3A_1190 = arith.constant 64 : i32
      %add3A_1191 = arith.addi %mul3A_658, %add3A_1190 : i32
      %swap3A_1192 = arith.index_cast %add3A_1191 : i32 to index
      %swap3A_1193 = tpu.vector_load %arg16[%swap3A_1192] {strides = array<i32>} : memref<10000xf32, #tpu.memory_space<vmem>>, vector<16xf32>,
      tpu.vector_store %arg16[%swap3A_1192], %add3A_1189 {strides = array<i32>} : memref<10000xf32, #tpu.memory_space<vmem>>, vector<16xf32>,
      %add3A_1194 = arith.constant 2 : i32
      %add3A_1195 = arith.addi %mul3A_595, %add3A_1194 : i32
      %mul3A_1196 = arith.constant 80 : i32
      %mul3A_1197 = arith.muli %add3A_1195, %mul3A_1196 : i32
      %dma_start3A_1198 = arith.constant 0 : i32
      %dma_start3A_1199 = arith.constant 0 : i32
      %dma_start3A_1200 = tpu.memref_slice %arg10[%dma_start3A_1198, %dma_start3A_1199] : memref<80x64xi32, #tpu.memory_space<vmem>> -> memref<80x64xi32, #tpu.memory_space<vmem>>
      %dma_start3A_1201 = tpu.memref_slice %arg7[%mul3A_1197] : memref<10000xi32, #tpu.memory_space<vmem>> -> memref<80xi32, #tpu.memory_space<vmem>>
      %dma_start3A_1202 = arith.constant 0 : i32
      %dma_start3A_1203 = arith.constant 0 : i32
      %dma_start3A_1204 = tpu.memref_slice %arg2[%dma_start3A_1202, %dma_start3A_1203] : memref<10000x64xi32, #tpu.memory_space<hbm>> -> memref<10000x64xi32, #tpu.memory_space<hbm>>
      tpu.enqueue_indirect_dma source(%dma_start3A_1204 : memref<10000x64xi32, #tpu.memory_space<hbm>>) target(%dma_start3A_1200 : memref<80x64xi32, #tpu.memory_space<vmem>>) offsets(%dma_start3A_1201 : memref<80xi32, #tpu.memory_space<vmem>>) semaphore(%arg18 : memref<!tpu.dma_semaphore, #tpu.memory_space<semaphore_mem>>)
      %dma_start3A_1205 = arith.constant 0 : i32
      %dma_start3A_1206 = arith.constant 0 : i32
      %dma_start3A_1207 = tpu.memref_slice %arg11[%dma_start3A_1205, %dma_start3A_1206] : memref<80x64xi32, #tpu.memory_space<vmem>> -> memref<80x64xi32, #tpu.memory_space<vmem>>
      %dma_start3A_1208 = tpu.memref_slice %arg8[%mul3A_1197] : memref<10000xi32, #tpu.memory_space<vmem>> -> memref<80xi32, #tpu.memory_space<vmem>>
      %dma_start3A_1209 = arith.constant 0 : i32
      %dma_start3A_1210 = arith.constant 0 : i32
      %dma_start3A_1211 = tpu.memref_slice %arg2[%dma_start3A_1209, %dma_start3A_1210] : memref<10000x64xi32, #tpu.memory_space<hbm>> -> memref<10000x64xi32, #tpu.memory_space<hbm>>
      tpu.enqueue_indirect_dma source(%dma_start3A_1211 : memref<10000x64xi32, #tpu.memory_space<hbm>>) target(%dma_start3A_1207 : memref<80x64xi32, #tpu.memory_space<vmem>>) offsets(%dma_start3A_1208 : memref<80xi32, #tpu.memory_space<vmem>>) semaphore(%arg18 : memref<!tpu.dma_semaphore, #tpu.memory_space<semaphore_mem>>)
      %dma_start3A_1212 = arith.constant 0 : i32
      %dma_start3A_1213 = arith.constant 0 : i32
      %dma_start3A_1214 = tpu.memref_slice %arg12[%dma_start3A_1212, %dma_start3A_1213] : memref<80x64xi32, #tpu.memory_space<vmem>> -> memref<80x64xi32, #tpu.memory_space<vmem>>
      %dma_start3A_1215 = tpu.memref_slice %arg9[%mul3A_1197] : memref<10000xi32, #tpu.memory_space<vmem>> -> memref<80xi32, #tpu.memory_space<vmem>>
      %dma_start3A_1216 = arith.constant 0 : i32
      %dma_start3A_1217 = arith.constant 0 : i32
      %dma_start3A_1218 = tpu.memref_slice %arg3[%dma_start3A_1216, %dma_start3A_1217] : memref<1000x64xi32, #tpu.memory_space<hbm>> -> memref<1000x64xi32, #tpu.memory_space<hbm>>
      tpu.enqueue_indirect_dma source(%dma_start3A_1218 : memref<1000x64xi32, #tpu.memory_space<hbm>>) target(%dma_start3A_1214 : memref<80x64xi32, #tpu.memory_space<vmem>>) offsets(%dma_start3A_1215 : memref<80xi32, #tpu.memory_space<vmem>>) semaphore(%arg18 : memref<!tpu.dma_semaphore, #tpu.memory_space<semaphore_mem>>)
      %dma_wait3A_1219 = arith.constant 0 : i32
      %dma_wait3A_1220 = arith.constant 0 : i32
      %dma_wait3A_1221 = tpu.memref_slice %arg13[%dma_wait3A_1219, %dma_wait3A_1220] : memref<80x64xi32, #tpu.memory_space<vmem>> -> memref<80x64xi32, #tpu.memory_space<vmem>>
      %dma_wait3A_1222 = arith.constant 0 : i32
      %dma_wait3A_1223 = arith.constant 0 : i32
      %dma_wait3A_1224 = tpu.memref_slice %arg2[%dma_wait3A_1222, %dma_wait3A_1223] : memref<10000x64xi32, #tpu.memory_space<hbm>> -> memref<80x64xi32, #tpu.memory_space<hbm>>
      %dma_wait3A_1225 = arith.constant 0 : i32
      %dma_wait3A_1226 = arith.constant 0 : i32
      %dma_wait3A_1227 = tpu.memref_slice %arg13[%dma_wait3A_1225, %dma_wait3A_1226] : memref<80x64xi32, #tpu.memory_space<vmem>> -> memref<80x64xi32, #tpu.memory_space<vmem>>
      %dma_wait3A_1228 = arith.constant 0 : i32
      %dma_wait3A_1229 = arith.constant 0 : i32
      %dma_wait3A_1230 = tpu.memref_slice %arg2[%dma_wait3A_1228, %dma_wait3A_1229] : memref<10000x64xi32, #tpu.memory_space<hbm>> -> memref<80x64xi32, #tpu.memory_space<hbm>>
      tpu.wait_dma2 semaphore(%arg19 : memref<!tpu.dma_semaphore, #tpu.memory_space<semaphore_mem>>) src(%dma_wait3A_1230 : memref<80x64xi32, #tpu.memory_space<hbm>>) dst(%dma_wait3A_1227 : memref<80x64xi32, #tpu.memory_space<vmem>>)
      %dma_wait3A_1231 = arith.constant 0 : i32
      %dma_wait3A_1232 = arith.constant 0 : i32
      %dma_wait3A_1233 = tpu.memref_slice %arg14[%dma_wait3A_1231, %dma_wait3A_1232] : memref<80x64xi32, #tpu.memory_space<vmem>> -> memref<80x64xi32, #tpu.memory_space<vmem>>
      %dma_wait3A_1234 = arith.constant 0 : i32
      %dma_wait3A_1235 = arith.constant 0 : i32
      %dma_wait3A_1236 = tpu.memref_slice %arg2[%dma_wait3A_1234, %dma_wait3A_1235] : memref<10000x64xi32, #tpu.memory_space<hbm>> -> memref<80x64xi32, #tpu.memory_space<hbm>>
      %dma_wait3A_1237 = arith.constant 0 : i32
      %dma_wait3A_1238 = arith.constant 0 : i32
      %dma_wait3A_1239 = tpu.memref_slice %arg14[%dma_wait3A_1237, %dma_wait3A_1238] : memref<80x64xi32, #tpu.memory_space<vmem>> -> memref<80x64xi32, #tpu.memory_space<vmem>>
      %dma_wait3A_1240 = arith.constant 0 : i32
      %dma_wait3A_1241 = arith.constant 0 : i32
      %dma_wait3A_1242 = tpu.memref_slice %arg2[%dma_wait3A_1240, %dma_wait3A_1241] : memref<10000x64xi32, #tpu.memory_space<hbm>> -> memref<80x64xi32, #tpu.memory_space<hbm>>
      tpu.wait_dma2 semaphore(%arg19 : memref<!tpu.dma_semaphore, #tpu.memory_space<semaphore_mem>>) src(%dma_wait3A_1242 : memref<80x64xi32, #tpu.memory_space<hbm>>) dst(%dma_wait3A_1239 : memref<80x64xi32, #tpu.memory_space<vmem>>)
      %dma_wait3A_1243 = arith.constant 0 : i32
      %dma_wait3A_1244 = arith.constant 0 : i32
      %dma_wait3A_1245 = tpu.memref_slice %arg15[%dma_wait3A_1243, %dma_wait3A_1244] : memref<80x64xi32, #tpu.memory_space<vmem>> -> memref<80x64xi32, #tpu.memory_space<vmem>>
      %dma_wait3A_1246 = arith.constant 0 : i32
      %dma_wait3A_1247 = arith.constant 0 : i32
      %dma_wait3A_1248 = tpu.memref_slice %arg3[%dma_wait3A_1246, %dma_wait3A_1247] : memref<1000x64xi32, #tpu.memory_space<hbm>> -> memref<80x64xi32, #tpu.memory_space<hbm>>
      %dma_wait3A_1249 = arith.constant 0 : i32
      %dma_wait3A_1250 = arith.constant 0 : i32
      %dma_wait3A_1251 = tpu.memref_slice %arg15[%dma_wait3A_1249, %dma_wait3A_1250] : memref<80x64xi32, #tpu.memory_space<vmem>> -> memref<80x64xi32, #tpu.memory_space<vmem>>
      %dma_wait3A_1252 = arith.constant 0 : i32
      %dma_wait3A_1253 = arith.constant 0 : i32
      %dma_wait3A_1254 = tpu.memref_slice %arg3[%dma_wait3A_1252, %dma_wait3A_1253] : memref<1000x64xi32, #tpu.memory_space<hbm>> -> memref<80x64xi32, #tpu.memory_space<hbm>>
      tpu.wait_dma2 semaphore(%arg19 : memref<!tpu.dma_semaphore, #tpu.memory_space<semaphore_mem>>) src(%dma_wait3A_1254 : memref<80x64xi32, #tpu.memory_space<hbm>>) dst(%dma_wait3A_1251 : memref<80x64xi32, #tpu.memory_space<vmem>>)
      %add3A_1255 = arith.constant 1 : i32
      %add3A_1256 = arith.addi %mul3A_595, %add3A_1255 : i32
      %mul3A_1257 = arith.constant 80 : i32
      %mul3A_1258 = arith.muli %add3A_1256, %mul3A_1257 : i32
      %scan3A_1259 = arith.constant 0 : i32
      %scan3A_1260 = arith.constant 0 : i32
      %scan3A_1261 = arith.constant 16 : i32
      %scan3A_1262 = arith.addi %scan3A_1260, %scan3A_1261 : i32
      %scan3A_1263 = arith.constant 2 : i32
      scf.for %scan3A_1794 = %scan3A_1260 to %scan3A_1262 step %scan3A_1263  : i32 {
        %add3A_1795 = arith.constant 0 : i32
        %add3A_1796 = arith.addi %add3A_1795, %scan3A_1794 : i32
        %get3A = arith.index_cast %add3A_1796 : i32 to index
        %get3A_1797 = arith.constant 0 : index
        %get3A_1798 = tpu.vector_load %arg13[%get3A, %get3A_1797] {strides = array<i32>} : memref<80x64xi32, #tpu.memory_space<vmem>>, vector<16xi32>,
        %bitcast3A = vector.bitcast %get3A_1798 : vector<16xi32> to vector<32xbf16>
        %get3A_1799 = arith.index_cast %add3A_1796 : i32 to index
        %get3A_1800 = arith.constant 0 : index
        %get3A_1801 = tpu.vector_load %arg14[%get3A_1799, %get3A_1800] {strides = array<i32>} : memref<80x64xi32, #tpu.memory_space<vmem>>, vector<16xi32>,
        %bitcast3A_1802 = vector.bitcast %get3A_1801 : vector<16xi32> to vector<32xbf16>
        %get3A_1803 = arith.index_cast %add3A_1796 : i32 to index
        %get3A_1804 = arith.constant 0 : index
        %get3A_1805 = tpu.vector_load %arg15[%get3A_1803, %get3A_1804] {strides = array<i32>} : memref<80x64xi32, #tpu.memory_space<vmem>>, vector<16xi32>,
        %bitcast3A_1806 = vector.bitcast %get3A_1805 : vector<16xi32> to vector<32xbf16>
        %mul3A_1807 = arith.mulf %bitcast3A, %bitcast3A_1806 : vector<32xbf16>
        %mul3A_1808 = arith.mulf %mul3A_1807, %bitcast3A_1802 : vector<32xbf16>
        %unpack3A = tpu.unpack_subelements %mul3A_1808, 0 {pack_format = #tpu.pack_format<interleaved>} : vector<32xbf16> -> vector<16xf32>
        %unpack3A_1809 = tpu.unpack_subelements %mul3A_1808, 1 {pack_format = #tpu.pack_format<interleaved>} : vector<32xbf16> -> vector<16xf32>
        %add3A_1810 = arith.addf %unpack3A, %unpack3A_1809 : vector<16xf32>
        %get3A_1811 = arith.index_cast %add3A_1796 : i32 to index
        %get3A_1812 = arith.constant 16 : index
        %get3A_1813 = tpu.vector_load %arg13[%get3A_1811, %get3A_1812] {strides = array<i32>} : memref<80x64xi32, #tpu.memory_space<vmem>>, vector<16xi32>,
        %bitcast3A_1814 = vector.bitcast %get3A_1813 : vector<16xi32> to vector<32xbf16>
        %get3A_1815 = arith.index_cast %add3A_1796 : i32 to index
        %get3A_1816 = arith.constant 16 : index
        %get3A_1817 = tpu.vector_load %arg14[%get3A_1815, %get3A_1816] {strides = array<i32>} : memref<80x64xi32, #tpu.memory_space<vmem>>, vector<16xi32>,
        %bitcast3A_1818 = vector.bitcast %get3A_1817 : vector<16xi32> to vector<32xbf16>
        %get3A_1819 = arith.index_cast %add3A_1796 : i32 to index
        %get3A_1820 = arith.constant 16 : index
        %get3A_1821 = tpu.vector_load %arg15[%get3A_1819, %get3A_1820] {strides = array<i32>} : memref<80x64xi32, #tpu.memory_space<vmem>>, vector<16xi32>,
        %bitcast3A_1822 = vector.bitcast %get3A_1821 : vector<16xi32> to vector<32xbf16>
        %mul3A_1823 = arith.mulf %bitcast3A_1814, %bitcast3A_1822 : vector<32xbf16>
        %mul3A_1824 = arith.mulf %mul3A_1823, %bitcast3A_1818 : vector<32xbf16>
        %unpack3A_1825 = tpu.unpack_subelements %mul3A_1824, 0 {pack_format = #tpu.pack_format<interleaved>} : vector<32xbf16> -> vector<16xf32>
        %unpack3A_1826 = tpu.unpack_subelements %mul3A_1824, 1 {pack_format = #tpu.pack_format<interleaved>} : vector<32xbf16> -> vector<16xf32>
        %add3A_1827 = arith.addf %unpack3A_1825, %unpack3A_1826 : vector<16xf32>
        %add3A_1828 = arith.addf %add3A_1810, %add3A_1827 : vector<16xf32>
        %get3A_1829 = arith.index_cast %add3A_1796 : i32 to index
        %get3A_1830 = arith.constant 32 : index
        %get3A_1831 = tpu.vector_load %arg13[%get3A_1829, %get3A_1830] {strides = array<i32>} : memref<80x64xi32, #tpu.memory_space<vmem>>, vector<16xi32>,
        %bitcast3A_1832 = vector.bitcast %get3A_1831 : vector<16xi32> to vector<32xbf16>
        %get3A_1833 = arith.index_cast %add3A_1796 : i32 to index
        %get3A_1834 = arith.constant 32 : index
        %get3A_1835 = tpu.vector_load %arg14[%get3A_1833, %get3A_1834] {strides = array<i32>} : memref<80x64xi32, #tpu.memory_space<vmem>>, vector<16xi32>,
        %bitcast3A_1836 = vector.bitcast %get3A_1835 : vector<16xi32> to vector<32xbf16>
        %get3A_1837 = arith.index_cast %add3A_1796 : i32 to index
        %get3A_1838 = arith.constant 32 : index
        %get3A_1839 = tpu.vector_load %arg15[%get3A_1837, %get3A_1838] {strides = array<i32>} : memref<80x64xi32, #tpu.memory_space<vmem>>, vector<16xi32>,
        %bitcast3A_1840 = vector.bitcast %get3A_1839 : vector<16xi32> to vector<32xbf16>
        %mul3A_1841 = arith.mulf %bitcast3A_1832, %bitcast3A_1840 : vector<32xbf16>
        %mul3A_1842 = arith.mulf %mul3A_1841, %bitcast3A_1836 : vector<32xbf16>
        %unpack3A_1843 = tpu.unpack_subelements %mul3A_1842, 0 {pack_format = #tpu.pack_format<interleaved>} : vector<32xbf16> -> vector<16xf32>
        %unpack3A_1844 = tpu.unpack_subelements %mul3A_1842, 1 {pack_format = #tpu.pack_format<interleaved>} : vector<32xbf16> -> vector<16xf32>
        %add3A_1845 = arith.addf %unpack3A_1843, %unpack3A_1844 : vector<16xf32>
        %add3A_1846 = arith.addf %add3A_1828, %add3A_1845 : vector<16xf32>
        %get3A_1847 = arith.index_cast %add3A_1796 : i32 to index
        %get3A_1848 = arith.constant 48 : index
        %get3A_1849 = tpu.vector_load %arg13[%get3A_1847, %get3A_1848] {strides = array<i32>} : memref<80x64xi32, #tpu.memory_space<vmem>>, vector<16xi32>,
        %bitcast3A_1850 = vector.bitcast %get3A_1849 : vector<16xi32> to vector<32xbf16>
        %get3A_1851 = arith.index_cast %add3A_1796 : i32 to index
        %get3A_1852 = arith.constant 48 : index
        %get3A_1853 = tpu.vector_load %arg14[%get3A_1851, %get3A_1852] {strides = array<i32>} : memref<80x64xi32, #tpu.memory_space<vmem>>, vector<16xi32>,
        %bitcast3A_1854 = vector.bitcast %get3A_1853 : vector<16xi32> to vector<32xbf16>
        %get3A_1855 = arith.index_cast %add3A_1796 : i32 to index
        %get3A_1856 = arith.constant 48 : index
        %get3A_1857 = tpu.vector_load %arg15[%get3A_1855, %get3A_1856] {strides = array<i32>} : memref<80x64xi32, #tpu.memory_space<vmem>>, vector<16xi32>,
        %bitcast3A_1858 = vector.bitcast %get3A_1857 : vector<16xi32> to vector<32xbf16>
        %mul3A_1859 = arith.mulf %bitcast3A_1850, %bitcast3A_1858 : vector<32xbf16>
        %mul3A_1860 = arith.mulf %mul3A_1859, %bitcast3A_1854 : vector<32xbf16>
        %unpack3A_1861 = tpu.unpack_subelements %mul3A_1860, 0 {pack_format = #tpu.pack_format<interleaved>} : vector<32xbf16> -> vector<16xf32>
        %unpack3A_1862 = tpu.unpack_subelements %mul3A_1860, 1 {pack_format = #tpu.pack_format<interleaved>} : vector<32xbf16> -> vector<16xf32>
        %add3A_1863 = arith.addf %unpack3A_1861, %unpack3A_1862 : vector<16xf32>
        %add3A_1864 = arith.addf %add3A_1846, %add3A_1863 : vector<16xf32>
        %mul3A_1865 = arith.constant 17 : i32
        %mul3A_1866 = arith.muli %scan3A_1794, %mul3A_1865 : i32
        %swap3A_1867 = arith.index_cast %mul3A_1866 : i32 to index
        %swap3A_1868 = tpu.vector_load %arg17[%swap3A_1867] {strides = array<i32>} : memref<272xf32, #tpu.memory_space<vmem>>, vector<16xf32>,
        tpu.vector_store %arg17[%swap3A_1867], %add3A_1864 {strides = array<i32>} : memref<272xf32, #tpu.memory_space<vmem>>, vector<16xf32>,
        %scan3A_1869 = arith.constant 1 : i32
        %scan3A_1870 = arith.addi %scan3A_1794, %scan3A_1869 : i32
        %add3A_1871 = arith.constant 0 : i32
        %add3A_1872 = arith.addi %add3A_1871, %scan3A_1870 : i32
        %get3A_1873 = arith.index_cast %add3A_1872 : i32 to index
        %get3A_1874 = arith.constant 0 : index
        %get3A_1875 = tpu.vector_load %arg13[%get3A_1873, %get3A_1874] {strides = array<i32>} : memref<80x64xi32, #tpu.memory_space<vmem>>, vector<16xi32>,
        %bitcast3A_1876 = vector.bitcast %get3A_1875 : vector<16xi32> to vector<32xbf16>
        %get3A_1877 = arith.index_cast %add3A_1872 : i32 to index
        %get3A_1878 = arith.constant 0 : index
        %get3A_1879 = tpu.vector_load %arg14[%get3A_1877, %get3A_1878] {strides = array<i32>} : memref<80x64xi32, #tpu.memory_space<vmem>>, vector<16xi32>,
        %bitcast3A_1880 = vector.bitcast %get3A_1879 : vector<16xi32> to vector<32xbf16>
        %get3A_1881 = arith.index_cast %add3A_1872 : i32 to index
        %get3A_1882 = arith.constant 0 : index
        %get3A_1883 = tpu.vector_load %arg15[%get3A_1881, %get3A_1882] {strides = array<i32>} : memref<80x64xi32, #tpu.memory_space<vmem>>, vector<16xi32>,
        %bitcast3A_1884 = vector.bitcast %get3A_1883 : vector<16xi32> to vector<32xbf16>
        %mul3A_1885 = arith.mulf %bitcast3A_1876, %bitcast3A_1884 : vector<32xbf16>
        %mul3A_1886 = arith.mulf %mul3A_1885, %bitcast3A_1880 : vector<32xbf16>
        %unpack3A_1887 = tpu.unpack_subelements %mul3A_1886, 0 {pack_format = #tpu.pack_format<interleaved>} : vector<32xbf16> -> vector<16xf32>
        %unpack3A_1888 = tpu.unpack_subelements %mul3A_1886, 1 {pack_format = #tpu.pack_format<interleaved>} : vector<32xbf16> -> vector<16xf32>
        %add3A_1889 = arith.addf %unpack3A_1887, %unpack3A_1888 : vector<16xf32>
        %get3A_1890 = arith.index_cast %add3A_1872 : i32 to index
        %get3A_1891 = arith.constant 16 : index
        %get3A_1892 = tpu.vector_load %arg13[%get3A_1890, %get3A_1891] {strides = array<i32>} : memref<80x64xi32, #tpu.memory_space<vmem>>, vector<16xi32>,
        %bitcast3A_1893 = vector.bitcast %get3A_1892 : vector<16xi32> to vector<32xbf16>
        %get3A_1894 = arith.index_cast %add3A_1872 : i32 to index
        %get3A_1895 = arith.constant 16 : index
        %get3A_1896 = tpu.vector_load %arg14[%get3A_1894, %get3A_1895] {strides = array<i32>} : memref<80x64xi32, #tpu.memory_space<vmem>>, vector<16xi32>,
        %bitcast3A_1897 = vector.bitcast %get3A_1896 : vector<16xi32> to vector<32xbf16>
        %get3A_1898 = arith.index_cast %add3A_1872 : i32 to index
        %get3A_1899 = arith.constant 16 : index
        %get3A_1900 = tpu.vector_load %arg15[%get3A_1898, %get3A_1899] {strides = array<i32>} : memref<80x64xi32, #tpu.memory_space<vmem>>, vector<16xi32>,
        %bitcast3A_1901 = vector.bitcast %get3A_1900 : vector<16xi32> to vector<32xbf16>
        %mul3A_1902 = arith.mulf %bitcast3A_1893, %bitcast3A_1901 : vector<32xbf16>
        %mul3A_1903 = arith.mulf %mul3A_1902, %bitcast3A_1897 : vector<32xbf16>
        %unpack3A_1904 = tpu.unpack_subelements %mul3A_1903, 0 {pack_format = #tpu.pack_format<interleaved>} : vector<32xbf16> -> vector<16xf32>
        %unpack3A_1905 = tpu.unpack_subelements %mul3A_1903, 1 {pack_format = #tpu.pack_format<interleaved>} : vector<32xbf16> -> vector<16xf32>
        %add3A_1906 = arith.addf %unpack3A_1904, %unpack3A_1905 : vector<16xf32>
        %add3A_1907 = arith.addf %add3A_1889, %add3A_1906 : vector<16xf32>
        %get3A_1908 = arith.index_cast %add3A_1872 : i32 to index
        %get3A_1909 = arith.constant 32 : index
        %get3A_1910 = tpu.vector_load %arg13[%get3A_1908, %get3A_1909] {strides = array<i32>} : memref<80x64xi32, #tpu.memory_space<vmem>>, vector<16xi32>,
        %bitcast3A_1911 = vector.bitcast %get3A_1910 : vector<16xi32> to vector<32xbf16>
        %get3A_1912 = arith.index_cast %add3A_1872 : i32 to index
        %get3A_1913 = arith.constant 32 : index
        %get3A_1914 = tpu.vector_load %arg14[%get3A_1912, %get3A_1913] {strides = array<i32>} : memref<80x64xi32, #tpu.memory_space<vmem>>, vector<16xi32>,
        %bitcast3A_1915 = vector.bitcast %get3A_1914 : vector<16xi32> to vector<32xbf16>
        %get3A_1916 = arith.index_cast %add3A_1872 : i32 to index
        %get3A_1917 = arith.constant 32 : index
        %get3A_1918 = tpu.vector_load %arg15[%get3A_1916, %get3A_1917] {strides = array<i32>} : memref<80x64xi32, #tpu.memory_space<vmem>>, vector<16xi32>,
        %bitcast3A_1919 = vector.bitcast %get3A_1918 : vector<16xi32> to vector<32xbf16>
        %mul3A_1920 = arith.mulf %bitcast3A_1911, %bitcast3A_1919 : vector<32xbf16>
        %mul3A_1921 = arith.mulf %mul3A_1920, %bitcast3A_1915 : vector<32xbf16>
        %unpack3A_1922 = tpu.unpack_subelements %mul3A_1921, 0 {pack_format = #tpu.pack_format<interleaved>} : vector<32xbf16> -> vector<16xf32>
        %unpack3A_1923 = tpu.unpack_subelements %mul3A_1921, 1 {pack_format = #tpu.pack_format<interleaved>} : vector<32xbf16> -> vector<16xf32>
        %add3A_1924 = arith.addf %unpack3A_1922, %unpack3A_1923 : vector<16xf32>
        %add3A_1925 = arith.addf %add3A_1907, %add3A_1924 : vector<16xf32>
        %get3A_1926 = arith.index_cast %add3A_1872 : i32 to index
        %get3A_1927 = arith.constant 48 : index
        %get3A_1928 = tpu.vector_load %arg13[%get3A_1926, %get3A_1927] {strides = array<i32>} : memref<80x64xi32, #tpu.memory_space<vmem>>, vector<16xi32>,
        %bitcast3A_1929 = vector.bitcast %get3A_1928 : vector<16xi32> to vector<32xbf16>
        %get3A_1930 = arith.index_cast %add3A_1872 : i32 to index
        %get3A_1931 = arith.constant 48 : index
        %get3A_1932 = tpu.vector_load %arg14[%get3A_1930, %get3A_1931] {strides = array<i32>} : memref<80x64xi32, #tpu.memory_space<vmem>>, vector<16xi32>,
        %bitcast3A_1933 = vector.bitcast %get3A_1932 : vector<16xi32> to vector<32xbf16>
        %get3A_1934 = arith.index_cast %add3A_1872 : i32 to index
        %get3A_1935 = arith.constant 48 : index
        %get3A_1936 = tpu.vector_load %arg15[%get3A_1934, %get3A_1935] {strides = array<i32>} : memref<80x64xi32, #tpu.memory_space<vmem>>, vector<16xi32>,
        %bitcast3A_1937 = vector.bitcast %get3A_1936 : vector<16xi32> to vector<32xbf16>
        %mul3A_1938 = arith.mulf %bitcast3A_1929, %bitcast3A_1937 : vector<32xbf16>
        %mul3A_1939 = arith.mulf %mul3A_1938, %bitcast3A_1933 : vector<32xbf16>
        %unpack3A_1940 = tpu.unpack_subelements %mul3A_1939, 0 {pack_format = #tpu.pack_format<interleaved>} : vector<32xbf16> -> vector<16xf32>
        %unpack3A_1941 = tpu.unpack_subelements %mul3A_1939, 1 {pack_format = #tpu.pack_format<interleaved>} : vector<32xbf16> -> vector<16xf32>
        %add3A_1942 = arith.addf %unpack3A_1940, %unpack3A_1941 : vector<16xf32>
        %add3A_1943 = arith.addf %add3A_1925, %add3A_1942 : vector<16xf32>
        %mul3A_1944 = arith.constant 17 : i32
        %mul3A_1945 = arith.muli %scan3A_1870, %mul3A_1944 : i32
        %swap3A_1946 = arith.index_cast %mul3A_1945 : i32 to index
        %swap3A_1947 = tpu.vector_load %arg17[%swap3A_1946] {strides = array<i32>} : memref<272xf32, #tpu.memory_space<vmem>>, vector<16xf32>,
        tpu.vector_store %arg17[%swap3A_1946], %add3A_1943 {strides = array<i32>} : memref<272xf32, #tpu.memory_space<vmem>>, vector<16xf32>,
      }
      %scan3A_1264 = arith.constant 16 : i32
      %gather3A_1265 = tpu.vector_load_idx %arg17[%mul3A_6] : memref<272xf32, #tpu.memory_space<vmem>>[vector<16xi32>], vector<16xf32>,
      %add3A_1266 = arith.constant 1 : i32
      %add3A_1267 = vector.broadcast %add3A_1266 : i32 to vector<16xi32>
      %add3A_1268 = arith.addi %mul3A_6, %add3A_1267 : vector<16xi32>
      %gather3A_1269 = tpu.vector_load_idx %arg17[%add3A_1268] : memref<272xf32, #tpu.memory_space<vmem>>[vector<16xi32>], vector<16xf32>,
      %add3A_1270 = arith.constant 2 : i32
      %add3A_1271 = vector.broadcast %add3A_1270 : i32 to vector<16xi32>
      %add3A_1272 = arith.addi %mul3A_6, %add3A_1271 : vector<16xi32>
      %gather3A_1273 = tpu.vector_load_idx %arg17[%add3A_1272] : memref<272xf32, #tpu.memory_space<vmem>>[vector<16xi32>], vector<16xf32>,
      %add3A_1274 = arith.addf %gather3A_1265, %gather3A_1273 : vector<16xf32>
      %add3A_1275 = arith.constant 2 : i32
      %add3A_1276 = vector.broadcast %add3A_1275 : i32 to vector<16xi32>
      %add3A_1277 = arith.addi %mul3A_6, %add3A_1276 : vector<16xi32>
      %add3A_1278 = arith.constant 1 : i32
      %add3A_1279 = vector.broadcast %add3A_1278 : i32 to vector<16xi32>
      %add3A_1280 = arith.addi %add3A_1277, %add3A_1279 : vector<16xi32>
      %gather3A_1281 = tpu.vector_load_idx %arg17[%add3A_1280] : memref<272xf32, #tpu.memory_space<vmem>>[vector<16xi32>], vector<16xf32>,
      %add3A_1282 = arith.addf %gather3A_1269, %gather3A_1281 : vector<16xf32>
      %add3A_1283 = arith.constant 4 : i32
      %add3A_1284 = vector.broadcast %add3A_1283 : i32 to vector<16xi32>
      %add3A_1285 = arith.addi %mul3A_6, %add3A_1284 : vector<16xi32>
      %gather3A_1286 = tpu.vector_load_idx %arg17[%add3A_1285] : memref<272xf32, #tpu.memory_space<vmem>>[vector<16xi32>], vector<16xf32>,
      %add3A_1287 = arith.addf %add3A_1274, %gather3A_1286 : vector<16xf32>
      %add3A_1288 = arith.constant 4 : i32
      %add3A_1289 = vector.broadcast %add3A_1288 : i32 to vector<16xi32>
      %add3A_1290 = arith.addi %mul3A_6, %add3A_1289 : vector<16xi32>
      %add3A_1291 = arith.constant 1 : i32
      %add3A_1292 = vector.broadcast %add3A_1291 : i32 to vector<16xi32>
      %add3A_1293 = arith.addi %add3A_1290, %add3A_1292 : vector<16xi32>
      %gather3A_1294 = tpu.vector_load_idx %arg17[%add3A_1293] : memref<272xf32, #tpu.memory_space<vmem>>[vector<16xi32>], vector<16xf32>,
      %add3A_1295 = arith.addf %add3A_1282, %gather3A_1294 : vector<16xf32>
      %add3A_1296 = arith.constant 6 : i32
      %add3A_1297 = vector.broadcast %add3A_1296 : i32 to vector<16xi32>
      %add3A_1298 = arith.addi %mul3A_6, %add3A_1297 : vector<16xi32>
      %gather3A_1299 = tpu.vector_load_idx %arg17[%add3A_1298] : memref<272xf32, #tpu.memory_space<vmem>>[vector<16xi32>], vector<16xf32>,
      %add3A_1300 = arith.addf %add3A_1287, %gather3A_1299 : vector<16xf32>
      %add3A_1301 = arith.constant 6 : i32
      %add3A_1302 = vector.broadcast %add3A_1301 : i32 to vector<16xi32>
      %add3A_1303 = arith.addi %mul3A_6, %add3A_1302 : vector<16xi32>
      %add3A_1304 = arith.constant 1 : i32
      %add3A_1305 = vector.broadcast %add3A_1304 : i32 to vector<16xi32>
      %add3A_1306 = arith.addi %add3A_1303, %add3A_1305 : vector<16xi32>
      %gather3A_1307 = tpu.vector_load_idx %arg17[%add3A_1306] : memref<272xf32, #tpu.memory_space<vmem>>[vector<16xi32>], vector<16xf32>,
      %add3A_1308 = arith.addf %add3A_1295, %gather3A_1307 : vector<16xf32>
      %add3A_1309 = arith.constant 8 : i32
      %add3A_1310 = vector.broadcast %add3A_1309 : i32 to vector<16xi32>
      %add3A_1311 = arith.addi %mul3A_6, %add3A_1310 : vector<16xi32>
      %gather3A_1312 = tpu.vector_load_idx %arg17[%add3A_1311] : memref<272xf32, #tpu.memory_space<vmem>>[vector<16xi32>], vector<16xf32>,
      %add3A_1313 = arith.addf %add3A_1300, %gather3A_1312 : vector<16xf32>
      %add3A_1314 = arith.constant 8 : i32
      %add3A_1315 = vector.broadcast %add3A_1314 : i32 to vector<16xi32>
      %add3A_1316 = arith.addi %mul3A_6, %add3A_1315 : vector<16xi32>
      %add3A_1317 = arith.constant 1 : i32
      %add3A_1318 = vector.broadcast %add3A_1317 : i32 to vector<16xi32>
      %add3A_1319 = arith.addi %add3A_1316, %add3A_1318 : vector<16xi32>
      %gather3A_1320 = tpu.vector_load_idx %arg17[%add3A_1319] : memref<272xf32, #tpu.memory_space<vmem>>[vector<16xi32>], vector<16xf32>,
      %add3A_1321 = arith.addf %add3A_1308, %gather3A_1320 : vector<16xf32>
      %add3A_1322 = arith.constant 10 : i32
      %add3A_1323 = vector.broadcast %add3A_1322 : i32 to vector<16xi32>
      %add3A_1324 = arith.addi %mul3A_6, %add3A_1323 : vector<16xi32>
      %gather3A_1325 = tpu.vector_load_idx %arg17[%add3A_1324] : memref<272xf32, #tpu.memory_space<vmem>>[vector<16xi32>], vector<16xf32>,
      %add3A_1326 = arith.addf %add3A_1313, %gather3A_1325 : vector<16xf32>
      %add3A_1327 = arith.constant 10 : i32
      %add3A_1328 = vector.broadcast %add3A_1327 : i32 to vector<16xi32>
      %add3A_1329 = arith.addi %mul3A_6, %add3A_1328 : vector<16xi32>
      %add3A_1330 = arith.constant 1 : i32
      %add3A_1331 = vector.broadcast %add3A_1330 : i32 to vector<16xi32>
      %add3A_1332 = arith.addi %add3A_1329, %add3A_1331 : vector<16xi32>
      %gather3A_1333 = tpu.vector_load_idx %arg17[%add3A_1332] : memref<272xf32, #tpu.memory_space<vmem>>[vector<16xi32>], vector<16xf32>,
      %add3A_1334 = arith.addf %add3A_1321, %gather3A_1333 : vector<16xf32>
      %add3A_1335 = arith.constant 12 : i32
      %add3A_1336 = vector.broadcast %add3A_1335 : i32 to vector<16xi32>
      %add3A_1337 = arith.addi %mul3A_6, %add3A_1336 : vector<16xi32>
      %gather3A_1338 = tpu.vector_load_idx %arg17[%add3A_1337] : memref<272xf32, #tpu.memory_space<vmem>>[vector<16xi32>], vector<16xf32>,
      %add3A_1339 = arith.addf %add3A_1326, %gather3A_1338 : vector<16xf32>
      %add3A_1340 = arith.constant 12 : i32
      %add3A_1341 = vector.broadcast %add3A_1340 : i32 to vector<16xi32>
      %add3A_1342 = arith.addi %mul3A_6, %add3A_1341 : vector<16xi32>
      %add3A_1343 = arith.constant 1 : i32
      %add3A_1344 = vector.broadcast %add3A_1343 : i32 to vector<16xi32>
      %add3A_1345 = arith.addi %add3A_1342, %add3A_1344 : vector<16xi32>
      %gather3A_1346 = tpu.vector_load_idx %arg17[%add3A_1345] : memref<272xf32, #tpu.memory_space<vmem>>[vector<16xi32>], vector<16xf32>,
      %add3A_1347 = arith.addf %add3A_1334, %gather3A_1346 : vector<16xf32>
      %add3A_1348 = arith.constant 14 : i32
      %add3A_1349 = vector.broadcast %add3A_1348 : i32 to vector<16xi32>
      %add3A_1350 = arith.addi %mul3A_6, %add3A_1349 : vector<16xi32>
      %gather3A_1351 = tpu.vector_load_idx %arg17[%add3A_1350] : memref<272xf32, #tpu.memory_space<vmem>>[vector<16xi32>], vector<16xf32>,
      %add3A_1352 = arith.addf %add3A_1339, %gather3A_1351 : vector<16xf32>
      %add3A_1353 = arith.constant 14 : i32
      %add3A_1354 = vector.broadcast %add3A_1353 : i32 to vector<16xi32>
      %add3A_1355 = arith.addi %mul3A_6, %add3A_1354 : vector<16xi32>
      %add3A_1356 = arith.constant 1 : i32
      %add3A_1357 = vector.broadcast %add3A_1356 : i32 to vector<16xi32>
      %add3A_1358 = arith.addi %add3A_1355, %add3A_1357 : vector<16xi32>
      %gather3A_1359 = tpu.vector_load_idx %arg17[%add3A_1358] : memref<272xf32, #tpu.memory_space<vmem>>[vector<16xi32>], vector<16xf32>,
      %add3A_1360 = arith.addf %add3A_1347, %gather3A_1359 : vector<16xf32>
      %add3A_1361 = arith.addf %add3A_1352, %add3A_1360 : vector<16xf32>
      %add3A_1362 = arith.constant 0 : i32
      %add3A_1363 = arith.addi %mul3A_1258, %add3A_1362 : i32
      %swap3A_1364 = arith.index_cast %add3A_1363 : i32 to index
      %swap3A_1365 = tpu.vector_load %arg16[%swap3A_1364] {strides = array<i32>} : memref<10000xf32, #tpu.memory_space<vmem>>, vector<16xf32>,
      tpu.vector_store %arg16[%swap3A_1364], %add3A_1361 {strides = array<i32>} : memref<10000xf32, #tpu.memory_space<vmem>>, vector<16xf32>,
      %scan3A_1366 = arith.constant 0 : i32
      %scan3A_1367 = arith.constant 0 : i32
      %scan3A_1368 = arith.constant 16 : i32
      %scan3A_1369 = arith.addi %scan3A_1367, %scan3A_1368 : i32
      %scan3A_1370 = arith.constant 2 : i32
      scf.for %scan3A_1794 = %scan3A_1367 to %scan3A_1369 step %scan3A_1370  : i32 {
        %add3A_1795 = arith.constant 16 : i32
        %add3A_1796 = arith.addi %add3A_1795, %scan3A_1794 : i32
        %get3A = arith.index_cast %add3A_1796 : i32 to index
        %get3A_1797 = arith.constant 0 : index
        %get3A_1798 = tpu.vector_load %arg13[%get3A, %get3A_1797] {strides = array<i32>} : memref<80x64xi32, #tpu.memory_space<vmem>>, vector<16xi32>,
        %bitcast3A = vector.bitcast %get3A_1798 : vector<16xi32> to vector<32xbf16>
        %get3A_1799 = arith.index_cast %add3A_1796 : i32 to index
        %get3A_1800 = arith.constant 0 : index
        %get3A_1801 = tpu.vector_load %arg14[%get3A_1799, %get3A_1800] {strides = array<i32>} : memref<80x64xi32, #tpu.memory_space<vmem>>, vector<16xi32>,
        %bitcast3A_1802 = vector.bitcast %get3A_1801 : vector<16xi32> to vector<32xbf16>
        %get3A_1803 = arith.index_cast %add3A_1796 : i32 to index
        %get3A_1804 = arith.constant 0 : index
        %get3A_1805 = tpu.vector_load %arg15[%get3A_1803, %get3A_1804] {strides = array<i32>} : memref<80x64xi32, #tpu.memory_space<vmem>>, vector<16xi32>,
        %bitcast3A_1806 = vector.bitcast %get3A_1805 : vector<16xi32> to vector<32xbf16>
        %mul3A_1807 = arith.mulf %bitcast3A, %bitcast3A_1806 : vector<32xbf16>
        %mul3A_1808 = arith.mulf %mul3A_1807, %bitcast3A_1802 : vector<32xbf16>
        %unpack3A = tpu.unpack_subelements %mul3A_1808, 0 {pack_format = #tpu.pack_format<interleaved>} : vector<32xbf16> -> vector<16xf32>
        %unpack3A_1809 = tpu.unpack_subelements %mul3A_1808, 1 {pack_format = #tpu.pack_format<interleaved>} : vector<32xbf16> -> vector<16xf32>
        %add3A_1810 = arith.addf %unpack3A, %unpack3A_1809 : vector<16xf32>
        %get3A_1811 = arith.index_cast %add3A_1796 : i32 to index
        %get3A_1812 = arith.constant 16 : index
        %get3A_1813 = tpu.vector_load %arg13[%get3A_1811, %get3A_1812] {strides = array<i32>} : memref<80x64xi32, #tpu.memory_space<vmem>>, vector<16xi32>,
        %bitcast3A_1814 = vector.bitcast %get3A_1813 : vector<16xi32> to vector<32xbf16>
        %get3A_1815 = arith.index_cast %add3A_1796 : i32 to index
        %get3A_1816 = arith.constant 16 : index
        %get3A_1817 = tpu.vector_load %arg14[%get3A_1815, %get3A_1816] {strides = array<i32>} : memref<80x64xi32, #tpu.memory_space<vmem>>, vector<16xi32>,
        %bitcast3A_1818 = vector.bitcast %get3A_1817 : vector<16xi32> to vector<32xbf16>
        %get3A_1819 = arith.index_cast %add3A_1796 : i32 to index
        %get3A_1820 = arith.constant 16 : index
        %get3A_1821 = tpu.vector_load %arg15[%get3A_1819, %get3A_1820] {strides = array<i32>} : memref<80x64xi32, #tpu.memory_space<vmem>>, vector<16xi32>,
        %bitcast3A_1822 = vector.bitcast %get3A_1821 : vector<16xi32> to vector<32xbf16>
        %mul3A_1823 = arith.mulf %bitcast3A_1814, %bitcast3A_1822 : vector<32xbf16>
        %mul3A_1824 = arith.mulf %mul3A_1823, %bitcast3A_1818 : vector<32xbf16>
        %unpack3A_1825 = tpu.unpack_subelements %mul3A_1824, 0 {pack_format = #tpu.pack_format<interleaved>} : vector<32xbf16> -> vector<16xf32>
        %unpack3A_1826 = tpu.unpack_subelements %mul3A_1824, 1 {pack_format = #tpu.pack_format<interleaved>} : vector<32xbf16> -> vector<16xf32>
        %add3A_1827 = arith.addf %unpack3A_1825, %unpack3A_1826 : vector<16xf32>
        %add3A_1828 = arith.addf %add3A_1810, %add3A_1827 : vector<16xf32>
        %get3A_1829 = arith.index_cast %add3A_1796 : i32 to index
        %get3A_1830 = arith.constant 32 : index
        %get3A_1831 = tpu.vector_load %arg13[%get3A_1829, %get3A_1830] {strides = array<i32>} : memref<80x64xi32, #tpu.memory_space<vmem>>, vector<16xi32>,
        %bitcast3A_1832 = vector.bitcast %get3A_1831 : vector<16xi32> to vector<32xbf16>
        %get3A_1833 = arith.index_cast %add3A_1796 : i32 to index
        %get3A_1834 = arith.constant 32 : index
        %get3A_1835 = tpu.vector_load %arg14[%get3A_1833, %get3A_1834] {strides = array<i32>} : memref<80x64xi32, #tpu.memory_space<vmem>>, vector<16xi32>,
        %bitcast3A_1836 = vector.bitcast %get3A_1835 : vector<16xi32> to vector<32xbf16>
        %get3A_1837 = arith.index_cast %add3A_1796 : i32 to index
        %get3A_1838 = arith.constant 32 : index
        %get3A_1839 = tpu.vector_load %arg15[%get3A_1837, %get3A_1838] {strides = array<i32>} : memref<80x64xi32, #tpu.memory_space<vmem>>, vector<16xi32>,
        %bitcast3A_1840 = vector.bitcast %get3A_1839 : vector<16xi32> to vector<32xbf16>
        %mul3A_1841 = arith.mulf %bitcast3A_1832, %bitcast3A_1840 : vector<32xbf16>
        %mul3A_1842 = arith.mulf %mul3A_1841, %bitcast3A_1836 : vector<32xbf16>
        %unpack3A_1843 = tpu.unpack_subelements %mul3A_1842, 0 {pack_format = #tpu.pack_format<interleaved>} : vector<32xbf16> -> vector<16xf32>
        %unpack3A_1844 = tpu.unpack_subelements %mul3A_1842, 1 {pack_format = #tpu.pack_format<interleaved>} : vector<32xbf16> -> vector<16xf32>
        %add3A_1845 = arith.addf %unpack3A_1843, %unpack3A_1844 : vector<16xf32>
        %add3A_1846 = arith.addf %add3A_1828, %add3A_1845 : vector<16xf32>
        %get3A_1847 = arith.index_cast %add3A_1796 : i32 to index
        %get3A_1848 = arith.constant 48 : index
        %get3A_1849 = tpu.vector_load %arg13[%get3A_1847, %get3A_1848] {strides = array<i32>} : memref<80x64xi32, #tpu.memory_space<vmem>>, vector<16xi32>,
        %bitcast3A_1850 = vector.bitcast %get3A_1849 : vector<16xi32> to vector<32xbf16>
        %get3A_1851 = arith.index_cast %add3A_1796 : i32 to index
        %get3A_1852 = arith.constant 48 : index
        %get3A_1853 = tpu.vector_load %arg14[%get3A_1851, %get3A_1852] {strides = array<i32>} : memref<80x64xi32, #tpu.memory_space<vmem>>, vector<16xi32>,
        %bitcast3A_1854 = vector.bitcast %get3A_1853 : vector<16xi32> to vector<32xbf16>
        %get3A_1855 = arith.index_cast %add3A_1796 : i32 to index
        %get3A_1856 = arith.constant 48 : index
        %get3A_1857 = tpu.vector_load %arg15[%get3A_1855, %get3A_1856] {strides = array<i32>} : memref<80x64xi32, #tpu.memory_space<vmem>>, vector<16xi32>,
        %bitcast3A_1858 = vector.bitcast %get3A_1857 : vector<16xi32> to vector<32xbf16>
        %mul3A_1859 = arith.mulf %bitcast3A_1850, %bitcast3A_1858 : vector<32xbf16>
        %mul3A_1860 = arith.mulf %mul3A_1859, %bitcast3A_1854 : vector<32xbf16>
        %unpack3A_1861 = tpu.unpack_subelements %mul3A_1860, 0 {pack_format = #tpu.pack_format<interleaved>} : vector<32xbf16> -> vector<16xf32>
        %unpack3A_1862 = tpu.unpack_subelements %mul3A_1860, 1 {pack_format = #tpu.pack_format<interleaved>} : vector<32xbf16> -> vector<16xf32>
        %add3A_1863 = arith.addf %unpack3A_1861, %unpack3A_1862 : vector<16xf32>
        %add3A_1864 = arith.addf %add3A_1846, %add3A_1863 : vector<16xf32>
        %mul3A_1865 = arith.constant 17 : i32
        %mul3A_1866 = arith.muli %scan3A_1794, %mul3A_1865 : i32
        %swap3A_1867 = arith.index_cast %mul3A_1866 : i32 to index
        %swap3A_1868 = tpu.vector_load %arg17[%swap3A_1867] {strides = array<i32>} : memref<272xf32, #tpu.memory_space<vmem>>, vector<16xf32>,
        tpu.vector_store %arg17[%swap3A_1867], %add3A_1864 {strides = array<i32>} : memref<272xf32, #tpu.memory_space<vmem>>, vector<16xf32>,
        %scan3A_1869 = arith.constant 1 : i32
        %scan3A_1870 = arith.addi %scan3A_1794, %scan3A_1869 : i32
        %add3A_1871 = arith.constant 16 : i32
        %add3A_1872 = arith.addi %add3A_1871, %scan3A_1870 : i32
        %get3A_1873 = arith.index_cast %add3A_1872 : i32 to index
        %get3A_1874 = arith.constant 0 : index
        %get3A_1875 = tpu.vector_load %arg13[%get3A_1873, %get3A_1874] {strides = array<i32>} : memref<80x64xi32, #tpu.memory_space<vmem>>, vector<16xi32>,
        %bitcast3A_1876 = vector.bitcast %get3A_1875 : vector<16xi32> to vector<32xbf16>
        %get3A_1877 = arith.index_cast %add3A_1872 : i32 to index
        %get3A_1878 = arith.constant 0 : index
        %get3A_1879 = tpu.vector_load %arg14[%get3A_1877, %get3A_1878] {strides = array<i32>} : memref<80x64xi32, #tpu.memory_space<vmem>>, vector<16xi32>,
        %bitcast3A_1880 = vector.bitcast %get3A_1879 : vector<16xi32> to vector<32xbf16>
        %get3A_1881 = arith.index_cast %add3A_1872 : i32 to index
        %get3A_1882 = arith.constant 0 : index
        %get3A_1883 = tpu.vector_load %arg15[%get3A_1881, %get3A_1882] {strides = array<i32>} : memref<80x64xi32, #tpu.memory_space<vmem>>, vector<16xi32>,
        %bitcast3A_1884 = vector.bitcast %get3A_1883 : vector<16xi32> to vector<32xbf16>
        %mul3A_1885 = arith.mulf %bitcast3A_1876, %bitcast3A_1884 : vector<32xbf16>
        %mul3A_1886 = arith.mulf %mul3A_1885, %bitcast3A_1880 : vector<32xbf16>
        %unpack3A_1887 = tpu.unpack_subelements %mul3A_1886, 0 {pack_format = #tpu.pack_format<interleaved>} : vector<32xbf16> -> vector<16xf32>
        %unpack3A_1888 = tpu.unpack_subelements %mul3A_1886, 1 {pack_format = #tpu.pack_format<interleaved>} : vector<32xbf16> -> vector<16xf32>
        %add3A_1889 = arith.addf %unpack3A_1887, %unpack3A_1888 : vector<16xf32>
        %get3A_1890 = arith.index_cast %add3A_1872 : i32 to index
        %get3A_1891 = arith.constant 16 : index
        %get3A_1892 = tpu.vector_load %arg13[%get3A_1890, %get3A_1891] {strides = array<i32>} : memref<80x64xi32, #tpu.memory_space<vmem>>, vector<16xi32>,
        %bitcast3A_1893 = vector.bitcast %get3A_1892 : vector<16xi32> to vector<32xbf16>
        %get3A_1894 = arith.index_cast %add3A_1872 : i32 to index
        %get3A_1895 = arith.constant 16 : index
        %get3A_1896 = tpu.vector_load %arg14[%get3A_1894, %get3A_1895] {strides = array<i32>} : memref<80x64xi32, #tpu.memory_space<vmem>>, vector<16xi32>,
        %bitcast3A_1897 = vector.bitcast %get3A_1896 : vector<16xi32> to vector<32xbf16>
        %get3A_1898 = arith.index_cast %add3A_1872 : i32 to index
        %get3A_1899 = arith.constant 16 : index
        %get3A_1900 = tpu.vector_load %arg15[%get3A_1898, %get3A_1899] {strides = array<i32>} : memref<80x64xi32, #tpu.memory_space<vmem>>, vector<16xi32>,
        %bitcast3A_1901 = vector.bitcast %get3A_1900 : vector<16xi32> to vector<32xbf16>
        %mul3A_1902 = arith.mulf %bitcast3A_1893, %bitcast3A_1901 : vector<32xbf16>
        %mul3A_1903 = arith.mulf %mul3A_1902, %bitcast3A_1897 : vector<32xbf16>
        %unpack3A_1904 = tpu.unpack_subelements %mul3A_1903, 0 {pack_format = #tpu.pack_format<interleaved>} : vector<32xbf16> -> vector<16xf32>
        %unpack3A_1905 = tpu.unpack_subelements %mul3A_1903, 1 {pack_format = #tpu.pack_format<interleaved>} : vector<32xbf16> -> vector<16xf32>
        %add3A_1906 = arith.addf %unpack3A_1904, %unpack3A_1905 : vector<16xf32>
        %add3A_1907 = arith.addf %add3A_1889, %add3A_1906 : vector<16xf32>
        %get3A_1908 = arith.index_cast %add3A_1872 : i32 to index
        %get3A_1909 = arith.constant 32 : index
        %get3A_1910 = tpu.vector_load %arg13[%get3A_1908, %get3A_1909] {strides = array<i32>} : memref<80x64xi32, #tpu.memory_space<vmem>>, vector<16xi32>,
        %bitcast3A_1911 = vector.bitcast %get3A_1910 : vector<16xi32> to vector<32xbf16>
        %get3A_1912 = arith.index_cast %add3A_1872 : i32 to index
        %get3A_1913 = arith.constant 32 : index
        %get3A_1914 = tpu.vector_load %arg14[%get3A_1912, %get3A_1913] {strides = array<i32>} : memref<80x64xi32, #tpu.memory_space<vmem>>, vector<16xi32>,
        %bitcast3A_1915 = vector.bitcast %get3A_1914 : vector<16xi32> to vector<32xbf16>
        %get3A_1916 = arith.index_cast %add3A_1872 : i32 to index
        %get3A_1917 = arith.constant 32 : index
        %get3A_1918 = tpu.vector_load %arg15[%get3A_1916, %get3A_1917] {strides = array<i32>} : memref<80x64xi32, #tpu.memory_space<vmem>>, vector<16xi32>,
        %bitcast3A_1919 = vector.bitcast %get3A_1918 : vector<16xi32> to vector<32xbf16>
        %mul3A_1920 = arith.mulf %bitcast3A_1911, %bitcast3A_1919 : vector<32xbf16>
        %mul3A_1921 = arith.mulf %mul3A_1920, %bitcast3A_1915 : vector<32xbf16>
        %unpack3A_1922 = tpu.unpack_subelements %mul3A_1921, 0 {pack_format = #tpu.pack_format<interleaved>} : vector<32xbf16> -> vector<16xf32>
        %unpack3A_1923 = tpu.unpack_subelements %mul3A_1921, 1 {pack_format = #tpu.pack_format<interleaved>} : vector<32xbf16> -> vector<16xf32>
        %add3A_1924 = arith.addf %unpack3A_1922, %unpack3A_1923 : vector<16xf32>
        %add3A_1925 = arith.addf %add3A_1907, %add3A_1924 : vector<16xf32>
        %get3A_1926 = arith.index_cast %add3A_1872 : i32 to index
        %get3A_1927 = arith.constant 48 : index
        %get3A_1928 = tpu.vector_load %arg13[%get3A_1926, %get3A_1927] {strides = array<i32>} : memref<80x64xi32, #tpu.memory_space<vmem>>, vector<16xi32>,
        %bitcast3A_1929 = vector.bitcast %get3A_1928 : vector<16xi32> to vector<32xbf16>
        %get3A_1930 = arith.index_cast %add3A_1872 : i32 to index
        %get3A_1931 = arith.constant 48 : index
        %get3A_1932 = tpu.vector_load %arg14[%get3A_1930, %get3A_1931] {strides = array<i32>} : memref<80x64xi32, #tpu.memory_space<vmem>>, vector<16xi32>,
        %bitcast3A_1933 = vector.bitcast %get3A_1932 : vector<16xi32> to vector<32xbf16>
        %get3A_1934 = arith.index_cast %add3A_1872 : i32 to index
        %get3A_1935 = arith.constant 48 : index
        %get3A_1936 = tpu.vector_load %arg15[%get3A_1934, %get3A_1935] {strides = array<i32>} : memref<80x64xi32, #tpu.memory_space<vmem>>, vector<16xi32>,
        %bitcast3A_1937 = vector.bitcast %get3A_1936 : vector<16xi32> to vector<32xbf16>
        %mul3A_1938 = arith.mulf %bitcast3A_1929, %bitcast3A_1937 : vector<32xbf16>
        %mul3A_1939 = arith.mulf %mul3A_1938, %bitcast3A_1933 : vector<32xbf16>
        %unpack3A_1940 = tpu.unpack_subelements %mul3A_1939, 0 {pack_format = #tpu.pack_format<interleaved>} : vector<32xbf16> -> vector<16xf32>
        %unpack3A_1941 = tpu.unpack_subelements %mul3A_1939, 1 {pack_format = #tpu.pack_format<interleaved>} : vector<32xbf16> -> vector<16xf32>
        %add3A_1942 = arith.addf %unpack3A_1940, %unpack3A_1941 : vector<16xf32>
        %add3A_1943 = arith.addf %add3A_1925, %add3A_1942 : vector<16xf32>
        %mul3A_1944 = arith.constant 17 : i32
        %mul3A_1945 = arith.muli %scan3A_1870, %mul3A_1944 : i32
        %swap3A_1946 = arith.index_cast %mul3A_1945 : i32 to index
        %swap3A_1947 = tpu.vector_load %arg17[%swap3A_1946] {strides = array<i32>} : memref<272xf32, #tpu.memory_space<vmem>>, vector<16xf32>,
        tpu.vector_store %arg17[%swap3A_1946], %add3A_1943 {strides = array<i32>} : memref<272xf32, #tpu.memory_space<vmem>>, vector<16xf32>,
      }
      %scan3A_1371 = arith.constant 16 : i32
      %gather3A_1372 = tpu.vector_load_idx %arg17[%mul3A_6] : memref<272xf32, #tpu.memory_space<vmem>>[vector<16xi32>], vector<16xf32>,
      %add3A_1373 = arith.constant 1 : i32
      %add3A_1374 = vector.broadcast %add3A_1373 : i32 to vector<16xi32>
      %add3A_1375 = arith.addi %mul3A_6, %add3A_1374 : vector<16xi32>
      %gather3A_1376 = tpu.vector_load_idx %arg17[%add3A_1375] : memref<272xf32, #tpu.memory_space<vmem>>[vector<16xi32>], vector<16xf32>,
      %add3A_1377 = arith.constant 2 : i32
      %add3A_1378 = vector.broadcast %add3A_1377 : i32 to vector<16xi32>
      %add3A_1379 = arith.addi %mul3A_6, %add3A_1378 : vector<16xi32>
      %gather3A_1380 = tpu.vector_load_idx %arg17[%add3A_1379] : memref<272xf32, #tpu.memory_space<vmem>>[vector<16xi32>], vector<16xf32>,
      %add3A_1381 = arith.addf %gather3A_1372, %gather3A_1380 : vector<16xf32>
      %add3A_1382 = arith.constant 2 : i32
      %add3A_1383 = vector.broadcast %add3A_1382 : i32 to vector<16xi32>
      %add3A_1384 = arith.addi %mul3A_6, %add3A_1383 : vector<16xi32>
      %add3A_1385 = arith.constant 1 : i32
      %add3A_1386 = vector.broadcast %add3A_1385 : i32 to vector<16xi32>
      %add3A_1387 = arith.addi %add3A_1384, %add3A_1386 : vector<16xi32>
      %gather3A_1388 = tpu.vector_load_idx %arg17[%add3A_1387] : memref<272xf32, #tpu.memory_space<vmem>>[vector<16xi32>], vector<16xf32>,
      %add3A_1389 = arith.addf %gather3A_1376, %gather3A_1388 : vector<16xf32>
      %add3A_1390 = arith.constant 4 : i32
      %add3A_1391 = vector.broadcast %add3A_1390 : i32 to vector<16xi32>
      %add3A_1392 = arith.addi %mul3A_6, %add3A_1391 : vector<16xi32>
      %gather3A_1393 = tpu.vector_load_idx %arg17[%add3A_1392] : memref<272xf32, #tpu.memory_space<vmem>>[vector<16xi32>], vector<16xf32>,
      %add3A_1394 = arith.addf %add3A_1381, %gather3A_1393 : vector<16xf32>
      %add3A_1395 = arith.constant 4 : i32
      %add3A_1396 = vector.broadcast %add3A_1395 : i32 to vector<16xi32>
      %add3A_1397 = arith.addi %mul3A_6, %add3A_1396 : vector<16xi32>
      %add3A_1398 = arith.constant 1 : i32
      %add3A_1399 = vector.broadcast %add3A_1398 : i32 to vector<16xi32>
      %add3A_1400 = arith.addi %add3A_1397, %add3A_1399 : vector<16xi32>
      %gather3A_1401 = tpu.vector_load_idx %arg17[%add3A_1400] : memref<272xf32, #tpu.memory_space<vmem>>[vector<16xi32>], vector<16xf32>,
      %add3A_1402 = arith.addf %add3A_1389, %gather3A_1401 : vector<16xf32>
      %add3A_1403 = arith.constant 6 : i32
      %add3A_1404 = vector.broadcast %add3A_1403 : i32 to vector<16xi32>
      %add3A_1405 = arith.addi %mul3A_6, %add3A_1404 : vector<16xi32>
      %gather3A_1406 = tpu.vector_load_idx %arg17[%add3A_1405] : memref<272xf32, #tpu.memory_space<vmem>>[vector<16xi32>], vector<16xf32>,
      %add3A_1407 = arith.addf %add3A_1394, %gather3A_1406 : vector<16xf32>
      %add3A_1408 = arith.constant 6 : i32
      %add3A_1409 = vector.broadcast %add3A_1408 : i32 to vector<16xi32>
      %add3A_1410 = arith.addi %mul3A_6, %add3A_1409 : vector<16xi32>
      %add3A_1411 = arith.constant 1 : i32
      %add3A_1412 = vector.broadcast %add3A_1411 : i32 to vector<16xi32>
      %add3A_1413 = arith.addi %add3A_1410, %add3A_1412 : vector<16xi32>
      %gather3A_1414 = tpu.vector_load_idx %arg17[%add3A_1413] : memref<272xf32, #tpu.memory_space<vmem>>[vector<16xi32>], vector<16xf32>,
      %add3A_1415 = arith.addf %add3A_1402, %gather3A_1414 : vector<16xf32>
      %add3A_1416 = arith.constant 8 : i32
      %add3A_1417 = vector.broadcast %add3A_1416 : i32 to vector<16xi32>
      %add3A_1418 = arith.addi %mul3A_6, %add3A_1417 : vector<16xi32>
      %gather3A_1419 = tpu.vector_load_idx %arg17[%add3A_1418] : memref<272xf32, #tpu.memory_space<vmem>>[vector<16xi32>], vector<16xf32>,
      %add3A_1420 = arith.addf %add3A_1407, %gather3A_1419 : vector<16xf32>
      %add3A_1421 = arith.constant 8 : i32
      %add3A_1422 = vector.broadcast %add3A_1421 : i32 to vector<16xi32>
      %add3A_1423 = arith.addi %mul3A_6, %add3A_1422 : vector<16xi32>
      %add3A_1424 = arith.constant 1 : i32
      %add3A_1425 = vector.broadcast %add3A_1424 : i32 to vector<16xi32>
      %add3A_1426 = arith.addi %add3A_1423, %add3A_1425 : vector<16xi32>
      %gather3A_1427 = tpu.vector_load_idx %arg17[%add3A_1426] : memref<272xf32, #tpu.memory_space<vmem>>[vector<16xi32>], vector<16xf32>,
      %add3A_1428 = arith.addf %add3A_1415, %gather3A_1427 : vector<16xf32>
      %add3A_1429 = arith.constant 10 : i32
      %add3A_1430 = vector.broadcast %add3A_1429 : i32 to vector<16xi32>
      %add3A_1431 = arith.addi %mul3A_6, %add3A_1430 : vector<16xi32>
      %gather3A_1432 = tpu.vector_load_idx %arg17[%add3A_1431] : memref<272xf32, #tpu.memory_space<vmem>>[vector<16xi32>], vector<16xf32>,
      %add3A_1433 = arith.addf %add3A_1420, %gather3A_1432 : vector<16xf32>
      %add3A_1434 = arith.constant 10 : i32
      %add3A_1435 = vector.broadcast %add3A_1434 : i32 to vector<16xi32>
      %add3A_1436 = arith.addi %mul3A_6, %add3A_1435 : vector<16xi32>
      %add3A_1437 = arith.constant 1 : i32
      %add3A_1438 = vector.broadcast %add3A_1437 : i32 to vector<16xi32>
      %add3A_1439 = arith.addi %add3A_1436, %add3A_1438 : vector<16xi32>
      %gather3A_1440 = tpu.vector_load_idx %arg17[%add3A_1439] : memref<272xf32, #tpu.memory_space<vmem>>[vector<16xi32>], vector<16xf32>,
      %add3A_1441 = arith.addf %add3A_1428, %gather3A_1440 : vector<16xf32>
      %add3A_1442 = arith.constant 12 : i32
      %add3A_1443 = vector.broadcast %add3A_1442 : i32 to vector<16xi32>
      %add3A_1444 = arith.addi %mul3A_6, %add3A_1443 : vector<16xi32>
      %gather3A_1445 = tpu.vector_load_idx %arg17[%add3A_1444] : memref<272xf32, #tpu.memory_space<vmem>>[vector<16xi32>], vector<16xf32>,
      %add3A_1446 = arith.addf %add3A_1433, %gather3A_1445 : vector<16xf32>
      %add3A_1447 = arith.constant 12 : i32
      %add3A_1448 = vector.broadcast %add3A_1447 : i32 to vector<16xi32>
      %add3A_1449 = arith.addi %mul3A_6, %add3A_1448 : vector<16xi32>
      %add3A_1450 = arith.constant 1 : i32
      %add3A_1451 = vector.broadcast %add3A_1450 : i32 to vector<16xi32>
      %add3A_1452 = arith.addi %add3A_1449, %add3A_1451 : vector<16xi32>
      %gather3A_1453 = tpu.vector_load_idx %arg17[%add3A_1452] : memref<272xf32, #tpu.memory_space<vmem>>[vector<16xi32>], vector<16xf32>,
      %add3A_1454 = arith.addf %add3A_1441, %gather3A_1453 : vector<16xf32>
      %add3A_1455 = arith.constant 14 : i32
      %add3A_1456 = vector.broadcast %add3A_1455 : i32 to vector<16xi32>
      %add3A_1457 = arith.addi %mul3A_6, %add3A_1456 : vector<16xi32>
      %gather3A_1458 = tpu.vector_load_idx %arg17[%add3A_1457] : memref<272xf32, #tpu.memory_space<vmem>>[vector<16xi32>], vector<16xf32>,
      %add3A_1459 = arith.addf %add3A_1446, %gather3A_1458 : vector<16xf32>
      %add3A_1460 = arith.constant 14 : i32
      %add3A_1461 = vector.broadcast %add3A_1460 : i32 to vector<16xi32>
      %add3A_1462 = arith.addi %mul3A_6, %add3A_1461 : vector<16xi32>
      %add3A_1463 = arith.constant 1 : i32
      %add3A_1464 = vector.broadcast %add3A_1463 : i32 to vector<16xi32>
      %add3A_1465 = arith.addi %add3A_1462, %add3A_1464 : vector<16xi32>
      %gather3A_1466 = tpu.vector_load_idx %arg17[%add3A_1465] : memref<272xf32, #tpu.memory_space<vmem>>[vector<16xi32>], vector<16xf32>,
      %add3A_1467 = arith.addf %add3A_1454, %gather3A_1466 : vector<16xf32>
      %add3A_1468 = arith.addf %add3A_1459, %add3A_1467 : vector<16xf32>
      %add3A_1469 = arith.constant 16 : i32
      %add3A_1470 = arith.addi %mul3A_1258, %add3A_1469 : i32
      %swap3A_1471 = arith.index_cast %add3A_1470 : i32 to index
      %swap3A_1472 = tpu.vector_load %arg16[%swap3A_1471] {strides = array<i32>} : memref<10000xf32, #tpu.memory_space<vmem>>, vector<16xf32>,
      tpu.vector_store %arg16[%swap3A_1471], %add3A_1468 {strides = array<i32>} : memref<10000xf32, #tpu.memory_space<vmem>>, vector<16xf32>,
      %scan3A_1473 = arith.constant 0 : i32
      %scan3A_1474 = arith.constant 0 : i32
      %scan3A_1475 = arith.constant 16 : i32
      %scan3A_1476 = arith.addi %scan3A_1474, %scan3A_1475 : i32
      %scan3A_1477 = arith.constant 2 : i32
      scf.for %scan3A_1794 = %scan3A_1474 to %scan3A_1476 step %scan3A_1477  : i32 {
        %add3A_1795 = arith.constant 32 : i32
        %add3A_1796 = arith.addi %add3A_1795, %scan3A_1794 : i32
        %get3A = arith.index_cast %add3A_1796 : i32 to index
        %get3A_1797 = arith.constant 0 : index
        %get3A_1798 = tpu.vector_load %arg13[%get3A, %get3A_1797] {strides = array<i32>} : memref<80x64xi32, #tpu.memory_space<vmem>>, vector<16xi32>,
        %bitcast3A = vector.bitcast %get3A_1798 : vector<16xi32> to vector<32xbf16>
        %get3A_1799 = arith.index_cast %add3A_1796 : i32 to index
        %get3A_1800 = arith.constant 0 : index
        %get3A_1801 = tpu.vector_load %arg14[%get3A_1799, %get3A_1800] {strides = array<i32>} : memref<80x64xi32, #tpu.memory_space<vmem>>, vector<16xi32>,
        %bitcast3A_1802 = vector.bitcast %get3A_1801 : vector<16xi32> to vector<32xbf16>
        %get3A_1803 = arith.index_cast %add3A_1796 : i32 to index
        %get3A_1804 = arith.constant 0 : index
        %get3A_1805 = tpu.vector_load %arg15[%get3A_1803, %get3A_1804] {strides = array<i32>} : memref<80x64xi32, #tpu.memory_space<vmem>>, vector<16xi32>,
        %bitcast3A_1806 = vector.bitcast %get3A_1805 : vector<16xi32> to vector<32xbf16>
        %mul3A_1807 = arith.mulf %bitcast3A, %bitcast3A_1806 : vector<32xbf16>
        %mul3A_1808 = arith.mulf %mul3A_1807, %bitcast3A_1802 : vector<32xbf16>
        %unpack3A = tpu.unpack_subelements %mul3A_1808, 0 {pack_format = #tpu.pack_format<interleaved>} : vector<32xbf16> -> vector<16xf32>
        %unpack3A_1809 = tpu.unpack_subelements %mul3A_1808, 1 {pack_format = #tpu.pack_format<interleaved>} : vector<32xbf16> -> vector<16xf32>
        %add3A_1810 = arith.addf %unpack3A, %unpack3A_1809 : vector<16xf32>
        %get3A_1811 = arith.index_cast %add3A_1796 : i32 to index
        %get3A_1812 = arith.constant 16 : index
        %get3A_1813 = tpu.vector_load %arg13[%get3A_1811, %get3A_1812] {strides = array<i32>} : memref<80x64xi32, #tpu.memory_space<vmem>>, vector<16xi32>,
        %bitcast3A_1814 = vector.bitcast %get3A_1813 : vector<16xi32> to vector<32xbf16>
        %get3A_1815 = arith.index_cast %add3A_1796 : i32 to index
        %get3A_1816 = arith.constant 16 : index
        %get3A_1817 = tpu.vector_load %arg14[%get3A_1815, %get3A_1816] {strides = array<i32>} : memref<80x64xi32, #tpu.memory_space<vmem>>, vector<16xi32>,
        %bitcast3A_1818 = vector.bitcast %get3A_1817 : vector<16xi32> to vector<32xbf16>
        %get3A_1819 = arith.index_cast %add3A_1796 : i32 to index
        %get3A_1820 = arith.constant 16 : index
        %get3A_1821 = tpu.vector_load %arg15[%get3A_1819, %get3A_1820] {strides = array<i32>} : memref<80x64xi32, #tpu.memory_space<vmem>>, vector<16xi32>,
        %bitcast3A_1822 = vector.bitcast %get3A_1821 : vector<16xi32> to vector<32xbf16>
        %mul3A_1823 = arith.mulf %bitcast3A_1814, %bitcast3A_1822 : vector<32xbf16>
        %mul3A_1824 = arith.mulf %mul3A_1823, %bitcast3A_1818 : vector<32xbf16>
        %unpack3A_1825 = tpu.unpack_subelements %mul3A_1824, 0 {pack_format = #tpu.pack_format<interleaved>} : vector<32xbf16> -> vector<16xf32>
        %unpack3A_1826 = tpu.unpack_subelements %mul3A_1824, 1 {pack_format = #tpu.pack_format<interleaved>} : vector<32xbf16> -> vector<16xf32>
        %add3A_1827 = arith.addf %unpack3A_1825, %unpack3A_1826 : vector<16xf32>
        %add3A_1828 = arith.addf %add3A_1810, %add3A_1827 : vector<16xf32>
        %get3A_1829 = arith.index_cast %add3A_1796 : i32 to index
        %get3A_1830 = arith.constant 32 : index
        %get3A_1831 = tpu.vector_load %arg13[%get3A_1829, %get3A_1830] {strides = array<i32>} : memref<80x64xi32, #tpu.memory_space<vmem>>, vector<16xi32>,
        %bitcast3A_1832 = vector.bitcast %get3A_1831 : vector<16xi32> to vector<32xbf16>
        %get3A_1833 = arith.index_cast %add3A_1796 : i32 to index
        %get3A_1834 = arith.constant 32 : index
        %get3A_1835 = tpu.vector_load %arg14[%get3A_1833, %get3A_1834] {strides = array<i32>} : memref<80x64xi32, #tpu.memory_space<vmem>>, vector<16xi32>,
        %bitcast3A_1836 = vector.bitcast %get3A_1835 : vector<16xi32> to vector<32xbf16>
        %get3A_1837 = arith.index_cast %add3A_1796 : i32 to index
        %get3A_1838 = arith.constant 32 : index
        %get3A_1839 = tpu.vector_load %arg15[%get3A_1837, %get3A_1838] {strides = array<i32>} : memref<80x64xi32, #tpu.memory_space<vmem>>, vector<16xi32>,
        %bitcast3A_1840 = vector.bitcast %get3A_1839 : vector<16xi32> to vector<32xbf16>
        %mul3A_1841 = arith.mulf %bitcast3A_1832, %bitcast3A_1840 : vector<32xbf16>
        %mul3A_1842 = arith.mulf %mul3A_1841, %bitcast3A_1836 : vector<32xbf16>
        %unpack3A_1843 = tpu.unpack_subelements %mul3A_1842, 0 {pack_format = #tpu.pack_format<interleaved>} : vector<32xbf16> -> vector<16xf32>
        %unpack3A_1844 = tpu.unpack_subelements %mul3A_1842, 1 {pack_format = #tpu.pack_format<interleaved>} : vector<32xbf16> -> vector<16xf32>
        %add3A_1845 = arith.addf %unpack3A_1843, %unpack3A_1844 : vector<16xf32>
        %add3A_1846 = arith.addf %add3A_1828, %add3A_1845 : vector<16xf32>
        %get3A_1847 = arith.index_cast %add3A_1796 : i32 to index
        %get3A_1848 = arith.constant 48 : index
        %get3A_1849 = tpu.vector_load %arg13[%get3A_1847, %get3A_1848] {strides = array<i32>} : memref<80x64xi32, #tpu.memory_space<vmem>>, vector<16xi32>,
        %bitcast3A_1850 = vector.bitcast %get3A_1849 : vector<16xi32> to vector<32xbf16>
        %get3A_1851 = arith.index_cast %add3A_1796 : i32 to index
        %get3A_1852 = arith.constant 48 : index
        %get3A_1853 = tpu.vector_load %arg14[%get3A_1851, %get3A_1852] {strides = array<i32>} : memref<80x64xi32, #tpu.memory_space<vmem>>, vector<16xi32>,
        %bitcast3A_1854 = vector.bitcast %get3A_1853 : vector<16xi32> to vector<32xbf16>
        %get3A_1855 = arith.index_cast %add3A_1796 : i32 to index
        %get3A_1856 = arith.constant 48 : index
        %get3A_1857 = tpu.vector_load %arg15[%get3A_1855, %get3A_1856] {strides = array<i32>} : memref<80x64xi32, #tpu.memory_space<vmem>>, vector<16xi32>,
        %bitcast3A_1858 = vector.bitcast %get3A_1857 : vector<16xi32> to vector<32xbf16>
        %mul3A_1859 = arith.mulf %bitcast3A_1850, %bitcast3A_1858 : vector<32xbf16>
        %mul3A_1860 = arith.mulf %mul3A_1859, %bitcast3A_1854 : vector<32xbf16>
        %unpack3A_1861 = tpu.unpack_subelements %mul3A_1860, 0 {pack_format = #tpu.pack_format<interleaved>} : vector<32xbf16> -> vector<16xf32>
        %unpack3A_1862 = tpu.unpack_subelements %mul3A_1860, 1 {pack_format = #tpu.pack_format<interleaved>} : vector<32xbf16> -> vector<16xf32>
        %add3A_1863 = arith.addf %unpack3A_1861, %unpack3A_1862 : vector<16xf32>
        %add3A_1864 = arith.addf %add3A_1846, %add3A_1863 : vector<16xf32>
        %mul3A_1865 = arith.constant 17 : i32
        %mul3A_1866 = arith.muli %scan3A_1794, %mul3A_1865 : i32
        %swap3A_1867 = arith.index_cast %mul3A_1866 : i32 to index
        %swap3A_1868 = tpu.vector_load %arg17[%swap3A_1867] {strides = array<i32>} : memref<272xf32, #tpu.memory_space<vmem>>, vector<16xf32>,
        tpu.vector_store %arg17[%swap3A_1867], %add3A_1864 {strides = array<i32>} : memref<272xf32, #tpu.memory_space<vmem>>, vector<16xf32>,
        %scan3A_1869 = arith.constant 1 : i32
        %scan3A_1870 = arith.addi %scan3A_1794, %scan3A_1869 : i32
        %add3A_1871 = arith.constant 32 : i32
        %add3A_1872 = arith.addi %add3A_1871, %scan3A_1870 : i32
        %get3A_1873 = arith.index_cast %add3A_1872 : i32 to index
        %get3A_1874 = arith.constant 0 : index
        %get3A_1875 = tpu.vector_load %arg13[%get3A_1873, %get3A_1874] {strides = array<i32>} : memref<80x64xi32, #tpu.memory_space<vmem>>, vector<16xi32>,
        %bitcast3A_1876 = vector.bitcast %get3A_1875 : vector<16xi32> to vector<32xbf16>
        %get3A_1877 = arith.index_cast %add3A_1872 : i32 to index
        %get3A_1878 = arith.constant 0 : index
        %get3A_1879 = tpu.vector_load %arg14[%get3A_1877, %get3A_1878] {strides = array<i32>} : memref<80x64xi32, #tpu.memory_space<vmem>>, vector<16xi32>,
        %bitcast3A_1880 = vector.bitcast %get3A_1879 : vector<16xi32> to vector<32xbf16>
        %get3A_1881 = arith.index_cast %add3A_1872 : i32 to index
        %get3A_1882 = arith.constant 0 : index
        %get3A_1883 = tpu.vector_load %arg15[%get3A_1881, %get3A_1882] {strides = array<i32>} : memref<80x64xi32, #tpu.memory_space<vmem>>, vector<16xi32>,
        %bitcast3A_1884 = vector.bitcast %get3A_1883 : vector<16xi32> to vector<32xbf16>
        %mul3A_1885 = arith.mulf %bitcast3A_1876, %bitcast3A_1884 : vector<32xbf16>
        %mul3A_1886 = arith.mulf %mul3A_1885, %bitcast3A_1880 : vector<32xbf16>
        %unpack3A_1887 = tpu.unpack_subelements %mul3A_1886, 0 {pack_format = #tpu.pack_format<interleaved>} : vector<32xbf16> -> vector<16xf32>
        %unpack3A_1888 = tpu.unpack_subelements %mul3A_1886, 1 {pack_format = #tpu.pack_format<interleaved>} : vector<32xbf16> -> vector<16xf32>
        %add3A_1889 = arith.addf %unpack3A_1887, %unpack3A_1888 : vector<16xf32>
        %get3A_1890 = arith.index_cast %add3A_1872 : i32 to index
        %get3A_1891 = arith.constant 16 : index
        %get3A_1892 = tpu.vector_load %arg13[%get3A_1890, %get3A_1891] {strides = array<i32>} : memref<80x64xi32, #tpu.memory_space<vmem>>, vector<16xi32>,
        %bitcast3A_1893 = vector.bitcast %get3A_1892 : vector<16xi32> to vector<32xbf16>
        %get3A_1894 = arith.index_cast %add3A_1872 : i32 to index
        %get3A_1895 = arith.constant 16 : index
        %get3A_1896 = tpu.vector_load %arg14[%get3A_1894, %get3A_1895] {strides = array<i32>} : memref<80x64xi32, #tpu.memory_space<vmem>>, vector<16xi32>,
        %bitcast3A_1897 = vector.bitcast %get3A_1896 : vector<16xi32> to vector<32xbf16>
        %get3A_1898 = arith.index_cast %add3A_1872 : i32 to index
        %get3A_1899 = arith.constant 16 : index
        %get3A_1900 = tpu.vector_load %arg15[%get3A_1898, %get3A_1899] {strides = array<i32>} : memref<80x64xi32, #tpu.memory_space<vmem>>, vector<16xi32>,
        %bitcast3A_1901 = vector.bitcast %get3A_1900 : vector<16xi32> to vector<32xbf16>
        %mul3A_1902 = arith.mulf %bitcast3A_1893, %bitcast3A_1901 : vector<32xbf16>
        %mul3A_1903 = arith.mulf %mul3A_1902, %bitcast3A_1897 : vector<32xbf16>
        %unpack3A_1904 = tpu.unpack_subelements %mul3A_1903, 0 {pack_format = #tpu.pack_format<interleaved>} : vector<32xbf16> -> vector<16xf32>
        %unpack3A_1905 = tpu.unpack_subelements %mul3A_1903, 1 {pack_format = #tpu.pack_format<interleaved>} : vector<32xbf16> -> vector<16xf32>
        %add3A_1906 = arith.addf %unpack3A_1904, %unpack3A_1905 : vector<16xf32>
        %add3A_1907 = arith.addf %add3A_1889, %add3A_1906 : vector<16xf32>
        %get3A_1908 = arith.index_cast %add3A_1872 : i32 to index
        %get3A_1909 = arith.constant 32 : index
        %get3A_1910 = tpu.vector_load %arg13[%get3A_1908, %get3A_1909] {strides = array<i32>} : memref<80x64xi32, #tpu.memory_space<vmem>>, vector<16xi32>,
        %bitcast3A_1911 = vector.bitcast %get3A_1910 : vector<16xi32> to vector<32xbf16>
        %get3A_1912 = arith.index_cast %add3A_1872 : i32 to index
        %get3A_1913 = arith.constant 32 : index
        %get3A_1914 = tpu.vector_load %arg14[%get3A_1912, %get3A_1913] {strides = array<i32>} : memref<80x64xi32, #tpu.memory_space<vmem>>, vector<16xi32>,
        %bitcast3A_1915 = vector.bitcast %get3A_1914 : vector<16xi32> to vector<32xbf16>
        %get3A_1916 = arith.index_cast %add3A_1872 : i32 to index
        %get3A_1917 = arith.constant 32 : index
        %get3A_1918 = tpu.vector_load %arg15[%get3A_1916, %get3A_1917] {strides = array<i32>} : memref<80x64xi32, #tpu.memory_space<vmem>>, vector<16xi32>,
        %bitcast3A_1919 = vector.bitcast %get3A_1918 : vector<16xi32> to vector<32xbf16>
        %mul3A_1920 = arith.mulf %bitcast3A_1911, %bitcast3A_1919 : vector<32xbf16>
        %mul3A_1921 = arith.mulf %mul3A_1920, %bitcast3A_1915 : vector<32xbf16>
        %unpack3A_1922 = tpu.unpack_subelements %mul3A_1921, 0 {pack_format = #tpu.pack_format<interleaved>} : vector<32xbf16> -> vector<16xf32>
        %unpack3A_1923 = tpu.unpack_subelements %mul3A_1921, 1 {pack_format = #tpu.pack_format<interleaved>} : vector<32xbf16> -> vector<16xf32>
        %add3A_1924 = arith.addf %unpack3A_1922, %unpack3A_1923 : vector<16xf32>
        %add3A_1925 = arith.addf %add3A_1907, %add3A_1924 : vector<16xf32>
        %get3A_1926 = arith.index_cast %add3A_1872 : i32 to index
        %get3A_1927 = arith.constant 48 : index
        %get3A_1928 = tpu.vector_load %arg13[%get3A_1926, %get3A_1927] {strides = array<i32>} : memref<80x64xi32, #tpu.memory_space<vmem>>, vector<16xi32>,
        %bitcast3A_1929 = vector.bitcast %get3A_1928 : vector<16xi32> to vector<32xbf16>
        %get3A_1930 = arith.index_cast %add3A_1872 : i32 to index
        %get3A_1931 = arith.constant 48 : index
        %get3A_1932 = tpu.vector_load %arg14[%get3A_1930, %get3A_1931] {strides = array<i32>} : memref<80x64xi32, #tpu.memory_space<vmem>>, vector<16xi32>,
        %bitcast3A_1933 = vector.bitcast %get3A_1932 : vector<16xi32> to vector<32xbf16>
        %get3A_1934 = arith.index_cast %add3A_1872 : i32 to index
        %get3A_1935 = arith.constant 48 : index
        %get3A_1936 = tpu.vector_load %arg15[%get3A_1934, %get3A_1935] {strides = array<i32>} : memref<80x64xi32, #tpu.memory_space<vmem>>, vector<16xi32>,
        %bitcast3A_1937 = vector.bitcast %get3A_1936 : vector<16xi32> to vector<32xbf16>
        %mul3A_1938 = arith.mulf %bitcast3A_1929, %bitcast3A_1937 : vector<32xbf16>
        %mul3A_1939 = arith.mulf %mul3A_1938, %bitcast3A_1933 : vector<32xbf16>
        %unpack3A_1940 = tpu.unpack_subelements %mul3A_1939, 0 {pack_format = #tpu.pack_format<interleaved>} : vector<32xbf16> -> vector<16xf32>
        %unpack3A_1941 = tpu.unpack_subelements %mul3A_1939, 1 {pack_format = #tpu.pack_format<interleaved>} : vector<32xbf16> -> vector<16xf32>
        %add3A_1942 = arith.addf %unpack3A_1940, %unpack3A_1941 : vector<16xf32>
        %add3A_1943 = arith.addf %add3A_1925, %add3A_1942 : vector<16xf32>
        %mul3A_1944 = arith.constant 17 : i32
        %mul3A_1945 = arith.muli %scan3A_1870, %mul3A_1944 : i32
        %swap3A_1946 = arith.index_cast %mul3A_1945 : i32 to index
        %swap3A_1947 = tpu.vector_load %arg17[%swap3A_1946] {strides = array<i32>} : memref<272xf32, #tpu.memory_space<vmem>>, vector<16xf32>,
        tpu.vector_store %arg17[%swap3A_1946], %add3A_1943 {strides = array<i32>} : memref<272xf32, #tpu.memory_space<vmem>>, vector<16xf32>,
      }
      %scan3A_1478 = arith.constant 16 : i32
      %gather3A_1479 = tpu.vector_load_idx %arg17[%mul3A_6] : memref<272xf32, #tpu.memory_space<vmem>>[vector<16xi32>], vector<16xf32>,
      %add3A_1480 = arith.constant 1 : i32
      %add3A_1481 = vector.broadcast %add3A_1480 : i32 to vector<16xi32>
      %add3A_1482 = arith.addi %mul3A_6, %add3A_1481 : vector<16xi32>
      %gather3A_1483 = tpu.vector_load_idx %arg17[%add3A_1482] : memref<272xf32, #tpu.memory_space<vmem>>[vector<16xi32>], vector<16xf32>,
      %add3A_1484 = arith.constant 2 : i32
      %add3A_1485 = vector.broadcast %add3A_1484 : i32 to vector<16xi32>
      %add3A_1486 = arith.addi %mul3A_6, %add3A_1485 : vector<16xi32>
      %gather3A_1487 = tpu.vector_load_idx %arg17[%add3A_1486] : memref<272xf32, #tpu.memory_space<vmem>>[vector<16xi32>], vector<16xf32>,
      %add3A_1488 = arith.addf %gather3A_1479, %gather3A_1487 : vector<16xf32>
      %add3A_1489 = arith.constant 2 : i32
      %add3A_1490 = vector.broadcast %add3A_1489 : i32 to vector<16xi32>
      %add3A_1491 = arith.addi %mul3A_6, %add3A_1490 : vector<16xi32>
      %add3A_1492 = arith.constant 1 : i32
      %add3A_1493 = vector.broadcast %add3A_1492 : i32 to vector<16xi32>
      %add3A_1494 = arith.addi %add3A_1491, %add3A_1493 : vector<16xi32>
      %gather3A_1495 = tpu.vector_load_idx %arg17[%add3A_1494] : memref<272xf32, #tpu.memory_space<vmem>>[vector<16xi32>], vector<16xf32>,
      %add3A_1496 = arith.addf %gather3A_1483, %gather3A_1495 : vector<16xf32>
      %add3A_1497 = arith.constant 4 : i32
      %add3A_1498 = vector.broadcast %add3A_1497 : i32 to vector<16xi32>
      %add3A_1499 = arith.addi %mul3A_6, %add3A_1498 : vector<16xi32>
      %gather3A_1500 = tpu.vector_load_idx %arg17[%add3A_1499] : memref<272xf32, #tpu.memory_space<vmem>>[vector<16xi32>], vector<16xf32>,
      %add3A_1501 = arith.addf %add3A_1488, %gather3A_1500 : vector<16xf32>
      %add3A_1502 = arith.constant 4 : i32
      %add3A_1503 = vector.broadcast %add3A_1502 : i32 to vector<16xi32>
      %add3A_1504 = arith.addi %mul3A_6, %add3A_1503 : vector<16xi32>
      %add3A_1505 = arith.constant 1 : i32
      %add3A_1506 = vector.broadcast %add3A_1505 : i32 to vector<16xi32>
      %add3A_1507 = arith.addi %add3A_1504, %add3A_1506 : vector<16xi32>
      %gather3A_1508 = tpu.vector_load_idx %arg17[%add3A_1507] : memref<272xf32, #tpu.memory_space<vmem>>[vector<16xi32>], vector<16xf32>,
      %add3A_1509 = arith.addf %add3A_1496, %gather3A_1508 : vector<16xf32>
      %add3A_1510 = arith.constant 6 : i32
      %add3A_1511 = vector.broadcast %add3A_1510 : i32 to vector<16xi32>
      %add3A_1512 = arith.addi %mul3A_6, %add3A_1511 : vector<16xi32>
      %gather3A_1513 = tpu.vector_load_idx %arg17[%add3A_1512] : memref<272xf32, #tpu.memory_space<vmem>>[vector<16xi32>], vector<16xf32>,
      %add3A_1514 = arith.addf %add3A_1501, %gather3A_1513 : vector<16xf32>
      %add3A_1515 = arith.constant 6 : i32
      %add3A_1516 = vector.broadcast %add3A_1515 : i32 to vector<16xi32>
      %add3A_1517 = arith.addi %mul3A_6, %add3A_1516 : vector<16xi32>
      %add3A_1518 = arith.constant 1 : i32
      %add3A_1519 = vector.broadcast %add3A_1518 : i32 to vector<16xi32>
      %add3A_1520 = arith.addi %add3A_1517, %add3A_1519 : vector<16xi32>
      %gather3A_1521 = tpu.vector_load_idx %arg17[%add3A_1520] : memref<272xf32, #tpu.memory_space<vmem>>[vector<16xi32>], vector<16xf32>,
      %add3A_1522 = arith.addf %add3A_1509, %gather3A_1521 : vector<16xf32>
      %add3A_1523 = arith.constant 8 : i32
      %add3A_1524 = vector.broadcast %add3A_1523 : i32 to vector<16xi32>
      %add3A_1525 = arith.addi %mul3A_6, %add3A_1524 : vector<16xi32>
      %gather3A_1526 = tpu.vector_load_idx %arg17[%add3A_1525] : memref<272xf32, #tpu.memory_space<vmem>>[vector<16xi32>], vector<16xf32>,
      %add3A_1527 = arith.addf %add3A_1514, %gather3A_1526 : vector<16xf32>
      %add3A_1528 = arith.constant 8 : i32
      %add3A_1529 = vector.broadcast %add3A_1528 : i32 to vector<16xi32>
      %add3A_1530 = arith.addi %mul3A_6, %add3A_1529 : vector<16xi32>
      %add3A_1531 = arith.constant 1 : i32
      %add3A_1532 = vector.broadcast %add3A_1531 : i32 to vector<16xi32>
      %add3A_1533 = arith.addi %add3A_1530, %add3A_1532 : vector<16xi32>
      %gather3A_1534 = tpu.vector_load_idx %arg17[%add3A_1533] : memref<272xf32, #tpu.memory_space<vmem>>[vector<16xi32>], vector<16xf32>,
      %add3A_1535 = arith.addf %add3A_1522, %gather3A_1534 : vector<16xf32>
      %add3A_1536 = arith.constant 10 : i32
      %add3A_1537 = vector.broadcast %add3A_1536 : i32 to vector<16xi32>
      %add3A_1538 = arith.addi %mul3A_6, %add3A_1537 : vector<16xi32>
      %gather3A_1539 = tpu.vector_load_idx %arg17[%add3A_1538] : memref<272xf32, #tpu.memory_space<vmem>>[vector<16xi32>], vector<16xf32>,
      %add3A_1540 = arith.addf %add3A_1527, %gather3A_1539 : vector<16xf32>
      %add3A_1541 = arith.constant 10 : i32
      %add3A_1542 = vector.broadcast %add3A_1541 : i32 to vector<16xi32>
      %add3A_1543 = arith.addi %mul3A_6, %add3A_1542 : vector<16xi32>
      %add3A_1544 = arith.constant 1 : i32
      %add3A_1545 = vector.broadcast %add3A_1544 : i32 to vector<16xi32>
      %add3A_1546 = arith.addi %add3A_1543, %add3A_1545 : vector<16xi32>
      %gather3A_1547 = tpu.vector_load_idx %arg17[%add3A_1546] : memref<272xf32, #tpu.memory_space<vmem>>[vector<16xi32>], vector<16xf32>,
      %add3A_1548 = arith.addf %add3A_1535, %gather3A_1547 : vector<16xf32>
      %add3A_1549 = arith.constant 12 : i32
      %add3A_1550 = vector.broadcast %add3A_1549 : i32 to vector<16xi32>
      %add3A_1551 = arith.addi %mul3A_6, %add3A_1550 : vector<16xi32>
      %gather3A_1552 = tpu.vector_load_idx %arg17[%add3A_1551] : memref<272xf32, #tpu.memory_space<vmem>>[vector<16xi32>], vector<16xf32>,
      %add3A_1553 = arith.addf %add3A_1540, %gather3A_1552 : vector<16xf32>
      %add3A_1554 = arith.constant 12 : i32
      %add3A_1555 = vector.broadcast %add3A_1554 : i32 to vector<16xi32>
      %add3A_1556 = arith.addi %mul3A_6, %add3A_1555 : vector<16xi32>
      %add3A_1557 = arith.constant 1 : i32
      %add3A_1558 = vector.broadcast %add3A_1557 : i32 to vector<16xi32>
      %add3A_1559 = arith.addi %add3A_1556, %add3A_1558 : vector<16xi32>
      %gather3A_1560 = tpu.vector_load_idx %arg17[%add3A_1559] : memref<272xf32, #tpu.memory_space<vmem>>[vector<16xi32>], vector<16xf32>,
      %add3A_1561 = arith.addf %add3A_1548, %gather3A_1560 : vector<16xf32>
      %add3A_1562 = arith.constant 14 : i32
      %add3A_1563 = vector.broadcast %add3A_1562 : i32 to vector<16xi32>
      %add3A_1564 = arith.addi %mul3A_6, %add3A_1563 : vector<16xi32>
      %gather3A_1565 = tpu.vector_load_idx %arg17[%add3A_1564] : memref<272xf32, #tpu.memory_space<vmem>>[vector<16xi32>], vector<16xf32>,
      %add3A_1566 = arith.addf %add3A_1553, %gather3A_1565 : vector<16xf32>
      %add3A_1567 = arith.constant 14 : i32
      %add3A_1568 = vector.broadcast %add3A_1567 : i32 to vector<16xi32>
      %add3A_1569 = arith.addi %mul3A_6, %add3A_1568 : vector<16xi32>
      %add3A_1570 = arith.constant 1 : i32
      %add3A_1571 = vector.broadcast %add3A_1570 : i32 to vector<16xi32>
      %add3A_1572 = arith.addi %add3A_1569, %add3A_1571 : vector<16xi32>
      %gather3A_1573 = tpu.vector_load_idx %arg17[%add3A_1572] : memref<272xf32, #tpu.memory_space<vmem>>[vector<16xi32>], vector<16xf32>,
      %add3A_1574 = arith.addf %add3A_1561, %gather3A_1573 : vector<16xf32>
      %add3A_1575 = arith.addf %add3A_1566, %add3A_1574 : vector<16xf32>
      %add3A_1576 = arith.constant 32 : i32
      %add3A_1577 = arith.addi %mul3A_1258, %add3A_1576 : i32
      %swap3A_1578 = arith.index_cast %add3A_1577 : i32 to index
      %swap3A_1579 = tpu.vector_load %arg16[%swap3A_1578] {strides = array<i32>} : memref<10000xf32, #tpu.memory_space<vmem>>, vector<16xf32>,
      tpu.vector_store %arg16[%swap3A_1578], %add3A_1575 {strides = array<i32>} : memref<10000xf32, #tpu.memory_space<vmem>>, vector<16xf32>,
      %scan3A_1580 = arith.constant 0 : i32
      %scan3A_1581 = arith.constant 0 : i32
      %scan3A_1582 = arith.constant 16 : i32
      %scan3A_1583 = arith.addi %scan3A_1581, %scan3A_1582 : i32
      %scan3A_1584 = arith.constant 2 : i32
      scf.for %scan3A_1794 = %scan3A_1581 to %scan3A_1583 step %scan3A_1584  : i32 {
        %add3A_1795 = arith.constant 48 : i32
        %add3A_1796 = arith.addi %add3A_1795, %scan3A_1794 : i32
        %get3A = arith.index_cast %add3A_1796 : i32 to index
        %get3A_1797 = arith.constant 0 : index
        %get3A_1798 = tpu.vector_load %arg13[%get3A, %get3A_1797] {strides = array<i32>} : memref<80x64xi32, #tpu.memory_space<vmem>>, vector<16xi32>,
        %bitcast3A = vector.bitcast %get3A_1798 : vector<16xi32> to vector<32xbf16>
        %get3A_1799 = arith.index_cast %add3A_1796 : i32 to index
        %get3A_1800 = arith.constant 0 : index
        %get3A_1801 = tpu.vector_load %arg14[%get3A_1799, %get3A_1800] {strides = array<i32>} : memref<80x64xi32, #tpu.memory_space<vmem>>, vector<16xi32>,
        %bitcast3A_1802 = vector.bitcast %get3A_1801 : vector<16xi32> to vector<32xbf16>
        %get3A_1803 = arith.index_cast %add3A_1796 : i32 to index
        %get3A_1804 = arith.constant 0 : index
        %get3A_1805 = tpu.vector_load %arg15[%get3A_1803, %get3A_1804] {strides = array<i32>} : memref<80x64xi32, #tpu.memory_space<vmem>>, vector<16xi32>,
        %bitcast3A_1806 = vector.bitcast %get3A_1805 : vector<16xi32> to vector<32xbf16>
        %mul3A_1807 = arith.mulf %bitcast3A, %bitcast3A_1806 : vector<32xbf16>
        %mul3A_1808 = arith.mulf %mul3A_1807, %bitcast3A_1802 : vector<32xbf16>
        %unpack3A = tpu.unpack_subelements %mul3A_1808, 0 {pack_format = #tpu.pack_format<interleaved>} : vector<32xbf16> -> vector<16xf32>
        %unpack3A_1809 = tpu.unpack_subelements %mul3A_1808, 1 {pack_format = #tpu.pack_format<interleaved>} : vector<32xbf16> -> vector<16xf32>
        %add3A_1810 = arith.addf %unpack3A, %unpack3A_1809 : vector<16xf32>
        %get3A_1811 = arith.index_cast %add3A_1796 : i32 to index
        %get3A_1812 = arith.constant 16 : index
        %get3A_1813 = tpu.vector_load %arg13[%get3A_1811, %get3A_1812] {strides = array<i32>} : memref<80x64xi32, #tpu.memory_space<vmem>>, vector<16xi32>,
        %bitcast3A_1814 = vector.bitcast %get3A_1813 : vector<16xi32> to vector<32xbf16>
        %get3A_1815 = arith.index_cast %add3A_1796 : i32 to index
        %get3A_1816 = arith.constant 16 : index
        %get3A_1817 = tpu.vector_load %arg14[%get3A_1815, %get3A_1816] {strides = array<i32>} : memref<80x64xi32, #tpu.memory_space<vmem>>, vector<16xi32>,
        %bitcast3A_1818 = vector.bitcast %get3A_1817 : vector<16xi32> to vector<32xbf16>
        %get3A_1819 = arith.index_cast %add3A_1796 : i32 to index
        %get3A_1820 = arith.constant 16 : index
        %get3A_1821 = tpu.vector_load %arg15[%get3A_1819, %get3A_1820] {strides = array<i32>} : memref<80x64xi32, #tpu.memory_space<vmem>>, vector<16xi32>,
        %bitcast3A_1822 = vector.bitcast %get3A_1821 : vector<16xi32> to vector<32xbf16>
        %mul3A_1823 = arith.mulf %bitcast3A_1814, %bitcast3A_1822 : vector<32xbf16>
        %mul3A_1824 = arith.mulf %mul3A_1823, %bitcast3A_1818 : vector<32xbf16>
        %unpack3A_1825 = tpu.unpack_subelements %mul3A_1824, 0 {pack_format = #tpu.pack_format<interleaved>} : vector<32xbf16> -> vector<16xf32>
        %unpack3A_1826 = tpu.unpack_subelements %mul3A_1824, 1 {pack_format = #tpu.pack_format<interleaved>} : vector<32xbf16> -> vector<16xf32>
        %add3A_1827 = arith.addf %unpack3A_1825, %unpack3A_1826 : vector<16xf32>
        %add3A_1828 = arith.addf %add3A_1810, %add3A_1827 : vector<16xf32>
        %get3A_1829 = arith.index_cast %add3A_1796 : i32 to index
        %get3A_1830 = arith.constant 32 : index
        %get3A_1831 = tpu.vector_load %arg13[%get3A_1829, %get3A_1830] {strides = array<i32>} : memref<80x64xi32, #tpu.memory_space<vmem>>, vector<16xi32>,
        %bitcast3A_1832 = vector.bitcast %get3A_1831 : vector<16xi32> to vector<32xbf16>
        %get3A_1833 = arith.index_cast %add3A_1796 : i32 to index
        %get3A_1834 = arith.constant 32 : index
        %get3A_1835 = tpu.vector_load %arg14[%get3A_1833, %get3A_1834] {strides = array<i32>} : memref<80x64xi32, #tpu.memory_space<vmem>>, vector<16xi32>,
        %bitcast3A_1836 = vector.bitcast %get3A_1835 : vector<16xi32> to vector<32xbf16>
        %get3A_1837 = arith.index_cast %add3A_1796 : i32 to index
        %get3A_1838 = arith.constant 32 : index
        %get3A_1839 = tpu.vector_load %arg15[%get3A_1837, %get3A_1838] {strides = array<i32>} : memref<80x64xi32, #tpu.memory_space<vmem>>, vector<16xi32>,
        %bitcast3A_1840 = vector.bitcast %get3A_1839 : vector<16xi32> to vector<32xbf16>
        %mul3A_1841 = arith.mulf %bitcast3A_1832, %bitcast3A_1840 : vector<32xbf16>
        %mul3A_1842 = arith.mulf %mul3A_1841, %bitcast3A_1836 : vector<32xbf16>
        %unpack3A_1843 = tpu.unpack_subelements %mul3A_1842, 0 {pack_format = #tpu.pack_format<interleaved>} : vector<32xbf16> -> vector<16xf32>
        %unpack3A_1844 = tpu.unpack_subelements %mul3A_1842, 1 {pack_format = #tpu.pack_format<interleaved>} : vector<32xbf16> -> vector<16xf32>
        %add3A_1845 = arith.addf %unpack3A_1843, %unpack3A_1844 : vector<16xf32>
        %add3A_1846 = arith.addf %add3A_1828, %add3A_1845 : vector<16xf32>
        %get3A_1847 = arith.index_cast %add3A_1796 : i32 to index
        %get3A_1848 = arith.constant 48 : index
        %get3A_1849 = tpu.vector_load %arg13[%get3A_1847, %get3A_1848] {strides = array<i32>} : memref<80x64xi32, #tpu.memory_space<vmem>>, vector<16xi32>,
        %bitcast3A_1850 = vector.bitcast %get3A_1849 : vector<16xi32> to vector<32xbf16>
        %get3A_1851 = arith.index_cast %add3A_1796 : i32 to index
        %get3A_1852 = arith.constant 48 : index
        %get3A_1853 = tpu.vector_load %arg14[%get3A_1851, %get3A_1852] {strides = array<i32>} : memref<80x64xi32, #tpu.memory_space<vmem>>, vector<16xi32>,
        %bitcast3A_1854 = vector.bitcast %get3A_1853 : vector<16xi32> to vector<32xbf16>
        %get3A_1855 = arith.index_cast %add3A_1796 : i32 to index
        %get3A_1856 = arith.constant 48 : index
        %get3A_1857 = tpu.vector_load %arg15[%get3A_1855, %get3A_1856] {strides = array<i32>} : memref<80x64xi32, #tpu.memory_space<vmem>>, vector<16xi32>,
        %bitcast3A_1858 = vector.bitcast %get3A_1857 : vector<16xi32> to vector<32xbf16>
        %mul3A_1859 = arith.mulf %bitcast3A_1850, %bitcast3A_1858 : vector<32xbf16>
        %mul3A_1860 = arith.mulf %mul3A_1859, %bitcast3A_1854 : vector<32xbf16>
        %unpack3A_1861 = tpu.unpack_subelements %mul3A_1860, 0 {pack_format = #tpu.pack_format<interleaved>} : vector<32xbf16> -> vector<16xf32>
        %unpack3A_1862 = tpu.unpack_subelements %mul3A_1860, 1 {pack_format = #tpu.pack_format<interleaved>} : vector<32xbf16> -> vector<16xf32>
        %add3A_1863 = arith.addf %unpack3A_1861, %unpack3A_1862 : vector<16xf32>
        %add3A_1864 = arith.addf %add3A_1846, %add3A_1863 : vector<16xf32>
        %mul3A_1865 = arith.constant 17 : i32
        %mul3A_1866 = arith.muli %scan3A_1794, %mul3A_1865 : i32
        %swap3A_1867 = arith.index_cast %mul3A_1866 : i32 to index
        %swap3A_1868 = tpu.vector_load %arg17[%swap3A_1867] {strides = array<i32>} : memref<272xf32, #tpu.memory_space<vmem>>, vector<16xf32>,
        tpu.vector_store %arg17[%swap3A_1867], %add3A_1864 {strides = array<i32>} : memref<272xf32, #tpu.memory_space<vmem>>, vector<16xf32>,
        %scan3A_1869 = arith.constant 1 : i32
        %scan3A_1870 = arith.addi %scan3A_1794, %scan3A_1869 : i32
        %add3A_1871 = arith.constant 48 : i32
        %add3A_1872 = arith.addi %add3A_1871, %scan3A_1870 : i32
        %get3A_1873 = arith.index_cast %add3A_1872 : i32 to index
        %get3A_1874 = arith.constant 0 : index
        %get3A_1875 = tpu.vector_load %arg13[%get3A_1873, %get3A_1874] {strides = array<i32>} : memref<80x64xi32, #tpu.memory_space<vmem>>, vector<16xi32>,
        %bitcast3A_1876 = vector.bitcast %get3A_1875 : vector<16xi32> to vector<32xbf16>
        %get3A_1877 = arith.index_cast %add3A_1872 : i32 to index
        %get3A_1878 = arith.constant 0 : index
        %get3A_1879 = tpu.vector_load %arg14[%get3A_1877, %get3A_1878] {strides = array<i32>} : memref<80x64xi32, #tpu.memory_space<vmem>>, vector<16xi32>,
        %bitcast3A_1880 = vector.bitcast %get3A_1879 : vector<16xi32> to vector<32xbf16>
        %get3A_1881 = arith.index_cast %add3A_1872 : i32 to index
        %get3A_1882 = arith.constant 0 : index
        %get3A_1883 = tpu.vector_load %arg15[%get3A_1881, %get3A_1882] {strides = array<i32>} : memref<80x64xi32, #tpu.memory_space<vmem>>, vector<16xi32>,
        %bitcast3A_1884 = vector.bitcast %get3A_1883 : vector<16xi32> to vector<32xbf16>
        %mul3A_1885 = arith.mulf %bitcast3A_1876, %bitcast3A_1884 : vector<32xbf16>
        %mul3A_1886 = arith.mulf %mul3A_1885, %bitcast3A_1880 : vector<32xbf16>
        %unpack3A_1887 = tpu.unpack_subelements %mul3A_1886, 0 {pack_format = #tpu.pack_format<interleaved>} : vector<32xbf16> -> vector<16xf32>
        %unpack3A_1888 = tpu.unpack_subelements %mul3A_1886, 1 {pack_format = #tpu.pack_format<interleaved>} : vector<32xbf16> -> vector<16xf32>
        %add3A_1889 = arith.addf %unpack3A_1887, %unpack3A_1888 : vector<16xf32>
        %get3A_1890 = arith.index_cast %add3A_1872 : i32 to index
        %get3A_1891 = arith.constant 16 : index
        %get3A_1892 = tpu.vector_load %arg13[%get3A_1890, %get3A_1891] {strides = array<i32>} : memref<80x64xi32, #tpu.memory_space<vmem>>, vector<16xi32>,
        %bitcast3A_1893 = vector.bitcast %get3A_1892 : vector<16xi32> to vector<32xbf16>
        %get3A_1894 = arith.index_cast %add3A_1872 : i32 to index
        %get3A_1895 = arith.constant 16 : index
        %get3A_1896 = tpu.vector_load %arg14[%get3A_1894, %get3A_1895] {strides = array<i32>} : memref<80x64xi32, #tpu.memory_space<vmem>>, vector<16xi32>,
        %bitcast3A_1897 = vector.bitcast %get3A_1896 : vector<16xi32> to vector<32xbf16>
        %get3A_1898 = arith.index_cast %add3A_1872 : i32 to index
        %get3A_1899 = arith.constant 16 : index
        %get3A_1900 = tpu.vector_load %arg15[%get3A_1898, %get3A_1899] {strides = array<i32>} : memref<80x64xi32, #tpu.memory_space<vmem>>, vector<16xi32>,
        %bitcast3A_1901 = vector.bitcast %get3A_1900 : vector<16xi32> to vector<32xbf16>
        %mul3A_1902 = arith.mulf %bitcast3A_1893, %bitcast3A_1901 : vector<32xbf16>
        %mul3A_1903 = arith.mulf %mul3A_1902, %bitcast3A_1897 : vector<32xbf16>
        %unpack3A_1904 = tpu.unpack_subelements %mul3A_1903, 0 {pack_format = #tpu.pack_format<interleaved>} : vector<32xbf16> -> vector<16xf32>
        %unpack3A_1905 = tpu.unpack_subelements %mul3A_1903, 1 {pack_format = #tpu.pack_format<interleaved>} : vector<32xbf16> -> vector<16xf32>
        %add3A_1906 = arith.addf %unpack3A_1904, %unpack3A_1905 : vector<16xf32>
        %add3A_1907 = arith.addf %add3A_1889, %add3A_1906 : vector<16xf32>
        %get3A_1908 = arith.index_cast %add3A_1872 : i32 to index
        %get3A_1909 = arith.constant 32 : index
        %get3A_1910 = tpu.vector_load %arg13[%get3A_1908, %get3A_1909] {strides = array<i32>} : memref<80x64xi32, #tpu.memory_space<vmem>>, vector<16xi32>,
        %bitcast3A_1911 = vector.bitcast %get3A_1910 : vector<16xi32> to vector<32xbf16>
        %get3A_1912 = arith.index_cast %add3A_1872 : i32 to index
        %get3A_1913 = arith.constant 32 : index
        %get3A_1914 = tpu.vector_load %arg14[%get3A_1912, %get3A_1913] {strides = array<i32>} : memref<80x64xi32, #tpu.memory_space<vmem>>, vector<16xi32>,
        %bitcast3A_1915 = vector.bitcast %get3A_1914 : vector<16xi32> to vector<32xbf16>
        %get3A_1916 = arith.index_cast %add3A_1872 : i32 to index
        %get3A_1917 = arith.constant 32 : index
        %get3A_1918 = tpu.vector_load %arg15[%get3A_1916, %get3A_1917] {strides = array<i32>} : memref<80x64xi32, #tpu.memory_space<vmem>>, vector<16xi32>,
        %bitcast3A_1919 = vector.bitcast %get3A_1918 : vector<16xi32> to vector<32xbf16>
        %mul3A_1920 = arith.mulf %bitcast3A_1911, %bitcast3A_1919 : vector<32xbf16>
        %mul3A_1921 = arith.mulf %mul3A_1920, %bitcast3A_1915 : vector<32xbf16>
        %unpack3A_1922 = tpu.unpack_subelements %mul3A_1921, 0 {pack_format = #tpu.pack_format<interleaved>} : vector<32xbf16> -> vector<16xf32>
        %unpack3A_1923 = tpu.unpack_subelements %mul3A_1921, 1 {pack_format = #tpu.pack_format<interleaved>} : vector<32xbf16> -> vector<16xf32>
        %add3A_1924 = arith.addf %unpack3A_1922, %unpack3A_1923 : vector<16xf32>
        %add3A_1925 = arith.addf %add3A_1907, %add3A_1924 : vector<16xf32>
        %get3A_1926 = arith.index_cast %add3A_1872 : i32 to index
        %get3A_1927 = arith.constant 48 : index
        %get3A_1928 = tpu.vector_load %arg13[%get3A_1926, %get3A_1927] {strides = array<i32>} : memref<80x64xi32, #tpu.memory_space<vmem>>, vector<16xi32>,
        %bitcast3A_1929 = vector.bitcast %get3A_1928 : vector<16xi32> to vector<32xbf16>
        %get3A_1930 = arith.index_cast %add3A_1872 : i32 to index
        %get3A_1931 = arith.constant 48 : index
        %get3A_1932 = tpu.vector_load %arg14[%get3A_1930, %get3A_1931] {strides = array<i32>} : memref<80x64xi32, #tpu.memory_space<vmem>>, vector<16xi32>,
        %bitcast3A_1933 = vector.bitcast %get3A_1932 : vector<16xi32> to vector<32xbf16>
        %get3A_1934 = arith.index_cast %add3A_1872 : i32 to index
        %get3A_1935 = arith.constant 48 : index
        %get3A_1936 = tpu.vector_load %arg15[%get3A_1934, %get3A_1935] {strides = array<i32>} : memref<80x64xi32, #tpu.memory_space<vmem>>, vector<16xi32>,
        %bitcast3A_1937 = vector.bitcast %get3A_1936 : vector<16xi32> to vector<32xbf16>
        %mul3A_1938 = arith.mulf %bitcast3A_1929, %bitcast3A_1937 : vector<32xbf16>
        %mul3A_1939 = arith.mulf %mul3A_1938, %bitcast3A_1933 : vector<32xbf16>
        %unpack3A_1940 = tpu.unpack_subelements %mul3A_1939, 0 {pack_format = #tpu.pack_format<interleaved>} : vector<32xbf16> -> vector<16xf32>
        %unpack3A_1941 = tpu.unpack_subelements %mul3A_1939, 1 {pack_format = #tpu.pack_format<interleaved>} : vector<32xbf16> -> vector<16xf32>
        %add3A_1942 = arith.addf %unpack3A_1940, %unpack3A_1941 : vector<16xf32>
        %add3A_1943 = arith.addf %add3A_1925, %add3A_1942 : vector<16xf32>
        %mul3A_1944 = arith.constant 17 : i32
        %mul3A_1945 = arith.muli %scan3A_1870, %mul3A_1944 : i32
        %swap3A_1946 = arith.index_cast %mul3A_1945 : i32 to index
        %swap3A_1947 = tpu.vector_load %arg17[%swap3A_1946] {strides = array<i32>} : memref<272xf32, #tpu.memory_space<vmem>>, vector<16xf32>,
        tpu.vector_store %arg17[%swap3A_1946], %add3A_1943 {strides = array<i32>} : memref<272xf32, #tpu.memory_space<vmem>>, vector<16xf32>,
      }
      %scan3A_1585 = arith.constant 16 : i32
      %gather3A_1586 = tpu.vector_load_idx %arg17[%mul3A_6] : memref<272xf32, #tpu.memory_space<vmem>>[vector<16xi32>], vector<16xf32>,
      %add3A_1587 = arith.constant 1 : i32
      %add3A_1588 = vector.broadcast %add3A_1587 : i32 to vector<16xi32>
      %add3A_1589 = arith.addi %mul3A_6, %add3A_1588 : vector<16xi32>
      %gather3A_1590 = tpu.vector_load_idx %arg17[%add3A_1589] : memref<272xf32, #tpu.memory_space<vmem>>[vector<16xi32>], vector<16xf32>,
      %add3A_1591 = arith.constant 2 : i32
      %add3A_1592 = vector.broadcast %add3A_1591 : i32 to vector<16xi32>
      %add3A_1593 = arith.addi %mul3A_6, %add3A_1592 : vector<16xi32>
      %gather3A_1594 = tpu.vector_load_idx %arg17[%add3A_1593] : memref<272xf32, #tpu.memory_space<vmem>>[vector<16xi32>], vector<16xf32>,
      %add3A_1595 = arith.addf %gather3A_1586, %gather3A_1594 : vector<16xf32>
      %add3A_1596 = arith.constant 2 : i32
      %add3A_1597 = vector.broadcast %add3A_1596 : i32 to vector<16xi32>
      %add3A_1598 = arith.addi %mul3A_6, %add3A_1597 : vector<16xi32>
      %add3A_1599 = arith.constant 1 : i32
      %add3A_1600 = vector.broadcast %add3A_1599 : i32 to vector<16xi32>
      %add3A_1601 = arith.addi %add3A_1598, %add3A_1600 : vector<16xi32>
      %gather3A_1602 = tpu.vector_load_idx %arg17[%add3A_1601] : memref<272xf32, #tpu.memory_space<vmem>>[vector<16xi32>], vector<16xf32>,
      %add3A_1603 = arith.addf %gather3A_1590, %gather3A_1602 : vector<16xf32>
      %add3A_1604 = arith.constant 4 : i32
      %add3A_1605 = vector.broadcast %add3A_1604 : i32 to vector<16xi32>
      %add3A_1606 = arith.addi %mul3A_6, %add3A_1605 : vector<16xi32>
      %gather3A_1607 = tpu.vector_load_idx %arg17[%add3A_1606] : memref<272xf32, #tpu.memory_space<vmem>>[vector<16xi32>], vector<16xf32>,
      %add3A_1608 = arith.addf %add3A_1595, %gather3A_1607 : vector<16xf32>
      %add3A_1609 = arith.constant 4 : i32
      %add3A_1610 = vector.broadcast %add3A_1609 : i32 to vector<16xi32>
      %add3A_1611 = arith.addi %mul3A_6, %add3A_1610 : vector<16xi32>
      %add3A_1612 = arith.constant 1 : i32
      %add3A_1613 = vector.broadcast %add3A_1612 : i32 to vector<16xi32>
      %add3A_1614 = arith.addi %add3A_1611, %add3A_1613 : vector<16xi32>
      %gather3A_1615 = tpu.vector_load_idx %arg17[%add3A_1614] : memref<272xf32, #tpu.memory_space<vmem>>[vector<16xi32>], vector<16xf32>,
      %add3A_1616 = arith.addf %add3A_1603, %gather3A_1615 : vector<16xf32>
      %add3A_1617 = arith.constant 6 : i32
      %add3A_1618 = vector.broadcast %add3A_1617 : i32 to vector<16xi32>
      %add3A_1619 = arith.addi %mul3A_6, %add3A_1618 : vector<16xi32>
      %gather3A_1620 = tpu.vector_load_idx %arg17[%add3A_1619] : memref<272xf32, #tpu.memory_space<vmem>>[vector<16xi32>], vector<16xf32>,
      %add3A_1621 = arith.addf %add3A_1608, %gather3A_1620 : vector<16xf32>
      %add3A_1622 = arith.constant 6 : i32
      %add3A_1623 = vector.broadcast %add3A_1622 : i32 to vector<16xi32>
      %add3A_1624 = arith.addi %mul3A_6, %add3A_1623 : vector<16xi32>
      %add3A_1625 = arith.constant 1 : i32
      %add3A_1626 = vector.broadcast %add3A_1625 : i32 to vector<16xi32>
      %add3A_1627 = arith.addi %add3A_1624, %add3A_1626 : vector<16xi32>
      %gather3A_1628 = tpu.vector_load_idx %arg17[%add3A_1627] : memref<272xf32, #tpu.memory_space<vmem>>[vector<16xi32>], vector<16xf32>,
      %add3A_1629 = arith.addf %add3A_1616, %gather3A_1628 : vector<16xf32>
      %add3A_1630 = arith.constant 8 : i32
      %add3A_1631 = vector.broadcast %add3A_1630 : i32 to vector<16xi32>
      %add3A_1632 = arith.addi %mul3A_6, %add3A_1631 : vector<16xi32>
      %gather3A_1633 = tpu.vector_load_idx %arg17[%add3A_1632] : memref<272xf32, #tpu.memory_space<vmem>>[vector<16xi32>], vector<16xf32>,
      %add3A_1634 = arith.addf %add3A_1621, %gather3A_1633 : vector<16xf32>
      %add3A_1635 = arith.constant 8 : i32
      %add3A_1636 = vector.broadcast %add3A_1635 : i32 to vector<16xi32>
      %add3A_1637 = arith.addi %mul3A_6, %add3A_1636 : vector<16xi32>
      %add3A_1638 = arith.constant 1 : i32
      %add3A_1639 = vector.broadcast %add3A_1638 : i32 to vector<16xi32>
      %add3A_1640 = arith.addi %add3A_1637, %add3A_1639 : vector<16xi32>
      %gather3A_1641 = tpu.vector_load_idx %arg17[%add3A_1640] : memref<272xf32, #tpu.memory_space<vmem>>[vector<16xi32>], vector<16xf32>,
      %add3A_1642 = arith.addf %add3A_1629, %gather3A_1641 : vector<16xf32>
      %add3A_1643 = arith.constant 10 : i32
      %add3A_1644 = vector.broadcast %add3A_1643 : i32 to vector<16xi32>
      %add3A_1645 = arith.addi %mul3A_6, %add3A_1644 : vector<16xi32>
      %gather3A_1646 = tpu.vector_load_idx %arg17[%add3A_1645] : memref<272xf32, #tpu.memory_space<vmem>>[vector<16xi32>], vector<16xf32>,
      %add3A_1647 = arith.addf %add3A_1634, %gather3A_1646 : vector<16xf32>
      %add3A_1648 = arith.constant 10 : i32
      %add3A_1649 = vector.broadcast %add3A_1648 : i32 to vector<16xi32>
      %add3A_1650 = arith.addi %mul3A_6, %add3A_1649 : vector<16xi32>
      %add3A_1651 = arith.constant 1 : i32
      %add3A_1652 = vector.broadcast %add3A_1651 : i32 to vector<16xi32>
      %add3A_1653 = arith.addi %add3A_1650, %add3A_1652 : vector<16xi32>
      %gather3A_1654 = tpu.vector_load_idx %arg17[%add3A_1653] : memref<272xf32, #tpu.memory_space<vmem>>[vector<16xi32>], vector<16xf32>,
      %add3A_1655 = arith.addf %add3A_1642, %gather3A_1654 : vector<16xf32>
      %add3A_1656 = arith.constant 12 : i32
      %add3A_1657 = vector.broadcast %add3A_1656 : i32 to vector<16xi32>
      %add3A_1658 = arith.addi %mul3A_6, %add3A_1657 : vector<16xi32>
      %gather3A_1659 = tpu.vector_load_idx %arg17[%add3A_1658] : memref<272xf32, #tpu.memory_space<vmem>>[vector<16xi32>], vector<16xf32>,
      %add3A_1660 = arith.addf %add3A_1647, %gather3A_1659 : vector<16xf32>
      %add3A_1661 = arith.constant 12 : i32
      %add3A_1662 = vector.broadcast %add3A_1661 : i32 to vector<16xi32>
      %add3A_1663 = arith.addi %mul3A_6, %add3A_1662 : vector<16xi32>
      %add3A_1664 = arith.constant 1 : i32
      %add3A_1665 = vector.broadcast %add3A_1664 : i32 to vector<16xi32>
      %add3A_1666 = arith.addi %add3A_1663, %add3A_1665 : vector<16xi32>
      %gather3A_1667 = tpu.vector_load_idx %arg17[%add3A_1666] : memref<272xf32, #tpu.memory_space<vmem>>[vector<16xi32>], vector<16xf32>,
      %add3A_1668 = arith.addf %add3A_1655, %gather3A_1667 : vector<16xf32>
      %add3A_1669 = arith.constant 14 : i32
      %add3A_1670 = vector.broadcast %add3A_1669 : i32 to vector<16xi32>
      %add3A_1671 = arith.addi %mul3A_6, %add3A_1670 : vector<16xi32>
      %gather3A_1672 = tpu.vector_load_idx %arg17[%add3A_1671] : memref<272xf32, #tpu.memory_space<vmem>>[vector<16xi32>], vector<16xf32>,
      %add3A_1673 = arith.addf %add3A_1660, %gather3A_1672 : vector<16xf32>
      %add3A_1674 = arith.constant 14 : i32
      %add3A_1675 = vector.broadcast %add3A_1674 : i32 to vector<16xi32>
      %add3A_1676 = arith.addi %mul3A_6, %add3A_1675 : vector<16xi32>
      %add3A_1677 = arith.constant 1 : i32
      %add3A_1678 = vector.broadcast %add3A_1677 : i32 to vector<16xi32>
      %add3A_1679 = arith.addi %add3A_1676, %add3A_1678 : vector<16xi32>
      %gather3A_1680 = tpu.vector_load_idx %arg17[%add3A_1679] : memref<272xf32, #tpu.memory_space<vmem>>[vector<16xi32>], vector<16xf32>,
      %add3A_1681 = arith.addf %add3A_1668, %gather3A_1680 : vector<16xf32>
      %add3A_1682 = arith.addf %add3A_1673, %add3A_1681 : vector<16xf32>
      %add3A_1683 = arith.constant 48 : i32
      %add3A_1684 = arith.addi %mul3A_1258, %add3A_1683 : i32
      %swap3A_1685 = arith.index_cast %add3A_1684 : i32 to index
      %swap3A_1686 = tpu.vector_load %arg16[%swap3A_1685] {strides = array<i32>} : memref<10000xf32, #tpu.memory_space<vmem>>, vector<16xf32>,
      tpu.vector_store %arg16[%swap3A_1685], %add3A_1682 {strides = array<i32>} : memref<10000xf32, #tpu.memory_space<vmem>>, vector<16xf32>,
      %scan3A_1687 = arith.constant 0 : i32
      %scan3A_1688 = arith.constant 0 : i32
      %scan3A_1689 = arith.constant 16 : i32
      %scan3A_1690 = arith.addi %scan3A_1688, %scan3A_1689 : i32
      %scan3A_1691 = arith.constant 2 : i32
      scf.for %scan3A_1794 = %scan3A_1688 to %scan3A_1690 step %scan3A_1691  : i32 {
        %add3A_1795 = arith.constant 64 : i32
        %add3A_1796 = arith.addi %add3A_1795, %scan3A_1794 : i32
        %get3A = arith.index_cast %add3A_1796 : i32 to index
        %get3A_1797 = arith.constant 0 : index
        %get3A_1798 = tpu.vector_load %arg13[%get3A, %get3A_1797] {strides = array<i32>} : memref<80x64xi32, #tpu.memory_space<vmem>>, vector<16xi32>,
        %bitcast3A = vector.bitcast %get3A_1798 : vector<16xi32> to vector<32xbf16>
        %get3A_1799 = arith.index_cast %add3A_1796 : i32 to index
        %get3A_1800 = arith.constant 0 : index
        %get3A_1801 = tpu.vector_load %arg14[%get3A_1799, %get3A_1800] {strides = array<i32>} : memref<80x64xi32, #tpu.memory_space<vmem>>, vector<16xi32>,
        %bitcast3A_1802 = vector.bitcast %get3A_1801 : vector<16xi32> to vector<32xbf16>
        %get3A_1803 = arith.index_cast %add3A_1796 : i32 to index
        %get3A_1804 = arith.constant 0 : index
        %get3A_1805 = tpu.vector_load %arg15[%get3A_1803, %get3A_1804] {strides = array<i32>} : memref<80x64xi32, #tpu.memory_space<vmem>>, vector<16xi32>,
        %bitcast3A_1806 = vector.bitcast %get3A_1805 : vector<16xi32> to vector<32xbf16>
        %mul3A_1807 = arith.mulf %bitcast3A, %bitcast3A_1806 : vector<32xbf16>
        %mul3A_1808 = arith.mulf %mul3A_1807, %bitcast3A_1802 : vector<32xbf16>
        %unpack3A = tpu.unpack_subelements %mul3A_1808, 0 {pack_format = #tpu.pack_format<interleaved>} : vector<32xbf16> -> vector<16xf32>
        %unpack3A_1809 = tpu.unpack_subelements %mul3A_1808, 1 {pack_format = #tpu.pack_format<interleaved>} : vector<32xbf16> -> vector<16xf32>
        %add3A_1810 = arith.addf %unpack3A, %unpack3A_1809 : vector<16xf32>
        %get3A_1811 = arith.index_cast %add3A_1796 : i32 to index
        %get3A_1812 = arith.constant 16 : index
        %get3A_1813 = tpu.vector_load %arg13[%get3A_1811, %get3A_1812] {strides = array<i32>} : memref<80x64xi32, #tpu.memory_space<vmem>>, vector<16xi32>,
        %bitcast3A_1814 = vector.bitcast %get3A_1813 : vector<16xi32> to vector<32xbf16>
        %get3A_1815 = arith.index_cast %add3A_1796 : i32 to index
        %get3A_1816 = arith.constant 16 : index
        %get3A_1817 = tpu.vector_load %arg14[%get3A_1815, %get3A_1816] {strides = array<i32>} : memref<80x64xi32, #tpu.memory_space<vmem>>, vector<16xi32>,
        %bitcast3A_1818 = vector.bitcast %get3A_1817 : vector<16xi32> to vector<32xbf16>
        %get3A_1819 = arith.index_cast %add3A_1796 : i32 to index
        %get3A_1820 = arith.constant 16 : index
        %get3A_1821 = tpu.vector_load %arg15[%get3A_1819, %get3A_1820] {strides = array<i32>} : memref<80x64xi32, #tpu.memory_space<vmem>>, vector<16xi32>,
        %bitcast3A_1822 = vector.bitcast %get3A_1821 : vector<16xi32> to vector<32xbf16>
        %mul3A_1823 = arith.mulf %bitcast3A_1814, %bitcast3A_1822 : vector<32xbf16>
        %mul3A_1824 = arith.mulf %mul3A_1823, %bitcast3A_1818 : vector<32xbf16>
        %unpack3A_1825 = tpu.unpack_subelements %mul3A_1824, 0 {pack_format = #tpu.pack_format<interleaved>} : vector<32xbf16> -> vector<16xf32>
        %unpack3A_1826 = tpu.unpack_subelements %mul3A_1824, 1 {pack_format = #tpu.pack_format<interleaved>} : vector<32xbf16> -> vector<16xf32>
        %add3A_1827 = arith.addf %unpack3A_1825, %unpack3A_1826 : vector<16xf32>
        %add3A_1828 = arith.addf %add3A_1810, %add3A_1827 : vector<16xf32>
        %get3A_1829 = arith.index_cast %add3A_1796 : i32 to index
        %get3A_1830 = arith.constant 32 : index
        %get3A_1831 = tpu.vector_load %arg13[%get3A_1829, %get3A_1830] {strides = array<i32>} : memref<80x64xi32, #tpu.memory_space<vmem>>, vector<16xi32>,
        %bitcast3A_1832 = vector.bitcast %get3A_1831 : vector<16xi32> to vector<32xbf16>
        %get3A_1833 = arith.index_cast %add3A_1796 : i32 to index
        %get3A_1834 = arith.constant 32 : index
        %get3A_1835 = tpu.vector_load %arg14[%get3A_1833, %get3A_1834] {strides = array<i32>} : memref<80x64xi32, #tpu.memory_space<vmem>>, vector<16xi32>,
        %bitcast3A_1836 = vector.bitcast %get3A_1835 : vector<16xi32> to vector<32xbf16>
        %get3A_1837 = arith.index_cast %add3A_1796 : i32 to index
        %get3A_1838 = arith.constant 32 : index
        %get3A_1839 = tpu.vector_load %arg15[%get3A_1837, %get3A_1838] {strides = array<i32>} : memref<80x64xi32, #tpu.memory_space<vmem>>, vector<16xi32>,
        %bitcast3A_1840 = vector.bitcast %get3A_1839 : vector<16xi32> to vector<32xbf16>
        %mul3A_1841 = arith.mulf %bitcast3A_1832, %bitcast3A_1840 : vector<32xbf16>
        %mul3A_1842 = arith.mulf %mul3A_1841, %bitcast3A_1836 : vector<32xbf16>
        %unpack3A_1843 = tpu.unpack_subelements %mul3A_1842, 0 {pack_format = #tpu.pack_format<interleaved>} : vector<32xbf16> -> vector<16xf32>
        %unpack3A_1844 = tpu.unpack_subelements %mul3A_1842, 1 {pack_format = #tpu.pack_format<interleaved>} : vector<32xbf16> -> vector<16xf32>
        %add3A_1845 = arith.addf %unpack3A_1843, %unpack3A_1844 : vector<16xf32>
        %add3A_1846 = arith.addf %add3A_1828, %add3A_1845 : vector<16xf32>
        %get3A_1847 = arith.index_cast %add3A_1796 : i32 to index
        %get3A_1848 = arith.constant 48 : index
        %get3A_1849 = tpu.vector_load %arg13[%get3A_1847, %get3A_1848] {strides = array<i32>} : memref<80x64xi32, #tpu.memory_space<vmem>>, vector<16xi32>,
        %bitcast3A_1850 = vector.bitcast %get3A_1849 : vector<16xi32> to vector<32xbf16>
        %get3A_1851 = arith.index_cast %add3A_1796 : i32 to index
        %get3A_1852 = arith.constant 48 : index
        %get3A_1853 = tpu.vector_load %arg14[%get3A_1851, %get3A_1852] {strides = array<i32>} : memref<80x64xi32, #tpu.memory_space<vmem>>, vector<16xi32>,
        %bitcast3A_1854 = vector.bitcast %get3A_1853 : vector<16xi32> to vector<32xbf16>
        %get3A_1855 = arith.index_cast %add3A_1796 : i32 to index
        %get3A_1856 = arith.constant 48 : index
        %get3A_1857 = tpu.vector_load %arg15[%get3A_1855, %get3A_1856] {strides = array<i32>} : memref<80x64xi32, #tpu.memory_space<vmem>>, vector<16xi32>,
        %bitcast3A_1858 = vector.bitcast %get3A_1857 : vector<16xi32> to vector<32xbf16>
        %mul3A_1859 = arith.mulf %bitcast3A_1850, %bitcast3A_1858 : vector<32xbf16>
        %mul3A_1860 = arith.mulf %mul3A_1859, %bitcast3A_1854 : vector<32xbf16>
        %unpack3A_1861 = tpu.unpack_subelements %mul3A_1860, 0 {pack_format = #tpu.pack_format<interleaved>} : vector<32xbf16> -> vector<16xf32>
        %unpack3A_1862 = tpu.unpack_subelements %mul3A_1860, 1 {pack_format = #tpu.pack_format<interleaved>} : vector<32xbf16> -> vector<16xf32>
        %add3A_1863 = arith.addf %unpack3A_1861, %unpack3A_1862 : vector<16xf32>
        %add3A_1864 = arith.addf %add3A_1846, %add3A_1863 : vector<16xf32>
        %mul3A_1865 = arith.constant 17 : i32
        %mul3A_1866 = arith.muli %scan3A_1794, %mul3A_1865 : i32
        %swap3A_1867 = arith.index_cast %mul3A_1866 : i32 to index
        %swap3A_1868 = tpu.vector_load %arg17[%swap3A_1867] {strides = array<i32>} : memref<272xf32, #tpu.memory_space<vmem>>, vector<16xf32>,
        tpu.vector_store %arg17[%swap3A_1867], %add3A_1864 {strides = array<i32>} : memref<272xf32, #tpu.memory_space<vmem>>, vector<16xf32>,
        %scan3A_1869 = arith.constant 1 : i32
        %scan3A_1870 = arith.addi %scan3A_1794, %scan3A_1869 : i32
        %add3A_1871 = arith.constant 64 : i32
        %add3A_1872 = arith.addi %add3A_1871, %scan3A_1870 : i32
        %get3A_1873 = arith.index_cast %add3A_1872 : i32 to index
        %get3A_1874 = arith.constant 0 : index
        %get3A_1875 = tpu.vector_load %arg13[%get3A_1873, %get3A_1874] {strides = array<i32>} : memref<80x64xi32, #tpu.memory_space<vmem>>, vector<16xi32>,
        %bitcast3A_1876 = vector.bitcast %get3A_1875 : vector<16xi32> to vector<32xbf16>
        %get3A_1877 = arith.index_cast %add3A_1872 : i32 to index
        %get3A_1878 = arith.constant 0 : index
        %get3A_1879 = tpu.vector_load %arg14[%get3A_1877, %get3A_1878] {strides = array<i32>} : memref<80x64xi32, #tpu.memory_space<vmem>>, vector<16xi32>,
        %bitcast3A_1880 = vector.bitcast %get3A_1879 : vector<16xi32> to vector<32xbf16>
        %get3A_1881 = arith.index_cast %add3A_1872 : i32 to index
        %get3A_1882 = arith.constant 0 : index
        %get3A_1883 = tpu.vector_load %arg15[%get3A_1881, %get3A_1882] {strides = array<i32>} : memref<80x64xi32, #tpu.memory_space<vmem>>, vector<16xi32>,
        %bitcast3A_1884 = vector.bitcast %get3A_1883 : vector<16xi32> to vector<32xbf16>
        %mul3A_1885 = arith.mulf %bitcast3A_1876, %bitcast3A_1884 : vector<32xbf16>
        %mul3A_1886 = arith.mulf %mul3A_1885, %bitcast3A_1880 : vector<32xbf16>
        %unpack3A_1887 = tpu.unpack_subelements %mul3A_1886, 0 {pack_format = #tpu.pack_format<interleaved>} : vector<32xbf16> -> vector<16xf32>
        %unpack3A_1888 = tpu.unpack_subelements %mul3A_1886, 1 {pack_format = #tpu.pack_format<interleaved>} : vector<32xbf16> -> vector<16xf32>
        %add3A_1889 = arith.addf %unpack3A_1887, %unpack3A_1888 : vector<16xf32>
        %get3A_1890 = arith.index_cast %add3A_1872 : i32 to index
        %get3A_1891 = arith.constant 16 : index
        %get3A_1892 = tpu.vector_load %arg13[%get3A_1890, %get3A_1891] {strides = array<i32>} : memref<80x64xi32, #tpu.memory_space<vmem>>, vector<16xi32>,
        %bitcast3A_1893 = vector.bitcast %get3A_1892 : vector<16xi32> to vector<32xbf16>
        %get3A_1894 = arith.index_cast %add3A_1872 : i32 to index
        %get3A_1895 = arith.constant 16 : index
        %get3A_1896 = tpu.vector_load %arg14[%get3A_1894, %get3A_1895] {strides = array<i32>} : memref<80x64xi32, #tpu.memory_space<vmem>>, vector<16xi32>,
        %bitcast3A_1897 = vector.bitcast %get3A_1896 : vector<16xi32> to vector<32xbf16>
        %get3A_1898 = arith.index_cast %add3A_1872 : i32 to index
        %get3A_1899 = arith.constant 16 : index
        %get3A_1900 = tpu.vector_load %arg15[%get3A_1898, %get3A_1899] {strides = array<i32>} : memref<80x64xi32, #tpu.memory_space<vmem>>, vector<16xi32>,
        %bitcast3A_1901 = vector.bitcast %get3A_1900 : vector<16xi32> to vector<32xbf16>
        %mul3A_1902 = arith.mulf %bitcast3A_1893, %bitcast3A_1901 : vector<32xbf16>
        %mul3A_1903 = arith.mulf %mul3A_1902, %bitcast3A_1897 : vector<32xbf16>
        %unpack3A_1904 = tpu.unpack_subelements %mul3A_1903, 0 {pack_format = #tpu.pack_format<interleaved>} : vector<32xbf16> -> vector<16xf32>
        %unpack3A_1905 = tpu.unpack_subelements %mul3A_1903, 1 {pack_format = #tpu.pack_format<interleaved>} : vector<32xbf16> -> vector<16xf32>
        %add3A_1906 = arith.addf %unpack3A_1904, %unpack3A_1905 : vector<16xf32>
        %add3A_1907 = arith.addf %add3A_1889, %add3A_1906 : vector<16xf32>
        %get3A_1908 = arith.index_cast %add3A_1872 : i32 to index
        %get3A_1909 = arith.constant 32 : index
        %get3A_1910 = tpu.vector_load %arg13[%get3A_1908, %get3A_1909] {strides = array<i32>} : memref<80x64xi32, #tpu.memory_space<vmem>>, vector<16xi32>,
        %bitcast3A_1911 = vector.bitcast %get3A_1910 : vector<16xi32> to vector<32xbf16>
        %get3A_1912 = arith.index_cast %add3A_1872 : i32 to index
        %get3A_1913 = arith.constant 32 : index
        %get3A_1914 = tpu.vector_load %arg14[%get3A_1912, %get3A_1913] {strides = array<i32>} : memref<80x64xi32, #tpu.memory_space<vmem>>, vector<16xi32>,
        %bitcast3A_1915 = vector.bitcast %get3A_1914 : vector<16xi32> to vector<32xbf16>
        %get3A_1916 = arith.index_cast %add3A_1872 : i32 to index
        %get3A_1917 = arith.constant 32 : index
        %get3A_1918 = tpu.vector_load %arg15[%get3A_1916, %get3A_1917] {strides = array<i32>} : memref<80x64xi32, #tpu.memory_space<vmem>>, vector<16xi32>,
        %bitcast3A_1919 = vector.bitcast %get3A_1918 : vector<16xi32> to vector<32xbf16>
        %mul3A_1920 = arith.mulf %bitcast3A_1911, %bitcast3A_1919 : vector<32xbf16>
        %mul3A_1921 = arith.mulf %mul3A_1920, %bitcast3A_1915 : vector<32xbf16>
        %unpack3A_1922 = tpu.unpack_subelements %mul3A_1921, 0 {pack_format = #tpu.pack_format<interleaved>} : vector<32xbf16> -> vector<16xf32>
        %unpack3A_1923 = tpu.unpack_subelements %mul3A_1921, 1 {pack_format = #tpu.pack_format<interleaved>} : vector<32xbf16> -> vector<16xf32>
        %add3A_1924 = arith.addf %unpack3A_1922, %unpack3A_1923 : vector<16xf32>
        %add3A_1925 = arith.addf %add3A_1907, %add3A_1924 : vector<16xf32>
        %get3A_1926 = arith.index_cast %add3A_1872 : i32 to index
        %get3A_1927 = arith.constant 48 : index
        %get3A_1928 = tpu.vector_load %arg13[%get3A_1926, %get3A_1927] {strides = array<i32>} : memref<80x64xi32, #tpu.memory_space<vmem>>, vector<16xi32>,
        %bitcast3A_1929 = vector.bitcast %get3A_1928 : vector<16xi32> to vector<32xbf16>
        %get3A_1930 = arith.index_cast %add3A_1872 : i32 to index
        %get3A_1931 = arith.constant 48 : index
        %get3A_1932 = tpu.vector_load %arg14[%get3A_1930, %get3A_1931] {strides = array<i32>} : memref<80x64xi32, #tpu.memory_space<vmem>>, vector<16xi32>,
        %bitcast3A_1933 = vector.bitcast %get3A_1932 : vector<16xi32> to vector<32xbf16>
        %get3A_1934 = arith.index_cast %add3A_1872 : i32 to index
        %get3A_1935 = arith.constant 48 : index
        %get3A_1936 = tpu.vector_load %arg15[%get3A_1934, %get3A_1935] {strides = array<i32>} : memref<80x64xi32, #tpu.memory_space<vmem>>, vector<16xi32>,
        %bitcast3A_1937 = vector.bitcast %get3A_1936 : vector<16xi32> to vector<32xbf16>
        %mul3A_1938 = arith.mulf %bitcast3A_1929, %bitcast3A_1937 : vector<32xbf16>
        %mul3A_1939 = arith.mulf %mul3A_1938, %bitcast3A_1933 : vector<32xbf16>
        %unpack3A_1940 = tpu.unpack_subelements %mul3A_1939, 0 {pack_format = #tpu.pack_format<interleaved>} : vector<32xbf16> -> vector<16xf32>
        %unpack3A_1941 = tpu.unpack_subelements %mul3A_1939, 1 {pack_format = #tpu.pack_format<interleaved>} : vector<32xbf16> -> vector<16xf32>
        %add3A_1942 = arith.addf %unpack3A_1940, %unpack3A_1941 : vector<16xf32>
        %add3A_1943 = arith.addf %add3A_1925, %add3A_1942 : vector<16xf32>
        %mul3A_1944 = arith.constant 17 : i32
        %mul3A_1945 = arith.muli %scan3A_1870, %mul3A_1944 : i32
        %swap3A_1946 = arith.index_cast %mul3A_1945 : i32 to index
        %swap3A_1947 = tpu.vector_load %arg17[%swap3A_1946] {strides = array<i32>} : memref<272xf32, #tpu.memory_space<vmem>>, vector<16xf32>,
        tpu.vector_store %arg17[%swap3A_1946], %add3A_1943 {strides = array<i32>} : memref<272xf32, #tpu.memory_space<vmem>>, vector<16xf32>,
      }
      %scan3A_1692 = arith.constant 16 : i32
      %gather3A_1693 = tpu.vector_load_idx %arg17[%mul3A_6] : memref<272xf32, #tpu.memory_space<vmem>>[vector<16xi32>], vector<16xf32>,
      %add3A_1694 = arith.constant 1 : i32
      %add3A_1695 = vector.broadcast %add3A_1694 : i32 to vector<16xi32>
      %add3A_1696 = arith.addi %mul3A_6, %add3A_1695 : vector<16xi32>
      %gather3A_1697 = tpu.vector_load_idx %arg17[%add3A_1696] : memref<272xf32, #tpu.memory_space<vmem>>[vector<16xi32>], vector<16xf32>,
      %add3A_1698 = arith.constant 2 : i32
      %add3A_1699 = vector.broadcast %add3A_1698 : i32 to vector<16xi32>
      %add3A_1700 = arith.addi %mul3A_6, %add3A_1699 : vector<16xi32>
      %gather3A_1701 = tpu.vector_load_idx %arg17[%add3A_1700] : memref<272xf32, #tpu.memory_space<vmem>>[vector<16xi32>], vector<16xf32>,
      %add3A_1702 = arith.addf %gather3A_1693, %gather3A_1701 : vector<16xf32>
      %add3A_1703 = arith.constant 2 : i32
      %add3A_1704 = vector.broadcast %add3A_1703 : i32 to vector<16xi32>
      %add3A_1705 = arith.addi %mul3A_6, %add3A_1704 : vector<16xi32>
      %add3A_1706 = arith.constant 1 : i32
      %add3A_1707 = vector.broadcast %add3A_1706 : i32 to vector<16xi32>
      %add3A_1708 = arith.addi %add3A_1705, %add3A_1707 : vector<16xi32>
      %gather3A_1709 = tpu.vector_load_idx %arg17[%add3A_1708] : memref<272xf32, #tpu.memory_space<vmem>>[vector<16xi32>], vector<16xf32>,
      %add3A_1710 = arith.addf %gather3A_1697, %gather3A_1709 : vector<16xf32>
      %add3A_1711 = arith.constant 4 : i32
      %add3A_1712 = vector.broadcast %add3A_1711 : i32 to vector<16xi32>
      %add3A_1713 = arith.addi %mul3A_6, %add3A_1712 : vector<16xi32>
      %gather3A_1714 = tpu.vector_load_idx %arg17[%add3A_1713] : memref<272xf32, #tpu.memory_space<vmem>>[vector<16xi32>], vector<16xf32>,
      %add3A_1715 = arith.addf %add3A_1702, %gather3A_1714 : vector<16xf32>
      %add3A_1716 = arith.constant 4 : i32
      %add3A_1717 = vector.broadcast %add3A_1716 : i32 to vector<16xi32>
      %add3A_1718 = arith.addi %mul3A_6, %add3A_1717 : vector<16xi32>
      %add3A_1719 = arith.constant 1 : i32
      %add3A_1720 = vector.broadcast %add3A_1719 : i32 to vector<16xi32>
      %add3A_1721 = arith.addi %add3A_1718, %add3A_1720 : vector<16xi32>
      %gather3A_1722 = tpu.vector_load_idx %arg17[%add3A_1721] : memref<272xf32, #tpu.memory_space<vmem>>[vector<16xi32>], vector<16xf32>,
      %add3A_1723 = arith.addf %add3A_1710, %gather3A_1722 : vector<16xf32>
      %add3A_1724 = arith.constant 6 : i32
      %add3A_1725 = vector.broadcast %add3A_1724 : i32 to vector<16xi32>
      %add3A_1726 = arith.addi %mul3A_6, %add3A_1725 : vector<16xi32>
      %gather3A_1727 = tpu.vector_load_idx %arg17[%add3A_1726] : memref<272xf32, #tpu.memory_space<vmem>>[vector<16xi32>], vector<16xf32>,
      %add3A_1728 = arith.addf %add3A_1715, %gather3A_1727 : vector<16xf32>
      %add3A_1729 = arith.constant 6 : i32
      %add3A_1730 = vector.broadcast %add3A_1729 : i32 to vector<16xi32>
      %add3A_1731 = arith.addi %mul3A_6, %add3A_1730 : vector<16xi32>
      %add3A_1732 = arith.constant 1 : i32
      %add3A_1733 = vector.broadcast %add3A_1732 : i32 to vector<16xi32>
      %add3A_1734 = arith.addi %add3A_1731, %add3A_1733 : vector<16xi32>
      %gather3A_1735 = tpu.vector_load_idx %arg17[%add3A_1734] : memref<272xf32, #tpu.memory_space<vmem>>[vector<16xi32>], vector<16xf32>,
      %add3A_1736 = arith.addf %add3A_1723, %gather3A_1735 : vector<16xf32>
      %add3A_1737 = arith.constant 8 : i32
      %add3A_1738 = vector.broadcast %add3A_1737 : i32 to vector<16xi32>
      %add3A_1739 = arith.addi %mul3A_6, %add3A_1738 : vector<16xi32>
      %gather3A_1740 = tpu.vector_load_idx %arg17[%add3A_1739] : memref<272xf32, #tpu.memory_space<vmem>>[vector<16xi32>], vector<16xf32>,
      %add3A_1741 = arith.addf %add3A_1728, %gather3A_1740 : vector<16xf32>
      %add3A_1742 = arith.constant 8 : i32
      %add3A_1743 = vector.broadcast %add3A_1742 : i32 to vector<16xi32>
      %add3A_1744 = arith.addi %mul3A_6, %add3A_1743 : vector<16xi32>
      %add3A_1745 = arith.constant 1 : i32
      %add3A_1746 = vector.broadcast %add3A_1745 : i32 to vector<16xi32>
      %add3A_1747 = arith.addi %add3A_1744, %add3A_1746 : vector<16xi32>
      %gather3A_1748 = tpu.vector_load_idx %arg17[%add3A_1747] : memref<272xf32, #tpu.memory_space<vmem>>[vector<16xi32>], vector<16xf32>,
      %add3A_1749 = arith.addf %add3A_1736, %gather3A_1748 : vector<16xf32>
      %add3A_1750 = arith.constant 10 : i32
      %add3A_1751 = vector.broadcast %add3A_1750 : i32 to vector<16xi32>
      %add3A_1752 = arith.addi %mul3A_6, %add3A_1751 : vector<16xi32>
      %gather3A_1753 = tpu.vector_load_idx %arg17[%add3A_1752] : memref<272xf32, #tpu.memory_space<vmem>>[vector<16xi32>], vector<16xf32>,
      %add3A_1754 = arith.addf %add3A_1741, %gather3A_1753 : vector<16xf32>
      %add3A_1755 = arith.constant 10 : i32
      %add3A_1756 = vector.broadcast %add3A_1755 : i32 to vector<16xi32>
      %add3A_1757 = arith.addi %mul3A_6, %add3A_1756 : vector<16xi32>
      %add3A_1758 = arith.constant 1 : i32
      %add3A_1759 = vector.broadcast %add3A_1758 : i32 to vector<16xi32>
      %add3A_1760 = arith.addi %add3A_1757, %add3A_1759 : vector<16xi32>
      %gather3A_1761 = tpu.vector_load_idx %arg17[%add3A_1760] : memref<272xf32, #tpu.memory_space<vmem>>[vector<16xi32>], vector<16xf32>,
      %add3A_1762 = arith.addf %add3A_1749, %gather3A_1761 : vector<16xf32>
      %add3A_1763 = arith.constant 12 : i32
      %add3A_1764 = vector.broadcast %add3A_1763 : i32 to vector<16xi32>
      %add3A_1765 = arith.addi %mul3A_6, %add3A_1764 : vector<16xi32>
      %gather3A_1766 = tpu.vector_load_idx %arg17[%add3A_1765] : memref<272xf32, #tpu.memory_space<vmem>>[vector<16xi32>], vector<16xf32>,
      %add3A_1767 = arith.addf %add3A_1754, %gather3A_1766 : vector<16xf32>
      %add3A_1768 = arith.constant 12 : i32
      %add3A_1769 = vector.broadcast %add3A_1768 : i32 to vector<16xi32>
      %add3A_1770 = arith.addi %mul3A_6, %add3A_1769 : vector<16xi32>
      %add3A_1771 = arith.constant 1 : i32
      %add3A_1772 = vector.broadcast %add3A_1771 : i32 to vector<16xi32>
      %add3A_1773 = arith.addi %add3A_1770, %add3A_1772 : vector<16xi32>
      %gather3A_1774 = tpu.vector_load_idx %arg17[%add3A_1773] : memref<272xf32, #tpu.memory_space<vmem>>[vector<16xi32>], vector<16xf32>,
      %add3A_1775 = arith.addf %add3A_1762, %gather3A_1774 : vector<16xf32>
      %add3A_1776 = arith.constant 14 : i32
      %add3A_1777 = vector.broadcast %add3A_1776 : i32 to vector<16xi32>
      %add3A_1778 = arith.addi %mul3A_6, %add3A_1777 : vector<16xi32>
      %gather3A_1779 = tpu.vector_load_idx %arg17[%add3A_1778] : memref<272xf32, #tpu.memory_space<vmem>>[vector<16xi32>], vector<16xf32>,
      %add3A_1780 = arith.addf %add3A_1767, %gather3A_1779 : vector<16xf32>
      %add3A_1781 = arith.constant 14 : i32
      %add3A_1782 = vector.broadcast %add3A_1781 : i32 to vector<16xi32>
      %add3A_1783 = arith.addi %mul3A_6, %add3A_1782 : vector<16xi32>
      %add3A_1784 = arith.constant 1 : i32
      %add3A_1785 = vector.broadcast %add3A_1784 : i32 to vector<16xi32>
      %add3A_1786 = arith.addi %add3A_1783, %add3A_1785 : vector<16xi32>
      %gather3A_1787 = tpu.vector_load_idx %arg17[%add3A_1786] : memref<272xf32, #tpu.memory_space<vmem>>[vector<16xi32>], vector<16xf32>,
      %add3A_1788 = arith.addf %add3A_1775, %gather3A_1787 : vector<16xf32>
      %add3A_1789 = arith.addf %add3A_1780, %add3A_1788 : vector<16xf32>
      %add3A_1790 = arith.constant 64 : i32
      %add3A_1791 = arith.addi %mul3A_1258, %add3A_1790 : i32
      %swap3A_1792 = arith.index_cast %add3A_1791 : i32 to index
      %swap3A_1793 = tpu.vector_load %arg16[%swap3A_1792] {strides = array<i32>} : memref<10000xf32, #tpu.memory_space<vmem>>, vector<16xf32>,
      tpu.vector_store %arg16[%swap3A_1792], %add3A_1789 {strides = array<i32>} : memref<10000xf32, #tpu.memory_space<vmem>>, vector<16xf32>,
    }
    %scan3A_34 = arith.constant 62 : i32
    %dma_wait3A = arith.constant 0 : i32
    %dma_wait3A_35 = arith.constant 0 : i32
    %dma_wait3A_36 = tpu.memref_slice %arg10[%dma_wait3A, %dma_wait3A_35] : memref<80x64xi32, #tpu.memory_space<vmem>> -> memref<80x64xi32, #tpu.memory_space<vmem>>
    %dma_wait3A_37 = arith.constant 0 : i32
    %dma_wait3A_38 = arith.constant 0 : i32
    %dma_wait3A_39 = tpu.memref_slice %arg2[%dma_wait3A_37, %dma_wait3A_38] : memref<10000x64xi32, #tpu.memory_space<hbm>> -> memref<80x64xi32, #tpu.memory_space<hbm>>
    %dma_wait3A_40 = arith.constant 0 : i32
    %dma_wait3A_41 = arith.constant 0 : i32
    %dma_wait3A_42 = tpu.memref_slice %arg10[%dma_wait3A_40, %dma_wait3A_41] : memref<80x64xi32, #tpu.memory_space<vmem>> -> memref<80x64xi32, #tpu.memory_space<vmem>>
    %dma_wait3A_43 = arith.constant 0 : i32
    %dma_wait3A_44 = arith.constant 0 : i32
    %dma_wait3A_45 = tpu.memref_slice %arg2[%dma_wait3A_43, %dma_wait3A_44] : memref<10000x64xi32, #tpu.memory_space<hbm>> -> memref<80x64xi32, #tpu.memory_space<hbm>>
    tpu.wait_dma2 semaphore(%arg18 : memref<!tpu.dma_semaphore, #tpu.memory_space<semaphore_mem>>) src(%dma_wait3A_45 : memref<80x64xi32, #tpu.memory_space<hbm>>) dst(%dma_wait3A_42 : memref<80x64xi32, #tpu.memory_space<vmem>>)
    %dma_wait3A_46 = arith.constant 0 : i32
    %dma_wait3A_47 = arith.constant 0 : i32
    %dma_wait3A_48 = tpu.memref_slice %arg11[%dma_wait3A_46, %dma_wait3A_47] : memref<80x64xi32, #tpu.memory_space<vmem>> -> memref<80x64xi32, #tpu.memory_space<vmem>>
    %dma_wait3A_49 = arith.constant 0 : i32
    %dma_wait3A_50 = arith.constant 0 : i32
    %dma_wait3A_51 = tpu.memref_slice %arg2[%dma_wait3A_49, %dma_wait3A_50] : memref<10000x64xi32, #tpu.memory_space<hbm>> -> memref<80x64xi32, #tpu.memory_space<hbm>>
    %dma_wait3A_52 = arith.constant 0 : i32
    %dma_wait3A_53 = arith.constant 0 : i32
    %dma_wait3A_54 = tpu.memref_slice %arg11[%dma_wait3A_52, %dma_wait3A_53] : memref<80x64xi32, #tpu.memory_space<vmem>> -> memref<80x64xi32, #tpu.memory_space<vmem>>
    %dma_wait3A_55 = arith.constant 0 : i32
    %dma_wait3A_56 = arith.constant 0 : i32
    %dma_wait3A_57 = tpu.memref_slice %arg2[%dma_wait3A_55, %dma_wait3A_56] : memref<10000x64xi32, #tpu.memory_space<hbm>> -> memref<80x64xi32, #tpu.memory_space<hbm>>
    tpu.wait_dma2 semaphore(%arg18 : memref<!tpu.dma_semaphore, #tpu.memory_space<semaphore_mem>>) src(%dma_wait3A_57 : memref<80x64xi32, #tpu.memory_space<hbm>>) dst(%dma_wait3A_54 : memref<80x64xi32, #tpu.memory_space<vmem>>)
    %dma_wait3A_58 = arith.constant 0 : i32
    %dma_wait3A_59 = arith.constant 0 : i32
    %dma_wait3A_60 = tpu.memref_slice %arg12[%dma_wait3A_58, %dma_wait3A_59] : memref<80x64xi32, #tpu.memory_space<vmem>> -> memref<80x64xi32, #tpu.memory_space<vmem>>
    %dma_wait3A_61 = arith.constant 0 : i32
    %dma_wait3A_62 = arith.constant 0 : i32
    %dma_wait3A_63 = tpu.memref_slice %arg3[%dma_wait3A_61, %dma_wait3A_62] : memref<1000x64xi32, #tpu.memory_space<hbm>> -> memref<80x64xi32, #tpu.memory_space<hbm>>
    %dma_wait3A_64 = arith.constant 0 : i32
    %dma_wait3A_65 = arith.constant 0 : i32
    %dma_wait3A_66 = tpu.memref_slice %arg12[%dma_wait3A_64, %dma_wait3A_65] : memref<80x64xi32, #tpu.memory_space<vmem>> -> memref<80x64xi32, #tpu.memory_space<vmem>>
    %dma_wait3A_67 = arith.constant 0 : i32
    %dma_wait3A_68 = arith.constant 0 : i32
    %dma_wait3A_69 = tpu.memref_slice %arg3[%dma_wait3A_67, %dma_wait3A_68] : memref<1000x64xi32, #tpu.memory_space<hbm>> -> memref<80x64xi32, #tpu.memory_space<hbm>>
    tpu.wait_dma2 semaphore(%arg18 : memref<!tpu.dma_semaphore, #tpu.memory_space<semaphore_mem>>) src(%dma_wait3A_69 : memref<80x64xi32, #tpu.memory_space<hbm>>) dst(%dma_wait3A_66 : memref<80x64xi32, #tpu.memory_space<vmem>>)
    %scan3A_70 = arith.constant 0 : i32
    %scan3A_71 = arith.constant 0 : i32
    %scan3A_72 = arith.constant 16 : i32
    %scan3A_73 = arith.addi %scan3A_71, %scan3A_72 : i32
    %scan3A_74 = arith.constant 2 : i32
    scf.for %scan3A_593 = %scan3A_71 to %scan3A_73 step %scan3A_74  : i32 {
      %add3A_594 = arith.constant 0 : i32
      %add3A_595 = arith.addi %add3A_594, %scan3A_593 : i32
      %get3A = arith.index_cast %add3A_595 : i32 to index
      %get3A_596 = arith.constant 0 : index
      %get3A_597 = tpu.vector_load %arg10[%get3A, %get3A_596] {strides = array<i32>} : memref<80x64xi32, #tpu.memory_space<vmem>>, vector<16xi32>,
      %bitcast3A = vector.bitcast %get3A_597 : vector<16xi32> to vector<32xbf16>
      %get3A_598 = arith.index_cast %add3A_595 : i32 to index
      %get3A_599 = arith.constant 0 : index
      %get3A_600 = tpu.vector_load %arg11[%get3A_598, %get3A_599] {strides = array<i32>} : memref<80x64xi32, #tpu.memory_space<vmem>>, vector<16xi32>,
      %bitcast3A_601 = vector.bitcast %get3A_600 : vector<16xi32> to vector<32xbf16>
      %get3A_602 = arith.index_cast %add3A_595 : i32 to index
      %get3A_603 = arith.constant 0 : index
      %get3A_604 = tpu.vector_load %arg12[%get3A_602, %get3A_603] {strides = array<i32>} : memref<80x64xi32, #tpu.memory_space<vmem>>, vector<16xi32>,
      %bitcast3A_605 = vector.bitcast %get3A_604 : vector<16xi32> to vector<32xbf16>
      %mul3A_606 = arith.mulf %bitcast3A, %bitcast3A_605 : vector<32xbf16>
      %mul3A_607 = arith.mulf %mul3A_606, %bitcast3A_601 : vector<32xbf16>
      %unpack3A = tpu.unpack_subelements %mul3A_607, 0 {pack_format = #tpu.pack_format<interleaved>} : vector<32xbf16> -> vector<16xf32>
      %unpack3A_608 = tpu.unpack_subelements %mul3A_607, 1 {pack_format = #tpu.pack_format<interleaved>} : vector<32xbf16> -> vector<16xf32>
      %add3A_609 = arith.addf %unpack3A, %unpack3A_608 : vector<16xf32>
      %get3A_610 = arith.index_cast %add3A_595 : i32 to index
      %get3A_611 = arith.constant 16 : index
      %get3A_612 = tpu.vector_load %arg10[%get3A_610, %get3A_611] {strides = array<i32>} : memref<80x64xi32, #tpu.memory_space<vmem>>, vector<16xi32>,
      %bitcast3A_613 = vector.bitcast %get3A_612 : vector<16xi32> to vector<32xbf16>
      %get3A_614 = arith.index_cast %add3A_595 : i32 to index
      %get3A_615 = arith.constant 16 : index
      %get3A_616 = tpu.vector_load %arg11[%get3A_614, %get3A_615] {strides = array<i32>} : memref<80x64xi32, #tpu.memory_space<vmem>>, vector<16xi32>,
      %bitcast3A_617 = vector.bitcast %get3A_616 : vector<16xi32> to vector<32xbf16>
      %get3A_618 = arith.index_cast %add3A_595 : i32 to index
      %get3A_619 = arith.constant 16 : index
      %get3A_620 = tpu.vector_load %arg12[%get3A_618, %get3A_619] {strides = array<i32>} : memref<80x64xi32, #tpu.memory_space<vmem>>, vector<16xi32>,
      %bitcast3A_621 = vector.bitcast %get3A_620 : vector<16xi32> to vector<32xbf16>
      %mul3A_622 = arith.mulf %bitcast3A_613, %bitcast3A_621 : vector<32xbf16>
      %mul3A_623 = arith.mulf %mul3A_622, %bitcast3A_617 : vector<32xbf16>
      %unpack3A_624 = tpu.unpack_subelements %mul3A_623, 0 {pack_format = #tpu.pack_format<interleaved>} : vector<32xbf16> -> vector<16xf32>
      %unpack3A_625 = tpu.unpack_subelements %mul3A_623, 1 {pack_format = #tpu.pack_format<interleaved>} : vector<32xbf16> -> vector<16xf32>
      %add3A_626 = arith.addf %unpack3A_624, %unpack3A_625 : vector<16xf32>
      %add3A_627 = arith.addf %add3A_609, %add3A_626 : vector<16xf32>
      %get3A_628 = arith.index_cast %add3A_595 : i32 to index
      %get3A_629 = arith.constant 32 : index
      %get3A_630 = tpu.vector_load %arg10[%get3A_628, %get3A_629] {strides = array<i32>} : memref<80x64xi32, #tpu.memory_space<vmem>>, vector<16xi32>,
      %bitcast3A_631 = vector.bitcast %get3A_630 : vector<16xi32> to vector<32xbf16>
      %get3A_632 = arith.index_cast %add3A_595 : i32 to index
      %get3A_633 = arith.constant 32 : index
      %get3A_634 = tpu.vector_load %arg11[%get3A_632, %get3A_633] {strides = array<i32>} : memref<80x64xi32, #tpu.memory_space<vmem>>, vector<16xi32>,
      %bitcast3A_635 = vector.bitcast %get3A_634 : vector<16xi32> to vector<32xbf16>
      %get3A_636 = arith.index_cast %add3A_595 : i32 to index
      %get3A_637 = arith.constant 32 : index
      %get3A_638 = tpu.vector_load %arg12[%get3A_636, %get3A_637] {strides = array<i32>} : memref<80x64xi32, #tpu.memory_space<vmem>>, vector<16xi32>,
      %bitcast3A_639 = vector.bitcast %get3A_638 : vector<16xi32> to vector<32xbf16>
      %mul3A_640 = arith.mulf %bitcast3A_631, %bitcast3A_639 : vector<32xbf16>
      %mul3A_641 = arith.mulf %mul3A_640, %bitcast3A_635 : vector<32xbf16>
      %unpack3A_642 = tpu.unpack_subelements %mul3A_641, 0 {pack_format = #tpu.pack_format<interleaved>} : vector<32xbf16> -> vector<16xf32>
      %unpack3A_643 = tpu.unpack_subelements %mul3A_641, 1 {pack_format = #tpu.pack_format<interleaved>} : vector<32xbf16> -> vector<16xf32>
      %add3A_644 = arith.addf %unpack3A_642, %unpack3A_643 : vector<16xf32>
      %add3A_645 = arith.addf %add3A_627, %add3A_644 : vector<16xf32>
      %get3A_646 = arith.index_cast %add3A_595 : i32 to index
      %get3A_647 = arith.constant 48 : index
      %get3A_648 = tpu.vector_load %arg10[%get3A_646, %get3A_647] {strides = array<i32>} : memref<80x64xi32, #tpu.memory_space<vmem>>, vector<16xi32>,
      %bitcast3A_649 = vector.bitcast %get3A_648 : vector<16xi32> to vector<32xbf16>
      %get3A_650 = arith.index_cast %add3A_595 : i32 to index
      %get3A_651 = arith.constant 48 : index
      %get3A_652 = tpu.vector_load %arg11[%get3A_650, %get3A_651] {strides = array<i32>} : memref<80x64xi32, #tpu.memory_space<vmem>>, vector<16xi32>,
      %bitcast3A_653 = vector.bitcast %get3A_652 : vector<16xi32> to vector<32xbf16>
      %get3A_654 = arith.index_cast %add3A_595 : i32 to index
      %get3A_655 = arith.constant 48 : index
      %get3A_656 = tpu.vector_load %arg12[%get3A_654, %get3A_655] {strides = array<i32>} : memref<80x64xi32, #tpu.memory_space<vmem>>, vector<16xi32>,
      %bitcast3A_657 = vector.bitcast %get3A_656 : vector<16xi32> to vector<32xbf16>
      %mul3A_658 = arith.mulf %bitcast3A_649, %bitcast3A_657 : vector<32xbf16>
      %mul3A_659 = arith.mulf %mul3A_658, %bitcast3A_653 : vector<32xbf16>
      %unpack3A_660 = tpu.unpack_subelements %mul3A_659, 0 {pack_format = #tpu.pack_format<interleaved>} : vector<32xbf16> -> vector<16xf32>
      %unpack3A_661 = tpu.unpack_subelements %mul3A_659, 1 {pack_format = #tpu.pack_format<interleaved>} : vector<32xbf16> -> vector<16xf32>
      %add3A_662 = arith.addf %unpack3A_660, %unpack3A_661 : vector<16xf32>
      %add3A_663 = arith.addf %add3A_645, %add3A_662 : vector<16xf32>
      %mul3A_664 = arith.constant 17 : i32
      %mul3A_665 = arith.muli %scan3A_593, %mul3A_664 : i32
      %swap3A_666 = arith.index_cast %mul3A_665 : i32 to index
      %swap3A_667 = tpu.vector_load %arg17[%swap3A_666] {strides = array<i32>} : memref<272xf32, #tpu.memory_space<vmem>>, vector<16xf32>,
      tpu.vector_store %arg17[%swap3A_666], %add3A_663 {strides = array<i32>} : memref<272xf32, #tpu.memory_space<vmem>>, vector<16xf32>,
      %scan3A_668 = arith.constant 1 : i32
      %scan3A_669 = arith.addi %scan3A_593, %scan3A_668 : i32
      %add3A_670 = arith.constant 0 : i32
      %add3A_671 = arith.addi %add3A_670, %scan3A_669 : i32
      %get3A_672 = arith.index_cast %add3A_671 : i32 to index
      %get3A_673 = arith.constant 0 : index
      %get3A_674 = tpu.vector_load %arg10[%get3A_672, %get3A_673] {strides = array<i32>} : memref<80x64xi32, #tpu.memory_space<vmem>>, vector<16xi32>,
      %bitcast3A_675 = vector.bitcast %get3A_674 : vector<16xi32> to vector<32xbf16>
      %get3A_676 = arith.index_cast %add3A_671 : i32 to index
      %get3A_677 = arith.constant 0 : index
      %get3A_678 = tpu.vector_load %arg11[%get3A_676, %get3A_677] {strides = array<i32>} : memref<80x64xi32, #tpu.memory_space<vmem>>, vector<16xi32>,
      %bitcast3A_679 = vector.bitcast %get3A_678 : vector<16xi32> to vector<32xbf16>
      %get3A_680 = arith.index_cast %add3A_671 : i32 to index
      %get3A_681 = arith.constant 0 : index
      %get3A_682 = tpu.vector_load %arg12[%get3A_680, %get3A_681] {strides = array<i32>} : memref<80x64xi32, #tpu.memory_space<vmem>>, vector<16xi32>,
      %bitcast3A_683 = vector.bitcast %get3A_682 : vector<16xi32> to vector<32xbf16>
      %mul3A_684 = arith.mulf %bitcast3A_675, %bitcast3A_683 : vector<32xbf16>
      %mul3A_685 = arith.mulf %mul3A_684, %bitcast3A_679 : vector<32xbf16>
      %unpack3A_686 = tpu.unpack_subelements %mul3A_685, 0 {pack_format = #tpu.pack_format<interleaved>} : vector<32xbf16> -> vector<16xf32>
      %unpack3A_687 = tpu.unpack_subelements %mul3A_685, 1 {pack_format = #tpu.pack_format<interleaved>} : vector<32xbf16> -> vector<16xf32>
      %add3A_688 = arith.addf %unpack3A_686, %unpack3A_687 : vector<16xf32>
      %get3A_689 = arith.index_cast %add3A_671 : i32 to index
      %get3A_690 = arith.constant 16 : index
      %get3A_691 = tpu.vector_load %arg10[%get3A_689, %get3A_690] {strides = array<i32>} : memref<80x64xi32, #tpu.memory_space<vmem>>, vector<16xi32>,
      %bitcast3A_692 = vector.bitcast %get3A_691 : vector<16xi32> to vector<32xbf16>
      %get3A_693 = arith.index_cast %add3A_671 : i32 to index
      %get3A_694 = arith.constant 16 : index
      %get3A_695 = tpu.vector_load %arg11[%get3A_693, %get3A_694] {strides = array<i32>} : memref<80x64xi32, #tpu.memory_space<vmem>>, vector<16xi32>,
      %bitcast3A_696 = vector.bitcast %get3A_695 : vector<16xi32> to vector<32xbf16>
      %get3A_697 = arith.index_cast %add3A_671 : i32 to index
      %get3A_698 = arith.constant 16 : index
      %get3A_699 = tpu.vector_load %arg12[%get3A_697, %get3A_698] {strides = array<i32>} : memref<80x64xi32, #tpu.memory_space<vmem>>, vector<16xi32>,
      %bitcast3A_700 = vector.bitcast %get3A_699 : vector<16xi32> to vector<32xbf16>
      %mul3A_701 = arith.mulf %bitcast3A_692, %bitcast3A_700 : vector<32xbf16>
      %mul3A_702 = arith.mulf %mul3A_701, %bitcast3A_696 : vector<32xbf16>
      %unpack3A_703 = tpu.unpack_subelements %mul3A_702, 0 {pack_format = #tpu.pack_format<interleaved>} : vector<32xbf16> -> vector<16xf32>
      %unpack3A_704 = tpu.unpack_subelements %mul3A_702, 1 {pack_format = #tpu.pack_format<interleaved>} : vector<32xbf16> -> vector<16xf32>
      %add3A_705 = arith.addf %unpack3A_703, %unpack3A_704 : vector<16xf32>
      %add3A_706 = arith.addf %add3A_688, %add3A_705 : vector<16xf32>
      %get3A_707 = arith.index_cast %add3A_671 : i32 to index
      %get3A_708 = arith.constant 32 : index
      %get3A_709 = tpu.vector_load %arg10[%get3A_707, %get3A_708] {strides = array<i32>} : memref<80x64xi32, #tpu.memory_space<vmem>>, vector<16xi32>,
      %bitcast3A_710 = vector.bitcast %get3A_709 : vector<16xi32> to vector<32xbf16>
      %get3A_711 = arith.index_cast %add3A_671 : i32 to index
      %get3A_712 = arith.constant 32 : index
      %get3A_713 = tpu.vector_load %arg11[%get3A_711, %get3A_712] {strides = array<i32>} : memref<80x64xi32, #tpu.memory_space<vmem>>, vector<16xi32>,
      %bitcast3A_714 = vector.bitcast %get3A_713 : vector<16xi32> to vector<32xbf16>
      %get3A_715 = arith.index_cast %add3A_671 : i32 to index
      %get3A_716 = arith.constant 32 : index
      %get3A_717 = tpu.vector_load %arg12[%get3A_715, %get3A_716] {strides = array<i32>} : memref<80x64xi32, #tpu.memory_space<vmem>>, vector<16xi32>,
      %bitcast3A_718 = vector.bitcast %get3A_717 : vector<16xi32> to vector<32xbf16>
      %mul3A_719 = arith.mulf %bitcast3A_710, %bitcast3A_718 : vector<32xbf16>
      %mul3A_720 = arith.mulf %mul3A_719, %bitcast3A_714 : vector<32xbf16>
      %unpack3A_721 = tpu.unpack_subelements %mul3A_720, 0 {pack_format = #tpu.pack_format<interleaved>} : vector<32xbf16> -> vector<16xf32>
      %unpack3A_722 = tpu.unpack_subelements %mul3A_720, 1 {pack_format = #tpu.pack_format<interleaved>} : vector<32xbf16> -> vector<16xf32>
      %add3A_723 = arith.addf %unpack3A_721, %unpack3A_722 : vector<16xf32>
      %add3A_724 = arith.addf %add3A_706, %add3A_723 : vector<16xf32>
      %get3A_725 = arith.index_cast %add3A_671 : i32 to index
      %get3A_726 = arith.constant 48 : index
      %get3A_727 = tpu.vector_load %arg10[%get3A_725, %get3A_726] {strides = array<i32>} : memref<80x64xi32, #tpu.memory_space<vmem>>, vector<16xi32>,
      %bitcast3A_728 = vector.bitcast %get3A_727 : vector<16xi32> to vector<32xbf16>
      %get3A_729 = arith.index_cast %add3A_671 : i32 to index
      %get3A_730 = arith.constant 48 : index
      %get3A_731 = tpu.vector_load %arg11[%get3A_729, %get3A_730] {strides = array<i32>} : memref<80x64xi32, #tpu.memory_space<vmem>>, vector<16xi32>,
      %bitcast3A_732 = vector.bitcast %get3A_731 : vector<16xi32> to vector<32xbf16>
      %get3A_733 = arith.index_cast %add3A_671 : i32 to index
      %get3A_734 = arith.constant 48 : index
      %get3A_735 = tpu.vector_load %arg12[%get3A_733, %get3A_734] {strides = array<i32>} : memref<80x64xi32, #tpu.memory_space<vmem>>, vector<16xi32>,
      %bitcast3A_736 = vector.bitcast %get3A_735 : vector<16xi32> to vector<32xbf16>
      %mul3A_737 = arith.mulf %bitcast3A_728, %bitcast3A_736 : vector<32xbf16>
      %mul3A_738 = arith.mulf %mul3A_737, %bitcast3A_732 : vector<32xbf16>
      %unpack3A_739 = tpu.unpack_subelements %mul3A_738, 0 {pack_format = #tpu.pack_format<interleaved>} : vector<32xbf16> -> vector<16xf32>
      %unpack3A_740 = tpu.unpack_subelements %mul3A_738, 1 {pack_format = #tpu.pack_format<interleaved>} : vector<32xbf16> -> vector<16xf32>
      %add3A_741 = arith.addf %unpack3A_739, %unpack3A_740 : vector<16xf32>
      %add3A_742 = arith.addf %add3A_724, %add3A_741 : vector<16xf32>
      %mul3A_743 = arith.constant 17 : i32
      %mul3A_744 = arith.muli %scan3A_669, %mul3A_743 : i32
      %swap3A_745 = arith.index_cast %mul3A_744 : i32 to index
      %swap3A_746 = tpu.vector_load %arg17[%swap3A_745] {strides = array<i32>} : memref<272xf32, #tpu.memory_space<vmem>>, vector<16xf32>,
      tpu.vector_store %arg17[%swap3A_745], %add3A_742 {strides = array<i32>} : memref<272xf32, #tpu.memory_space<vmem>>, vector<16xf32>,
    }
    %scan3A_75 = arith.constant 16 : i32
    %gather3A = tpu.vector_load_idx %arg17[%mul3A_6] : memref<272xf32, #tpu.memory_space<vmem>>[vector<16xi32>], vector<16xf32>,
    %add3A_76 = arith.constant 1 : i32
    %add3A_77 = vector.broadcast %add3A_76 : i32 to vector<16xi32>
    %add3A_78 = arith.addi %mul3A_6, %add3A_77 : vector<16xi32>
    %gather3A_79 = tpu.vector_load_idx %arg17[%add3A_78] : memref<272xf32, #tpu.memory_space<vmem>>[vector<16xi32>], vector<16xf32>,
    %add3A_80 = arith.constant 2 : i32
    %add3A_81 = vector.broadcast %add3A_80 : i32 to vector<16xi32>
    %add3A_82 = arith.addi %mul3A_6, %add3A_81 : vector<16xi32>
    %gather3A_83 = tpu.vector_load_idx %arg17[%add3A_82] : memref<272xf32, #tpu.memory_space<vmem>>[vector<16xi32>], vector<16xf32>,
    %add3A_84 = arith.addf %gather3A, %gather3A_83 : vector<16xf32>
    %add3A_85 = arith.constant 2 : i32
    %add3A_86 = vector.broadcast %add3A_85 : i32 to vector<16xi32>
    %add3A_87 = arith.addi %mul3A_6, %add3A_86 : vector<16xi32>
    %add3A_88 = arith.constant 1 : i32
    %add3A_89 = vector.broadcast %add3A_88 : i32 to vector<16xi32>
    %add3A_90 = arith.addi %add3A_87, %add3A_89 : vector<16xi32>
    %gather3A_91 = tpu.vector_load_idx %arg17[%add3A_90] : memref<272xf32, #tpu.memory_space<vmem>>[vector<16xi32>], vector<16xf32>,
    %add3A_92 = arith.addf %gather3A_79, %gather3A_91 : vector<16xf32>
    %add3A_93 = arith.constant 4 : i32
    %add3A_94 = vector.broadcast %add3A_93 : i32 to vector<16xi32>
    %add3A_95 = arith.addi %mul3A_6, %add3A_94 : vector<16xi32>
    %gather3A_96 = tpu.vector_load_idx %arg17[%add3A_95] : memref<272xf32, #tpu.memory_space<vmem>>[vector<16xi32>], vector<16xf32>,
    %add3A_97 = arith.addf %add3A_84, %gather3A_96 : vector<16xf32>
    %add3A_98 = arith.constant 4 : i32
    %add3A_99 = vector.broadcast %add3A_98 : i32 to vector<16xi32>
    %add3A_100 = arith.addi %mul3A_6, %add3A_99 : vector<16xi32>
    %add3A_101 = arith.constant 1 : i32
    %add3A_102 = vector.broadcast %add3A_101 : i32 to vector<16xi32>
    %add3A_103 = arith.addi %add3A_100, %add3A_102 : vector<16xi32>
    %gather3A_104 = tpu.vector_load_idx %arg17[%add3A_103] : memref<272xf32, #tpu.memory_space<vmem>>[vector<16xi32>], vector<16xf32>,
    %add3A_105 = arith.addf %add3A_92, %gather3A_104 : vector<16xf32>
    %add3A_106 = arith.constant 6 : i32
    %add3A_107 = vector.broadcast %add3A_106 : i32 to vector<16xi32>
    %add3A_108 = arith.addi %mul3A_6, %add3A_107 : vector<16xi32>
    %gather3A_109 = tpu.vector_load_idx %arg17[%add3A_108] : memref<272xf32, #tpu.memory_space<vmem>>[vector<16xi32>], vector<16xf32>,
    %add3A_110 = arith.addf %add3A_97, %gather3A_109 : vector<16xf32>
    %add3A_111 = arith.constant 6 : i32
    %add3A_112 = vector.broadcast %add3A_111 : i32 to vector<16xi32>
    %add3A_113 = arith.addi %mul3A_6, %add3A_112 : vector<16xi32>
    %add3A_114 = arith.constant 1 : i32
    %add3A_115 = vector.broadcast %add3A_114 : i32 to vector<16xi32>
    %add3A_116 = arith.addi %add3A_113, %add3A_115 : vector<16xi32>
    %gather3A_117 = tpu.vector_load_idx %arg17[%add3A_116] : memref<272xf32, #tpu.memory_space<vmem>>[vector<16xi32>], vector<16xf32>,
    %add3A_118 = arith.addf %add3A_105, %gather3A_117 : vector<16xf32>
    %add3A_119 = arith.constant 8 : i32
    %add3A_120 = vector.broadcast %add3A_119 : i32 to vector<16xi32>
    %add3A_121 = arith.addi %mul3A_6, %add3A_120 : vector<16xi32>
    %gather3A_122 = tpu.vector_load_idx %arg17[%add3A_121] : memref<272xf32, #tpu.memory_space<vmem>>[vector<16xi32>], vector<16xf32>,
    %add3A_123 = arith.addf %add3A_110, %gather3A_122 : vector<16xf32>
    %add3A_124 = arith.constant 8 : i32
    %add3A_125 = vector.broadcast %add3A_124 : i32 to vector<16xi32>
    %add3A_126 = arith.addi %mul3A_6, %add3A_125 : vector<16xi32>
    %add3A_127 = arith.constant 1 : i32
    %add3A_128 = vector.broadcast %add3A_127 : i32 to vector<16xi32>
    %add3A_129 = arith.addi %add3A_126, %add3A_128 : vector<16xi32>
    %gather3A_130 = tpu.vector_load_idx %arg17[%add3A_129] : memref<272xf32, #tpu.memory_space<vmem>>[vector<16xi32>], vector<16xf32>,
    %add3A_131 = arith.addf %add3A_118, %gather3A_130 : vector<16xf32>
    %add3A_132 = arith.constant 10 : i32
    %add3A_133 = vector.broadcast %add3A_132 : i32 to vector<16xi32>
    %add3A_134 = arith.addi %mul3A_6, %add3A_133 : vector<16xi32>
    %gather3A_135 = tpu.vector_load_idx %arg17[%add3A_134] : memref<272xf32, #tpu.memory_space<vmem>>[vector<16xi32>], vector<16xf32>,
    %add3A_136 = arith.addf %add3A_123, %gather3A_135 : vector<16xf32>
    %add3A_137 = arith.constant 10 : i32
    %add3A_138 = vector.broadcast %add3A_137 : i32 to vector<16xi32>
    %add3A_139 = arith.addi %mul3A_6, %add3A_138 : vector<16xi32>
    %add3A_140 = arith.constant 1 : i32
    %add3A_141 = vector.broadcast %add3A_140 : i32 to vector<16xi32>
    %add3A_142 = arith.addi %add3A_139, %add3A_141 : vector<16xi32>
    %gather3A_143 = tpu.vector_load_idx %arg17[%add3A_142] : memref<272xf32, #tpu.memory_space<vmem>>[vector<16xi32>], vector<16xf32>,
    %add3A_144 = arith.addf %add3A_131, %gather3A_143 : vector<16xf32>
    %add3A_145 = arith.constant 12 : i32
    %add3A_146 = vector.broadcast %add3A_145 : i32 to vector<16xi32>
    %add3A_147 = arith.addi %mul3A_6, %add3A_146 : vector<16xi32>
    %gather3A_148 = tpu.vector_load_idx %arg17[%add3A_147] : memref<272xf32, #tpu.memory_space<vmem>>[vector<16xi32>], vector<16xf32>,
    %add3A_149 = arith.addf %add3A_136, %gather3A_148 : vector<16xf32>
    %add3A_150 = arith.constant 12 : i32
    %add3A_151 = vector.broadcast %add3A_150 : i32 to vector<16xi32>
    %add3A_152 = arith.addi %mul3A_6, %add3A_151 : vector<16xi32>
    %add3A_153 = arith.constant 1 : i32
    %add3A_154 = vector.broadcast %add3A_153 : i32 to vector<16xi32>
    %add3A_155 = arith.addi %add3A_152, %add3A_154 : vector<16xi32>
    %gather3A_156 = tpu.vector_load_idx %arg17[%add3A_155] : memref<272xf32, #tpu.memory_space<vmem>>[vector<16xi32>], vector<16xf32>,
    %add3A_157 = arith.addf %add3A_144, %gather3A_156 : vector<16xf32>
    %add3A_158 = arith.constant 14 : i32
    %add3A_159 = vector.broadcast %add3A_158 : i32 to vector<16xi32>
    %add3A_160 = arith.addi %mul3A_6, %add3A_159 : vector<16xi32>
    %gather3A_161 = tpu.vector_load_idx %arg17[%add3A_160] : memref<272xf32, #tpu.memory_space<vmem>>[vector<16xi32>], vector<16xf32>,
    %add3A_162 = arith.addf %add3A_149, %gather3A_161 : vector<16xf32>
    %add3A_163 = arith.constant 14 : i32
    %add3A_164 = vector.broadcast %add3A_163 : i32 to vector<16xi32>
    %add3A_165 = arith.addi %mul3A_6, %add3A_164 : vector<16xi32>
    %add3A_166 = arith.constant 1 : i32
    %add3A_167 = vector.broadcast %add3A_166 : i32 to vector<16xi32>
    %add3A_168 = arith.addi %add3A_165, %add3A_167 : vector<16xi32>
    %gather3A_169 = tpu.vector_load_idx %arg17[%add3A_168] : memref<272xf32, #tpu.memory_space<vmem>>[vector<16xi32>], vector<16xf32>,
    %add3A_170 = arith.addf %add3A_157, %gather3A_169 : vector<16xf32>
    %add3A_171 = arith.addf %add3A_162, %add3A_170 : vector<16xf32>
    %swap3A = arith.constant 9920 : index
    %swap3A_172 = tpu.vector_load %arg16[%swap3A] {strides = array<i32>} : memref<10000xf32, #tpu.memory_space<vmem>>, vector<16xf32>,
    tpu.vector_store %arg16[%swap3A], %add3A_171 {strides = array<i32>} : memref<10000xf32, #tpu.memory_space<vmem>>, vector<16xf32>,
    %scan3A_173 = arith.constant 0 : i32
    %scan3A_174 = arith.constant 0 : i32
    %scan3A_175 = arith.constant 16 : i32
    %scan3A_176 = arith.addi %scan3A_174, %scan3A_175 : i32
    %scan3A_177 = arith.constant 2 : i32
    scf.for %scan3A_593 = %scan3A_174 to %scan3A_176 step %scan3A_177  : i32 {
      %add3A_594 = arith.constant 16 : i32
      %add3A_595 = arith.addi %add3A_594, %scan3A_593 : i32
      %get3A = arith.index_cast %add3A_595 : i32 to index
      %get3A_596 = arith.constant 0 : index
      %get3A_597 = tpu.vector_load %arg10[%get3A, %get3A_596] {strides = array<i32>} : memref<80x64xi32, #tpu.memory_space<vmem>>, vector<16xi32>,
      %bitcast3A = vector.bitcast %get3A_597 : vector<16xi32> to vector<32xbf16>
      %get3A_598 = arith.index_cast %add3A_595 : i32 to index
      %get3A_599 = arith.constant 0 : index
      %get3A_600 = tpu.vector_load %arg11[%get3A_598, %get3A_599] {strides = array<i32>} : memref<80x64xi32, #tpu.memory_space<vmem>>, vector<16xi32>,
      %bitcast3A_601 = vector.bitcast %get3A_600 : vector<16xi32> to vector<32xbf16>
      %get3A_602 = arith.index_cast %add3A_595 : i32 to index
      %get3A_603 = arith.constant 0 : index
      %get3A_604 = tpu.vector_load %arg12[%get3A_602, %get3A_603] {strides = array<i32>} : memref<80x64xi32, #tpu.memory_space<vmem>>, vector<16xi32>,
      %bitcast3A_605 = vector.bitcast %get3A_604 : vector<16xi32> to vector<32xbf16>
      %mul3A_606 = arith.mulf %bitcast3A, %bitcast3A_605 : vector<32xbf16>
      %mul3A_607 = arith.mulf %mul3A_606, %bitcast3A_601 : vector<32xbf16>
      %unpack3A = tpu.unpack_subelements %mul3A_607, 0 {pack_format = #tpu.pack_format<interleaved>} : vector<32xbf16> -> vector<16xf32>
      %unpack3A_608 = tpu.unpack_subelements %mul3A_607, 1 {pack_format = #tpu.pack_format<interleaved>} : vector<32xbf16> -> vector<16xf32>
      %add3A_609 = arith.addf %unpack3A, %unpack3A_608 : vector<16xf32>
      %get3A_610 = arith.index_cast %add3A_595 : i32 to index
      %get3A_611 = arith.constant 16 : index
      %get3A_612 = tpu.vector_load %arg10[%get3A_610, %get3A_611] {strides = array<i32>} : memref<80x64xi32, #tpu.memory_space<vmem>>, vector<16xi32>,
      %bitcast3A_613 = vector.bitcast %get3A_612 : vector<16xi32> to vector<32xbf16>
      %get3A_614 = arith.index_cast %add3A_595 : i32 to index
      %get3A_615 = arith.constant 16 : index
      %get3A_616 = tpu.vector_load %arg11[%get3A_614, %get3A_615] {strides = array<i32>} : memref<80x64xi32, #tpu.memory_space<vmem>>, vector<16xi32>,
      %bitcast3A_617 = vector.bitcast %get3A_616 : vector<16xi32> to vector<32xbf16>
      %get3A_618 = arith.index_cast %add3A_595 : i32 to index
      %get3A_619 = arith.constant 16 : index
      %get3A_620 = tpu.vector_load %arg12[%get3A_618, %get3A_619] {strides = array<i32>} : memref<80x64xi32, #tpu.memory_space<vmem>>, vector<16xi32>,
      %bitcast3A_621 = vector.bitcast %get3A_620 : vector<16xi32> to vector<32xbf16>
      %mul3A_622 = arith.mulf %bitcast3A_613, %bitcast3A_621 : vector<32xbf16>
      %mul3A_623 = arith.mulf %mul3A_622, %bitcast3A_617 : vector<32xbf16>
      %unpack3A_624 = tpu.unpack_subelements %mul3A_623, 0 {pack_format = #tpu.pack_format<interleaved>} : vector<32xbf16> -> vector<16xf32>
      %unpack3A_625 = tpu.unpack_subelements %mul3A_623, 1 {pack_format = #tpu.pack_format<interleaved>} : vector<32xbf16> -> vector<16xf32>
      %add3A_626 = arith.addf %unpack3A_624, %unpack3A_625 : vector<16xf32>
      %add3A_627 = arith.addf %add3A_609, %add3A_626 : vector<16xf32>
      %get3A_628 = arith.index_cast %add3A_595 : i32 to index
      %get3A_629 = arith.constant 32 : index
      %get3A_630 = tpu.vector_load %arg10[%get3A_628, %get3A_629] {strides = array<i32>} : memref<80x64xi32, #tpu.memory_space<vmem>>, vector<16xi32>,
      %bitcast3A_631 = vector.bitcast %get3A_630 : vector<16xi32> to vector<32xbf16>
      %get3A_632 = arith.index_cast %add3A_595 : i32 to index
      %get3A_633 = arith.constant 32 : index
      %get3A_634 = tpu.vector_load %arg11[%get3A_632, %get3A_633] {strides = array<i32>} : memref<80x64xi32, #tpu.memory_space<vmem>>, vector<16xi32>,
      %bitcast3A_635 = vector.bitcast %get3A_634 : vector<16xi32> to vector<32xbf16>
      %get3A_636 = arith.index_cast %add3A_595 : i32 to index
      %get3A_637 = arith.constant 32 : index
      %get3A_638 = tpu.vector_load %arg12[%get3A_636, %get3A_637] {strides = array<i32>} : memref<80x64xi32, #tpu.memory_space<vmem>>, vector<16xi32>,
      %bitcast3A_639 = vector.bitcast %get3A_638 : vector<16xi32> to vector<32xbf16>
      %mul3A_640 = arith.mulf %bitcast3A_631, %bitcast3A_639 : vector<32xbf16>
      %mul3A_641 = arith.mulf %mul3A_640, %bitcast3A_635 : vector<32xbf16>
      %unpack3A_642 = tpu.unpack_subelements %mul3A_641, 0 {pack_format = #tpu.pack_format<interleaved>} : vector<32xbf16> -> vector<16xf32>
      %unpack3A_643 = tpu.unpack_subelements %mul3A_641, 1 {pack_format = #tpu.pack_format<interleaved>} : vector<32xbf16> -> vector<16xf32>
      %add3A_644 = arith.addf %unpack3A_642, %unpack3A_643 : vector<16xf32>
      %add3A_645 = arith.addf %add3A_627, %add3A_644 : vector<16xf32>
      %get3A_646 = arith.index_cast %add3A_595 : i32 to index
      %get3A_647 = arith.constant 48 : index
      %get3A_648 = tpu.vector_load %arg10[%get3A_646, %get3A_647] {strides = array<i32>} : memref<80x64xi32, #tpu.memory_space<vmem>>, vector<16xi32>,
      %bitcast3A_649 = vector.bitcast %get3A_648 : vector<16xi32> to vector<32xbf16>
      %get3A_650 = arith.index_cast %add3A_595 : i32 to index
      %get3A_651 = arith.constant 48 : index
      %get3A_652 = tpu.vector_load %arg11[%get3A_650, %get3A_651] {strides = array<i32>} : memref<80x64xi32, #tpu.memory_space<vmem>>, vector<16xi32>,
      %bitcast3A_653 = vector.bitcast %get3A_652 : vector<16xi32> to vector<32xbf16>
      %get3A_654 = arith.index_cast %add3A_595 : i32 to index
      %get3A_655 = arith.constant 48 : index
      %get3A_656 = tpu.vector_load %arg12[%get3A_654, %get3A_655] {strides = array<i32>} : memref<80x64xi32, #tpu.memory_space<vmem>>, vector<16xi32>,
      %bitcast3A_657 = vector.bitcast %get3A_656 : vector<16xi32> to vector<32xbf16>
      %mul3A_658 = arith.mulf %bitcast3A_649, %bitcast3A_657 : vector<32xbf16>
      %mul3A_659 = arith.mulf %mul3A_658, %bitcast3A_653 : vector<32xbf16>
      %unpack3A_660 = tpu.unpack_subelements %mul3A_659, 0 {pack_format = #tpu.pack_format<interleaved>} : vector<32xbf16> -> vector<16xf32>
      %unpack3A_661 = tpu.unpack_subelements %mul3A_659, 1 {pack_format = #tpu.pack_format<interleaved>} : vector<32xbf16> -> vector<16xf32>
      %add3A_662 = arith.addf %unpack3A_660, %unpack3A_661 : vector<16xf32>
      %add3A_663 = arith.addf %add3A_645, %add3A_662 : vector<16xf32>
      %mul3A_664 = arith.constant 17 : i32
      %mul3A_665 = arith.muli %scan3A_593, %mul3A_664 : i32
      %swap3A_666 = arith.index_cast %mul3A_665 : i32 to index
      %swap3A_667 = tpu.vector_load %arg17[%swap3A_666] {strides = array<i32>} : memref<272xf32, #tpu.memory_space<vmem>>, vector<16xf32>,
      tpu.vector_store %arg17[%swap3A_666], %add3A_663 {strides = array<i32>} : memref<272xf32, #tpu.memory_space<vmem>>, vector<16xf32>,
      %scan3A_668 = arith.constant 1 : i32
      %scan3A_669 = arith.addi %scan3A_593, %scan3A_668 : i32
      %add3A_670 = arith.constant 16 : i32
      %add3A_671 = arith.addi %add3A_670, %scan3A_669 : i32
      %get3A_672 = arith.index_cast %add3A_671 : i32 to index
      %get3A_673 = arith.constant 0 : index
      %get3A_674 = tpu.vector_load %arg10[%get3A_672, %get3A_673] {strides = array<i32>} : memref<80x64xi32, #tpu.memory_space<vmem>>, vector<16xi32>,
      %bitcast3A_675 = vector.bitcast %get3A_674 : vector<16xi32> to vector<32xbf16>
      %get3A_676 = arith.index_cast %add3A_671 : i32 to index
      %get3A_677 = arith.constant 0 : index
      %get3A_678 = tpu.vector_load %arg11[%get3A_676, %get3A_677] {strides = array<i32>} : memref<80x64xi32, #tpu.memory_space<vmem>>, vector<16xi32>,
      %bitcast3A_679 = vector.bitcast %get3A_678 : vector<16xi32> to vector<32xbf16>
      %get3A_680 = arith.index_cast %add3A_671 : i32 to index
      %get3A_681 = arith.constant 0 : index
      %get3A_682 = tpu.vector_load %arg12[%get3A_680, %get3A_681] {strides = array<i32>} : memref<80x64xi32, #tpu.memory_space<vmem>>, vector<16xi32>,
      %bitcast3A_683 = vector.bitcast %get3A_682 : vector<16xi32> to vector<32xbf16>
      %mul3A_684 = arith.mulf %bitcast3A_675, %bitcast3A_683 : vector<32xbf16>
      %mul3A_685 = arith.mulf %mul3A_684, %bitcast3A_679 : vector<32xbf16>
      %unpack3A_686 = tpu.unpack_subelements %mul3A_685, 0 {pack_format = #tpu.pack_format<interleaved>} : vector<32xbf16> -> vector<16xf32>
      %unpack3A_687 = tpu.unpack_subelements %mul3A_685, 1 {pack_format = #tpu.pack_format<interleaved>} : vector<32xbf16> -> vector<16xf32>
      %add3A_688 = arith.addf %unpack3A_686, %unpack3A_687 : vector<16xf32>
      %get3A_689 = arith.index_cast %add3A_671 : i32 to index
      %get3A_690 = arith.constant 16 : index
      %get3A_691 = tpu.vector_load %arg10[%get3A_689, %get3A_690] {strides = array<i32>} : memref<80x64xi32, #tpu.memory_space<vmem>>, vector<16xi32>,
      %bitcast3A_692 = vector.bitcast %get3A_691 : vector<16xi32> to vector<32xbf16>
      %get3A_693 = arith.index_cast %add3A_671 : i32 to index
      %get3A_694 = arith.constant 16 : index
      %get3A_695 = tpu.vector_load %arg11[%get3A_693, %get3A_694] {strides = array<i32>} : memref<80x64xi32, #tpu.memory_space<vmem>>, vector<16xi32>,
      %bitcast3A_696 = vector.bitcast %get3A_695 : vector<16xi32> to vector<32xbf16>
      %get3A_697 = arith.index_cast %add3A_671 : i32 to index
      %get3A_698 = arith.constant 16 : index
      %get3A_699 = tpu.vector_load %arg12[%get3A_697, %get3A_698] {strides = array<i32>} : memref<80x64xi32, #tpu.memory_space<vmem>>, vector<16xi32>,
      %bitcast3A_700 = vector.bitcast %get3A_699 : vector<16xi32> to vector<32xbf16>
      %mul3A_701 = arith.mulf %bitcast3A_692, %bitcast3A_700 : vector<32xbf16>
      %mul3A_702 = arith.mulf %mul3A_701, %bitcast3A_696 : vector<32xbf16>
      %unpack3A_703 = tpu.unpack_subelements %mul3A_702, 0 {pack_format = #tpu.pack_format<interleaved>} : vector<32xbf16> -> vector<16xf32>
      %unpack3A_704 = tpu.unpack_subelements %mul3A_702, 1 {pack_format = #tpu.pack_format<interleaved>} : vector<32xbf16> -> vector<16xf32>
      %add3A_705 = arith.addf %unpack3A_703, %unpack3A_704 : vector<16xf32>
      %add3A_706 = arith.addf %add3A_688, %add3A_705 : vector<16xf32>
      %get3A_707 = arith.index_cast %add3A_671 : i32 to index
      %get3A_708 = arith.constant 32 : index
      %get3A_709 = tpu.vector_load %arg10[%get3A_707, %get3A_708] {strides = array<i32>} : memref<80x64xi32, #tpu.memory_space<vmem>>, vector<16xi32>,
      %bitcast3A_710 = vector.bitcast %get3A_709 : vector<16xi32> to vector<32xbf16>
      %get3A_711 = arith.index_cast %add3A_671 : i32 to index
      %get3A_712 = arith.constant 32 : index
      %get3A_713 = tpu.vector_load %arg11[%get3A_711, %get3A_712] {strides = array<i32>} : memref<80x64xi32, #tpu.memory_space<vmem>>, vector<16xi32>,
      %bitcast3A_714 = vector.bitcast %get3A_713 : vector<16xi32> to vector<32xbf16>
      %get3A_715 = arith.index_cast %add3A_671 : i32 to index
      %get3A_716 = arith.constant 32 : index
      %get3A_717 = tpu.vector_load %arg12[%get3A_715, %get3A_716] {strides = array<i32>} : memref<80x64xi32, #tpu.memory_space<vmem>>, vector<16xi32>,
      %bitcast3A_718 = vector.bitcast %get3A_717 : vector<16xi32> to vector<32xbf16>
      %mul3A_719 = arith.mulf %bitcast3A_710, %bitcast3A_718 : vector<32xbf16>
      %mul3A_720 = arith.mulf %mul3A_719, %bitcast3A_714 : vector<32xbf16>
      %unpack3A_721 = tpu.unpack_subelements %mul3A_720, 0 {pack_format = #tpu.pack_format<interleaved>} : vector<32xbf16> -> vector<16xf32>
      %unpack3A_722 = tpu.unpack_subelements %mul3A_720, 1 {pack_format = #tpu.pack_format<interleaved>} : vector<32xbf16> -> vector<16xf32>
      %add3A_723 = arith.addf %unpack3A_721, %unpack3A_722 : vector<16xf32>
      %add3A_724 = arith.addf %add3A_706, %add3A_723 : vector<16xf32>
      %get3A_725 = arith.index_cast %add3A_671 : i32 to index
      %get3A_726 = arith.constant 48 : index
      %get3A_727 = tpu.vector_load %arg10[%get3A_725, %get3A_726] {strides = array<i32>} : memref<80x64xi32, #tpu.memory_space<vmem>>, vector<16xi32>,
      %bitcast3A_728 = vector.bitcast %get3A_727 : vector<16xi32> to vector<32xbf16>
      %get3A_729 = arith.index_cast %add3A_671 : i32 to index
      %get3A_730 = arith.constant 48 : index
      %get3A_731 = tpu.vector_load %arg11[%get3A_729, %get3A_730] {strides = array<i32>} : memref<80x64xi32, #tpu.memory_space<vmem>>, vector<16xi32>,
      %bitcast3A_732 = vector.bitcast %get3A_731 : vector<16xi32> to vector<32xbf16>
      %get3A_733 = arith.index_cast %add3A_671 : i32 to index
      %get3A_734 = arith.constant 48 : index
      %get3A_735 = tpu.vector_load %arg12[%get3A_733, %get3A_734] {strides = array<i32>} : memref<80x64xi32, #tpu.memory_space<vmem>>, vector<16xi32>,
      %bitcast3A_736 = vector.bitcast %get3A_735 : vector<16xi32> to vector<32xbf16>
      %mul3A_737 = arith.mulf %bitcast3A_728, %bitcast3A_736 : vector<32xbf16>
      %mul3A_738 = arith.mulf %mul3A_737, %bitcast3A_732 : vector<32xbf16>
      %unpack3A_739 = tpu.unpack_subelements %mul3A_738, 0 {pack_format = #tpu.pack_format<interleaved>} : vector<32xbf16> -> vector<16xf32>
      %unpack3A_740 = tpu.unpack_subelements %mul3A_738, 1 {pack_format = #tpu.pack_format<interleaved>} : vector<32xbf16> -> vector<16xf32>
      %add3A_741 = arith.addf %unpack3A_739, %unpack3A_740 : vector<16xf32>
      %add3A_742 = arith.addf %add3A_724, %add3A_741 : vector<16xf32>
      %mul3A_743 = arith.constant 17 : i32
      %mul3A_744 = arith.muli %scan3A_669, %mul3A_743 : i32
      %swap3A_745 = arith.index_cast %mul3A_744 : i32 to index
      %swap3A_746 = tpu.vector_load %arg17[%swap3A_745] {strides = array<i32>} : memref<272xf32, #tpu.memory_space<vmem>>, vector<16xf32>,
      tpu.vector_store %arg17[%swap3A_745], %add3A_742 {strides = array<i32>} : memref<272xf32, #tpu.memory_space<vmem>>, vector<16xf32>,
    }
    %scan3A_178 = arith.constant 16 : i32
    %gather3A_179 = tpu.vector_load_idx %arg17[%mul3A_6] : memref<272xf32, #tpu.memory_space<vmem>>[vector<16xi32>], vector<16xf32>,
    %add3A_180 = arith.constant 1 : i32
    %add3A_181 = vector.broadcast %add3A_180 : i32 to vector<16xi32>
    %add3A_182 = arith.addi %mul3A_6, %add3A_181 : vector<16xi32>
    %gather3A_183 = tpu.vector_load_idx %arg17[%add3A_182] : memref<272xf32, #tpu.memory_space<vmem>>[vector<16xi32>], vector<16xf32>,
    %add3A_184 = arith.constant 2 : i32
    %add3A_185 = vector.broadcast %add3A_184 : i32 to vector<16xi32>
    %add3A_186 = arith.addi %mul3A_6, %add3A_185 : vector<16xi32>
    %gather3A_187 = tpu.vector_load_idx %arg17[%add3A_186] : memref<272xf32, #tpu.memory_space<vmem>>[vector<16xi32>], vector<16xf32>,
    %add3A_188 = arith.addf %gather3A_179, %gather3A_187 : vector<16xf32>
    %add3A_189 = arith.constant 2 : i32
    %add3A_190 = vector.broadcast %add3A_189 : i32 to vector<16xi32>
    %add3A_191 = arith.addi %mul3A_6, %add3A_190 : vector<16xi32>
    %add3A_192 = arith.constant 1 : i32
    %add3A_193 = vector.broadcast %add3A_192 : i32 to vector<16xi32>
    %add3A_194 = arith.addi %add3A_191, %add3A_193 : vector<16xi32>
    %gather3A_195 = tpu.vector_load_idx %arg17[%add3A_194] : memref<272xf32, #tpu.memory_space<vmem>>[vector<16xi32>], vector<16xf32>,
    %add3A_196 = arith.addf %gather3A_183, %gather3A_195 : vector<16xf32>
    %add3A_197 = arith.constant 4 : i32
    %add3A_198 = vector.broadcast %add3A_197 : i32 to vector<16xi32>
    %add3A_199 = arith.addi %mul3A_6, %add3A_198 : vector<16xi32>
    %gather3A_200 = tpu.vector_load_idx %arg17[%add3A_199] : memref<272xf32, #tpu.memory_space<vmem>>[vector<16xi32>], vector<16xf32>,
    %add3A_201 = arith.addf %add3A_188, %gather3A_200 : vector<16xf32>
    %add3A_202 = arith.constant 4 : i32
    %add3A_203 = vector.broadcast %add3A_202 : i32 to vector<16xi32>
    %add3A_204 = arith.addi %mul3A_6, %add3A_203 : vector<16xi32>
    %add3A_205 = arith.constant 1 : i32
    %add3A_206 = vector.broadcast %add3A_205 : i32 to vector<16xi32>
    %add3A_207 = arith.addi %add3A_204, %add3A_206 : vector<16xi32>
    %gather3A_208 = tpu.vector_load_idx %arg17[%add3A_207] : memref<272xf32, #tpu.memory_space<vmem>>[vector<16xi32>], vector<16xf32>,
    %add3A_209 = arith.addf %add3A_196, %gather3A_208 : vector<16xf32>
    %add3A_210 = arith.constant 6 : i32
    %add3A_211 = vector.broadcast %add3A_210 : i32 to vector<16xi32>
    %add3A_212 = arith.addi %mul3A_6, %add3A_211 : vector<16xi32>
    %gather3A_213 = tpu.vector_load_idx %arg17[%add3A_212] : memref<272xf32, #tpu.memory_space<vmem>>[vector<16xi32>], vector<16xf32>,
    %add3A_214 = arith.addf %add3A_201, %gather3A_213 : vector<16xf32>
    %add3A_215 = arith.constant 6 : i32
    %add3A_216 = vector.broadcast %add3A_215 : i32 to vector<16xi32>
    %add3A_217 = arith.addi %mul3A_6, %add3A_216 : vector<16xi32>
    %add3A_218 = arith.constant 1 : i32
    %add3A_219 = vector.broadcast %add3A_218 : i32 to vector<16xi32>
    %add3A_220 = arith.addi %add3A_217, %add3A_219 : vector<16xi32>
    %gather3A_221 = tpu.vector_load_idx %arg17[%add3A_220] : memref<272xf32, #tpu.memory_space<vmem>>[vector<16xi32>], vector<16xf32>,
    %add3A_222 = arith.addf %add3A_209, %gather3A_221 : vector<16xf32>
    %add3A_223 = arith.constant 8 : i32
    %add3A_224 = vector.broadcast %add3A_223 : i32 to vector<16xi32>
    %add3A_225 = arith.addi %mul3A_6, %add3A_224 : vector<16xi32>
    %gather3A_226 = tpu.vector_load_idx %arg17[%add3A_225] : memref<272xf32, #tpu.memory_space<vmem>>[vector<16xi32>], vector<16xf32>,
    %add3A_227 = arith.addf %add3A_214, %gather3A_226 : vector<16xf32>
    %add3A_228 = arith.constant 8 : i32
    %add3A_229 = vector.broadcast %add3A_228 : i32 to vector<16xi32>
    %add3A_230 = arith.addi %mul3A_6, %add3A_229 : vector<16xi32>
    %add3A_231 = arith.constant 1 : i32
    %add3A_232 = vector.broadcast %add3A_231 : i32 to vector<16xi32>
    %add3A_233 = arith.addi %add3A_230, %add3A_232 : vector<16xi32>
    %gather3A_234 = tpu.vector_load_idx %arg17[%add3A_233] : memref<272xf32, #tpu.memory_space<vmem>>[vector<16xi32>], vector<16xf32>,
    %add3A_235 = arith.addf %add3A_222, %gather3A_234 : vector<16xf32>
    %add3A_236 = arith.constant 10 : i32
    %add3A_237 = vector.broadcast %add3A_236 : i32 to vector<16xi32>
    %add3A_238 = arith.addi %mul3A_6, %add3A_237 : vector<16xi32>
    %gather3A_239 = tpu.vector_load_idx %arg17[%add3A_238] : memref<272xf32, #tpu.memory_space<vmem>>[vector<16xi32>], vector<16xf32>,
    %add3A_240 = arith.addf %add3A_227, %gather3A_239 : vector<16xf32>
    %add3A_241 = arith.constant 10 : i32
    %add3A_242 = vector.broadcast %add3A_241 : i32 to vector<16xi32>
    %add3A_243 = arith.addi %mul3A_6, %add3A_242 : vector<16xi32>
    %add3A_244 = arith.constant 1 : i32
    %add3A_245 = vector.broadcast %add3A_244 : i32 to vector<16xi32>
    %add3A_246 = arith.addi %add3A_243, %add3A_245 : vector<16xi32>
    %gather3A_247 = tpu.vector_load_idx %arg17[%add3A_246] : memref<272xf32, #tpu.memory_space<vmem>>[vector<16xi32>], vector<16xf32>,
    %add3A_248 = arith.addf %add3A_235, %gather3A_247 : vector<16xf32>
    %add3A_249 = arith.constant 12 : i32
    %add3A_250 = vector.broadcast %add3A_249 : i32 to vector<16xi32>
    %add3A_251 = arith.addi %mul3A_6, %add3A_250 : vector<16xi32>
    %gather3A_252 = tpu.vector_load_idx %arg17[%add3A_251] : memref<272xf32, #tpu.memory_space<vmem>>[vector<16xi32>], vector<16xf32>,
    %add3A_253 = arith.addf %add3A_240, %gather3A_252 : vector<16xf32>
    %add3A_254 = arith.constant 12 : i32
    %add3A_255 = vector.broadcast %add3A_254 : i32 to vector<16xi32>
    %add3A_256 = arith.addi %mul3A_6, %add3A_255 : vector<16xi32>
    %add3A_257 = arith.constant 1 : i32
    %add3A_258 = vector.broadcast %add3A_257 : i32 to vector<16xi32>
    %add3A_259 = arith.addi %add3A_256, %add3A_258 : vector<16xi32>
    %gather3A_260 = tpu.vector_load_idx %arg17[%add3A_259] : memref<272xf32, #tpu.memory_space<vmem>>[vector<16xi32>], vector<16xf32>,
    %add3A_261 = arith.addf %add3A_248, %gather3A_260 : vector<16xf32>
    %add3A_262 = arith.constant 14 : i32
    %add3A_263 = vector.broadcast %add3A_262 : i32 to vector<16xi32>
    %add3A_264 = arith.addi %mul3A_6, %add3A_263 : vector<16xi32>
    %gather3A_265 = tpu.vector_load_idx %arg17[%add3A_264] : memref<272xf32, #tpu.memory_space<vmem>>[vector<16xi32>], vector<16xf32>,
    %add3A_266 = arith.addf %add3A_253, %gather3A_265 : vector<16xf32>
    %add3A_267 = arith.constant 14 : i32
    %add3A_268 = vector.broadcast %add3A_267 : i32 to vector<16xi32>
    %add3A_269 = arith.addi %mul3A_6, %add3A_268 : vector<16xi32>
    %add3A_270 = arith.constant 1 : i32
    %add3A_271 = vector.broadcast %add3A_270 : i32 to vector<16xi32>
    %add3A_272 = arith.addi %add3A_269, %add3A_271 : vector<16xi32>
    %gather3A_273 = tpu.vector_load_idx %arg17[%add3A_272] : memref<272xf32, #tpu.memory_space<vmem>>[vector<16xi32>], vector<16xf32>,
    %add3A_274 = arith.addf %add3A_261, %gather3A_273 : vector<16xf32>
    %add3A_275 = arith.addf %add3A_266, %add3A_274 : vector<16xf32>
    %swap3A_276 = arith.constant 9936 : index
    %swap3A_277 = tpu.vector_load %arg16[%swap3A_276] {strides = array<i32>} : memref<10000xf32, #tpu.memory_space<vmem>>, vector<16xf32>,
    tpu.vector_store %arg16[%swap3A_276], %add3A_275 {strides = array<i32>} : memref<10000xf32, #tpu.memory_space<vmem>>, vector<16xf32>,
    %scan3A_278 = arith.constant 0 : i32
    %scan3A_279 = arith.constant 0 : i32
    %scan3A_280 = arith.constant 16 : i32
    %scan3A_281 = arith.addi %scan3A_279, %scan3A_280 : i32
    %scan3A_282 = arith.constant 2 : i32
    scf.for %scan3A_593 = %scan3A_279 to %scan3A_281 step %scan3A_282  : i32 {
      %add3A_594 = arith.constant 32 : i32
      %add3A_595 = arith.addi %add3A_594, %scan3A_593 : i32
      %get3A = arith.index_cast %add3A_595 : i32 to index
      %get3A_596 = arith.constant 0 : index
      %get3A_597 = tpu.vector_load %arg10[%get3A, %get3A_596] {strides = array<i32>} : memref<80x64xi32, #tpu.memory_space<vmem>>, vector<16xi32>,
      %bitcast3A = vector.bitcast %get3A_597 : vector<16xi32> to vector<32xbf16>
      %get3A_598 = arith.index_cast %add3A_595 : i32 to index
      %get3A_599 = arith.constant 0 : index
      %get3A_600 = tpu.vector_load %arg11[%get3A_598, %get3A_599] {strides = array<i32>} : memref<80x64xi32, #tpu.memory_space<vmem>>, vector<16xi32>,
      %bitcast3A_601 = vector.bitcast %get3A_600 : vector<16xi32> to vector<32xbf16>
      %get3A_602 = arith.index_cast %add3A_595 : i32 to index
      %get3A_603 = arith.constant 0 : index
      %get3A_604 = tpu.vector_load %arg12[%get3A_602, %get3A_603] {strides = array<i32>} : memref<80x64xi32, #tpu.memory_space<vmem>>, vector<16xi32>,
      %bitcast3A_605 = vector.bitcast %get3A_604 : vector<16xi32> to vector<32xbf16>
      %mul3A_606 = arith.mulf %bitcast3A, %bitcast3A_605 : vector<32xbf16>
      %mul3A_607 = arith.mulf %mul3A_606, %bitcast3A_601 : vector<32xbf16>
      %unpack3A = tpu.unpack_subelements %mul3A_607, 0 {pack_format = #tpu.pack_format<interleaved>} : vector<32xbf16> -> vector<16xf32>
      %unpack3A_608 = tpu.unpack_subelements %mul3A_607, 1 {pack_format = #tpu.pack_format<interleaved>} : vector<32xbf16> -> vector<16xf32>
      %add3A_609 = arith.addf %unpack3A, %unpack3A_608 : vector<16xf32>
      %get3A_610 = arith.index_cast %add3A_595 : i32 to index
      %get3A_611 = arith.constant 16 : index
      %get3A_612 = tpu.vector_load %arg10[%get3A_610, %get3A_611] {strides = array<i32>} : memref<80x64xi32, #tpu.memory_space<vmem>>, vector<16xi32>,
      %bitcast3A_613 = vector.bitcast %get3A_612 : vector<16xi32> to vector<32xbf16>
      %get3A_614 = arith.index_cast %add3A_595 : i32 to index
      %get3A_615 = arith.constant 16 : index
      %get3A_616 = tpu.vector_load %arg11[%get3A_614, %get3A_615] {strides = array<i32>} : memref<80x64xi32, #tpu.memory_space<vmem>>, vector<16xi32>,
      %bitcast3A_617 = vector.bitcast %get3A_616 : vector<16xi32> to vector<32xbf16>
      %get3A_618 = arith.index_cast %add3A_595 : i32 to index
      %get3A_619 = arith.constant 16 : index
      %get3A_620 = tpu.vector_load %arg12[%get3A_618, %get3A_619] {strides = array<i32>} : memref<80x64xi32, #tpu.memory_space<vmem>>, vector<16xi32>,
      %bitcast3A_621 = vector.bitcast %get3A_620 : vector<16xi32> to vector<32xbf16>
      %mul3A_622 = arith.mulf %bitcast3A_613, %bitcast3A_621 : vector<32xbf16>
      %mul3A_623 = arith.mulf %mul3A_622, %bitcast3A_617 : vector<32xbf16>
      %unpack3A_624 = tpu.unpack_subelements %mul3A_623, 0 {pack_format = #tpu.pack_format<interleaved>} : vector<32xbf16> -> vector<16xf32>
      %unpack3A_625 = tpu.unpack_subelements %mul3A_623, 1 {pack_format = #tpu.pack_format<interleaved>} : vector<32xbf16> -> vector<16xf32>
      %add3A_626 = arith.addf %unpack3A_624, %unpack3A_625 : vector<16xf32>
      %add3A_627 = arith.addf %add3A_609, %add3A_626 : vector<16xf32>
      %get3A_628 = arith.index_cast %add3A_595 : i32 to index
      %get3A_629 = arith.constant 32 : index
      %get3A_630 = tpu.vector_load %arg10[%get3A_628, %get3A_629] {strides = array<i32>} : memref<80x64xi32, #tpu.memory_space<vmem>>, vector<16xi32>,
      %bitcast3A_631 = vector.bitcast %get3A_630 : vector<16xi32> to vector<32xbf16>
      %get3A_632 = arith.index_cast %add3A_595 : i32 to index
      %get3A_633 = arith.constant 32 : index
      %get3A_634 = tpu.vector_load %arg11[%get3A_632, %get3A_633] {strides = array<i32>} : memref<80x64xi32, #tpu.memory_space<vmem>>, vector<16xi32>,
      %bitcast3A_635 = vector.bitcast %get3A_634 : vector<16xi32> to vector<32xbf16>
      %get3A_636 = arith.index_cast %add3A_595 : i32 to index
      %get3A_637 = arith.constant 32 : index
      %get3A_638 = tpu.vector_load %arg12[%get3A_636, %get3A_637] {strides = array<i32>} : memref<80x64xi32, #tpu.memory_space<vmem>>, vector<16xi32>,
      %bitcast3A_639 = vector.bitcast %get3A_638 : vector<16xi32> to vector<32xbf16>
      %mul3A_640 = arith.mulf %bitcast3A_631, %bitcast3A_639 : vector<32xbf16>
      %mul3A_641 = arith.mulf %mul3A_640, %bitcast3A_635 : vector<32xbf16>
      %unpack3A_642 = tpu.unpack_subelements %mul3A_641, 0 {pack_format = #tpu.pack_format<interleaved>} : vector<32xbf16> -> vector<16xf32>
      %unpack3A_643 = tpu.unpack_subelements %mul3A_641, 1 {pack_format = #tpu.pack_format<interleaved>} : vector<32xbf16> -> vector<16xf32>
      %add3A_644 = arith.addf %unpack3A_642, %unpack3A_643 : vector<16xf32>
      %add3A_645 = arith.addf %add3A_627, %add3A_644 : vector<16xf32>
      %get3A_646 = arith.index_cast %add3A_595 : i32 to index
      %get3A_647 = arith.constant 48 : index
      %get3A_648 = tpu.vector_load %arg10[%get3A_646, %get3A_647] {strides = array<i32>} : memref<80x64xi32, #tpu.memory_space<vmem>>, vector<16xi32>,
      %bitcast3A_649 = vector.bitcast %get3A_648 : vector<16xi32> to vector<32xbf16>
      %get3A_650 = arith.index_cast %add3A_595 : i32 to index
      %get3A_651 = arith.constant 48 : index
      %get3A_652 = tpu.vector_load %arg11[%get3A_650, %get3A_651] {strides = array<i32>} : memref<80x64xi32, #tpu.memory_space<vmem>>, vector<16xi32>,
      %bitcast3A_653 = vector.bitcast %get3A_652 : vector<16xi32> to vector<32xbf16>
      %get3A_654 = arith.index_cast %add3A_595 : i32 to index
      %get3A_655 = arith.constant 48 : index
      %get3A_656 = tpu.vector_load %arg12[%get3A_654, %get3A_655] {strides = array<i32>} : memref<80x64xi32, #tpu.memory_space<vmem>>, vector<16xi32>,
      %bitcast3A_657 = vector.bitcast %get3A_656 : vector<16xi32> to vector<32xbf16>
      %mul3A_658 = arith.mulf %bitcast3A_649, %bitcast3A_657 : vector<32xbf16>
      %mul3A_659 = arith.mulf %mul3A_658, %bitcast3A_653 : vector<32xbf16>
      %unpack3A_660 = tpu.unpack_subelements %mul3A_659, 0 {pack_format = #tpu.pack_format<interleaved>} : vector<32xbf16> -> vector<16xf32>
      %unpack3A_661 = tpu.unpack_subelements %mul3A_659, 1 {pack_format = #tpu.pack_format<interleaved>} : vector<32xbf16> -> vector<16xf32>
      %add3A_662 = arith.addf %unpack3A_660, %unpack3A_661 : vector<16xf32>
      %add3A_663 = arith.addf %add3A_645, %add3A_662 : vector<16xf32>
      %mul3A_664 = arith.constant 17 : i32
      %mul3A_665 = arith.muli %scan3A_593, %mul3A_664 : i32
      %swap3A_666 = arith.index_cast %mul3A_665 : i32 to index
      %swap3A_667 = tpu.vector_load %arg17[%swap3A_666] {strides = array<i32>} : memref<272xf32, #tpu.memory_space<vmem>>, vector<16xf32>,
      tpu.vector_store %arg17[%swap3A_666], %add3A_663 {strides = array<i32>} : memref<272xf32, #tpu.memory_space<vmem>>, vector<16xf32>,
      %scan3A_668 = arith.constant 1 : i32
      %scan3A_669 = arith.addi %scan3A_593, %scan3A_668 : i32
      %add3A_670 = arith.constant 32 : i32
      %add3A_671 = arith.addi %add3A_670, %scan3A_669 : i32
      %get3A_672 = arith.index_cast %add3A_671 : i32 to index
      %get3A_673 = arith.constant 0 : index
      %get3A_674 = tpu.vector_load %arg10[%get3A_672, %get3A_673] {strides = array<i32>} : memref<80x64xi32, #tpu.memory_space<vmem>>, vector<16xi32>,
      %bitcast3A_675 = vector.bitcast %get3A_674 : vector<16xi32> to vector<32xbf16>
      %get3A_676 = arith.index_cast %add3A_671 : i32 to index
      %get3A_677 = arith.constant 0 : index
      %get3A_678 = tpu.vector_load %arg11[%get3A_676, %get3A_677] {strides = array<i32>} : memref<80x64xi32, #tpu.memory_space<vmem>>, vector<16xi32>,
      %bitcast3A_679 = vector.bitcast %get3A_678 : vector<16xi32> to vector<32xbf16>
      %get3A_680 = arith.index_cast %add3A_671 : i32 to index
      %get3A_681 = arith.constant 0 : index
      %get3A_682 = tpu.vector_load %arg12[%get3A_680, %get3A_681] {strides = array<i32>} : memref<80x64xi32, #tpu.memory_space<vmem>>, vector<16xi32>,
      %bitcast3A_683 = vector.bitcast %get3A_682 : vector<16xi32> to vector<32xbf16>
      %mul3A_684 = arith.mulf %bitcast3A_675, %bitcast3A_683 : vector<32xbf16>
      %mul3A_685 = arith.mulf %mul3A_684, %bitcast3A_679 : vector<32xbf16>
      %unpack3A_686 = tpu.unpack_subelements %mul3A_685, 0 {pack_format = #tpu.pack_format<interleaved>} : vector<32xbf16> -> vector<16xf32>
      %unpack3A_687 = tpu.unpack_subelements %mul3A_685, 1 {pack_format = #tpu.pack_format<interleaved>} : vector<32xbf16> -> vector<16xf32>
      %add3A_688 = arith.addf %unpack3A_686, %unpack3A_687 : vector<16xf32>
      %get3A_689 = arith.index_cast %add3A_671 : i32 to index
      %get3A_690 = arith.constant 16 : index
      %get3A_691 = tpu.vector_load %arg10[%get3A_689, %get3A_690] {strides = array<i32>} : memref<80x64xi32, #tpu.memory_space<vmem>>, vector<16xi32>,
      %bitcast3A_692 = vector.bitcast %get3A_691 : vector<16xi32> to vector<32xbf16>
      %get3A_693 = arith.index_cast %add3A_671 : i32 to index
      %get3A_694 = arith.constant 16 : index
      %get3A_695 = tpu.vector_load %arg11[%get3A_693, %get3A_694] {strides = array<i32>} : memref<80x64xi32, #tpu.memory_space<vmem>>, vector<16xi32>,
      %bitcast3A_696 = vector.bitcast %get3A_695 : vector<16xi32> to vector<32xbf16>
      %get3A_697 = arith.index_cast %add3A_671 : i32 to index
      %get3A_698 = arith.constant 16 : index
      %get3A_699 = tpu.vector_load %arg12[%get3A_697, %get3A_698] {strides = array<i32>} : memref<80x64xi32, #tpu.memory_space<vmem>>, vector<16xi32>,
      %bitcast3A_700 = vector.bitcast %get3A_699 : vector<16xi32> to vector<32xbf16>
      %mul3A_701 = arith.mulf %bitcast3A_692, %bitcast3A_700 : vector<32xbf16>
      %mul3A_702 = arith.mulf %mul3A_701, %bitcast3A_696 : vector<32xbf16>
      %unpack3A_703 = tpu.unpack_subelements %mul3A_702, 0 {pack_format = #tpu.pack_format<interleaved>} : vector<32xbf16> -> vector<16xf32>
      %unpack3A_704 = tpu.unpack_subelements %mul3A_702, 1 {pack_format = #tpu.pack_format<interleaved>} : vector<32xbf16> -> vector<16xf32>
      %add3A_705 = arith.addf %unpack3A_703, %unpack3A_704 : vector<16xf32>
      %add3A_706 = arith.addf %add3A_688, %add3A_705 : vector<16xf32>
      %get3A_707 = arith.index_cast %add3A_671 : i32 to index
      %get3A_708 = arith.constant 32 : index
      %get3A_709 = tpu.vector_load %arg10[%get3A_707, %get3A_708] {strides = array<i32>} : memref<80x64xi32, #tpu.memory_space<vmem>>, vector<16xi32>,
      %bitcast3A_710 = vector.bitcast %get3A_709 : vector<16xi32> to vector<32xbf16>
      %get3A_711 = arith.index_cast %add3A_671 : i32 to index
      %get3A_712 = arith.constant 32 : index
      %get3A_713 = tpu.vector_load %arg11[%get3A_711, %get3A_712] {strides = array<i32>} : memref<80x64xi32, #tpu.memory_space<vmem>>, vector<16xi32>,
      %bitcast3A_714 = vector.bitcast %get3A_713 : vector<16xi32> to vector<32xbf16>
      %get3A_715 = arith.index_cast %add3A_671 : i32 to index
      %get3A_716 = arith.constant 32 : index
      %get3A_717 = tpu.vector_load %arg12[%get3A_715, %get3A_716] {strides = array<i32>} : memref<80x64xi32, #tpu.memory_space<vmem>>, vector<16xi32>,
      %bitcast3A_718 = vector.bitcast %get3A_717 : vector<16xi32> to vector<32xbf16>
      %mul3A_719 = arith.mulf %bitcast3A_710, %bitcast3A_718 : vector<32xbf16>
      %mul3A_720 = arith.mulf %mul3A_719, %bitcast3A_714 : vector<32xbf16>
      %unpack3A_721 = tpu.unpack_subelements %mul3A_720, 0 {pack_format = #tpu.pack_format<interleaved>} : vector<32xbf16> -> vector<16xf32>
      %unpack3A_722 = tpu.unpack_subelements %mul3A_720, 1 {pack_format = #tpu.pack_format<interleaved>} : vector<32xbf16> -> vector<16xf32>
      %add3A_723 = arith.addf %unpack3A_721, %unpack3A_722 : vector<16xf32>
      %add3A_724 = arith.addf %add3A_706, %add3A_723 : vector<16xf32>
      %get3A_725 = arith.index_cast %add3A_671 : i32 to index
      %get3A_726 = arith.constant 48 : index
      %get3A_727 = tpu.vector_load %arg10[%get3A_725, %get3A_726] {strides = array<i32>} : memref<80x64xi32, #tpu.memory_space<vmem>>, vector<16xi32>,
      %bitcast3A_728 = vector.bitcast %get3A_727 : vector<16xi32> to vector<32xbf16>
      %get3A_729 = arith.index_cast %add3A_671 : i32 to index
      %get3A_730 = arith.constant 48 : index
      %get3A_731 = tpu.vector_load %arg11[%get3A_729, %get3A_730] {strides = array<i32>} : memref<80x64xi32, #tpu.memory_space<vmem>>, vector<16xi32>,
      %bitcast3A_732 = vector.bitcast %get3A_731 : vector<16xi32> to vector<32xbf16>
      %get3A_733 = arith.index_cast %add3A_671 : i32 to index
      %get3A_734 = arith.constant 48 : index
      %get3A_735 = tpu.vector_load %arg12[%get3A_733, %get3A_734] {strides = array<i32>} : memref<80x64xi32, #tpu.memory_space<vmem>>, vector<16xi32>,
      %bitcast3A_736 = vector.bitcast %get3A_735 : vector<16xi32> to vector<32xbf16>
      %mul3A_737 = arith.mulf %bitcast3A_728, %bitcast3A_736 : vector<32xbf16>
      %mul3A_738 = arith.mulf %mul3A_737, %bitcast3A_732 : vector<32xbf16>
      %unpack3A_739 = tpu.unpack_subelements %mul3A_738, 0 {pack_format = #tpu.pack_format<interleaved>} : vector<32xbf16> -> vector<16xf32>
      %unpack3A_740 = tpu.unpack_subelements %mul3A_738, 1 {pack_format = #tpu.pack_format<interleaved>} : vector<32xbf16> -> vector<16xf32>
      %add3A_741 = arith.addf %unpack3A_739, %unpack3A_740 : vector<16xf32>
      %add3A_742 = arith.addf %add3A_724, %add3A_741 : vector<16xf32>
      %mul3A_743 = arith.constant 17 : i32
      %mul3A_744 = arith.muli %scan3A_669, %mul3A_743 : i32
      %swap3A_745 = arith.index_cast %mul3A_744 : i32 to index
      %swap3A_746 = tpu.vector_load %arg17[%swap3A_745] {strides = array<i32>} : memref<272xf32, #tpu.memory_space<vmem>>, vector<16xf32>,
      tpu.vector_store %arg17[%swap3A_745], %add3A_742 {strides = array<i32>} : memref<272xf32, #tpu.memory_space<vmem>>, vector<16xf32>,
    }
    %scan3A_283 = arith.constant 16 : i32
    %gather3A_284 = tpu.vector_load_idx %arg17[%mul3A_6] : memref<272xf32, #tpu.memory_space<vmem>>[vector<16xi32>], vector<16xf32>,
    %add3A_285 = arith.constant 1 : i32
    %add3A_286 = vector.broadcast %add3A_285 : i32 to vector<16xi32>
    %add3A_287 = arith.addi %mul3A_6, %add3A_286 : vector<16xi32>
    %gather3A_288 = tpu.vector_load_idx %arg17[%add3A_287] : memref<272xf32, #tpu.memory_space<vmem>>[vector<16xi32>], vector<16xf32>,
    %add3A_289 = arith.constant 2 : i32
    %add3A_290 = vector.broadcast %add3A_289 : i32 to vector<16xi32>
    %add3A_291 = arith.addi %mul3A_6, %add3A_290 : vector<16xi32>
    %gather3A_292 = tpu.vector_load_idx %arg17[%add3A_291] : memref<272xf32, #tpu.memory_space<vmem>>[vector<16xi32>], vector<16xf32>,
    %add3A_293 = arith.addf %gather3A_284, %gather3A_292 : vector<16xf32>
    %add3A_294 = arith.constant 2 : i32
    %add3A_295 = vector.broadcast %add3A_294 : i32 to vector<16xi32>
    %add3A_296 = arith.addi %mul3A_6, %add3A_295 : vector<16xi32>
    %add3A_297 = arith.constant 1 : i32
    %add3A_298 = vector.broadcast %add3A_297 : i32 to vector<16xi32>
    %add3A_299 = arith.addi %add3A_296, %add3A_298 : vector<16xi32>
    %gather3A_300 = tpu.vector_load_idx %arg17[%add3A_299] : memref<272xf32, #tpu.memory_space<vmem>>[vector<16xi32>], vector<16xf32>,
    %add3A_301 = arith.addf %gather3A_288, %gather3A_300 : vector<16xf32>
    %add3A_302 = arith.constant 4 : i32
    %add3A_303 = vector.broadcast %add3A_302 : i32 to vector<16xi32>
    %add3A_304 = arith.addi %mul3A_6, %add3A_303 : vector<16xi32>
    %gather3A_305 = tpu.vector_load_idx %arg17[%add3A_304] : memref<272xf32, #tpu.memory_space<vmem>>[vector<16xi32>], vector<16xf32>,
    %add3A_306 = arith.addf %add3A_293, %gather3A_305 : vector<16xf32>
    %add3A_307 = arith.constant 4 : i32
    %add3A_308 = vector.broadcast %add3A_307 : i32 to vector<16xi32>
    %add3A_309 = arith.addi %mul3A_6, %add3A_308 : vector<16xi32>
    %add3A_310 = arith.constant 1 : i32
    %add3A_311 = vector.broadcast %add3A_310 : i32 to vector<16xi32>
    %add3A_312 = arith.addi %add3A_309, %add3A_311 : vector<16xi32>
    %gather3A_313 = tpu.vector_load_idx %arg17[%add3A_312] : memref<272xf32, #tpu.memory_space<vmem>>[vector<16xi32>], vector<16xf32>,
    %add3A_314 = arith.addf %add3A_301, %gather3A_313 : vector<16xf32>
    %add3A_315 = arith.constant 6 : i32
    %add3A_316 = vector.broadcast %add3A_315 : i32 to vector<16xi32>
    %add3A_317 = arith.addi %mul3A_6, %add3A_316 : vector<16xi32>
    %gather3A_318 = tpu.vector_load_idx %arg17[%add3A_317] : memref<272xf32, #tpu.memory_space<vmem>>[vector<16xi32>], vector<16xf32>,
    %add3A_319 = arith.addf %add3A_306, %gather3A_318 : vector<16xf32>
    %add3A_320 = arith.constant 6 : i32
    %add3A_321 = vector.broadcast %add3A_320 : i32 to vector<16xi32>
    %add3A_322 = arith.addi %mul3A_6, %add3A_321 : vector<16xi32>
    %add3A_323 = arith.constant 1 : i32
    %add3A_324 = vector.broadcast %add3A_323 : i32 to vector<16xi32>
    %add3A_325 = arith.addi %add3A_322, %add3A_324 : vector<16xi32>
    %gather3A_326 = tpu.vector_load_idx %arg17[%add3A_325] : memref<272xf32, #tpu.memory_space<vmem>>[vector<16xi32>], vector<16xf32>,
    %add3A_327 = arith.addf %add3A_314, %gather3A_326 : vector<16xf32>
    %add3A_328 = arith.constant 8 : i32
    %add3A_329 = vector.broadcast %add3A_328 : i32 to vector<16xi32>
    %add3A_330 = arith.addi %mul3A_6, %add3A_329 : vector<16xi32>
    %gather3A_331 = tpu.vector_load_idx %arg17[%add3A_330] : memref<272xf32, #tpu.memory_space<vmem>>[vector<16xi32>], vector<16xf32>,
    %add3A_332 = arith.addf %add3A_319, %gather3A_331 : vector<16xf32>
    %add3A_333 = arith.constant 8 : i32
    %add3A_334 = vector.broadcast %add3A_333 : i32 to vector<16xi32>
    %add3A_335 = arith.addi %mul3A_6, %add3A_334 : vector<16xi32>
    %add3A_336 = arith.constant 1 : i32
    %add3A_337 = vector.broadcast %add3A_336 : i32 to vector<16xi32>
    %add3A_338 = arith.addi %add3A_335, %add3A_337 : vector<16xi32>
    %gather3A_339 = tpu.vector_load_idx %arg17[%add3A_338] : memref<272xf32, #tpu.memory_space<vmem>>[vector<16xi32>], vector<16xf32>,
    %add3A_340 = arith.addf %add3A_327, %gather3A_339 : vector<16xf32>
    %add3A_341 = arith.constant 10 : i32
    %add3A_342 = vector.broadcast %add3A_341 : i32 to vector<16xi32>
    %add3A_343 = arith.addi %mul3A_6, %add3A_342 : vector<16xi32>
    %gather3A_344 = tpu.vector_load_idx %arg17[%add3A_343] : memref<272xf32, #tpu.memory_space<vmem>>[vector<16xi32>], vector<16xf32>,
    %add3A_345 = arith.addf %add3A_332, %gather3A_344 : vector<16xf32>
    %add3A_346 = arith.constant 10 : i32
    %add3A_347 = vector.broadcast %add3A_346 : i32 to vector<16xi32>
    %add3A_348 = arith.addi %mul3A_6, %add3A_347 : vector<16xi32>
    %add3A_349 = arith.constant 1 : i32
    %add3A_350 = vector.broadcast %add3A_349 : i32 to vector<16xi32>
    %add3A_351 = arith.addi %add3A_348, %add3A_350 : vector<16xi32>
    %gather3A_352 = tpu.vector_load_idx %arg17[%add3A_351] : memref<272xf32, #tpu.memory_space<vmem>>[vector<16xi32>], vector<16xf32>,
    %add3A_353 = arith.addf %add3A_340, %gather3A_352 : vector<16xf32>
    %add3A_354 = arith.constant 12 : i32
    %add3A_355 = vector.broadcast %add3A_354 : i32 to vector<16xi32>
    %add3A_356 = arith.addi %mul3A_6, %add3A_355 : vector<16xi32>
    %gather3A_357 = tpu.vector_load_idx %arg17[%add3A_356] : memref<272xf32, #tpu.memory_space<vmem>>[vector<16xi32>], vector<16xf32>,
    %add3A_358 = arith.addf %add3A_345, %gather3A_357 : vector<16xf32>
    %add3A_359 = arith.constant 12 : i32
    %add3A_360 = vector.broadcast %add3A_359 : i32 to vector<16xi32>
    %add3A_361 = arith.addi %mul3A_6, %add3A_360 : vector<16xi32>
    %add3A_362 = arith.constant 1 : i32
    %add3A_363 = vector.broadcast %add3A_362 : i32 to vector<16xi32>
    %add3A_364 = arith.addi %add3A_361, %add3A_363 : vector<16xi32>
    %gather3A_365 = tpu.vector_load_idx %arg17[%add3A_364] : memref<272xf32, #tpu.memory_space<vmem>>[vector<16xi32>], vector<16xf32>,
    %add3A_366 = arith.addf %add3A_353, %gather3A_365 : vector<16xf32>
    %add3A_367 = arith.constant 14 : i32
    %add3A_368 = vector.broadcast %add3A_367 : i32 to vector<16xi32>
    %add3A_369 = arith.addi %mul3A_6, %add3A_368 : vector<16xi32>
    %gather3A_370 = tpu.vector_load_idx %arg17[%add3A_369] : memref<272xf32, #tpu.memory_space<vmem>>[vector<16xi32>], vector<16xf32>,
    %add3A_371 = arith.addf %add3A_358, %gather3A_370 : vector<16xf32>
    %add3A_372 = arith.constant 14 : i32
    %add3A_373 = vector.broadcast %add3A_372 : i32 to vector<16xi32>
    %add3A_374 = arith.addi %mul3A_6, %add3A_373 : vector<16xi32>
    %add3A_375 = arith.constant 1 : i32
    %add3A_376 = vector.broadcast %add3A_375 : i32 to vector<16xi32>
    %add3A_377 = arith.addi %add3A_374, %add3A_376 : vector<16xi32>
    %gather3A_378 = tpu.vector_load_idx %arg17[%add3A_377] : memref<272xf32, #tpu.memory_space<vmem>>[vector<16xi32>], vector<16xf32>,
    %add3A_379 = arith.addf %add3A_366, %gather3A_378 : vector<16xf32>
    %add3A_380 = arith.addf %add3A_371, %add3A_379 : vector<16xf32>
    %swap3A_381 = arith.constant 9952 : index
    %swap3A_382 = tpu.vector_load %arg16[%swap3A_381] {strides = array<i32>} : memref<10000xf32, #tpu.memory_space<vmem>>, vector<16xf32>,
    tpu.vector_store %arg16[%swap3A_381], %add3A_380 {strides = array<i32>} : memref<10000xf32, #tpu.memory_space<vmem>>, vector<16xf32>,
    %scan3A_383 = arith.constant 0 : i32
    %scan3A_384 = arith.constant 0 : i32
    %scan3A_385 = arith.constant 16 : i32
    %scan3A_386 = arith.addi %scan3A_384, %scan3A_385 : i32
    %scan3A_387 = arith.constant 2 : i32
    scf.for %scan3A_593 = %scan3A_384 to %scan3A_386 step %scan3A_387  : i32 {
      %add3A_594 = arith.constant 48 : i32
      %add3A_595 = arith.addi %add3A_594, %scan3A_593 : i32
      %get3A = arith.index_cast %add3A_595 : i32 to index
      %get3A_596 = arith.constant 0 : index
      %get3A_597 = tpu.vector_load %arg10[%get3A, %get3A_596] {strides = array<i32>} : memref<80x64xi32, #tpu.memory_space<vmem>>, vector<16xi32>,
      %bitcast3A = vector.bitcast %get3A_597 : vector<16xi32> to vector<32xbf16>
      %get3A_598 = arith.index_cast %add3A_595 : i32 to index
      %get3A_599 = arith.constant 0 : index
      %get3A_600 = tpu.vector_load %arg11[%get3A_598, %get3A_599] {strides = array<i32>} : memref<80x64xi32, #tpu.memory_space<vmem>>, vector<16xi32>,
      %bitcast3A_601 = vector.bitcast %get3A_600 : vector<16xi32> to vector<32xbf16>
      %get3A_602 = arith.index_cast %add3A_595 : i32 to index
      %get3A_603 = arith.constant 0 : index
      %get3A_604 = tpu.vector_load %arg12[%get3A_602, %get3A_603] {strides = array<i32>} : memref<80x64xi32, #tpu.memory_space<vmem>>, vector<16xi32>,
      %bitcast3A_605 = vector.bitcast %get3A_604 : vector<16xi32> to vector<32xbf16>
      %mul3A_606 = arith.mulf %bitcast3A, %bitcast3A_605 : vector<32xbf16>
      %mul3A_607 = arith.mulf %mul3A_606, %bitcast3A_601 : vector<32xbf16>
      %unpack3A = tpu.unpack_subelements %mul3A_607, 0 {pack_format = #tpu.pack_format<interleaved>} : vector<32xbf16> -> vector<16xf32>
      %unpack3A_608 = tpu.unpack_subelements %mul3A_607, 1 {pack_format = #tpu.pack_format<interleaved>} : vector<32xbf16> -> vector<16xf32>
      %add3A_609 = arith.addf %unpack3A, %unpack3A_608 : vector<16xf32>
      %get3A_610 = arith.index_cast %add3A_595 : i32 to index
      %get3A_611 = arith.constant 16 : index
      %get3A_612 = tpu.vector_load %arg10[%get3A_610, %get3A_611] {strides = array<i32>} : memref<80x64xi32, #tpu.memory_space<vmem>>, vector<16xi32>,
      %bitcast3A_613 = vector.bitcast %get3A_612 : vector<16xi32> to vector<32xbf16>
      %get3A_614 = arith.index_cast %add3A_595 : i32 to index
      %get3A_615 = arith.constant 16 : index
      %get3A_616 = tpu.vector_load %arg11[%get3A_614, %get3A_615] {strides = array<i32>} : memref<80x64xi32, #tpu.memory_space<vmem>>, vector<16xi32>,
      %bitcast3A_617 = vector.bitcast %get3A_616 : vector<16xi32> to vector<32xbf16>
      %get3A_618 = arith.index_cast %add3A_595 : i32 to index
      %get3A_619 = arith.constant 16 : index
      %get3A_620 = tpu.vector_load %arg12[%get3A_618, %get3A_619] {strides = array<i32>} : memref<80x64xi32, #tpu.memory_space<vmem>>, vector<16xi32>,
      %bitcast3A_621 = vector.bitcast %get3A_620 : vector<16xi32> to vector<32xbf16>
      %mul3A_622 = arith.mulf %bitcast3A_613, %bitcast3A_621 : vector<32xbf16>
      %mul3A_623 = arith.mulf %mul3A_622, %bitcast3A_617 : vector<32xbf16>
      %unpack3A_624 = tpu.unpack_subelements %mul3A_623, 0 {pack_format = #tpu.pack_format<interleaved>} : vector<32xbf16> -> vector<16xf32>
      %unpack3A_625 = tpu.unpack_subelements %mul3A_623, 1 {pack_format = #tpu.pack_format<interleaved>} : vector<32xbf16> -> vector<16xf32>
      %add3A_626 = arith.addf %unpack3A_624, %unpack3A_625 : vector<16xf32>
      %add3A_627 = arith.addf %add3A_609, %add3A_626 : vector<16xf32>
      %get3A_628 = arith.index_cast %add3A_595 : i32 to index
      %get3A_629 = arith.constant 32 : index
      %get3A_630 = tpu.vector_load %arg10[%get3A_628, %get3A_629] {strides = array<i32>} : memref<80x64xi32, #tpu.memory_space<vmem>>, vector<16xi32>,
      %bitcast3A_631 = vector.bitcast %get3A_630 : vector<16xi32> to vector<32xbf16>
      %get3A_632 = arith.index_cast %add3A_595 : i32 to index
      %get3A_633 = arith.constant 32 : index
      %get3A_634 = tpu.vector_load %arg11[%get3A_632, %get3A_633] {strides = array<i32>} : memref<80x64xi32, #tpu.memory_space<vmem>>, vector<16xi32>,
      %bitcast3A_635 = vector.bitcast %get3A_634 : vector<16xi32> to vector<32xbf16>
      %get3A_636 = arith.index_cast %add3A_595 : i32 to index
      %get3A_637 = arith.constant 32 : index
      %get3A_638 = tpu.vector_load %arg12[%get3A_636, %get3A_637] {strides = array<i32>} : memref<80x64xi32, #tpu.memory_space<vmem>>, vector<16xi32>,
      %bitcast3A_639 = vector.bitcast %get3A_638 : vector<16xi32> to vector<32xbf16>
      %mul3A_640 = arith.mulf %bitcast3A_631, %bitcast3A_639 : vector<32xbf16>
      %mul3A_641 = arith.mulf %mul3A_640, %bitcast3A_635 : vector<32xbf16>
      %unpack3A_642 = tpu.unpack_subelements %mul3A_641, 0 {pack_format = #tpu.pack_format<interleaved>} : vector<32xbf16> -> vector<16xf32>
      %unpack3A_643 = tpu.unpack_subelements %mul3A_641, 1 {pack_format = #tpu.pack_format<interleaved>} : vector<32xbf16> -> vector<16xf32>
      %add3A_644 = arith.addf %unpack3A_642, %unpack3A_643 : vector<16xf32>
      %add3A_645 = arith.addf %add3A_627, %add3A_644 : vector<16xf32>
      %get3A_646 = arith.index_cast %add3A_595 : i32 to index
      %get3A_647 = arith.constant 48 : index
      %get3A_648 = tpu.vector_load %arg10[%get3A_646, %get3A_647] {strides = array<i32>} : memref<80x64xi32, #tpu.memory_space<vmem>>, vector<16xi32>,
      %bitcast3A_649 = vector.bitcast %get3A_648 : vector<16xi32> to vector<32xbf16>
      %get3A_650 = arith.index_cast %add3A_595 : i32 to index
      %get3A_651 = arith.constant 48 : index
      %get3A_652 = tpu.vector_load %arg11[%get3A_650, %get3A_651] {strides = array<i32>} : memref<80x64xi32, #tpu.memory_space<vmem>>, vector<16xi32>,
      %bitcast3A_653 = vector.bitcast %get3A_652 : vector<16xi32> to vector<32xbf16>
      %get3A_654 = arith.index_cast %add3A_595 : i32 to index
      %get3A_655 = arith.constant 48 : index
      %get3A_656 = tpu.vector_load %arg12[%get3A_654, %get3A_655] {strides = array<i32>} : memref<80x64xi32, #tpu.memory_space<vmem>>, vector<16xi32>,
      %bitcast3A_657 = vector.bitcast %get3A_656 : vector<16xi32> to vector<32xbf16>
      %mul3A_658 = arith.mulf %bitcast3A_649, %bitcast3A_657 : vector<32xbf16>
      %mul3A_659 = arith.mulf %mul3A_658, %bitcast3A_653 : vector<32xbf16>
      %unpack3A_660 = tpu.unpack_subelements %mul3A_659, 0 {pack_format = #tpu.pack_format<interleaved>} : vector<32xbf16> -> vector<16xf32>
      %unpack3A_661 = tpu.unpack_subelements %mul3A_659, 1 {pack_format = #tpu.pack_format<interleaved>} : vector<32xbf16> -> vector<16xf32>
      %add3A_662 = arith.addf %unpack3A_660, %unpack3A_661 : vector<16xf32>
      %add3A_663 = arith.addf %add3A_645, %add3A_662 : vector<16xf32>
      %mul3A_664 = arith.constant 17 : i32
      %mul3A_665 = arith.muli %scan3A_593, %mul3A_664 : i32
      %swap3A_666 = arith.index_cast %mul3A_665 : i32 to index
      %swap3A_667 = tpu.vector_load %arg17[%swap3A_666] {strides = array<i32>} : memref<272xf32, #tpu.memory_space<vmem>>, vector<16xf32>,
      tpu.vector_store %arg17[%swap3A_666], %add3A_663 {strides = array<i32>} : memref<272xf32, #tpu.memory_space<vmem>>, vector<16xf32>,
      %scan3A_668 = arith.constant 1 : i32
      %scan3A_669 = arith.addi %scan3A_593, %scan3A_668 : i32
      %add3A_670 = arith.constant 48 : i32
      %add3A_671 = arith.addi %add3A_670, %scan3A_669 : i32
      %get3A_672 = arith.index_cast %add3A_671 : i32 to index
      %get3A_673 = arith.constant 0 : index
      %get3A_674 = tpu.vector_load %arg10[%get3A_672, %get3A_673] {strides = array<i32>} : memref<80x64xi32, #tpu.memory_space<vmem>>, vector<16xi32>,
      %bitcast3A_675 = vector.bitcast %get3A_674 : vector<16xi32> to vector<32xbf16>
      %get3A_676 = arith.index_cast %add3A_671 : i32 to index
      %get3A_677 = arith.constant 0 : index
      %get3A_678 = tpu.vector_load %arg11[%get3A_676, %get3A_677] {strides = array<i32>} : memref<80x64xi32, #tpu.memory_space<vmem>>, vector<16xi32>,
      %bitcast3A_679 = vector.bitcast %get3A_678 : vector<16xi32> to vector<32xbf16>
      %get3A_680 = arith.index_cast %add3A_671 : i32 to index
      %get3A_681 = arith.constant 0 : index
      %get3A_682 = tpu.vector_load %arg12[%get3A_680, %get3A_681] {strides = array<i32>} : memref<80x64xi32, #tpu.memory_space<vmem>>, vector<16xi32>,
      %bitcast3A_683 = vector.bitcast %get3A_682 : vector<16xi32> to vector<32xbf16>
      %mul3A_684 = arith.mulf %bitcast3A_675, %bitcast3A_683 : vector<32xbf16>
      %mul3A_685 = arith.mulf %mul3A_684, %bitcast3A_679 : vector<32xbf16>
      %unpack3A_686 = tpu.unpack_subelements %mul3A_685, 0 {pack_format = #tpu.pack_format<interleaved>} : vector<32xbf16> -> vector<16xf32>
      %unpack3A_687 = tpu.unpack_subelements %mul3A_685, 1 {pack_format = #tpu.pack_format<interleaved>} : vector<32xbf16> -> vector<16xf32>
      %add3A_688 = arith.addf %unpack3A_686, %unpack3A_687 : vector<16xf32>
      %get3A_689 = arith.index_cast %add3A_671 : i32 to index
      %get3A_690 = arith.constant 16 : index
      %get3A_691 = tpu.vector_load %arg10[%get3A_689, %get3A_690] {strides = array<i32>} : memref<80x64xi32, #tpu.memory_space<vmem>>, vector<16xi32>,
      %bitcast3A_692 = vector.bitcast %get3A_691 : vector<16xi32> to vector<32xbf16>
      %get3A_693 = arith.index_cast %add3A_671 : i32 to index
      %get3A_694 = arith.constant 16 : index
      %get3A_695 = tpu.vector_load %arg11[%get3A_693, %get3A_694] {strides = array<i32>} : memref<80x64xi32, #tpu.memory_space<vmem>>, vector<16xi32>,
      %bitcast3A_696 = vector.bitcast %get3A_695 : vector<16xi32> to vector<32xbf16>
      %get3A_697 = arith.index_cast %add3A_671 : i32 to index
      %get3A_698 = arith.constant 16 : index
      %get3A_699 = tpu.vector_load %arg12[%get3A_697, %get3A_698] {strides = array<i32>} : memref<80x64xi32, #tpu.memory_space<vmem>>, vector<16xi32>,
      %bitcast3A_700 = vector.bitcast %get3A_699 : vector<16xi32> to vector<32xbf16>
      %mul3A_701 = arith.mulf %bitcast3A_692, %bitcast3A_700 : vector<32xbf16>
      %mul3A_702 = arith.mulf %mul3A_701, %bitcast3A_696 : vector<32xbf16>
      %unpack3A_703 = tpu.unpack_subelements %mul3A_702, 0 {pack_format = #tpu.pack_format<interleaved>} : vector<32xbf16> -> vector<16xf32>
      %unpack3A_704 = tpu.unpack_subelements %mul3A_702, 1 {pack_format = #tpu.pack_format<interleaved>} : vector<32xbf16> -> vector<16xf32>
      %add3A_705 = arith.addf %unpack3A_703, %unpack3A_704 : vector<16xf32>
      %add3A_706 = arith.addf %add3A_688, %add3A_705 : vector<16xf32>
      %get3A_707 = arith.index_cast %add3A_671 : i32 to index
      %get3A_708 = arith.constant 32 : index
      %get3A_709 = tpu.vector_load %arg10[%get3A_707, %get3A_708] {strides = array<i32>} : memref<80x64xi32, #tpu.memory_space<vmem>>, vector<16xi32>,
      %bitcast3A_710 = vector.bitcast %get3A_709 : vector<16xi32> to vector<32xbf16>
      %get3A_711 = arith.index_cast %add3A_671 : i32 to index
      %get3A_712 = arith.constant 32 : index
      %get3A_713 = tpu.vector_load %arg11[%get3A_711, %get3A_712] {strides = array<i32>} : memref<80x64xi32, #tpu.memory_space<vmem>>, vector<16xi32>,
      %bitcast3A_714 = vector.bitcast %get3A_713 : vector<16xi32> to vector<32xbf16>
      %get3A_715 = arith.index_cast %add3A_671 : i32 to index
      %get3A_716 = arith.constant 32 : index
      %get3A_717 = tpu.vector_load %arg12[%get3A_715, %get3A_716] {strides = array<i32>} : memref<80x64xi32, #tpu.memory_space<vmem>>, vector<16xi32>,
      %bitcast3A_718 = vector.bitcast %get3A_717 : vector<16xi32> to vector<32xbf16>
      %mul3A_719 = arith.mulf %bitcast3A_710, %bitcast3A_718 : vector<32xbf16>
      %mul3A_720 = arith.mulf %mul3A_719, %bitcast3A_714 : vector<32xbf16>
      %unpack3A_721 = tpu.unpack_subelements %mul3A_720, 0 {pack_format = #tpu.pack_format<interleaved>} : vector<32xbf16> -> vector<16xf32>
      %unpack3A_722 = tpu.unpack_subelements %mul3A_720, 1 {pack_format = #tpu.pack_format<interleaved>} : vector<32xbf16> -> vector<16xf32>
      %add3A_723 = arith.addf %unpack3A_721, %unpack3A_722 : vector<16xf32>
      %add3A_724 = arith.addf %add3A_706, %add3A_723 : vector<16xf32>
      %get3A_725 = arith.index_cast %add3A_671 : i32 to index
      %get3A_726 = arith.constant 48 : index
      %get3A_727 = tpu.vector_load %arg10[%get3A_725, %get3A_726] {strides = array<i32>} : memref<80x64xi32, #tpu.memory_space<vmem>>, vector<16xi32>,
      %bitcast3A_728 = vector.bitcast %get3A_727 : vector<16xi32> to vector<32xbf16>
      %get3A_729 = arith.index_cast %add3A_671 : i32 to index
      %get3A_730 = arith.constant 48 : index
      %get3A_731 = tpu.vector_load %arg11[%get3A_729, %get3A_730] {strides = array<i32>} : memref<80x64xi32, #tpu.memory_space<vmem>>, vector<16xi32>,
      %bitcast3A_732 = vector.bitcast %get3A_731 : vector<16xi32> to vector<32xbf16>
      %get3A_733 = arith.index_cast %add3A_671 : i32 to index
      %get3A_734 = arith.constant 48 : index
      %get3A_735 = tpu.vector_load %arg12[%get3A_733, %get3A_734] {strides = array<i32>} : memref<80x64xi32, #tpu.memory_space<vmem>>, vector<16xi32>,
      %bitcast3A_736 = vector.bitcast %get3A_735 : vector<16xi32> to vector<32xbf16>
      %mul3A_737 = arith.mulf %bitcast3A_728, %bitcast3A_736 : vector<32xbf16>
      %mul3A_738 = arith.mulf %mul3A_737, %bitcast3A_732 : vector<32xbf16>
      %unpack3A_739 = tpu.unpack_subelements %mul3A_738, 0 {pack_format = #tpu.pack_format<interleaved>} : vector<32xbf16> -> vector<16xf32>
      %unpack3A_740 = tpu.unpack_subelements %mul3A_738, 1 {pack_format = #tpu.pack_format<interleaved>} : vector<32xbf16> -> vector<16xf32>
      %add3A_741 = arith.addf %unpack3A_739, %unpack3A_740 : vector<16xf32>
      %add3A_742 = arith.addf %add3A_724, %add3A_741 : vector<16xf32>
      %mul3A_743 = arith.constant 17 : i32
      %mul3A_744 = arith.muli %scan3A_669, %mul3A_743 : i32
      %swap3A_745 = arith.index_cast %mul3A_744 : i32 to index
      %swap3A_746 = tpu.vector_load %arg17[%swap3A_745] {strides = array<i32>} : memref<272xf32, #tpu.memory_space<vmem>>, vector<16xf32>,
      tpu.vector_store %arg17[%swap3A_745], %add3A_742 {strides = array<i32>} : memref<272xf32, #tpu.memory_space<vmem>>, vector<16xf32>,
    }
    %scan3A_388 = arith.constant 16 : i32
    %gather3A_389 = tpu.vector_load_idx %arg17[%mul3A_6] : memref<272xf32, #tpu.memory_space<vmem>>[vector<16xi32>], vector<16xf32>,
    %add3A_390 = arith.constant 1 : i32
    %add3A_391 = vector.broadcast %add3A_390 : i32 to vector<16xi32>
    %add3A_392 = arith.addi %mul3A_6, %add3A_391 : vector<16xi32>
    %gather3A_393 = tpu.vector_load_idx %arg17[%add3A_392] : memref<272xf32, #tpu.memory_space<vmem>>[vector<16xi32>], vector<16xf32>,
    %add3A_394 = arith.constant 2 : i32
    %add3A_395 = vector.broadcast %add3A_394 : i32 to vector<16xi32>
    %add3A_396 = arith.addi %mul3A_6, %add3A_395 : vector<16xi32>
    %gather3A_397 = tpu.vector_load_idx %arg17[%add3A_396] : memref<272xf32, #tpu.memory_space<vmem>>[vector<16xi32>], vector<16xf32>,
    %add3A_398 = arith.addf %gather3A_389, %gather3A_397 : vector<16xf32>
    %add3A_399 = arith.constant 2 : i32
    %add3A_400 = vector.broadcast %add3A_399 : i32 to vector<16xi32>
    %add3A_401 = arith.addi %mul3A_6, %add3A_400 : vector<16xi32>
    %add3A_402 = arith.constant 1 : i32
    %add3A_403 = vector.broadcast %add3A_402 : i32 to vector<16xi32>
    %add3A_404 = arith.addi %add3A_401, %add3A_403 : vector<16xi32>
    %gather3A_405 = tpu.vector_load_idx %arg17[%add3A_404] : memref<272xf32, #tpu.memory_space<vmem>>[vector<16xi32>], vector<16xf32>,
    %add3A_406 = arith.addf %gather3A_393, %gather3A_405 : vector<16xf32>
    %add3A_407 = arith.constant 4 : i32
    %add3A_408 = vector.broadcast %add3A_407 : i32 to vector<16xi32>
    %add3A_409 = arith.addi %mul3A_6, %add3A_408 : vector<16xi32>
    %gather3A_410 = tpu.vector_load_idx %arg17[%add3A_409] : memref<272xf32, #tpu.memory_space<vmem>>[vector<16xi32>], vector<16xf32>,
    %add3A_411 = arith.addf %add3A_398, %gather3A_410 : vector<16xf32>
    %add3A_412 = arith.constant 4 : i32
    %add3A_413 = vector.broadcast %add3A_412 : i32 to vector<16xi32>
    %add3A_414 = arith.addi %mul3A_6, %add3A_413 : vector<16xi32>
    %add3A_415 = arith.constant 1 : i32
    %add3A_416 = vector.broadcast %add3A_415 : i32 to vector<16xi32>
    %add3A_417 = arith.addi %add3A_414, %add3A_416 : vector<16xi32>
    %gather3A_418 = tpu.vector_load_idx %arg17[%add3A_417] : memref<272xf32, #tpu.memory_space<vmem>>[vector<16xi32>], vector<16xf32>,
    %add3A_419 = arith.addf %add3A_406, %gather3A_418 : vector<16xf32>
    %add3A_420 = arith.constant 6 : i32
    %add3A_421 = vector.broadcast %add3A_420 : i32 to vector<16xi32>
    %add3A_422 = arith.addi %mul3A_6, %add3A_421 : vector<16xi32>
    %gather3A_423 = tpu.vector_load_idx %arg17[%add3A_422] : memref<272xf32, #tpu.memory_space<vmem>>[vector<16xi32>], vector<16xf32>,
    %add3A_424 = arith.addf %add3A_411, %gather3A_423 : vector<16xf32>
    %add3A_425 = arith.constant 6 : i32
    %add3A_426 = vector.broadcast %add3A_425 : i32 to vector<16xi32>
    %add3A_427 = arith.addi %mul3A_6, %add3A_426 : vector<16xi32>
    %add3A_428 = arith.constant 1 : i32
    %add3A_429 = vector.broadcast %add3A_428 : i32 to vector<16xi32>
    %add3A_430 = arith.addi %add3A_427, %add3A_429 : vector<16xi32>
    %gather3A_431 = tpu.vector_load_idx %arg17[%add3A_430] : memref<272xf32, #tpu.memory_space<vmem>>[vector<16xi32>], vector<16xf32>,
    %add3A_432 = arith.addf %add3A_419, %gather3A_431 : vector<16xf32>
    %add3A_433 = arith.constant 8 : i32
    %add3A_434 = vector.broadcast %add3A_433 : i32 to vector<16xi32>
    %add3A_435 = arith.addi %mul3A_6, %add3A_434 : vector<16xi32>
    %gather3A_436 = tpu.vector_load_idx %arg17[%add3A_435] : memref<272xf32, #tpu.memory_space<vmem>>[vector<16xi32>], vector<16xf32>,
    %add3A_437 = arith.addf %add3A_424, %gather3A_436 : vector<16xf32>
    %add3A_438 = arith.constant 8 : i32
    %add3A_439 = vector.broadcast %add3A_438 : i32 to vector<16xi32>
    %add3A_440 = arith.addi %mul3A_6, %add3A_439 : vector<16xi32>
    %add3A_441 = arith.constant 1 : i32
    %add3A_442 = vector.broadcast %add3A_441 : i32 to vector<16xi32>
    %add3A_443 = arith.addi %add3A_440, %add3A_442 : vector<16xi32>
    %gather3A_444 = tpu.vector_load_idx %arg17[%add3A_443] : memref<272xf32, #tpu.memory_space<vmem>>[vector<16xi32>], vector<16xf32>,
    %add3A_445 = arith.addf %add3A_432, %gather3A_444 : vector<16xf32>
    %add3A_446 = arith.constant 10 : i32
    %add3A_447 = vector.broadcast %add3A_446 : i32 to vector<16xi32>
    %add3A_448 = arith.addi %mul3A_6, %add3A_447 : vector<16xi32>
    %gather3A_449 = tpu.vector_load_idx %arg17[%add3A_448] : memref<272xf32, #tpu.memory_space<vmem>>[vector<16xi32>], vector<16xf32>,
    %add3A_450 = arith.addf %add3A_437, %gather3A_449 : vector<16xf32>
    %add3A_451 = arith.constant 10 : i32
    %add3A_452 = vector.broadcast %add3A_451 : i32 to vector<16xi32>
    %add3A_453 = arith.addi %mul3A_6, %add3A_452 : vector<16xi32>
    %add3A_454 = arith.constant 1 : i32
    %add3A_455 = vector.broadcast %add3A_454 : i32 to vector<16xi32>
    %add3A_456 = arith.addi %add3A_453, %add3A_455 : vector<16xi32>
    %gather3A_457 = tpu.vector_load_idx %arg17[%add3A_456] : memref<272xf32, #tpu.memory_space<vmem>>[vector<16xi32>], vector<16xf32>,
    %add3A_458 = arith.addf %add3A_445, %gather3A_457 : vector<16xf32>
    %add3A_459 = arith.constant 12 : i32
    %add3A_460 = vector.broadcast %add3A_459 : i32 to vector<16xi32>
    %add3A_461 = arith.addi %mul3A_6, %add3A_460 : vector<16xi32>
    %gather3A_462 = tpu.vector_load_idx %arg17[%add3A_461] : memref<272xf32, #tpu.memory_space<vmem>>[vector<16xi32>], vector<16xf32>,
    %add3A_463 = arith.addf %add3A_450, %gather3A_462 : vector<16xf32>
    %add3A_464 = arith.constant 12 : i32
    %add3A_465 = vector.broadcast %add3A_464 : i32 to vector<16xi32>
    %add3A_466 = arith.addi %mul3A_6, %add3A_465 : vector<16xi32>
    %add3A_467 = arith.constant 1 : i32
    %add3A_468 = vector.broadcast %add3A_467 : i32 to vector<16xi32>
    %add3A_469 = arith.addi %add3A_466, %add3A_468 : vector<16xi32>
    %gather3A_470 = tpu.vector_load_idx %arg17[%add3A_469] : memref<272xf32, #tpu.memory_space<vmem>>[vector<16xi32>], vector<16xf32>,
    %add3A_471 = arith.addf %add3A_458, %gather3A_470 : vector<16xf32>
    %add3A_472 = arith.constant 14 : i32
    %add3A_473 = vector.broadcast %add3A_472 : i32 to vector<16xi32>
    %add3A_474 = arith.addi %mul3A_6, %add3A_473 : vector<16xi32>
    %gather3A_475 = tpu.vector_load_idx %arg17[%add3A_474] : memref<272xf32, #tpu.memory_space<vmem>>[vector<16xi32>], vector<16xf32>,
    %add3A_476 = arith.addf %add3A_463, %gather3A_475 : vector<16xf32>
    %add3A_477 = arith.constant 14 : i32
    %add3A_478 = vector.broadcast %add3A_477 : i32 to vector<16xi32>
    %add3A_479 = arith.addi %mul3A_6, %add3A_478 : vector<16xi32>
    %add3A_480 = arith.constant 1 : i32
    %add3A_481 = vector.broadcast %add3A_480 : i32 to vector<16xi32>
    %add3A_482 = arith.addi %add3A_479, %add3A_481 : vector<16xi32>
    %gather3A_483 = tpu.vector_load_idx %arg17[%add3A_482] : memref<272xf32, #tpu.memory_space<vmem>>[vector<16xi32>], vector<16xf32>,
    %add3A_484 = arith.addf %add3A_471, %gather3A_483 : vector<16xf32>
    %add3A_485 = arith.addf %add3A_476, %add3A_484 : vector<16xf32>
    %swap3A_486 = arith.constant 9968 : index
    %swap3A_487 = tpu.vector_load %arg16[%swap3A_486] {strides = array<i32>} : memref<10000xf32, #tpu.memory_space<vmem>>, vector<16xf32>,
    tpu.vector_store %arg16[%swap3A_486], %add3A_485 {strides = array<i32>} : memref<10000xf32, #tpu.memory_space<vmem>>, vector<16xf32>,
    %scan3A_488 = arith.constant 0 : i32
    %scan3A_489 = arith.constant 0 : i32
    %scan3A_490 = arith.constant 16 : i32
    %scan3A_491 = arith.addi %scan3A_489, %scan3A_490 : i32
    %scan3A_492 = arith.constant 2 : i32
    scf.for %scan3A_593 = %scan3A_489 to %scan3A_491 step %scan3A_492  : i32 {
      %add3A_594 = arith.constant 64 : i32
      %add3A_595 = arith.addi %add3A_594, %scan3A_593 : i32
      %get3A = arith.index_cast %add3A_595 : i32 to index
      %get3A_596 = arith.constant 0 : index
      %get3A_597 = tpu.vector_load %arg10[%get3A, %get3A_596] {strides = array<i32>} : memref<80x64xi32, #tpu.memory_space<vmem>>, vector<16xi32>,
      %bitcast3A = vector.bitcast %get3A_597 : vector<16xi32> to vector<32xbf16>
      %get3A_598 = arith.index_cast %add3A_595 : i32 to index
      %get3A_599 = arith.constant 0 : index
      %get3A_600 = tpu.vector_load %arg11[%get3A_598, %get3A_599] {strides = array<i32>} : memref<80x64xi32, #tpu.memory_space<vmem>>, vector<16xi32>,
      %bitcast3A_601 = vector.bitcast %get3A_600 : vector<16xi32> to vector<32xbf16>
      %get3A_602 = arith.index_cast %add3A_595 : i32 to index
      %get3A_603 = arith.constant 0 : index
      %get3A_604 = tpu.vector_load %arg12[%get3A_602, %get3A_603] {strides = array<i32>} : memref<80x64xi32, #tpu.memory_space<vmem>>, vector<16xi32>,
      %bitcast3A_605 = vector.bitcast %get3A_604 : vector<16xi32> to vector<32xbf16>
      %mul3A_606 = arith.mulf %bitcast3A, %bitcast3A_605 : vector<32xbf16>
      %mul3A_607 = arith.mulf %mul3A_606, %bitcast3A_601 : vector<32xbf16>
      %unpack3A = tpu.unpack_subelements %mul3A_607, 0 {pack_format = #tpu.pack_format<interleaved>} : vector<32xbf16> -> vector<16xf32>
      %unpack3A_608 = tpu.unpack_subelements %mul3A_607, 1 {pack_format = #tpu.pack_format<interleaved>} : vector<32xbf16> -> vector<16xf32>
      %add3A_609 = arith.addf %unpack3A, %unpack3A_608 : vector<16xf32>
      %get3A_610 = arith.index_cast %add3A_595 : i32 to index
      %get3A_611 = arith.constant 16 : index
      %get3A_612 = tpu.vector_load %arg10[%get3A_610, %get3A_611] {strides = array<i32>} : memref<80x64xi32, #tpu.memory_space<vmem>>, vector<16xi32>,
      %bitcast3A_613 = vector.bitcast %get3A_612 : vector<16xi32> to vector<32xbf16>
      %get3A_614 = arith.index_cast %add3A_595 : i32 to index
      %get3A_615 = arith.constant 16 : index
      %get3A_616 = tpu.vector_load %arg11[%get3A_614, %get3A_615] {strides = array<i32>} : memref<80x64xi32, #tpu.memory_space<vmem>>, vector<16xi32>,
      %bitcast3A_617 = vector.bitcast %get3A_616 : vector<16xi32> to vector<32xbf16>
      %get3A_618 = arith.index_cast %add3A_595 : i32 to index
      %get3A_619 = arith.constant 16 : index
      %get3A_620 = tpu.vector_load %arg12[%get3A_618, %get3A_619] {strides = array<i32>} : memref<80x64xi32, #tpu.memory_space<vmem>>, vector<16xi32>,
      %bitcast3A_621 = vector.bitcast %get3A_620 : vector<16xi32> to vector<32xbf16>
      %mul3A_622 = arith.mulf %bitcast3A_613, %bitcast3A_621 : vector<32xbf16>
      %mul3A_623 = arith.mulf %mul3A_622, %bitcast3A_617 : vector<32xbf16>
      %unpack3A_624 = tpu.unpack_subelements %mul3A_623, 0 {pack_format = #tpu.pack_format<interleaved>} : vector<32xbf16> -> vector<16xf32>
      %unpack3A_625 = tpu.unpack_subelements %mul3A_623, 1 {pack_format = #tpu.pack_format<interleaved>} : vector<32xbf16> -> vector<16xf32>
      %add3A_626 = arith.addf %unpack3A_624, %unpack3A_625 : vector<16xf32>
      %add3A_627 = arith.addf %add3A_609, %add3A_626 : vector<16xf32>
      %get3A_628 = arith.index_cast %add3A_595 : i32 to index
      %get3A_629 = arith.constant 32 : index
      %get3A_630 = tpu.vector_load %arg10[%get3A_628, %get3A_629] {strides = array<i32>} : memref<80x64xi32, #tpu.memory_space<vmem>>, vector<16xi32>,
      %bitcast3A_631 = vector.bitcast %get3A_630 : vector<16xi32> to vector<32xbf16>
      %get3A_632 = arith.index_cast %add3A_595 : i32 to index
      %get3A_633 = arith.constant 32 : index
      %get3A_634 = tpu.vector_load %arg11[%get3A_632, %get3A_633] {strides = array<i32>} : memref<80x64xi32, #tpu.memory_space<vmem>>, vector<16xi32>,
      %bitcast3A_635 = vector.bitcast %get3A_634 : vector<16xi32> to vector<32xbf16>
      %get3A_636 = arith.index_cast %add3A_595 : i32 to index
      %get3A_637 = arith.constant 32 : index
      %get3A_638 = tpu.vector_load %arg12[%get3A_636, %get3A_637] {strides = array<i32>} : memref<80x64xi32, #tpu.memory_space<vmem>>, vector<16xi32>,
      %bitcast3A_639 = vector.bitcast %get3A_638 : vector<16xi32> to vector<32xbf16>
      %mul3A_640 = arith.mulf %bitcast3A_631, %bitcast3A_639 : vector<32xbf16>
      %mul3A_641 = arith.mulf %mul3A_640, %bitcast3A_635 : vector<32xbf16>
      %unpack3A_642 = tpu.unpack_subelements %mul3A_641, 0 {pack_format = #tpu.pack_format<interleaved>} : vector<32xbf16> -> vector<16xf32>
      %unpack3A_643 = tpu.unpack_subelements %mul3A_641, 1 {pack_format = #tpu.pack_format<interleaved>} : vector<32xbf16> -> vector<16xf32>
      %add3A_644 = arith.addf %unpack3A_642, %unpack3A_643 : vector<16xf32>
      %add3A_645 = arith.addf %add3A_627, %add3A_644 : vector<16xf32>
      %get3A_646 = arith.index_cast %add3A_595 : i32 to index
      %get3A_647 = arith.constant 48 : index
      %get3A_648 = tpu.vector_load %arg10[%get3A_646, %get3A_647] {strides = array<i32>} : memref<80x64xi32, #tpu.memory_space<vmem>>, vector<16xi32>,
      %bitcast3A_649 = vector.bitcast %get3A_648 : vector<16xi32> to vector<32xbf16>
      %get3A_650 = arith.index_cast %add3A_595 : i32 to index
      %get3A_651 = arith.constant 48 : index
      %get3A_652 = tpu.vector_load %arg11[%get3A_650, %get3A_651] {strides = array<i32>} : memref<80x64xi32, #tpu.memory_space<vmem>>, vector<16xi32>,
      %bitcast3A_653 = vector.bitcast %get3A_652 : vector<16xi32> to vector<32xbf16>
      %get3A_654 = arith.index_cast %add3A_595 : i32 to index
      %get3A_655 = arith.constant 48 : index
      %get3A_656 = tpu.vector_load %arg12[%get3A_654, %get3A_655] {strides = array<i32>} : memref<80x64xi32, #tpu.memory_space<vmem>>, vector<16xi32>,
      %bitcast3A_657 = vector.bitcast %get3A_656 : vector<16xi32> to vector<32xbf16>
      %mul3A_658 = arith.mulf %bitcast3A_649, %bitcast3A_657 : vector<32xbf16>
      %mul3A_659 = arith.mulf %mul3A_658, %bitcast3A_653 : vector<32xbf16>
      %unpack3A_660 = tpu.unpack_subelements %mul3A_659, 0 {pack_format = #tpu.pack_format<interleaved>} : vector<32xbf16> -> vector<16xf32>
      %unpack3A_661 = tpu.unpack_subelements %mul3A_659, 1 {pack_format = #tpu.pack_format<interleaved>} : vector<32xbf16> -> vector<16xf32>
      %add3A_662 = arith.addf %unpack3A_660, %unpack3A_661 : vector<16xf32>
      %add3A_663 = arith.addf %add3A_645, %add3A_662 : vector<16xf32>
      %mul3A_664 = arith.constant 17 : i32
      %mul3A_665 = arith.muli %scan3A_593, %mul3A_664 : i32
      %swap3A_666 = arith.index_cast %mul3A_665 : i32 to index
      %swap3A_667 = tpu.vector_load %arg17[%swap3A_666] {strides = array<i32>} : memref<272xf32, #tpu.memory_space<vmem>>, vector<16xf32>,
      tpu.vector_store %arg17[%swap3A_666], %add3A_663 {strides = array<i32>} : memref<272xf32, #tpu.memory_space<vmem>>, vector<16xf32>,
      %scan3A_668 = arith.constant 1 : i32
      %scan3A_669 = arith.addi %scan3A_593, %scan3A_668 : i32
      %add3A_670 = arith.constant 64 : i32
      %add3A_671 = arith.addi %add3A_670, %scan3A_669 : i32
      %get3A_672 = arith.index_cast %add3A_671 : i32 to index
      %get3A_673 = arith.constant 0 : index
      %get3A_674 = tpu.vector_load %arg10[%get3A_672, %get3A_673] {strides = array<i32>} : memref<80x64xi32, #tpu.memory_space<vmem>>, vector<16xi32>,
      %bitcast3A_675 = vector.bitcast %get3A_674 : vector<16xi32> to vector<32xbf16>
      %get3A_676 = arith.index_cast %add3A_671 : i32 to index
      %get3A_677 = arith.constant 0 : index
      %get3A_678 = tpu.vector_load %arg11[%get3A_676, %get3A_677] {strides = array<i32>} : memref<80x64xi32, #tpu.memory_space<vmem>>, vector<16xi32>,
      %bitcast3A_679 = vector.bitcast %get3A_678 : vector<16xi32> to vector<32xbf16>
      %get3A_680 = arith.index_cast %add3A_671 : i32 to index
      %get3A_681 = arith.constant 0 : index
      %get3A_682 = tpu.vector_load %arg12[%get3A_680, %get3A_681] {strides = array<i32>} : memref<80x64xi32, #tpu.memory_space<vmem>>, vector<16xi32>,
      %bitcast3A_683 = vector.bitcast %get3A_682 : vector<16xi32> to vector<32xbf16>
      %mul3A_684 = arith.mulf %bitcast3A_675, %bitcast3A_683 : vector<32xbf16>
      %mul3A_685 = arith.mulf %mul3A_684, %bitcast3A_679 : vector<32xbf16>
      %unpack3A_686 = tpu.unpack_subelements %mul3A_685, 0 {pack_format = #tpu.pack_format<interleaved>} : vector<32xbf16> -> vector<16xf32>
      %unpack3A_687 = tpu.unpack_subelements %mul3A_685, 1 {pack_format = #tpu.pack_format<interleaved>} : vector<32xbf16> -> vector<16xf32>
      %add3A_688 = arith.addf %unpack3A_686, %unpack3A_687 : vector<16xf32>
      %get3A_689 = arith.index_cast %add3A_671 : i32 to index
      %get3A_690 = arith.constant 16 : index
      %get3A_691 = tpu.vector_load %arg10[%get3A_689, %get3A_690] {strides = array<i32>} : memref<80x64xi32, #tpu.memory_space<vmem>>, vector<16xi32>,
      %bitcast3A_692 = vector.bitcast %get3A_691 : vector<16xi32> to vector<32xbf16>
      %get3A_693 = arith.index_cast %add3A_671 : i32 to index
      %get3A_694 = arith.constant 16 : index
      %get3A_695 = tpu.vector_load %arg11[%get3A_693, %get3A_694] {strides = array<i32>} : memref<80x64xi32, #tpu.memory_space<vmem>>, vector<16xi32>,
      %bitcast3A_696 = vector.bitcast %get3A_695 : vector<16xi32> to vector<32xbf16>
      %get3A_697 = arith.index_cast %add3A_671 : i32 to index
      %get3A_698 = arith.constant 16 : index
      %get3A_699 = tpu.vector_load %arg12[%get3A_697, %get3A_698] {strides = array<i32>} : memref<80x64xi32, #tpu.memory_space<vmem>>, vector<16xi32>,
      %bitcast3A_700 = vector.bitcast %get3A_699 : vector<16xi32> to vector<32xbf16>
      %mul3A_701 = arith.mulf %bitcast3A_692, %bitcast3A_700 : vector<32xbf16>
      %mul3A_702 = arith.mulf %mul3A_701, %bitcast3A_696 : vector<32xbf16>
      %unpack3A_703 = tpu.unpack_subelements %mul3A_702, 0 {pack_format = #tpu.pack_format<interleaved>} : vector<32xbf16> -> vector<16xf32>
      %unpack3A_704 = tpu.unpack_subelements %mul3A_702, 1 {pack_format = #tpu.pack_format<interleaved>} : vector<32xbf16> -> vector<16xf32>
      %add3A_705 = arith.addf %unpack3A_703, %unpack3A_704 : vector<16xf32>
      %add3A_706 = arith.addf %add3A_688, %add3A_705 : vector<16xf32>
      %get3A_707 = arith.index_cast %add3A_671 : i32 to index
      %get3A_708 = arith.constant 32 : index
      %get3A_709 = tpu.vector_load %arg10[%get3A_707, %get3A_708] {strides = array<i32>} : memref<80x64xi32, #tpu.memory_space<vmem>>, vector<16xi32>,
      %bitcast3A_710 = vector.bitcast %get3A_709 : vector<16xi32> to vector<32xbf16>
      %get3A_711 = arith.index_cast %add3A_671 : i32 to index
      %get3A_712 = arith.constant 32 : index
      %get3A_713 = tpu.vector_load %arg11[%get3A_711, %get3A_712] {strides = array<i32>} : memref<80x64xi32, #tpu.memory_space<vmem>>, vector<16xi32>,
      %bitcast3A_714 = vector.bitcast %get3A_713 : vector<16xi32> to vector<32xbf16>
      %get3A_715 = arith.index_cast %add3A_671 : i32 to index
      %get3A_716 = arith.constant 32 : index
      %get3A_717 = tpu.vector_load %arg12[%get3A_715, %get3A_716] {strides = array<i32>} : memref<80x64xi32, #tpu.memory_space<vmem>>, vector<16xi32>,
      %bitcast3A_718 = vector.bitcast %get3A_717 : vector<16xi32> to vector<32xbf16>
      %mul3A_719 = arith.mulf %bitcast3A_710, %bitcast3A_718 : vector<32xbf16>
      %mul3A_720 = arith.mulf %mul3A_719, %bitcast3A_714 : vector<32xbf16>
      %unpack3A_721 = tpu.unpack_subelements %mul3A_720, 0 {pack_format = #tpu.pack_format<interleaved>} : vector<32xbf16> -> vector<16xf32>
      %unpack3A_722 = tpu.unpack_subelements %mul3A_720, 1 {pack_format = #tpu.pack_format<interleaved>} : vector<32xbf16> -> vector<16xf32>
      %add3A_723 = arith.addf %unpack3A_721, %unpack3A_722 : vector<16xf32>
      %add3A_724 = arith.addf %add3A_706, %add3A_723 : vector<16xf32>
      %get3A_725 = arith.index_cast %add3A_671 : i32 to index
      %get3A_726 = arith.constant 48 : index
      %get3A_727 = tpu.vector_load %arg10[%get3A_725, %get3A_726] {strides = array<i32>} : memref<80x64xi32, #tpu.memory_space<vmem>>, vector<16xi32>,
      %bitcast3A_728 = vector.bitcast %get3A_727 : vector<16xi32> to vector<32xbf16>
      %get3A_729 = arith.index_cast %add3A_671 : i32 to index
      %get3A_730 = arith.constant 48 : index
      %get3A_731 = tpu.vector_load %arg11[%get3A_729, %get3A_730] {strides = array<i32>} : memref<80x64xi32, #tpu.memory_space<vmem>>, vector<16xi32>,
      %bitcast3A_732 = vector.bitcast %get3A_731 : vector<16xi32> to vector<32xbf16>
      %get3A_733 = arith.index_cast %add3A_671 : i32 to index
      %get3A_734 = arith.constant 48 : index
      %get3A_735 = tpu.vector_load %arg12[%get3A_733, %get3A_734] {strides = array<i32>} : memref<80x64xi32, #tpu.memory_space<vmem>>, vector<16xi32>,
      %bitcast3A_736 = vector.bitcast %get3A_735 : vector<16xi32> to vector<32xbf16>
      %mul3A_737 = arith.mulf %bitcast3A_728, %bitcast3A_736 : vector<32xbf16>
      %mul3A_738 = arith.mulf %mul3A_737, %bitcast3A_732 : vector<32xbf16>
      %unpack3A_739 = tpu.unpack_subelements %mul3A_738, 0 {pack_format = #tpu.pack_format<interleaved>} : vector<32xbf16> -> vector<16xf32>
      %unpack3A_740 = tpu.unpack_subelements %mul3A_738, 1 {pack_format = #tpu.pack_format<interleaved>} : vector<32xbf16> -> vector<16xf32>
      %add3A_741 = arith.addf %unpack3A_739, %unpack3A_740 : vector<16xf32>
      %add3A_742 = arith.addf %add3A_724, %add3A_741 : vector<16xf32>
      %mul3A_743 = arith.constant 17 : i32
      %mul3A_744 = arith.muli %scan3A_669, %mul3A_743 : i32
      %swap3A_745 = arith.index_cast %mul3A_744 : i32 to index
      %swap3A_746 = tpu.vector_load %arg17[%swap3A_745] {strides = array<i32>} : memref<272xf32, #tpu.memory_space<vmem>>, vector<16xf32>,
      tpu.vector_store %arg17[%swap3A_745], %add3A_742 {strides = array<i32>} : memref<272xf32, #tpu.memory_space<vmem>>, vector<16xf32>,
    }
    %scan3A_493 = arith.constant 16 : i32
    %gather3A_494 = tpu.vector_load_idx %arg17[%mul3A_6] : memref<272xf32, #tpu.memory_space<vmem>>[vector<16xi32>], vector<16xf32>,
    %add3A_495 = arith.constant 1 : i32
    %add3A_496 = vector.broadcast %add3A_495 : i32 to vector<16xi32>
    %add3A_497 = arith.addi %mul3A_6, %add3A_496 : vector<16xi32>
    %gather3A_498 = tpu.vector_load_idx %arg17[%add3A_497] : memref<272xf32, #tpu.memory_space<vmem>>[vector<16xi32>], vector<16xf32>,
    %add3A_499 = arith.constant 2 : i32
    %add3A_500 = vector.broadcast %add3A_499 : i32 to vector<16xi32>
    %add3A_501 = arith.addi %mul3A_6, %add3A_500 : vector<16xi32>
    %gather3A_502 = tpu.vector_load_idx %arg17[%add3A_501] : memref<272xf32, #tpu.memory_space<vmem>>[vector<16xi32>], vector<16xf32>,
    %add3A_503 = arith.addf %gather3A_494, %gather3A_502 : vector<16xf32>
    %add3A_504 = arith.constant 2 : i32
    %add3A_505 = vector.broadcast %add3A_504 : i32 to vector<16xi32>
    %add3A_506 = arith.addi %mul3A_6, %add3A_505 : vector<16xi32>
    %add3A_507 = arith.constant 1 : i32
    %add3A_508 = vector.broadcast %add3A_507 : i32 to vector<16xi32>
    %add3A_509 = arith.addi %add3A_506, %add3A_508 : vector<16xi32>
    %gather3A_510 = tpu.vector_load_idx %arg17[%add3A_509] : memref<272xf32, #tpu.memory_space<vmem>>[vector<16xi32>], vector<16xf32>,
    %add3A_511 = arith.addf %gather3A_498, %gather3A_510 : vector<16xf32>
    %add3A_512 = arith.constant 4 : i32
    %add3A_513 = vector.broadcast %add3A_512 : i32 to vector<16xi32>
    %add3A_514 = arith.addi %mul3A_6, %add3A_513 : vector<16xi32>
    %gather3A_515 = tpu.vector_load_idx %arg17[%add3A_514] : memref<272xf32, #tpu.memory_space<vmem>>[vector<16xi32>], vector<16xf32>,
    %add3A_516 = arith.addf %add3A_503, %gather3A_515 : vector<16xf32>
    %add3A_517 = arith.constant 4 : i32
    %add3A_518 = vector.broadcast %add3A_517 : i32 to vector<16xi32>
    %add3A_519 = arith.addi %mul3A_6, %add3A_518 : vector<16xi32>
    %add3A_520 = arith.constant 1 : i32
    %add3A_521 = vector.broadcast %add3A_520 : i32 to vector<16xi32>
    %add3A_522 = arith.addi %add3A_519, %add3A_521 : vector<16xi32>
    %gather3A_523 = tpu.vector_load_idx %arg17[%add3A_522] : memref<272xf32, #tpu.memory_space<vmem>>[vector<16xi32>], vector<16xf32>,
    %add3A_524 = arith.addf %add3A_511, %gather3A_523 : vector<16xf32>
    %add3A_525 = arith.constant 6 : i32
    %add3A_526 = vector.broadcast %add3A_525 : i32 to vector<16xi32>
    %add3A_527 = arith.addi %mul3A_6, %add3A_526 : vector<16xi32>
    %gather3A_528 = tpu.vector_load_idx %arg17[%add3A_527] : memref<272xf32, #tpu.memory_space<vmem>>[vector<16xi32>], vector<16xf32>,
    %add3A_529 = arith.addf %add3A_516, %gather3A_528 : vector<16xf32>
    %add3A_530 = arith.constant 6 : i32
    %add3A_531 = vector.broadcast %add3A_530 : i32 to vector<16xi32>
    %add3A_532 = arith.addi %mul3A_6, %add3A_531 : vector<16xi32>
    %add3A_533 = arith.constant 1 : i32
    %add3A_534 = vector.broadcast %add3A_533 : i32 to vector<16xi32>
    %add3A_535 = arith.addi %add3A_532, %add3A_534 : vector<16xi32>
    %gather3A_536 = tpu.vector_load_idx %arg17[%add3A_535] : memref<272xf32, #tpu.memory_space<vmem>>[vector<16xi32>], vector<16xf32>,
    %add3A_537 = arith.addf %add3A_524, %gather3A_536 : vector<16xf32>
    %add3A_538 = arith.constant 8 : i32
    %add3A_539 = vector.broadcast %add3A_538 : i32 to vector<16xi32>
    %add3A_540 = arith.addi %mul3A_6, %add3A_539 : vector<16xi32>
    %gather3A_541 = tpu.vector_load_idx %arg17[%add3A_540] : memref<272xf32, #tpu.memory_space<vmem>>[vector<16xi32>], vector<16xf32>,
    %add3A_542 = arith.addf %add3A_529, %gather3A_541 : vector<16xf32>
    %add3A_543 = arith.constant 8 : i32
    %add3A_544 = vector.broadcast %add3A_543 : i32 to vector<16xi32>
    %add3A_545 = arith.addi %mul3A_6, %add3A_544 : vector<16xi32>
    %add3A_546 = arith.constant 1 : i32
    %add3A_547 = vector.broadcast %add3A_546 : i32 to vector<16xi32>
    %add3A_548 = arith.addi %add3A_545, %add3A_547 : vector<16xi32>
    %gather3A_549 = tpu.vector_load_idx %arg17[%add3A_548] : memref<272xf32, #tpu.memory_space<vmem>>[vector<16xi32>], vector<16xf32>,
    %add3A_550 = arith.addf %add3A_537, %gather3A_549 : vector<16xf32>
    %add3A_551 = arith.constant 10 : i32
    %add3A_552 = vector.broadcast %add3A_551 : i32 to vector<16xi32>
    %add3A_553 = arith.addi %mul3A_6, %add3A_552 : vector<16xi32>
    %gather3A_554 = tpu.vector_load_idx %arg17[%add3A_553] : memref<272xf32, #tpu.memory_space<vmem>>[vector<16xi32>], vector<16xf32>,
    %add3A_555 = arith.addf %add3A_542, %gather3A_554 : vector<16xf32>
    %add3A_556 = arith.constant 10 : i32
    %add3A_557 = vector.broadcast %add3A_556 : i32 to vector<16xi32>
    %add3A_558 = arith.addi %mul3A_6, %add3A_557 : vector<16xi32>
    %add3A_559 = arith.constant 1 : i32
    %add3A_560 = vector.broadcast %add3A_559 : i32 to vector<16xi32>
    %add3A_561 = arith.addi %add3A_558, %add3A_560 : vector<16xi32>
    %gather3A_562 = tpu.vector_load_idx %arg17[%add3A_561] : memref<272xf32, #tpu.memory_space<vmem>>[vector<16xi32>], vector<16xf32>,
    %add3A_563 = arith.addf %add3A_550, %gather3A_562 : vector<16xf32>
    %add3A_564 = arith.constant 12 : i32
    %add3A_565 = vector.broadcast %add3A_564 : i32 to vector<16xi32>
    %add3A_566 = arith.addi %mul3A_6, %add3A_565 : vector<16xi32>
    %gather3A_567 = tpu.vector_load_idx %arg17[%add3A_566] : memref<272xf32, #tpu.memory_space<vmem>>[vector<16xi32>], vector<16xf32>,
    %add3A_568 = arith.addf %add3A_555, %gather3A_567 : vector<16xf32>
    %add3A_569 = arith.constant 12 : i32
    %add3A_570 = vector.broadcast %add3A_569 : i32 to vector<16xi32>
    %add3A_571 = arith.addi %mul3A_6, %add3A_570 : vector<16xi32>
    %add3A_572 = arith.constant 1 : i32
    %add3A_573 = vector.broadcast %add3A_572 : i32 to vector<16xi32>
    %add3A_574 = arith.addi %add3A_571, %add3A_573 : vector<16xi32>
    %gather3A_575 = tpu.vector_load_idx %arg17[%add3A_574] : memref<272xf32, #tpu.memory_space<vmem>>[vector<16xi32>], vector<16xf32>,
    %add3A_576 = arith.addf %add3A_563, %gather3A_575 : vector<16xf32>
    %add3A_577 = arith.constant 14 : i32
    %add3A_578 = vector.broadcast %add3A_577 : i32 to vector<16xi32>
    %add3A_579 = arith.addi %mul3A_6, %add3A_578 : vector<16xi32>
    %gather3A_580 = tpu.vector_load_idx %arg17[%add3A_579] : memref<272xf32, #tpu.memory_space<vmem>>[vector<16xi32>], vector<16xf32>,
    %add3A_581 = arith.addf %add3A_568, %gather3A_580 : vector<16xf32>
    %add3A_582 = arith.constant 14 : i32
    %add3A_583 = vector.broadcast %add3A_582 : i32 to vector<16xi32>
    %add3A_584 = arith.addi %mul3A_6, %add3A_583 : vector<16xi32>
    %add3A_585 = arith.constant 1 : i32
    %add3A_586 = vector.broadcast %add3A_585 : i32 to vector<16xi32>
    %add3A_587 = arith.addi %add3A_584, %add3A_586 : vector<16xi32>
    %gather3A_588 = tpu.vector_load_idx %arg17[%add3A_587] : memref<272xf32, #tpu.memory_space<vmem>>[vector<16xi32>], vector<16xf32>,
    %add3A_589 = arith.addf %add3A_576, %gather3A_588 : vector<16xf32>
    %add3A_590 = arith.addf %add3A_581, %add3A_589 : vector<16xf32>
    %swap3A_591 = arith.constant 9984 : index
    %swap3A_592 = tpu.vector_load %arg16[%swap3A_591] {strides = array<i32>} : memref<10000xf32, #tpu.memory_space<vmem>>, vector<16xf32>,
    tpu.vector_store %arg16[%swap3A_591], %add3A_590 {strides = array<i32>} : memref<10000xf32, #tpu.memory_space<vmem>>, vector<16xf32>,
    "tpu.region"() ({
      %run_scoped3A_593 = tpu.sem_alloc : memref<!tpu.dma_semaphore, #tpu.memory_space<semaphore_mem>>
      %dma_start3A_594 = tpu.memref_slice %arg6[%mul3A_2] : memref<320000xf32, #tpu.memory_space<hbm>> -> memref<10000xf32, #tpu.memory_space<hbm>>
      %dma_start3A_595 = tpu.memref_slice %arg6[%mul3A_2] : memref<320000xf32, #tpu.memory_space<hbm>> -> memref<10000xf32, #tpu.memory_space<hbm>>
      tpu.enqueue_dma source(%arg16 : memref<10000xf32, #tpu.memory_space<vmem>>) target(%dma_start3A_595 : memref<10000xf32, #tpu.memory_space<hbm>>) target_semaphore(%run_scoped3A_593 : memref<!tpu.dma_semaphore, #tpu.memory_space<semaphore_mem>>)
      %dma_wait3A_596 = tpu.memref_slice %arg6[%mul3A_2] : memref<320000xf32, #tpu.memory_space<hbm>> -> memref<10000xf32, #tpu.memory_space<hbm>>
      %dma_wait3A_597 = tpu.memref_slice %arg6[%mul3A_2] : memref<320000xf32, #tpu.memory_space<hbm>> -> memref<10000xf32, #tpu.memory_space<hbm>>
      tpu.wait_dma2 semaphore(%run_scoped3A_593 : memref<!tpu.dma_semaphore, #tpu.memory_space<semaphore_mem>>) src(%arg16 : memref<10000xf32, #tpu.memory_space<vmem>>) dst(%dma_wait3A_597 : memref<10000xf32, #tpu.memory_space<hbm>>)
      tpu.yield
    }) : () -> ()
    return
  }
}

module attributes {stable_mosaic.version = 14 : i64} {
  func.func @_prep_body(%arg0: memref<10000x128xf32, #tpu.memory_space<vmem>>, %arg1: memref<1000x128xf32, #tpu.memory_space<vmem>>, %arg2: memref<10000x64xi32, #tpu.memory_space<vmem>>, %arg3: memref<1000x64xi32, #tpu.memory_space<vmem>>) attributes {dimension_semantics = [], scalar_prefetch = 0 : i64, scratch_operands = 0 : i64, tpu.core_type = #tpu.core_type<tc>} {
    %get3A = arith.constant 0 : index
    %get3A_0 = arith.constant 0 : index
    %get3A_1 = vector.load %arg0[%get3A, %get3A_0] : memref<10000x128xf32, #tpu.memory_space<vmem>>, vector<10000x128xf32>
    %mul3A = arith.mulf %get3A_1, %get3A_1 : vector<10000x128xf32>
    %reduce_sum3A = arith.constant dense<0.000000e+00> : vector<10000xf32>
    %reduce_sum3A_2 = vector.multi_reduction <add>, %mul3A, %reduce_sum3A [1] : vector<10000x128xf32> to vector<10000xf32>
    %broadcast_in_dim3A = vector.shape_cast %reduce_sum3A_2 : vector<10000xf32> to vector<10000x1xf32>
    %sqrt3A = math.sqrt %broadcast_in_dim3A : vector<10000x1xf32>
    %max3A = arith.constant 9.99999996E-13 : f32
    %max3A_3 = vector.broadcast %max3A : f32 to vector<10000x1xf32>
    %max3A_4 = arith.maximumf %sqrt3A, %max3A_3 : vector<10000x1xf32>
    %div3A = vector.broadcast %max3A_4 : vector<10000x1xf32> to vector<10000x128xf32>
    %div3A_5 = arith.divf %get3A_1, %div3A : vector<10000x128xf32>
    %convert_element_type3A = arith.truncf %div3A_5 : vector<10000x128xf32> to vector<10000x128xbf16>
    %slice3A = vector.extract_strided_slice %convert_element_type3A {offsets = [0, 0], sizes = [10000, 64], strides = [1, 1]} : vector<10000x128xbf16> to vector<10000x64xbf16>
    %bitcast_convert_type3A = tpu.bitcast %slice3A : vector<10000x64xbf16> -> vector<10000x64xi16>
    %slice3A_6 = vector.extract_strided_slice %convert_element_type3A {offsets = [0, 64], sizes = [10000, 64], strides = [1, 1]} : vector<10000x128xbf16> to vector<10000x64xbf16>
    %bitcast_convert_type3A_7 = tpu.bitcast %slice3A_6 : vector<10000x64xbf16> -> vector<10000x64xi16>
    %convert_element_type3A_8 = arith.extui %bitcast_convert_type3A : vector<10000x64xi16> to vector<10000x64xi32>
    %convert_element_type3A_9 = arith.extui %bitcast_convert_type3A_7 : vector<10000x64xi16> to vector<10000x64xi32>
    %shift_left3A = arith.constant 16 : i32
    %shift_left3A_10 = vector.broadcast %shift_left3A : i32 to vector<10000x64xi32>
    %shift_left3A_11 = arith.shli %convert_element_type3A_9, %shift_left3A_10 : vector<10000x64xi32>
    %or3A = arith.ori %convert_element_type3A_8, %shift_left3A_11 : vector<10000x64xi32>
    %swap3A = arith.constant 0 : index
    %swap3A_12 = arith.constant 0 : index
    %swap3A_13 = vector.load %arg2[%swap3A, %swap3A_12] : memref<10000x64xi32, #tpu.memory_space<vmem>>, vector<10000x64xi32>
    tpu.vector_store %arg2[%swap3A, %swap3A_12], %or3A {strides = array<i32>} : memref<10000x64xi32, #tpu.memory_space<vmem>>, vector<10000x64xi32>,
    %get3A_14 = arith.constant 0 : index
    %get3A_15 = arith.constant 0 : index
    %get3A_16 = vector.load %arg1[%get3A_14, %get3A_15] : memref<1000x128xf32, #tpu.memory_space<vmem>>, vector<1000x128xf32>
    %convert_element_type3A_17 = arith.truncf %get3A_16 : vector<1000x128xf32> to vector<1000x128xbf16>
    %slice3A_18 = vector.extract_strided_slice %convert_element_type3A_17 {offsets = [0, 0], sizes = [1000, 64], strides = [1, 1]} : vector<1000x128xbf16> to vector<1000x64xbf16>
    %bitcast_convert_type3A_19 = tpu.bitcast %slice3A_18 : vector<1000x64xbf16> -> vector<1000x64xi16>
    %slice3A_20 = vector.extract_strided_slice %convert_element_type3A_17 {offsets = [0, 64], sizes = [1000, 64], strides = [1, 1]} : vector<1000x128xbf16> to vector<1000x64xbf16>
    %bitcast_convert_type3A_21 = tpu.bitcast %slice3A_20 : vector<1000x64xbf16> -> vector<1000x64xi16>
    %convert_element_type3A_22 = arith.extui %bitcast_convert_type3A_19 : vector<1000x64xi16> to vector<1000x64xi32>
    %convert_element_type3A_23 = arith.extui %bitcast_convert_type3A_21 : vector<1000x64xi16> to vector<1000x64xi32>
    %shift_left3A_24 = arith.constant 16 : i32
    %shift_left3A_25 = vector.broadcast %shift_left3A_24 : i32 to vector<1000x64xi32>
    %shift_left3A_26 = arith.shli %convert_element_type3A_23, %shift_left3A_25 : vector<1000x64xi32>
    %or3A_27 = arith.ori %convert_element_type3A_22, %shift_left3A_26 : vector<1000x64xi32>
    %swap3A_28 = arith.constant 0 : index
    %swap3A_29 = arith.constant 0 : index
    %swap3A_30 = vector.load %arg3[%swap3A_28, %swap3A_29] : memref<1000x64xi32, #tpu.memory_space<vmem>>, vector<1000x64xi32>
    tpu.vector_store %arg3[%swap3A_28, %swap3A_29], %or3A_27 {strides = array<i32>} : memref<1000x64xi32, #tpu.memory_space<vmem>>, vector<1000x64xi32>,
    return
  }
}

</mosaic_0001>

<sc_bundles>
// kernel: kernel.4.cloned.1.call-start
scs
__scs_entry_jumppad:
0x0: {  	(pc) =	sbr.rel $0x88, $3  }
0x1: {  	(tag) =	ssettag $0x0;
	lr =	simm.s32 $0x1  }
0x2: {  	[smem:$0x3F9D] =	sst lr;
	_ =	strace $0xD0000000  }
0x3: {  	_ = 	snop  }
0x4: {  	_ = 	snop  }
0x5: {  	_ = 	snop  }
0x6: {  	_ = 	snop  }
0x7: {  	_ = 	snop  }
__scs_overlays_trampoline_lowered:
0x8: {  	[smem:$0x3FAC] =	sst s0  }
0x9: {  	[smem:$0x3FAD] =	sst s1  }
0xa: {  	[smem:$0x3FAE] =	sst s2  }
0xb: {  	[smem:$0x3FAF] =	sst s3  }
0xc: {  	[smem:$0x3FB0] =	sst s4  }
0xd: {  	[smem:$0x3FB1] =	sst s5  }
0xe: {  	[smem:$0x3FB2] =	sst s6  }
0xf: {  	[smem:$0x3FB3] =	sst s7  }
0x10: {  	[smem:$0x3FB4] =	sst s8  }
0x11: {  	[smem:$0x3FB5] =	sst s9;
	s0 =	simm.s32 @!p0 $0x0  }
0x12: {  	s1 =	sld [smem:$0x3F9B];
	s0 =	simm.s32 @p0 $0x1  }
0x13: {  	[smem:$0x3FB6] =	sst s0;
	s0 =	simm.s32 @!p1 $0x0  }
0x14: {  	s2 =	sld [smem:$0x3F9A];
	s0 =	simm.s32 @p1 $0x1  }
0x15: {  	[smem:$0x3FB7] =	sst s0;
	s0 =	simm.s32 @!p2 $0x0  }
0x16: {  	s3 =	sld [smem:$0x3FDB];
	s0 =	simm.s32 @p2 $0x1  }
0x17: {  	s4 =	simm.s32 $0x1BF5;
	[smem:$0x3FB9] =	sst s0  }
0x18: {  	s0 =	sld [smem:$0x3F9C];
	_ =	swait.ge [sflag:s4], $0x0  }
0x19: {  	s7 =	sld [smem:$0x3F9D]  }
0x1a: {  	s8 =	sadd.s32 $0xFFFFE003, lr  }
0x1b: {  	s9 =	sadd.s32 $0xFFFFFEF7, lr;
	s5 =	simm.s32 $0xFFFFFFFF;
	p2 =	slt.u32 s8, $0xFFFFF086  }
0x1c: {  	p1 =	slt.u32 s9, $0xF7A;
	s5 =	simm.s32 @!p2 $0x0  }
0x1d: {  	s5 =	simm.s32 @p1 $0x1;
	p0 =	seq.s32 s7, s2  }
0x1e: {  	s7 =	smul.u32 @!p0 $0xF7A, s2;
	p2 =	seq.s32 @!p0 s5, $0x0  }
0x1f: {  	s9 =	smul.u32 $0xF7A, s1;
	s8 =	simm.s32 @!p0 $0x1BF5;
	p2 =	por !p2, p0  }
0x20: {  	[sflag:s8] =	ssyncset.s32 @!p0 $0xFFFFF086;
	s6 =	sadd.s32 @!p0 s3, s7;
	s7 =	simm.s32 @!p0 $0x108  }
0x21: {  	s3 =	sadd.s32 s3, s9;
	s6 =	sadd.s32 @!p0 $0x88, s6;
	s7 =	simm.s32 @p2 $0x1082  }
0x22: {  	[simem:s7], [sflag:s8] =	dma.local @!p0 [hbm:s6], $0xF7A  }
0x23: {  	s9 =	sor.u32 $0xD0000000, s2;
	s6 =	simm.s32 $0x108;
	_ =	swait.ge @!p0 [sflag:s8], $0x0  }
0x24: {  	s3 =	sadd.s32 $0x88, s3;
	s6 =	simm.s32 @!p1 $0x1082;
	[sflag:s4] =	ssyncset.s32 $0xFFFFF086  }
0x25: {  	[simem:s6], [sflag:s4] =	dma.local [hbm:s3], $0xF7A  }
0x26: {  	[smem:$0x3F9D] =	sst s1;
	(tag) =	ssettag s2;
	_ =	strace s9  }
0x27: {  	s1 =	sld [smem:$0x3FAD]  }
0x28: {  	s2 =	sld [smem:$0x3FAE]  }
0x29: {  	s4 =	sld [smem:$0x3FB0]  }
0x2a: {  	p0 =	seq.s32 s5, $0x0;
	s5 =	sld [smem:$0x3FB1]  }
0x2b: {  	s6 =	sld [smem:$0x3FB2]  }
0x2c: {  	s7 =	sld [smem:$0x3FB3]  }
0x2d: {  	s3 =	simm.s32 $0x108;
	s8 =	sld [smem:$0x3FB4]  }
0x2e: {  	s3 =	simm.s32 @!p0 $0x1082;
	s9 =	sld [smem:$0x3FB5]  }
0x2f: {  	lr =	sadd.s32 s0, s3;
	s0 =	sld [smem:$0x3FAC]  }
0x30: {  	s3 =	sld [smem:$0x3FAF]  }
0x31: {  	[smem:$0x3FB8] =	sst s10  }
0x32: {  	s10 =	sld [smem:$0x3FB6];
	_ =	sdelay $0x3  }
0x33: {  	p0 =	seq.s32 s10, $0x1;
	s10 =	sld [smem:$0x3FB8];
	_ =	sdelay $0x3  }
0x34: {  	[smem:$0x3FB8] =	sst s10  }
0x35: {  	s10 =	sld [smem:$0x3FB7];
	_ =	sdelay $0x3  }
0x36: {  	p1 =	seq.s32 s10, $0x1;
	s10 =	sld [smem:$0x3FB8];
	_ =	sdelay $0x3  }
0x37: {  	[smem:$0x3FB8] =	sst s10  }
0x38: {  	s10 =	sld [smem:$0x3FB9]  }
0x39: {  	_ = 	snop;
	(pc) =	sbr.ind lr, $3  }
0x3a: {  	_ = 	snop  }
0x3b: {  	_ = 	snop  }
0x3c: {  	p2 =	seq.s32 s10, $0x1;
	s10 =	sld [smem:$0x3FB8]  }
0x3d: {  	_ =	shalt  }
0x3e: {  	_ =	shalt  }
0x3f: {  	_ =	shalt  }
0x40: {  	_ =	shalt  }
0x41: {  	_ =	shalt  }
0x42: {  	_ =	shalt  }
0x43: {  	_ =	shalt  }
0x44: {  	_ =	shalt  }
0x45: {  	_ =	shalt  }
0x46: {  	_ =	shalt  }
0x47: {  	_ =	shalt  }
0x48: {  	_ =	shalt  }
0x49: {  	_ =	shalt  }
0x4a: {  	_ =	shalt  }
0x4b: {  	_ =	shalt  }
0x4c: {  	_ =	shalt  }
0x4d: {  	_ =	shalt  }
0x4e: {  	_ =	shalt  }
0x4f: {  	_ =	shalt  }
0x50: {  	_ =	shalt  }
0x51: {  	_ =	shalt  }
0x52: {  	_ =	shalt  }
0x53: {  	_ =	shalt  }
0x54: {  	_ =	shalt  }
0x55: {  	_ =	shalt  }
0x56: {  	_ =	shalt  }
0x57: {  	_ =	shalt  }
0x58: {  	_ =	shalt  }
0x59: {  	_ =	shalt  }
0x5a: {  	_ =	shalt  }
0x5b: {  	_ =	shalt  }
0x5c: {  	_ =	shalt  }
0x5d: {  	_ =	shalt  }
0x5e: {  	_ =	shalt  }
0x5f: {  	_ =	shalt  }
0x60: {  	_ =	shalt  }
0x61: {  	_ =	shalt  }
0x62: {  	_ =	shalt  }
0x63: {  	_ =	shalt  }
0x64: {  	_ =	shalt  }
0x65: {  	_ =	shalt  }
0x66: {  	_ =	shalt  }
0x67: {  	_ =	shalt  }
0x68: {  	_ =	shalt  }
0x69: {  	_ =	shalt  }
0x6a: {  	_ =	shalt  }
0x6b: {  	_ =	shalt  }
0x6c: {  	_ =	shalt  }
0x6d: {  	_ =	shalt  }
0x6e: {  	_ =	shalt  }
0x6f: {  	_ =	shalt  }
0x70: {  	_ =	shalt  }
0x71: {  	_ =	shalt  }
0x72: {  	_ =	shalt  }
0x73: {  	_ =	shalt  }
0x74: {  	_ =	shalt  }
0x75: {  	_ =	shalt  }
0x76: {  	_ =	shalt  }
0x77: {  	_ =	shalt  }
0x78: {  	_ =	shalt  }
0x79: {  	_ =	shalt  }
0x7a: {  	_ =	shalt  }
0x7b: {  	_ =	shalt  }
0x7c: {  	_ =	shalt  }
0x7d: {  	_ =	shalt  }
0x7e: {  	_ =	shalt  }
0x7f: {  	_ =	shalt  }
0x80: {  	_ =	shalt  }
0x81: {  	_ =	shalt  }
0x82: {  	_ =	shalt  }
0x83: {  	_ =	shalt  }
0x84: {  	_ =	shalt  }
0x85: {  	_ =	shalt  }
0x86: {  	_ =	shalt  }
0x87: {  	_ =	shalt  }
.Lfunc_end0:
.L_simem_size_0:
called_computation_lowered:
.L_overlay_start_0:
0x88: {  	s2 =	sld [smem:$0x3FD9]  }
0x89: {  	s3 =	sld [smem:$0x3FFE];
	_ =	sdelay $0x1  }
0x8a: {  	s1 =	srdreg.scid  }
0x8b: {  	s0 =	sand.u32 $0x1, s1  }
0x8c: {  	s17 =	sshll.u32 s0, $0xA;
	s2 =	sadd.s32 s3, s2  }
0x8d: {  	s2 =	sadd.s32 s2, s17  }
0x8e: {  	[smem:$0x3FC4] =	sst s2  }
0x8f: {  	_ = 	snop  }
0x90: {  	s2 =	sld [smem:$0x3FC6]  }
0x91: {  	s18 =	sld [smem:$0x3FD0];
	(tm) =	ssettm $0x1  }
0x92: {  	s4 =	sld [smem:$0x3FFB];
	_ =	sdelay $0x3  }
0x93: {  	_ =	strace s4  }
0x94: {  	s4 =	sld [smem:$0x3FFC];
	_ =	sdelay $0x3  }
0x95: {  	_ =	strace s4  }
0x96: {  	s4 =	sld [smem:$0x3FFD];
	_ =	sdelay $0x3  }
0x97: {  	_ =	strace s4  }
0x98: {  	_ =	strace $0x8FFFFFFF  }
0x99: {  	s19 =	sld [smem:$0x3FDB];
	_ =	sdelay $0x1  }
0x9a: {  	s5 =	simm.s32 $_scs_section_size  }
0x9b: {  	s6 =	simm.s32 $_size__tile_overlayer_lowered;
	s7 =	simm.s32 $_tile_overlayer_lowered  }
0x9c: {  	s22 =	simm.s32 $0x1BFF;
	s21 =	sshll.u32 s7, $0x1;
	s4 =	sadd.s32 s5, s19  }
0x9d: {  	s8 =	simm.s32 $0x0;
	s20 =	sshll.u32 s6, $0x1;
	s6 =	sadd.s32 s21, s4  }
0x9e: {  	[timem:s8], [sflag:s22] =	dma.local [hbm:s6], s20  }
0x9f: {  	_ =	swait.ge [sflag:s22], s20  }
0xa0: {  	s5 =	ssub.s32 $0x0, s20;
	[sflag:s22] =	ssyncset.done $0x0  }
0xa1: {  	[sflag:s22] =	ssyncadd.s32 s5;
	_ =	sdelay $0x1  }
0xa2: {  	s23 =	simm.s32 $0x1B8B  }
0xa3: {  	_ =	swait.ge [sflag:s23], $0x1  }
0xa4: {  	[sflag:s23] =	ssyncset.done $0x0  }
0xa5: {  	s25 =	simm.s32 $0x1B8E;
	s24 =	sld [smem:$0x3FFE];
	[sflag:s23] =	ssyncadd.s32 $0xFFFFFFFF  }
0xa6: {  	s26 =	simm.s32 $execute0_lowered;
	[smem:$0x3FD2] =	sst s25  }
0xa7: {  	s6 =	sshll.u32 s26, $0x1;
	_ =	strace $0x80000046;
	[dreg:$0x1] =	wrdreg $0xFFFFFFFF  }
0xa8: {  	s28 =	simm.s32 $_size_execute0_lowered;
	s4 =	sadd.s32 s4, s6;
	[dreg:$0x0] =	wrdreg $0x0  }
0xa9: {  	s6 =	sshll.u32 s28, $0x1;
	[dreg:$0x2] =	wrdreg s4  }
0xaa: {  	[dreg:$0x3] =	wrdreg s6  }
0xab: {  	[dreg:$0x4] =	wrdreg $0xC0  }
0xac: {  	_ =	task [dreg:s8], $0x5FFFF  }
0xad: {  	[dreg:$0x1] =	wrdreg $0xFFFFFFFF  }
0xae: {  	[dreg:$0x0] =	wrdreg $0x60  }
0xaf: {  	[dreg:$0x2] =	wrdreg s24  }
0xb0: {  	[dreg:$0x3] =	wrdreg s2  }
0xb1: {  	[dreg:$0x4] =	wrdreg s18  }
0xb2: {  	[dreg:$0x5] =	wrdreg $0x9  }
0xb3: {  	_ =	task.clear_ibuf [dreg:s8], $0x6FFFF;
	_ =	strace $0x90000046  }
0xb4: {  	s29 =	simm.s32 $0x9;
	_ =	strace $0x80000048  }
0xb5: {  	_ =	swait.ge [sflag:s29], $0x1  }
0xb6: {  	[sflag:s29] =	ssyncadd.s32 $0xFFFFFFFF  }
0xb7: {  	_ =	strace $0x90000048  }
0xb8: {  	_ =	sfence  }
0xb9: {  	s30 =	sld [smem:$0x0];
	_ =	sdelay $0x2  }
0xba: {  	s31 =	sshll.u32 s1, $0xD;
	s1 =	sshrl.u32 s1, $0x2  }
0xbb: {  	s3 =	sand.u32 $0x4000, s31;
	s1 =	sadd.s32 s1, s30  }
0xbc: {  	s0 =	sor.u32 s3, s0;
	s1 =	sshll.u32 s1, $0x11  }
0xbd: {  	s0 =	sor.u32 s1, s0  }
0xbe: {  	s0 =	sadd.s32 $0x8F2B, s0  }
0xbf: {  	[sflag:s0] =	ssyncadd.remote.s32 $0x1  }
0xc0: {  	_ =	sfence.sel $0xFFFF  }
0xc1: {  	[dreg:$0x0] =	wrdreg $0xFFFFFFFF;
	(pc) =	sbr.abs _section_cstart, $3  }
0xc2: {  	[dreg:$0x1] =	wrdreg $0xFFFFFFFF  }
0xc3: {  	_ =	task.clear_ibuf [dreg:s8], $0x2FFFF;
	_ =	strace $0x9FFFFFFF  }
0xc4: {  	(tm) =	ssettm $0x7FFFFFFF  }
0xc5: {  	_ =	shalt  }
tec
execute0_lowered:
.L_overlay_start_1:
0x0: {  	(tag) =	ssettag $0x1  }
0x1: {  	s0 =	rddreg [dreg:$0x0]  }
0x2: {  	s1 =	rddreg [dreg:$0x1];
	s2 =	srdreg.scid  }
0x3: {  	s3 =	stileid.u32;
	s8 =	rddreg [dreg:$0x2]  }
0x4: {  	s11 =	simm.s32 $0x2710;
	s12 =	simm.s32 $0x4E20;
	s13 =	simm.s32 $0x50  }
0x5: {  	s14 =	simm.s32 $0x7530;
	s15 =	simm.s32 $0x8930;
	s16 =	simm.s32 $0x9D30  }
0x6: {  	s17 =	simm.s32 $0xB130;
	s18 =	simm.s32 $0xC530;
	s19 =	simm.s32 $0xD930  }
0x7: {  	v0 =	vlaneseq.u32;
	s20 =	simm.s32 $0x1;
	s4 =	sand.u32 $0x1, s2;
	s3 =	sshll.u32 s3, $0x1  }
0x8: {  	s21 =	simm.s32 $0x2;
	s22 =	simm.s32 $0x11440;
	v0 =	vmul.u32 $0x11, v0;
	s3 =	sor.u32 s4, s3  }
0x9: {  	s24 =	simm.s32 $0x0;
	s2 =	simm.s32 $0x0;
	s5 =	smul.u32 $0x2710, s3  }
0xa: {  	[smem:$0x7FF] =	sst s2;
	s31 =	ssub.s32 $0x2, s4;
	s4 =	sadd.s32 $0x14600, s0;
	v1 =	vadd.s32 $0x1, v0;
	v2 =	vadd.s32 $0x2, v0;
	v3 =	vadd.s32 $0x3, v0  }
0xb: {  	_ =	strace $0x80000047;
	s6 =	sshrl.u32 s31, $0x1;
	v4 =	vadd.s32 $0x4, v0;
	v5 =	vadd.s32 $0x5, v0;
	v6 =	vadd.s32 $0x6, v0;
	s9 =	sshrl.u32 s5, $0x3  }
0xc: {  	s3 =	sadd.s32 $0xC00, s0;
	v7 =	vadd.s32 $0x7, v0;
	v8 =	vadd.s32 $0x8, v0;
	v9 =	vadd.s32 $0x9, v0;
	s10 =	ssub.s32 s31, s6;
	s0 =	sadd.s32 s9, s0  }
0xd: {  	v10 =	vadd.s32 $0xA, v0;
	v11 =	vadd.s32 $0xB, v0;
	v12 =	vadd.s32 $0xC, v0;
	s7 =	sadd.s32 s1, s9;
	s8 =	sadd.s32 s8, s9;
	s9 =	smax.u32 s10, $0x1  }
0xe: {  	v13 =	vadd.s32 $0xD, v0;
	v14 =	vadd.s32 $0xE, v0;
	v15 =	vadd.s32 $0xF, v0;
	s10 =	simm.s32 $0x3;
	s5 =	sadd.s32 $0x16600, s0;
	s6 =	sadd.s32 $0x20240, s0  }
.LBB2_1:
0xf: {  	[tilespmem:s2], [sflag:$0x3] =	stream.linear.gather [hbm4b:s5+s2], $0x2710, $0x38;
	[tilespmem:$0x11550] =	vst v63  }
0x10: {  	_ =	swait.ge [sflag:s10], $0x2710  }
0x11: {  	[sflag:s10] =	ssyncset.done $0x0  }
0x12: {  	[sflag:s10] =	ssyncadd.s32 $0xFFFFD8F0  }
0x13: {  	[tilespmem:s11], [sflag:$0x3] =	stream.linear.gather [hbm4b:s6+s2], $0x2710, $0x38;
	[tilespmem:$0x11550] =	vst v63  }
0x14: {  	_ =	swait.ge [sflag:s10], $0x2710  }
0x15: {  	[sflag:s10] =	ssyncset.done $0x0  }
0x16: {  	[sflag:s10] =	ssyncadd.s32 $0xFFFFD8F0  }
0x17: {  	[tilespmem:s12], [sflag:$0x3] =	stream.linear.gather [hbm4b:s7+s2], $0x2710, $0x38;
	[tilespmem:$0x11550] =	vst v63  }
0x18: {  	_ =	swait.ge [sflag:s10], $0x2710  }
0x19: {  	[sflag:s10] =	ssyncset.done $0x0  }
0x1a: {  	[sflag:s10] =	ssyncadd.s32 $0xFFFFD8F0  }
0x1b: {  	[tilespmem:s14], [sflag:$0x1] =	stream.indirect.gather [hbm4b:s3+s13], $0x40, s2, s13, $0xb8;
	[tilespmem:$0x11550] =	vst v63  }
0x1c: {  	_ = 	snop  }
0x1d: {  	[tilespmem:s15], [sflag:$0x1] =	stream.indirect.gather [hbm4b:s3+s13], $0x40, s11, s13, $0xb8;
	[tilespmem:$0x11550] =	vst v63  }
0x1e: {  	s25 =	simm.s32 $0x0  }
0x1f: {  	[tilespmem:s16], [sflag:$0x1] =	stream.indirect.gather [hbm4b:s4+s13], $0x40, s12, s13, $0xb8;
	[tilespmem:$0x11550] =	vst v63  }
.LBB2_2:
0x20: {  	s26 =	smul.u32 $0xA0, s25;
	_ =	sdelay $0x1  }
0x21: {  	s28 =	sadd.s32 $0x50, s26  }
0x22: {  	[tilespmem:s17], [sflag:$0x2] =	stream.indirect.gather [hbm4b:s3+s13], $0x40, s28, s13, $0xb8;
	[tilespmem:$0x11550] =	vst v63  }
0x23: {  	s0 =	sadd.s32 $0x2760, s26  }
0x24: {  	[tilespmem:s18], [sflag:$0x2] =	stream.indirect.gather [hbm4b:s3+s13], $0x40, s0, s13, $0xb8;
	[tilespmem:$0x11550] =	vst v63  }
0x25: {  	s1 =	sadd.s32 $0x4E70, s26  }
0x26: {  	[tilespmem:s19], [sflag:$0x2] =	stream.indirect.gather [hbm4b:s4+s13], $0x40, s1, s13, $0xb8;
	[tilespmem:$0x11550] =	vst v63  }
0x27: {  	_ =	swait.ge [sflag:s20], $0x1400  }
0x28: {  	[sflag:s20] =	ssyncset.done $0x0  }
0x29: {  	[sflag:s20] =	ssyncadd.s32 $0xFFFFEC00  }
0x2a: {  	_ =	swait.ge [sflag:s20], $0x1400  }
0x2b: {  	[sflag:s20] =	ssyncset.done $0x0  }
0x2c: {  	[sflag:s20] =	ssyncadd.s32 $0xFFFFEC00  }
0x2d: {  	_ =	swait.ge [sflag:s20], $0x1400  }
0x2e: {  	[sflag:s20] =	ssyncset.done $0x0  }
0x2f: {  	s23 =	simm.s32 $0x8970;
	[sflag:s20] =	ssyncadd.s32 $0xFFFFEC00  }
0x30: {  	v16 =	vld [tilespmem:s23+$0xFFFFFFD0]  }
0x31: {  	s1 =	simm.s32 $0x9D70;
	v17 =	vld [tilespmem:s23+$0xFFFFFFC0]  }
0x32: {  	s29 =	simm.s32 $0x7570;
	v18 =	vld [tilespmem:s1+$0xFFFFFFC0]  }
0x33: {  	v19 =	vld [tilespmem:s29+$0xFFFFFFD0]  }
0x34: {  	v20 =	vld [tilespmem:s1+$0xFFFFFFD0]  }
0x35: {  	v21 =	vld [tilespmem:s29+$0xFFFFFFC0]  }
0x36: {  	v22 =	vld [tilespmem:s29+$0xFFFFFFE0]  }
0x37: {  	v23 =	vld [tilespmem:s1+$0xFFFFFFE0]  }
0x38: {  	v24 =	vld [tilespmem:s1+$0xFFFFFFF0]  }
0x39: {  	v25 =	vld [tilespmem:s29+$0xFFFFFFF0]  }
0x3a: {  	v19 =	vmul.bf16 v20, v19;
	v20 =	vld [tilespmem:s23+$0xFFFFFFE0]  }
0x3b: {  	v18 =	vmul.bf16 v18, v21  }
0x3c: {  	v16 =	vmul.bf16 v19, v16;
	v19 =	vld [tilespmem:s23+$0xFFFFFFF0]  }
0x3d: {  	v17 =	vmul.bf16 v18, v17;
	v18 =	vmul.bf16 v23, v22  }
0x3e: {  	v57 =	vmul.bf16 v24, v25;
	v55 =	vunpack.i.u.bf16.f32 v16;
	v16 =	vunpack.i.l.bf16.f32 v16  }
0x3f: {  	v56 =	vunpack.i.u.bf16.f32 v17;
	v17 =	vunpack.i.l.bf16.f32 v17;
	v18 =	vmul.bf16 v18, v20  }
0x40: {  	v17 =	vadd.f32 v17, v56;
	v16 =	vadd.f32 v16, v55  }
0x41: {  	v19 =	vmul.bf16 v57, v19;
	v20 =	vunpack.i.u.bf16.f32 v18;
	v18 =	vunpack.i.l.bf16.f32 v18  }
0x42: {  	v16 =	vadd.f32 v16, v17;
	v17 =	vadd.f32 v18, v20  }
0x43: {  	v18 =	vunpack.i.u.bf16.f32 v19;
	v19 =	vunpack.i.l.bf16.f32 v19  }
0x44: {  	v18 =	vadd.f32 v19, v18;
	v16 =	vadd.f32 v17, v16;
	_ =	sdelay $0x1  }
0x45: {  	v16 =	vadd.f32 v18, v16  }
0x46: {  	s30 =	simm.s32 $0x11440  }
0x47: {  	[tilespmem:s30+$0x0] =	vst v16  }
0x48: {  	v16 =	vld [tilespmem:s29+$0x0]  }
0x49: {  	v17 =	vld [tilespmem:s1+$0x0]  }
0x4a: {  	v18 =	vld [tilespmem:s29+$0x10]  }
0x4b: {  	v19 =	vld [tilespmem:s23+$0x0]  }
0x4c: {  	v20 =	vld [tilespmem:s1+$0x30]  }
0x4d: {  	v58 =	vld [tilespmem:s1+$0x10]  }
0x4e: {  	v59 =	vld [tilespmem:s1+$0x20]  }
0x4f: {  	v60 =	vld [tilespmem:s23+$0x10]  }
0x50: {  	v61 =	vld [tilespmem:s29+$0x20]  }
0x51: {  	v16 =	vmul.bf16 v17, v16;
	v17 =	vld [tilespmem:s29+$0x30];
	_ =	sdelay $0x1  }
0x52: {  	v62 =	vld [tilespmem:s23+$0x20];
	v18 =	vmul.bf16 v58, v18  }
0x53: {  	v63 =	vld [tilespmem:s23+$0x30];
	v16 =	vmul.bf16 v16, v19  }
0x54: {  	v22 =	vmul.bf16 v59, v61;
	v18 =	vmul.bf16 v18, v60  }
0x55: {  	v19 =	vunpack.i.u.bf16.f32 v16;
	v16 =	vunpack.i.l.bf16.f32 v16;
	v17 =	vmul.bf16 v20, v17  }
0x56: {  	v16 =	vadd.f32 v16, v19;
	v19 =	vunpack.i.u.bf16.f32 v18;
	v18 =	vunpack.i.l.bf16.f32 v18  }
0x57: {  	s31 =	simm.s32 $0x11440;
	v18 =	vadd.f32 v18, v19;
	v19 =	vmul.bf16 v22, v62  }
0x58: {  	s0 =	simm.s32 $0x89F0;
	s1 =	simm.s32 $0x0;
	s23 =	simm.s32 $0x9DF0;
	v17 =	vmul.bf16 v17, v63  }
.LBB2_3:
0x59: {  	s1 =	sadd.s32 $0x2, s1;
	v20 =	vunpack.i.u.bf16.f32 v19;
	v19 =	vunpack.i.l.bf16.f32 v19;
	s30 =	sadd.s32 $0x22, s30;
	s29 =	sadd.s32 $0x80, s29  }
0x5a: {  	v16 =	vadd.f32 v18, v16;
	p0 =	slt.u32 s1, $0xE;
	v18 =	vadd.f32 v19, v20;
	v19 =	vunpack.i.u.bf16.f32 v17  }
0x5b: {  	v17 =	vunpack.i.l.bf16.f32 v17  }
0x5c: {  	v17 =	vadd.f32 v17, v19;
	v16 =	vadd.f32 v18, v16;
	_ =	sdelay $0x1  }
0x5d: {  	v16 =	vadd.f32 v17, v16;
	_ =	sdelay $0x1  }
0x5e: {  	[tilespmem:s31+$0x11] =	vst v16;
	s31 =	smov.u32 s30  }
0x5f: {  	v16 =	vld [tilespmem:s0+$0xFFFFFFD0]  }
0x60: {  	v17 =	vld [tilespmem:s0+$0xFFFFFFC0]  }
0x61: {  	v18 =	vld [tilespmem:s23+$0xFFFFFFC0]  }
0x62: {  	v19 =	vld [tilespmem:s29+$0xFFFFFFD0]  }
0x63: {  	v20 =	vld [tilespmem:s23+$0xFFFFFFD0]  }
0x64: {  	v21 =	vld [tilespmem:s29+$0xFFFFFFC0]  }
0x65: {  	v22 =	vld [tilespmem:s29+$0xFFFFFFE0]  }
0x66: {  	v23 =	vld [tilespmem:s23+$0xFFFFFFE0]  }
0x67: {  	v24 =	vld [tilespmem:s23+$0xFFFFFFF0]  }
0x68: {  	v19 =	vmul.bf16 v20, v19;
	v20 =	vld [tilespmem:s29+$0xFFFFFFF0]  }
0x69: {  	v18 =	vmul.bf16 v18, v21;
	v21 =	vld [tilespmem:s0+$0xFFFFFFE0]  }
0x6a: {  	v16 =	vmul.bf16 v19, v16;
	v19 =	vld [tilespmem:s0+$0xFFFFFFF0]  }
0x6b: {  	v17 =	vmul.bf16 v18, v17;
	v18 =	vmul.bf16 v23, v22  }
0x6c: {  	v22 =	vunpack.i.u.bf16.f32 v16;
	v16 =	vunpack.i.l.bf16.f32 v16  }
0x6d: {  	v23 =	vunpack.i.u.bf16.f32 v17;
	v17 =	vunpack.i.l.bf16.f32 v17;
	v20 =	vmul.bf16 v24, v20  }
0x6e: {  	v16 =	vadd.f32 v16, v22;
	v17 =	vadd.f32 v17, v23;
	v18 =	vmul.bf16 v18, v21  }
0x6f: {  	v19 =	vmul.bf16 v20, v19  }
0x70: {  	v16 =	vadd.f32 v16, v17;
	v17 =	vunpack.i.u.bf16.f32 v18;
	v18 =	vunpack.i.l.bf16.f32 v18  }
0x71: {  	v17 =	vadd.f32 v18, v17;
	v18 =	vunpack.i.u.bf16.f32 v19;
	v19 =	vunpack.i.l.bf16.f32 v19  }
0x72: {  	v18 =	vadd.f32 v19, v18  }
0x73: {  	v16 =	vadd.f32 v17, v16;
	_ =	sdelay $0x1  }
0x74: {  	v16 =	vadd.f32 v18, v16;
	_ =	sdelay $0x1  }
0x75: {  	[tilespmem:s30+$0x0] =	vst v16  }
0x76: {  	v16 =	vld [tilespmem:s29+$0x0]  }
0x77: {  	v17 =	vld [tilespmem:s23+$0x0]  }
0x78: {  	v18 =	vld [tilespmem:s29+$0x10]  }
0x79: {  	v19 =	vld [tilespmem:s0+$0x0]  }
0x7a: {  	v20 =	vld [tilespmem:s23+$0x30]  }
0x7b: {  	v21 =	vld [tilespmem:s23+$0x10]  }
0x7c: {  	v16 =	vmul.bf16 v17, v16;
	v17 =	vld [tilespmem:s23+$0x20]  }
0x7d: {  	v22 =	vld [tilespmem:s0+$0x10]  }
0x7e: {  	v16 =	vmul.bf16 v16, v19;
	v19 =	vld [tilespmem:s29+$0x20]  }
0x7f: {  	v23 =	vld [tilespmem:s29+$0x30]  }
0x80: {  	v24 =	vunpack.i.u.bf16.f32 v16;
	v16 =	vunpack.i.l.bf16.f32 v16;
	v18 =	vmul.bf16 v21, v18;
	v21 =	vld [tilespmem:s0+$0x20]  }
0x81: {  	v16 =	vadd.f32 v16, v24;
	v24 =	vld [tilespmem:s0+$0x30]  }
.Ltmp0:
0x82: {  	v18 =	vmul.bf16 v18, v22;
	(pc) =	sbr.rel @p0 .LBB2_3-.Ltmp0, $4  }
0x83: {  	v17 =	vmul.bf16 v17, v19  }
0x84: {  	v19 =	vunpack.i.u.bf16.f32 v18;
	v18 =	vunpack.i.l.bf16.f32 v18;
	v20 =	vmul.bf16 v20, v23  }
0x85: {  	v18 =	vadd.f32 v18, v19;
	v19 =	vmul.bf16 v17, v21  }
0x86: {  	s23 =	sadd.s32 $0x80, s23;
	s0 =	sadd.s32 $0x80, s0;
	v17 =	vmul.bf16 v20, v24  }
0x87: {  	v20 =	vunpack.i.u.bf16.f32 v19;
	v19 =	vunpack.i.l.bf16.f32 v19  }
0x88: {  	v16 =	vadd.f32 v18, v16;
	v18 =	vadd.f32 v19, v20  }
0x89: {  	v19 =	vunpack.i.u.bf16.f32 v17;
	v17 =	vunpack.i.l.bf16.f32 v17  }
0x8a: {  	v17 =	vadd.f32 v17, v19;
	v16 =	vadd.f32 v18, v16;
	_ =	sdelay $0x1  }
0x8b: {  	v16 =	vadd.f32 v17, v16;
	_ =	sdelay $0x1  }
0x8c: {  	s29 =	simm.s32 $0x11440;
	[tilespmem:s31+$0x11] =	vst v16  }
0x8d: {  	v16 =	vld.idx.msk [tilespmem:v0+s29+$0x0], $0xffff  }
0x8e: {  	v17 =	vld.idx.msk [tilespmem:v1+s29+$0x0], $0xffff  }
0x8f: {  	v18 =	vld.idx.msk [tilespmem:v2+s29+$0x0], $0xffff  }
0x90: {  	v19 =	vld.idx.msk [tilespmem:v3+s29+$0x0], $0xffff  }
0x91: {  	v20 =	vld.idx.msk [tilespmem:v4+s29+$0x0], $0xffff  }
0x92: {  	v21 =	vld.idx.msk [tilespmem:v5+s29+$0x0], $0xffff  }
0x93: {  	v22 =	vld.idx.msk [tilespmem:v6+s29+$0x0], $0xffff  }
0x94: {  	v23 =	vld.idx.msk [tilespmem:v7+s29+$0x0], $0xffff  }
0x95: {  	v16 =	vadd.f32 v18, v16;
	v17 =	vadd.f32 v19, v17;
	v18 =	vld.idx.msk [tilespmem:v8+s29+$0x0], $0xffff  }
0x96: {  	v19 =	vld.idx.msk [tilespmem:v9+s29+$0x0], $0xffff  }
0x97: {  	v49 =	vld.idx.msk [tilespmem:v11+s29+$0x0], $0xffff;
	v16 =	vadd.f32 v20, v16;
	v17 =	vadd.f32 v21, v17  }
0x98: {  	v20 =	vld.idx.msk [tilespmem:v10+s29+$0x0], $0xffff  }
0x99: {  	v50 =	vld.idx.msk [tilespmem:v12+s29+$0x0], $0xffff;
	v16 =	vadd.f32 v22, v16;
	v17 =	vadd.f32 v23, v17  }
0x9a: {  	v51 =	vld.idx.msk [tilespmem:v13+s29+$0x0], $0xffff  }
0x9b: {  	v16 =	vadd.f32 v18, v16;
	v17 =	vadd.f32 v19, v17;
	v18 =	vld.idx.msk [tilespmem:v14+s29+$0x0], $0xffff  }
0x9c: {  	v19 =	vld.idx.msk [tilespmem:v15+s29+$0x0], $0xffff  }
0x9d: {  	v16 =	vadd.f32 v20, v16;
	v17 =	vadd.f32 v49, v17;
	_ =	sdelay $0x1  }
0x9e: {  	v16 =	vadd.f32 v50, v16;
	v17 =	vadd.f32 v51, v17;
	_ =	sdelay $0x1  }
0x9f: {  	v16 =	vadd.f32 v18, v16;
	v17 =	vadd.f32 v19, v17;
	_ =	sdelay $0x1  }
0xa0: {  	v16 =	vadd.f32 v17, v16;
	_ =	sdelay $0x1  }
0xa1: {  	s0 =	simm.s32 $0x8DA0;
	[tilespmem:s26+$0xED30] =	vst v16  }
0xa2: {  	v16 =	vld [tilespmem:s0+$0xFFFFFFA0]  }
0xa3: {  	s30 =	simm.s32 $0xA1A0;
	v17 =	vld [tilespmem:s0+$0xFFFFFF90]  }
0xa4: {  	s1 =	simm.s32 $0x79A0;
	v18 =	vld [tilespmem:s30+$0xFFFFFF90]  }
0xa5: {  	v19 =	vld [tilespmem:s1+$0xFFFFFFA0]  }
0xa6: {  	v20 =	vld [tilespmem:s30+$0xFFFFFFA0]  }
0xa7: {  	v52 =	vld [tilespmem:s1+$0xFFFFFF90]  }
0xa8: {  	v53 =	vld [tilespmem:s1+$0xFFFFFFB0]  }
0xa9: {  	v54 =	vld [tilespmem:s30+$0xFFFFFFB0]  }
0xaa: {  	v24 =	vld [tilespmem:s30+$0xFFFFFFC0]  }
0xab: {  	v25 =	vld [tilespmem:s1+$0xFFFFFFC0]  }
0xac: {  	v19 =	vmul.bf16 v20, v19;
	v20 =	vld [tilespmem:s0+$0xFFFFFFB0]  }
0xad: {  	v18 =	vmul.bf16 v18, v52  }
0xae: {  	v16 =	vmul.bf16 v19, v16;
	v19 =	vld [tilespmem:s0+$0xFFFFFFC0]  }
0xaf: {  	v17 =	vmul.bf16 v18, v17;
	v18 =	vmul.bf16 v54, v53  }
0xb0: {  	v57 =	vmul.bf16 v24, v25;
	v55 =	vunpack.i.u.bf16.f32 v16;
	v16 =	vunpack.i.l.bf16.f32 v16  }
0xb1: {  	v56 =	vunpack.i.u.bf16.f32 v17;
	v17 =	vunpack.i.l.bf16.f32 v17;
	v18 =	vmul.bf16 v18, v20  }
0xb2: {  	v17 =	vadd.f32 v17, v56;
	v16 =	vadd.f32 v16, v55  }
0xb3: {  	v19 =	vmul.bf16 v57, v19;
	v20 =	vunpack.i.u.bf16.f32 v18;
	v18 =	vunpack.i.l.bf16.f32 v18  }
0xb4: {  	v16 =	vadd.f32 v16, v17;
	v17 =	vadd.f32 v18, v20  }
0xb5: {  	v18 =	vunpack.i.u.bf16.f32 v19;
	v19 =	vunpack.i.l.bf16.f32 v19  }
0xb6: {  	v18 =	vadd.f32 v19, v18;
	v16 =	vadd.f32 v17, v16;
	_ =	sdelay $0x1  }
0xb7: {  	v16 =	vadd.f32 v18, v16;
	_ =	sdelay $0x1  }
0xb8: {  	[tilespmem:s29+$0x0] =	vst v16  }
0xb9: {  	v16 =	vld [tilespmem:s1+$0xFFFFFFD0]  }
0xba: {  	v17 =	vld [tilespmem:s30+$0xFFFFFFD0]  }
0xbb: {  	v18 =	vld [tilespmem:s1+$0xFFFFFFE0]  }
0xbc: {  	v19 =	vld [tilespmem:s0+$0xFFFFFFD0]  }
0xbd: {  	v20 =	vld [tilespmem:s30+$0x0]  }
0xbe: {  	v58 =	vld [tilespmem:s30+$0xFFFFFFE0]  }
0xbf: {  	v59 =	vld [tilespmem:s30+$0xFFFFFFF0]  }
0xc0: {  	v60 =	vld [tilespmem:s0+$0xFFFFFFE0]  }
0xc1: {  	v61 =	vld [tilespmem:s1+$0xFFFFFFF0]  }
0xc2: {  	v16 =	vmul.bf16 v17, v16;
	v17 =	vld [tilespmem:s1+$0x0];
	_ =	sdelay $0x1  }
0xc3: {  	v62 =	vld [tilespmem:s0+$0xFFFFFFF0];
	v18 =	vmul.bf16 v58, v18  }
0xc4: {  	v63 =	vld [tilespmem:s0+$0x0];
	v16 =	vmul.bf16 v16, v19  }
0xc5: {  	v22 =	vmul.bf16 v59, v61;
	v18 =	vmul.bf16 v18, v60  }
0xc6: {  	v19 =	vunpack.i.u.bf16.f32 v16;
	v16 =	vunpack.i.l.bf16.f32 v16;
	v17 =	vmul.bf16 v20, v17  }
0xc7: {  	v16 =	vadd.f32 v16, v19;
	v19 =	vunpack.i.u.bf16.f32 v18;
	v18 =	vunpack.i.l.bf16.f32 v18  }
0xc8: {  	s23 =	simm.s32 $0x7A20;
	v18 =	vadd.f32 v18, v19;
	v19 =	vmul.bf16 v22, v62  }
0xc9: {  	s31 =	simm.s32 $0x11440;
	s0 =	simm.s32 $0x8E20;
	s1 =	simm.s32 $0x0;
	v17 =	vmul.bf16 v17, v63  }
.LBB2_5:
0xca: {  	s1 =	sadd.s32 $0x2, s1;
	v20 =	vunpack.i.u.bf16.f32 v19;
	v19 =	vunpack.i.l.bf16.f32 v19;
	s30 =	sadd.s32 $0x80, s30;
	s29 =	sadd.s32 $0x22, s29  }
0xcb: {  	v16 =	vadd.f32 v18, v16;
	p0 =	slt.u32 s1, $0xE;
	v18 =	vadd.f32 v19, v20;
	v19 =	vunpack.i.u.bf16.f32 v17  }
0xcc: {  	v17 =	vunpack.i.l.bf16.f32 v17  }
0xcd: {  	v17 =	vadd.f32 v17, v19;
	v16 =	vadd.f32 v18, v16;
	_ =	sdelay $0x1  }
0xce: {  	v16 =	vadd.f32 v17, v16;
	_ =	sdelay $0x1  }
0xcf: {  	[tilespmem:s31+$0x11] =	vst v16;
	s31 =	smov.u32 s29  }
0xd0: {  	v16 =	vld [tilespmem:s0+$0xFFFFFFA0]  }
0xd1: {  	v17 =	vld [tilespmem:s0+$0xFFFFFF90]  }
0xd2: {  	v18 =	vld [tilespmem:s30+$0xFFFFFF90]  }
0xd3: {  	v19 =	vld [tilespmem:s23+$0xFFFFFFA0]  }
0xd4: {  	v20 =	vld [tilespmem:s30+$0xFFFFFFA0]  }
0xd5: {  	v21 =	vld [tilespmem:s23+$0xFFFFFF90]  }
0xd6: {  	v22 =	vld [tilespmem:s23+$0xFFFFFFB0]  }
0xd7: {  	v23 =	vld [tilespmem:s30+$0xFFFFFFB0]  }
0xd8: {  	v24 =	vld [tilespmem:s30+$0xFFFFFFC0]  }
0xd9: {  	v19 =	vmul.bf16 v20, v19;
	v20 =	vld [tilespmem:s23+$0xFFFFFFC0]  }
0xda: {  	v18 =	vmul.bf16 v18, v21;
	v21 =	vld [tilespmem:s0+$0xFFFFFFB0]  }
0xdb: {  	v16 =	vmul.bf16 v19, v16;
	v19 =	vld [tilespmem:s0+$0xFFFFFFC0]  }
0xdc: {  	v17 =	vmul.bf16 v18, v17;
	v18 =	vmul.bf16 v23, v22  }
0xdd: {  	v22 =	vunpack.i.u.bf16.f32 v16;
	v16 =	vunpack.i.l.bf16.f32 v16  }
0xde: {  	v23 =	vunpack.i.u.bf16.f32 v17;
	v17 =	vunpack.i.l.bf16.f32 v17;
	v20 =	vmul.bf16 v24, v20  }
0xdf: {  	v16 =	vadd.f32 v16, v22;
	v17 =	vadd.f32 v17, v23;
	v18 =	vmul.bf16 v18, v21  }
0xe0: {  	v19 =	vmul.bf16 v20, v19  }
0xe1: {  	v16 =	vadd.f32 v16, v17;
	v17 =	vunpack.i.u.bf16.f32 v18;
	v18 =	vunpack.i.l.bf16.f32 v18  }
0xe2: {  	v17 =	vadd.f32 v18, v17;
	v18 =	vunpack.i.u.bf16.f32 v19;
	v19 =	vunpack.i.l.bf16.f32 v19  }
0xe3: {  	v18 =	vadd.f32 v19, v18  }
0xe4: {  	v16 =	vadd.f32 v17, v16;
	_ =	sdelay $0x1  }
0xe5: {  	v16 =	vadd.f32 v18, v16;
	_ =	sdelay $0x1  }
0xe6: {  	[tilespmem:s29+$0x0] =	vst v16  }
0xe7: {  	v16 =	vld [tilespmem:s23+$0xFFFFFFD0]  }
0xe8: {  	v17 =	vld [tilespmem:s30+$0xFFFFFFD0]  }
0xe9: {  	v18 =	vld [tilespmem:s23+$0xFFFFFFE0]  }
0xea: {  	v19 =	vld [tilespmem:s0+$0xFFFFFFD0]  }
0xeb: {  	v20 =	vld [tilespmem:s30+$0x0]  }
0xec: {  	v21 =	vld [tilespmem:s30+$0xFFFFFFE0]  }
0xed: {  	v16 =	vmul.bf16 v17, v16;
	v17 =	vld [tilespmem:s30+$0xFFFFFFF0]  }
0xee: {  	v22 =	vld [tilespmem:s0+$0xFFFFFFE0]  }
0xef: {  	v16 =	vmul.bf16 v16, v19;
	v19 =	vld [tilespmem:s23+$0xFFFFFFF0]  }
0xf0: {  	v23 =	vld [tilespmem:s23+$0x0]  }
0xf1: {  	v24 =	vunpack.i.u.bf16.f32 v16;
	v16 =	vunpack.i.l.bf16.f32 v16;
	v18 =	vmul.bf16 v21, v18;
	v21 =	vld [tilespmem:s0+$0xFFFFFFF0]  }
0xf2: {  	v16 =	vadd.f32 v16, v24;
	v24 =	vld [tilespmem:s0+$0x0]  }
.Ltmp1:
0xf3: {  	v18 =	vmul.bf16 v18, v22;
	(pc) =	sbr.rel @p0 .LBB2_5-.Ltmp1, $4  }
0xf4: {  	v17 =	vmul.bf16 v17, v19  }
0xf5: {  	v19 =	vunpack.i.u.bf16.f32 v18;
	v18 =	vunpack.i.l.bf16.f32 v18;
	v20 =	vmul.bf16 v20, v23  }
0xf6: {  	v18 =	vadd.f32 v18, v19;
	v19 =	vmul.bf16 v17, v21  }
0xf7: {  	s23 =	sadd.s32 $0x80, s23;
	s0 =	sadd.s32 $0x80, s0;
	v17 =	vmul.bf16 v20, v24  }
0xf8: {  	v20 =	vunpack.i.u.bf16.f32 v19;
	v19 =	vunpack.i.l.bf16.f32 v19  }
0xf9: {  	v16 =	vadd.f32 v18, v16;
	v18 =	vadd.f32 v19, v20  }
0xfa: {  	v19 =	vunpack.i.u.bf16.f32 v17;
	v17 =	vunpack.i.l.bf16.f32 v17  }
0xfb: {  	v17 =	vadd.f32 v17, v19;
	v16 =	vadd.f32 v18, v16;
	_ =	sdelay $0x1  }
0xfc: {  	v16 =	vadd.f32 v17, v16;
	_ =	sdelay $0x1  }
0xfd: {  	s29 =	simm.s32 $0x11440;
	[tilespmem:s31+$0x11] =	vst v16  }
0xfe: {  	v16 =	vld.idx.msk [tilespmem:v0+s29+$0x0], $0xffff  }
0xff: {  	v17 =	vld.idx.msk [tilespmem:v1+s29+$0x0], $0xffff  }
0x100: {  	v18 =	vld.idx.msk [tilespmem:v2+s29+$0x0], $0xffff  }
0x101: {  	v19 =	vld.idx.msk [tilespmem:v3+s29+$0x0], $0xffff  }
0x102: {  	v20 =	vld.idx.msk [tilespmem:v4+s29+$0x0], $0xffff  }
0x103: {  	v21 =	vld.idx.msk [tilespmem:v5+s29+$0x0], $0xffff  }
0x104: {  	v22 =	vld.idx.msk [tilespmem:v6+s29+$0x0], $0xffff  }
0x105: {  	v23 =	vld.idx.msk [tilespmem:v7+s29+$0x0], $0xffff  }
0x106: {  	v16 =	vadd.f32 v18, v16;
	v17 =	vadd.f32 v19, v17;
	v18 =	vld.idx.msk [tilespmem:v8+s29+$0x0], $0xffff  }
0x107: {  	v19 =	vld.idx.msk [tilespmem:v9+s29+$0x0], $0xffff  }
0x108: {  	v49 =	vld.idx.msk [tilespmem:v11+s29+$0x0], $0xffff;
	v16 =	vadd.f32 v20, v16;
	v17 =	vadd.f32 v21, v17  }
0x109: {  	v20 =	vld.idx.msk [tilespmem:v10+s29+$0x0], $0xffff  }
0x10a: {  	v50 =	vld.idx.msk [tilespmem:v12+s29+$0x0], $0xffff;
	v16 =	vadd.f32 v22, v16;
	v17 =	vadd.f32 v23, v17  }
0x10b: {  	v51 =	vld.idx.msk [tilespmem:v13+s29+$0x0], $0xffff  }
0x10c: {  	v16 =	vadd.f32 v18, v16;
	v17 =	vadd.f32 v19, v17;
	v18 =	vld.idx.msk [tilespmem:v14+s29+$0x0], $0xffff  }
0x10d: {  	v19 =	vld.idx.msk [tilespmem:v15+s29+$0x0], $0xffff  }
0x10e: {  	v16 =	vadd.f32 v20, v16;
	v17 =	vadd.f32 v49, v17;
	_ =	sdelay $0x1  }
0x10f: {  	v16 =	vadd.f32 v50, v16;
	v17 =	vadd.f32 v51, v17;
	_ =	sdelay $0x1  }
0x110: {  	v16 =	vadd.f32 v18, v16;
	v17 =	vadd.f32 v19, v17;
	_ =	sdelay $0x1  }
0x111: {  	v16 =	vadd.f32 v17, v16;
	_ =	sdelay $0x1  }
0x112: {  	s0 =	simm.s32 $0x91A0;
	[tilespmem:s26+$0xED40] =	vst v16  }
0x113: {  	v16 =	vld [tilespmem:s0+$0xFFFFFFA0]  }
0x114: {  	s30 =	simm.s32 $0xA5A0;
	v17 =	vld [tilespmem:s0+$0xFFFFFF90]  }
0x115: {  	s1 =	simm.s32 $0x7DA0;
	v18 =	vld [tilespmem:s30+$0xFFFFFF90]  }
0x116: {  	v19 =	vld [tilespmem:s1+$0xFFFFFFA0]  }
0x117: {  	v20 =	vld [tilespmem:s30+$0xFFFFFFA0]  }
0x118: {  	v52 =	vld [tilespmem:s1+$0xFFFFFF90]  }
0x119: {  	v53 =	vld [tilespmem:s1+$0xFFFFFFB0]  }
0x11a: {  	v54 =	vld [tilespmem:s30+$0xFFFFFFB0]  }
0x11b: {  	v24 =	vld [tilespmem:s30+$0xFFFFFFC0]  }
0x11c: {  	v25 =	vld [tilespmem:s1+$0xFFFFFFC0]  }
0x11d: {  	v19 =	vmul.bf16 v20, v19;
	v20 =	vld [tilespmem:s0+$0xFFFFFFB0]  }
0x11e: {  	v18 =	vmul.bf16 v18, v52  }
0x11f: {  	v16 =	vmul.bf16 v19, v16;
	v19 =	vld [tilespmem:s0+$0xFFFFFFC0]  }
0x120: {  	v17 =	vmul.bf16 v18, v17;
	v18 =	vmul.bf16 v54, v53  }
0x121: {  	v57 =	vmul.bf16 v24, v25;
	v55 =	vunpack.i.u.bf16.f32 v16;
	v16 =	vunpack.i.l.bf16.f32 v16  }
0x122: {  	v56 =	vunpack.i.u.bf16.f32 v17;
	v17 =	vunpack.i.l.bf16.f32 v17;
	v18 =	vmul.bf16 v18, v20  }
0x123: {  	v17 =	vadd.f32 v17, v56;
	v16 =	vadd.f32 v16, v55  }
0x124: {  	v19 =	vmul.bf16 v57, v19;
	v20 =	vunpack.i.u.bf16.f32 v18;
	v18 =	vunpack.i.l.bf16.f32 v18  }
0x125: {  	v16 =	vadd.f32 v16, v17;
	v17 =	vadd.f32 v18, v20  }
0x126: {  	v18 =	vunpack.i.u.bf16.f32 v19;
	v19 =	vunpack.i.l.bf16.f32 v19  }
0x127: {  	v18 =	vadd.f32 v19, v18;
	v16 =	vadd.f32 v17, v16;
	_ =	sdelay $0x1  }
0x128: {  	v16 =	vadd.f32 v18, v16;
	_ =	sdelay $0x1  }
0x129: {  	[tilespmem:s29+$0x0] =	vst v16  }
0x12a: {  	v16 =	vld [tilespmem:s1+$0xFFFFFFD0]  }
0x12b: {  	v17 =	vld [tilespmem:s30+$0xFFFFFFD0]  }
0x12c: {  	v18 =	vld [tilespmem:s1+$0xFFFFFFE0]  }
0x12d: {  	v19 =	vld [tilespmem:s0+$0xFFFFFFD0]  }
0x12e: {  	v20 =	vld [tilespmem:s30+$0x0]  }
0x12f: {  	v58 =	vld [tilespmem:s30+$0xFFFFFFE0]  }
0x130: {  	v59 =	vld [tilespmem:s30+$0xFFFFFFF0]  }
0x131: {  	v60 =	vld [tilespmem:s0+$0xFFFFFFE0]  }
0x132: {  	v61 =	vld [tilespmem:s1+$0xFFFFFFF0]  }
0x133: {  	v16 =	vmul.bf16 v17, v16;
	v17 =	vld [tilespmem:s1+$0x0];
	_ =	sdelay $0x1  }
0x134: {  	v62 =	vld [tilespmem:s0+$0xFFFFFFF0];
	v18 =	vmul.bf16 v58, v18  }
0x135: {  	v63 =	vld [tilespmem:s0+$0x0];
	v16 =	vmul.bf16 v16, v19  }
0x136: {  	v22 =	vmul.bf16 v59, v61;
	v18 =	vmul.bf16 v18, v60  }
0x137: {  	v19 =	vunpack.i.u.bf16.f32 v16;
	v16 =	vunpack.i.l.bf16.f32 v16;
	v17 =	vmul.bf16 v20, v17  }
0x138: {  	v16 =	vadd.f32 v16, v19;
	v19 =	vunpack.i.u.bf16.f32 v18;
	v18 =	vunpack.i.l.bf16.f32 v18  }
0x139: {  	s23 =	simm.s32 $0x7E20;
	v18 =	vadd.f32 v18, v19;
	v19 =	vmul.bf16 v22, v62  }
0x13a: {  	s31 =	simm.s32 $0x11440;
	s0 =	simm.s32 $0x9220;
	s1 =	simm.s32 $0x0;
	v17 =	vmul.bf16 v17, v63  }
.LBB2_7:
0x13b: {  	s1 =	sadd.s32 $0x2, s1;
	v20 =	vunpack.i.u.bf16.f32 v19;
	v19 =	vunpack.i.l.bf16.f32 v19;
	s30 =	sadd.s32 $0x80, s30;
	s29 =	sadd.s32 $0x22, s29  }
0x13c: {  	v16 =	vadd.f32 v18, v16;
	p0 =	slt.u32 s1, $0xE;
	v18 =	vadd.f32 v19, v20;
	v19 =	vunpack.i.u.bf16.f32 v17  }
0x13d: {  	v17 =	vunpack.i.l.bf16.f32 v17  }
0x13e: {  	v17 =	vadd.f32 v17, v19;
	v16 =	vadd.f32 v18, v16;
	_ =	sdelay $0x1  }
0x13f: {  	v16 =	vadd.f32 v17, v16;
	_ =	sdelay $0x1  }
0x140: {  	[tilespmem:s31+$0x11] =	vst v16;
	s31 =	smov.u32 s29  }
0x141: {  	v16 =	vld [tilespmem:s0+$0xFFFFFFA0]  }
0x142: {  	v17 =	vld [tilespmem:s0+$0xFFFFFF90]  }
0x143: {  	v18 =	vld [tilespmem:s30+$0xFFFFFF90]  }
0x144: {  	v19 =	vld [tilespmem:s23+$0xFFFFFFA0]  }
0x145: {  	v20 =	vld [tilespmem:s30+$0xFFFFFFA0]  }
0x146: {  	v21 =	vld [tilespmem:s23+$0xFFFFFF90]  }
0x147: {  	v22 =	vld [tilespmem:s23+$0xFFFFFFB0]  }
0x148: {  	v23 =	vld [tilespmem:s30+$0xFFFFFFB0]  }
0x149: {  	v24 =	vld [tilespmem:s30+$0xFFFFFFC0]  }
0x14a: {  	v19 =	vmul.bf16 v20, v19;
	v20 =	vld [tilespmem:s23+$0xFFFFFFC0]  }
0x14b: {  	v18 =	vmul.bf16 v18, v21;
	v21 =	vld [tilespmem:s0+$0xFFFFFFB0]  }
0x14c: {  	v16 =	vmul.bf16 v19, v16;
	v19 =	vld [tilespmem:s0+$0xFFFFFFC0]  }
0x14d: {  	v17 =	vmul.bf16 v18, v17;
	v18 =	vmul.bf16 v23, v22  }
0x14e: {  	v22 =	vunpack.i.u.bf16.f32 v16;
	v16 =	vunpack.i.l.bf16.f32 v16  }
0x14f: {  	v23 =	vunpack.i.u.bf16.f32 v17;
	v17 =	vunpack.i.l.bf16.f32 v17;
	v20 =	vmul.bf16 v24, v20  }
0x150: {  	v16 =	vadd.f32 v16, v22;
	v17 =	vadd.f32 v17, v23;
	v18 =	vmul.bf16 v18, v21  }
0x151: {  	v19 =	vmul.bf16 v20, v19  }
0x152: {  	v16 =	vadd.f32 v16, v17;
	v17 =	vunpack.i.u.bf16.f32 v18;
	v18 =	vunpack.i.l.bf16.f32 v18  }
0x153: {  	v17 =	vadd.f32 v18, v17;
	v18 =	vunpack.i.u.bf16.f32 v19;
	v19 =	vunpack.i.l.bf16.f32 v19  }
0x154: {  	v18 =	vadd.f32 v19, v18  }
0x155: {  	v16 =	vadd.f32 v17, v16;
	_ =	sdelay $0x1  }
0x156: {  	v16 =	vadd.f32 v18, v16;
	_ =	sdelay $0x1  }
0x157: {  	[tilespmem:s29+$0x0] =	vst v16  }
0x158: {  	v16 =	vld [tilespmem:s23+$0xFFFFFFD0]  }
0x159: {  	v17 =	vld [tilespmem:s30+$0xFFFFFFD0]  }
0x15a: {  	v18 =	vld [tilespmem:s23+$0xFFFFFFE0]  }
0x15b: {  	v19 =	vld [tilespmem:s0+$0xFFFFFFD0]  }
0x15c: {  	v20 =	vld [tilespmem:s30+$0x0]  }
0x15d: {  	v21 =	vld [tilespmem:s30+$0xFFFFFFE0]  }
0x15e: {  	v16 =	vmul.bf16 v17, v16;
	v17 =	vld [tilespmem:s30+$0xFFFFFFF0]  }
0x15f: {  	v22 =	vld [tilespmem:s0+$0xFFFFFFE0]  }
0x160: {  	v16 =	vmul.bf16 v16, v19;
	v19 =	vld [tilespmem:s23+$0xFFFFFFF0]  }
0x161: {  	v23 =	vld [tilespmem:s23+$0x0]  }
0x162: {  	v24 =	vunpack.i.u.bf16.f32 v16;
	v16 =	vunpack.i.l.bf16.f32 v16;
	v18 =	vmul.bf16 v21, v18;
	v21 =	vld [tilespmem:s0+$0xFFFFFFF0]  }
0x163: {  	v16 =	vadd.f32 v16, v24;
	v24 =	vld [tilespmem:s0+$0x0]  }
.Ltmp2:
0x164: {  	v18 =	vmul.bf16 v18, v22;
	(pc) =	sbr.rel @p0 .LBB2_7-.Ltmp2, $4  }
0x165: {  	v17 =	vmul.bf16 v17, v19  }
0x166: {  	v19 =	vunpack.i.u.bf16.f32 v18;
	v18 =	vunpack.i.l.bf16.f32 v18;
	v20 =	vmul.bf16 v20, v23  }
0x167: {  	v18 =	vadd.f32 v18, v19;
	v19 =	vmul.bf16 v17, v21  }
0x168: {  	s23 =	sadd.s32 $0x80, s23;
	s0 =	sadd.s32 $0x80, s0;
	v17 =	vmul.bf16 v20, v24  }
0x169: {  	v20 =	vunpack.i.u.bf16.f32 v19;
	v19 =	vunpack.i.l.bf16.f32 v19  }
0x16a: {  	v16 =	vadd.f32 v18, v16;
	v18 =	vadd.f32 v19, v20  }
0x16b: {  	v19 =	vunpack.i.u.bf16.f32 v17;
	v17 =	vunpack.i.l.bf16.f32 v17  }
0x16c: {  	v17 =	vadd.f32 v17, v19;
	v16 =	vadd.f32 v18, v16;
	_ =	sdelay $0x1  }
0x16d: {  	v16 =	vadd.f32 v17, v16;
	_ =	sdelay $0x1  }
0x16e: {  	s29 =	simm.s32 $0x11440;
	[tilespmem:s31+$0x11] =	vst v16  }
0x16f: {  	v16 =	vld.idx.msk [tilespmem:v0+s29+$0x0], $0xffff  }
0x170: {  	v17 =	vld.idx.msk [tilespmem:v1+s29+$0x0], $0xffff  }
0x171: {  	v18 =	vld.idx.msk [tilespmem:v2+s29+$0x0], $0xffff  }
0x172: {  	v19 =	vld.idx.msk [tilespmem:v3+s29+$0x0], $0xffff  }
0x173: {  	v20 =	vld.idx.msk [tilespmem:v4+s29+$0x0], $0xffff  }
0x174: {  	v21 =	vld.idx.msk [tilespmem:v5+s29+$0x0], $0xffff  }
0x175: {  	v22 =	vld.idx.msk [tilespmem:v6+s29+$0x0], $0xffff  }
0x176: {  	v23 =	vld.idx.msk [tilespmem:v7+s29+$0x0], $0xffff  }
0x177: {  	v16 =	vadd.f32 v18, v16;
	v17 =	vadd.f32 v19, v17;
	v18 =	vld.idx.msk [tilespmem:v8+s29+$0x0], $0xffff  }
0x178: {  	v19 =	vld.idx.msk [tilespmem:v9+s29+$0x0], $0xffff  }
0x179: {  	v49 =	vld.idx.msk [tilespmem:v11+s29+$0x0], $0xffff;
	v16 =	vadd.f32 v20, v16;
	v17 =	vadd.f32 v21, v17  }
0x17a: {  	v20 =	vld.idx.msk [tilespmem:v10+s29+$0x0], $0xffff  }
0x17b: {  	v50 =	vld.idx.msk [tilespmem:v12+s29+$0x0], $0xffff;
	v16 =	vadd.f32 v22, v16;
	v17 =	vadd.f32 v23, v17  }
0x17c: {  	v51 =	vld.idx.msk [tilespmem:v13+s29+$0x0], $0xffff  }
0x17d: {  	v16 =	vadd.f32 v18, v16;
	v17 =	vadd.f32 v19, v17;
	v18 =	vld.idx.msk [tilespmem:v14+s29+$0x0], $0xffff  }
0x17e: {  	v19 =	vld.idx.msk [tilespmem:v15+s29+$0x0], $0xffff  }
0x17f: {  	v16 =	vadd.f32 v20, v16;
	v17 =	vadd.f32 v49, v17;
	_ =	sdelay $0x1  }
0x180: {  	v16 =	vadd.f32 v50, v16;
	v17 =	vadd.f32 v51, v17;
	_ =	sdelay $0x1  }
0x181: {  	v16 =	vadd.f32 v18, v16;
	v17 =	vadd.f32 v19, v17;
	_ =	sdelay $0x1  }
0x182: {  	v16 =	vadd.f32 v17, v16;
	_ =	sdelay $0x1  }
0x183: {  	s0 =	simm.s32 $0x95A0;
	[tilespmem:s26+$0xED50] =	vst v16  }
0x184: {  	v16 =	vld [tilespmem:s0+$0xFFFFFFA0]  }
0x185: {  	s30 =	simm.s32 $0xA9A0;
	v17 =	vld [tilespmem:s0+$0xFFFFFF90]  }
0x186: {  	s1 =	simm.s32 $0x81A0;
	v18 =	vld [tilespmem:s30+$0xFFFFFF90]  }
0x187: {  	v19 =	vld [tilespmem:s1+$0xFFFFFFA0]  }
0x188: {  	v20 =	vld [tilespmem:s30+$0xFFFFFFA0]  }
0x189: {  	v52 =	vld [tilespmem:s1+$0xFFFFFF90]  }
0x18a: {  	v53 =	vld [tilespmem:s1+$0xFFFFFFB0]  }
0x18b: {  	v54 =	vld [tilespmem:s30+$0xFFFFFFB0]  }
0x18c: {  	v24 =	vld [tilespmem:s30+$0xFFFFFFC0]  }
0x18d: {  	v25 =	vld [tilespmem:s1+$0xFFFFFFC0]  }
0x18e: {  	v19 =	vmul.bf16 v20, v19;
	v20 =	vld [tilespmem:s0+$0xFFFFFFB0]  }
0x18f: {  	v18 =	vmul.bf16 v18, v52  }
0x190: {  	v16 =	vmul.bf16 v19, v16;
	v19 =	vld [tilespmem:s0+$0xFFFFFFC0]  }
0x191: {  	v17 =	vmul.bf16 v18, v17;
	v18 =	vmul.bf16 v54, v53  }
0x192: {  	v57 =	vmul.bf16 v24, v25;
	v55 =	vunpack.i.u.bf16.f32 v16;
	v16 =	vunpack.i.l.bf16.f32 v16  }
0x193: {  	v56 =	vunpack.i.u.bf16.f32 v17;
	v17 =	vunpack.i.l.bf16.f32 v17;
	v18 =	vmul.bf16 v18, v20  }
0x194: {  	v17 =	vadd.f32 v17, v56;
	v16 =	vadd.f32 v16, v55  }
0x195: {  	v19 =	vmul.bf16 v57, v19;
	v20 =	vunpack.i.u.bf16.f32 v18;
	v18 =	vunpack.i.l.bf16.f32 v18  }
0x196: {  	v16 =	vadd.f32 v16, v17;
	v17 =	vadd.f32 v18, v20  }
0x197: {  	v18 =	vunpack.i.u.bf16.f32 v19;
	v19 =	vunpack.i.l.bf16.f32 v19  }
0x198: {  	v18 =	vadd.f32 v19, v18;
	v16 =	vadd.f32 v17, v16;
	_ =	sdelay $0x1  }
0x199: {  	v16 =	vadd.f32 v18, v16;
	_ =	sdelay $0x1  }
0x19a: {  	[tilespmem:s29+$0x0] =	vst v16  }
0x19b: {  	v16 =	vld [tilespmem:s1+$0xFFFFFFD0]  }
0x19c: {  	v17 =	vld [tilespmem:s30+$0xFFFFFFD0]  }
0x19d: {  	v18 =	vld [tilespmem:s1+$0xFFFFFFE0]  }
0x19e: {  	v19 =	vld [tilespmem:s0+$0xFFFFFFD0]  }
0x19f: {  	v20 =	vld [tilespmem:s30+$0x0]  }
0x1a0: {  	v58 =	vld [tilespmem:s30+$0xFFFFFFE0]  }
0x1a1: {  	v59 =	vld [tilespmem:s30+$0xFFFFFFF0]  }
0x1a2: {  	v60 =	vld [tilespmem:s0+$0xFFFFFFE0]  }
0x1a3: {  	v61 =	vld [tilespmem:s1+$0xFFFFFFF0]  }
0x1a4: {  	v16 =	vmul.bf16 v17, v16;
	v17 =	vld [tilespmem:s1+$0x0];
	_ =	sdelay $0x1  }
0x1a5: {  	v62 =	vld [tilespmem:s0+$0xFFFFFFF0];
	v18 =	vmul.bf16 v58, v18  }
0x1a6: {  	v63 =	vld [tilespmem:s0+$0x0];
	v16 =	vmul.bf16 v16, v19  }
0x1a7: {  	v22 =	vmul.bf16 v59, v61;
	v18 =	vmul.bf16 v18, v60  }
0x1a8: {  	v19 =	vunpack.i.u.bf16.f32 v16;
	v16 =	vunpack.i.l.bf16.f32 v16;
	v17 =	vmul.bf16 v20, v17  }
0x1a9: {  	v16 =	vadd.f32 v16, v19;
	v19 =	vunpack.i.u.bf16.f32 v18;
	v18 =	vunpack.i.l.bf16.f32 v18  }
0x1aa: {  	s23 =	simm.s32 $0x8220;
	v18 =	vadd.f32 v18, v19;
	v19 =	vmul.bf16 v22, v62  }
0x1ab: {  	s31 =	simm.s32 $0x11440;
	s0 =	simm.s32 $0x9620;
	s1 =	simm.s32 $0x0;
	v17 =	vmul.bf16 v17, v63  }
.LBB2_9:
0x1ac: {  	s1 =	sadd.s32 $0x2, s1;
	v20 =	vunpack.i.u.bf16.f32 v19;
	v19 =	vunpack.i.l.bf16.f32 v19;
	s30 =	sadd.s32 $0x80, s30;
	s29 =	sadd.s32 $0x22, s29  }
0x1ad: {  	v16 =	vadd.f32 v18, v16;
	p0 =	slt.u32 s1, $0xE;
	v18 =	vadd.f32 v19, v20;
	v19 =	vunpack.i.u.bf16.f32 v17  }
0x1ae: {  	v17 =	vunpack.i.l.bf16.f32 v17  }
0x1af: {  	v17 =	vadd.f32 v17, v19;
	v16 =	vadd.f32 v18, v16;
	_ =	sdelay $0x1  }
0x1b0: {  	v16 =	vadd.f32 v17, v16;
	_ =	sdelay $0x1  }
0x1b1: {  	[tilespmem:s31+$0x11] =	vst v16;
	s31 =	smov.u32 s29  }
0x1b2: {  	v16 =	vld [tilespmem:s0+$0xFFFFFFA0]  }
0x1b3: {  	v17 =	vld [tilespmem:s0+$0xFFFFFF90]  }
0x1b4: {  	v18 =	vld [tilespmem:s30+$0xFFFFFF90]  }
0x1b5: {  	v19 =	vld [tilespmem:s23+$0xFFFFFFA0]  }
0x1b6: {  	v20 =	vld [tilespmem:s30+$0xFFFFFFA0]  }
0x1b7: {  	v21 =	vld [tilespmem:s23+$0xFFFFFF90]  }
0x1b8: {  	v22 =	vld [tilespmem:s23+$0xFFFFFFB0]  }
0x1b9: {  	v23 =	vld [tilespmem:s30+$0xFFFFFFB0]  }
0x1ba: {  	v24 =	vld [tilespmem:s30+$0xFFFFFFC0]  }
0x1bb: {  	v19 =	vmul.bf16 v20, v19;
	v20 =	vld [tilespmem:s23+$0xFFFFFFC0]  }
0x1bc: {  	v18 =	vmul.bf16 v18, v21;
	v21 =	vld [tilespmem:s0+$0xFFFFFFB0]  }
0x1bd: {  	v16 =	vmul.bf16 v19, v16;
	v19 =	vld [tilespmem:s0+$0xFFFFFFC0]  }
0x1be: {  	v17 =	vmul.bf16 v18, v17;
	v18 =	vmul.bf16 v23, v22  }
0x1bf: {  	v22 =	vunpack.i.u.bf16.f32 v16;
	v16 =	vunpack.i.l.bf16.f32 v16  }
0x1c0: {  	v23 =	vunpack.i.u.bf16.f32 v17;
	v17 =	vunpack.i.l.bf16.f32 v17;
	v20 =	vmul.bf16 v24, v20  }
0x1c1: {  	v16 =	vadd.f32 v16, v22;
	v17 =	vadd.f32 v17, v23;
	v18 =	vmul.bf16 v18, v21  }
0x1c2: {  	v19 =	vmul.bf16 v20, v19  }
0x1c3: {  	v16 =	vadd.f32 v16, v17;
	v17 =	vunpack.i.u.bf16.f32 v18;
	v18 =	vunpack.i.l.bf16.f32 v18  }
0x1c4: {  	v17 =	vadd.f32 v18, v17;
	v18 =	vunpack.i.u.bf16.f32 v19;
	v19 =	vunpack.i.l.bf16.f32 v19  }
0x1c5: {  	v18 =	vadd.f32 v19, v18  }
0x1c6: {  	v16 =	vadd.f32 v17, v16;
	_ =	sdelay $0x1  }
0x1c7: {  	v16 =	vadd.f32 v18, v16;
	_ =	sdelay $0x1  }
0x1c8: {  	[tilespmem:s29+$0x0] =	vst v16  }
0x1c9: {  	v16 =	vld [tilespmem:s23+$0xFFFFFFD0]  }
0x1ca: {  	v17 =	vld [tilespmem:s30+$0xFFFFFFD0]  }
0x1cb: {  	v18 =	vld [tilespmem:s23+$0xFFFFFFE0]  }
0x1cc: {  	v19 =	vld [tilespmem:s0+$0xFFFFFFD0]  }
0x1cd: {  	v20 =	vld [tilespmem:s30+$0x0]  }
0x1ce: {  	v21 =	vld [tilespmem:s30+$0xFFFFFFE0]  }
0x1cf: {  	v16 =	vmul.bf16 v17, v16;
	v17 =	vld [tilespmem:s30+$0xFFFFFFF0]  }
0x1d0: {  	v22 =	vld [tilespmem:s0+$0xFFFFFFE0]  }
0x1d1: {  	v16 =	vmul.bf16 v16, v19;
	v19 =	vld [tilespmem:s23+$0xFFFFFFF0]  }
0x1d2: {  	v23 =	vld [tilespmem:s23+$0x0]  }
0x1d3: {  	v24 =	vunpack.i.u.bf16.f32 v16;
	v16 =	vunpack.i.l.bf16.f32 v16;
	v18 =	vmul.bf16 v21, v18;
	v21 =	vld [tilespmem:s0+$0xFFFFFFF0]  }
0x1d4: {  	v16 =	vadd.f32 v16, v24;
	v24 =	vld [tilespmem:s0+$0x0]  }
.Ltmp3:
0x1d5: {  	v18 =	vmul.bf16 v18, v22;
	(pc) =	sbr.rel @p0 .LBB2_9-.Ltmp3, $4  }
0x1d6: {  	v17 =	vmul.bf16 v17, v19  }
0x1d7: {  	v19 =	vunpack.i.u.bf16.f32 v18;
	v18 =	vunpack.i.l.bf16.f32 v18;
	v20 =	vmul.bf16 v20, v23  }
0x1d8: {  	v18 =	vadd.f32 v18, v19;
	v19 =	vmul.bf16 v17, v21  }
0x1d9: {  	s23 =	sadd.s32 $0x80, s23;
	s0 =	sadd.s32 $0x80, s0;
	v17 =	vmul.bf16 v20, v24  }
0x1da: {  	v20 =	vunpack.i.u.bf16.f32 v19;
	v19 =	vunpack.i.l.bf16.f32 v19  }
0x1db: {  	v16 =	vadd.f32 v18, v16;
	v18 =	vadd.f32 v19, v20  }
0x1dc: {  	v19 =	vunpack.i.u.bf16.f32 v17;
	v17 =	vunpack.i.l.bf16.f32 v17  }
0x1dd: {  	v17 =	vadd.f32 v17, v19;
	v16 =	vadd.f32 v18, v16;
	_ =	sdelay $0x1  }
0x1de: {  	v16 =	vadd.f32 v17, v16;
	_ =	sdelay $0x1  }
0x1df: {  	s29 =	simm.s32 $0x11440;
	[tilespmem:s31+$0x11] =	vst v16  }
0x1e0: {  	v16 =	vld.idx.msk [tilespmem:v0+s29+$0x0], $0xffff  }
0x1e1: {  	v17 =	vld.idx.msk [tilespmem:v1+s29+$0x0], $0xffff  }
0x1e2: {  	v18 =	vld.idx.msk [tilespmem:v2+s29+$0x0], $0xffff  }
0x1e3: {  	v19 =	vld.idx.msk [tilespmem:v3+s29+$0x0], $0xffff  }
0x1e4: {  	v20 =	vld.idx.msk [tilespmem:v4+s29+$0x0], $0xffff  }
0x1e5: {  	v21 =	vld.idx.msk [tilespmem:v5+s29+$0x0], $0xffff  }
0x1e6: {  	v22 =	vld.idx.msk [tilespmem:v6+s29+$0x0], $0xffff  }
0x1e7: {  	v23 =	vld.idx.msk [tilespmem:v7+s29+$0x0], $0xffff  }
0x1e8: {  	v16 =	vadd.f32 v18, v16;
	v17 =	vadd.f32 v19, v17;
	v18 =	vld.idx.msk [tilespmem:v8+s29+$0x0], $0xffff  }
0x1e9: {  	v19 =	vld.idx.msk [tilespmem:v9+s29+$0x0], $0xffff  }
0x1ea: {  	v49 =	vld.idx.msk [tilespmem:v11+s29+$0x0], $0xffff;
	v16 =	vadd.f32 v20, v16;
	v17 =	vadd.f32 v21, v17  }
0x1eb: {  	v20 =	vld.idx.msk [tilespmem:v10+s29+$0x0], $0xffff  }
0x1ec: {  	v50 =	vld.idx.msk [tilespmem:v12+s29+$0x0], $0xffff;
	v16 =	vadd.f32 v22, v16;
	v17 =	vadd.f32 v23, v17  }
0x1ed: {  	v51 =	vld.idx.msk [tilespmem:v13+s29+$0x0], $0xffff  }
0x1ee: {  	v16 =	vadd.f32 v18, v16;
	v17 =	vadd.f32 v19, v17;
	v18 =	vld.idx.msk [tilespmem:v14+s29+$0x0], $0xffff  }
0x1ef: {  	v19 =	vld.idx.msk [tilespmem:v15+s29+$0x0], $0xffff  }
0x1f0: {  	v16 =	vadd.f32 v20, v16;
	v17 =	vadd.f32 v49, v17;
	_ =	sdelay $0x1  }
0x1f1: {  	v16 =	vadd.f32 v50, v16;
	v17 =	vadd.f32 v51, v17;
	_ =	sdelay $0x1  }
0x1f2: {  	v16 =	vadd.f32 v18, v16;
	v17 =	vadd.f32 v19, v17;
	_ =	sdelay $0x1  }
0x1f3: {  	v16 =	vadd.f32 v17, v16;
	_ =	sdelay $0x1  }
0x1f4: {  	s0 =	simm.s32 $0x99A0;
	[tilespmem:s26+$0xED60] =	vst v16  }
0x1f5: {  	v16 =	vld [tilespmem:s0+$0xFFFFFFA0]  }
0x1f6: {  	s30 =	simm.s32 $0xADA0;
	v17 =	vld [tilespmem:s0+$0xFFFFFF90]  }
0x1f7: {  	s1 =	simm.s32 $0x85A0;
	v18 =	vld [tilespmem:s30+$0xFFFFFF90]  }
0x1f8: {  	v19 =	vld [tilespmem:s1+$0xFFFFFFA0]  }
0x1f9: {  	v20 =	vld [tilespmem:s30+$0xFFFFFFA0]  }
0x1fa: {  	v52 =	vld [tilespmem:s1+$0xFFFFFF90]  }
0x1fb: {  	v53 =	vld [tilespmem:s1+$0xFFFFFFB0]  }
0x1fc: {  	v54 =	vld [tilespmem:s30+$0xFFFFFFB0]  }
0x1fd: {  	v24 =	vld [tilespmem:s30+$0xFFFFFFC0]  }
0x1fe: {  	v25 =	vld [tilespmem:s1+$0xFFFFFFC0]  }
0x1ff: {  	v19 =	vmul.bf16 v20, v19;
	v20 =	vld [tilespmem:s0+$0xFFFFFFB0]  }
0x200: {  	v18 =	vmul.bf16 v18, v52  }
0x201: {  	v16 =	vmul.bf16 v19, v16;
	v19 =	vld [tilespmem:s0+$0xFFFFFFC0]  }
0x202: {  	v17 =	vmul.bf16 v18, v17;
	v18 =	vmul.bf16 v54, v53  }
0x203: {  	v57 =	vmul.bf16 v24, v25;
	v55 =	vunpack.i.u.bf16.f32 v16;
	v16 =	vunpack.i.l.bf16.f32 v16  }
0x204: {  	v56 =	vunpack.i.u.bf16.f32 v17;
	v17 =	vunpack.i.l.bf16.f32 v17;
	v18 =	vmul.bf16 v18, v20  }
0x205: {  	v17 =	vadd.f32 v17, v56;
	v16 =	vadd.f32 v16, v55  }
0x206: {  	v19 =	vmul.bf16 v57, v19;
	v20 =	vunpack.i.u.bf16.f32 v18;
	v18 =	vunpack.i.l.bf16.f32 v18  }
0x207: {  	v16 =	vadd.f32 v16, v17;
	v17 =	vadd.f32 v18, v20  }
0x208: {  	v18 =	vunpack.i.u.bf16.f32 v19;
	v19 =	vunpack.i.l.bf16.f32 v19  }
0x209: {  	v18 =	vadd.f32 v19, v18;
	v16 =	vadd.f32 v17, v16;
	_ =	sdelay $0x1  }
0x20a: {  	v16 =	vadd.f32 v18, v16;
	_ =	sdelay $0x1  }
0x20b: {  	[tilespmem:s29+$0x0] =	vst v16  }
0x20c: {  	v16 =	vld [tilespmem:s1+$0xFFFFFFD0]  }
0x20d: {  	v17 =	vld [tilespmem:s30+$0xFFFFFFD0]  }
0x20e: {  	v18 =	vld [tilespmem:s1+$0xFFFFFFE0]  }
0x20f: {  	v19 =	vld [tilespmem:s0+$0xFFFFFFD0]  }
0x210: {  	v20 =	vld [tilespmem:s30+$0x0]  }
0x211: {  	v58 =	vld [tilespmem:s30+$0xFFFFFFE0]  }
0x212: {  	v59 =	vld [tilespmem:s30+$0xFFFFFFF0]  }
0x213: {  	v60 =	vld [tilespmem:s0+$0xFFFFFFE0]  }
0x214: {  	v61 =	vld [tilespmem:s1+$0xFFFFFFF0]  }
0x215: {  	v16 =	vmul.bf16 v17, v16;
	v17 =	vld [tilespmem:s1+$0x0];
	_ =	sdelay $0x1  }
0x216: {  	v62 =	vld [tilespmem:s0+$0xFFFFFFF0];
	v18 =	vmul.bf16 v58, v18  }
0x217: {  	v63 =	vld [tilespmem:s0+$0x0];
	v16 =	vmul.bf16 v16, v19  }
0x218: {  	v22 =	vmul.bf16 v59, v61;
	v18 =	vmul.bf16 v18, v60  }
0x219: {  	v19 =	vunpack.i.u.bf16.f32 v16;
	v16 =	vunpack.i.l.bf16.f32 v16;
	v17 =	vmul.bf16 v20, v17  }
0x21a: {  	v16 =	vadd.f32 v16, v19;
	v19 =	vunpack.i.u.bf16.f32 v18;
	v18 =	vunpack.i.l.bf16.f32 v18  }
0x21b: {  	s23 =	simm.s32 $0x8620;
	v18 =	vadd.f32 v18, v19;
	v19 =	vmul.bf16 v22, v62  }
0x21c: {  	s31 =	simm.s32 $0x11440;
	s0 =	simm.s32 $0x9A20;
	s1 =	simm.s32 $0x0;
	v17 =	vmul.bf16 v17, v63  }
.LBB2_11:
0x21d: {  	s1 =	sadd.s32 $0x2, s1;
	v20 =	vunpack.i.u.bf16.f32 v19;
	v19 =	vunpack.i.l.bf16.f32 v19;
	s30 =	sadd.s32 $0x80, s30;
	s29 =	sadd.s32 $0x22, s29  }
0x21e: {  	v16 =	vadd.f32 v18, v16;
	p0 =	slt.u32 s1, $0xE;
	v18 =	vadd.f32 v19, v20;
	v19 =	vunpack.i.u.bf16.f32 v17  }
0x21f: {  	v17 =	vunpack.i.l.bf16.f32 v17  }
0x220: {  	v17 =	vadd.f32 v17, v19;
	v16 =	vadd.f32 v18, v16;
	_ =	sdelay $0x1  }
0x221: {  	v16 =	vadd.f32 v17, v16;
	_ =	sdelay $0x1  }
0x222: {  	[tilespmem:s31+$0x11] =	vst v16;
	s31 =	smov.u32 s29  }
0x223: {  	v16 =	vld [tilespmem:s0+$0xFFFFFFA0]  }
0x224: {  	v17 =	vld [tilespmem:s0+$0xFFFFFF90]  }
0x225: {  	v18 =	vld [tilespmem:s30+$0xFFFFFF90]  }
0x226: {  	v19 =	vld [tilespmem:s23+$0xFFFFFFA0]  }
0x227: {  	v20 =	vld [tilespmem:s30+$0xFFFFFFA0]  }
0x228: {  	v21 =	vld [tilespmem:s23+$0xFFFFFF90]  }
0x229: {  	v22 =	vld [tilespmem:s23+$0xFFFFFFB0]  }
0x22a: {  	v23 =	vld [tilespmem:s30+$0xFFFFFFB0]  }
0x22b: {  	v24 =	vld [tilespmem:s30+$0xFFFFFFC0]  }
0x22c: {  	v19 =	vmul.bf16 v20, v19;
	v20 =	vld [tilespmem:s23+$0xFFFFFFC0]  }
0x22d: {  	v18 =	vmul.bf16 v18, v21;
	v21 =	vld [tilespmem:s0+$0xFFFFFFB0]  }
0x22e: {  	v16 =	vmul.bf16 v19, v16;
	v19 =	vld [tilespmem:s0+$0xFFFFFFC0]  }
0x22f: {  	v17 =	vmul.bf16 v18, v17;
	v18 =	vmul.bf16 v23, v22  }
0x230: {  	v22 =	vunpack.i.u.bf16.f32 v16;
	v16 =	vunpack.i.l.bf16.f32 v16  }
0x231: {  	v23 =	vunpack.i.u.bf16.f32 v17;
	v17 =	vunpack.i.l.bf16.f32 v17;
	v20 =	vmul.bf16 v24, v20  }
0x232: {  	v16 =	vadd.f32 v16, v22;
	v17 =	vadd.f32 v17, v23;
	v18 =	vmul.bf16 v18, v21  }
0x233: {  	v19 =	vmul.bf16 v20, v19  }
0x234: {  	v16 =	vadd.f32 v16, v17;
	v17 =	vunpack.i.u.bf16.f32 v18;
	v18 =	vunpack.i.l.bf16.f32 v18  }
0x235: {  	v17 =	vadd.f32 v18, v17;
	v18 =	vunpack.i.u.bf16.f32 v19;
	v19 =	vunpack.i.l.bf16.f32 v19  }
0x236: {  	v18 =	vadd.f32 v19, v18  }
0x237: {  	v16 =	vadd.f32 v17, v16;
	_ =	sdelay $0x1  }
0x238: {  	v16 =	vadd.f32 v18, v16;
	_ =	sdelay $0x1  }
0x239: {  	[tilespmem:s29+$0x0] =	vst v16  }
0x23a: {  	v16 =	vld [tilespmem:s23+$0xFFFFFFD0]  }
0x23b: {  	v17 =	vld [tilespmem:s30+$0xFFFFFFD0]  }
0x23c: {  	v18 =	vld [tilespmem:s23+$0xFFFFFFE0]  }
0x23d: {  	v19 =	vld [tilespmem:s0+$0xFFFFFFD0]  }
0x23e: {  	v20 =	vld [tilespmem:s30+$0x0]  }
0x23f: {  	v21 =	vld [tilespmem:s30+$0xFFFFFFE0]  }
0x240: {  	v16 =	vmul.bf16 v17, v16;
	v17 =	vld [tilespmem:s30+$0xFFFFFFF0]  }
0x241: {  	v22 =	vld [tilespmem:s0+$0xFFFFFFE0]  }
0x242: {  	v16 =	vmul.bf16 v16, v19;
	v19 =	vld [tilespmem:s23+$0xFFFFFFF0]  }
0x243: {  	v23 =	vld [tilespmem:s23+$0x0]  }
0x244: {  	v24 =	vunpack.i.u.bf16.f32 v16;
	v16 =	vunpack.i.l.bf16.f32 v16;
	v18 =	vmul.bf16 v21, v18;
	v21 =	vld [tilespmem:s0+$0xFFFFFFF0]  }
0x245: {  	v16 =	vadd.f32 v16, v24;
	v24 =	vld [tilespmem:s0+$0x0]  }
.Ltmp4:
0x246: {  	v18 =	vmul.bf16 v18, v22;
	(pc) =	sbr.rel @p0 .LBB2_11-.Ltmp4, $4  }
0x247: {  	v17 =	vmul.bf16 v17, v19  }
0x248: {  	v19 =	vunpack.i.u.bf16.f32 v18;
	v18 =	vunpack.i.l.bf16.f32 v18;
	v20 =	vmul.bf16 v20, v23  }
0x249: {  	v18 =	vadd.f32 v18, v19;
	v19 =	vmul.bf16 v17, v21  }
0x24a: {  	s23 =	sadd.s32 $0x80, s23;
	s0 =	sadd.s32 $0x80, s0;
	v17 =	vmul.bf16 v20, v24  }
0x24b: {  	v20 =	vunpack.i.u.bf16.f32 v19;
	v19 =	vunpack.i.l.bf16.f32 v19  }
0x24c: {  	v16 =	vadd.f32 v18, v16;
	v18 =	vadd.f32 v19, v20  }
0x24d: {  	v19 =	vunpack.i.u.bf16.f32 v17;
	v17 =	vunpack.i.l.bf16.f32 v17  }
0x24e: {  	v17 =	vadd.f32 v17, v19;
	v16 =	vadd.f32 v18, v16;
	_ =	sdelay $0x1  }
0x24f: {  	v16 =	vadd.f32 v17, v16;
	_ =	sdelay $0x1  }
0x250: {  	s29 =	simm.s32 $0x11440;
	[tilespmem:s31+$0x11] =	vst v16  }
0x251: {  	v16 =	vld.idx.msk [tilespmem:v0+s29+$0x0], $0xffff  }
0x252: {  	v17 =	vld.idx.msk [tilespmem:v1+s29+$0x0], $0xffff  }
0x253: {  	v18 =	vld.idx.msk [tilespmem:v2+s29+$0x0], $0xffff  }
0x254: {  	v19 =	vld.idx.msk [tilespmem:v3+s29+$0x0], $0xffff  }
0x255: {  	v20 =	vld.idx.msk [tilespmem:v4+s29+$0x0], $0xffff  }
0x256: {  	v21 =	vld.idx.msk [tilespmem:v5+s29+$0x0], $0xffff  }
0x257: {  	v22 =	vld.idx.msk [tilespmem:v6+s29+$0x0], $0xffff  }
0x258: {  	v23 =	vld.idx.msk [tilespmem:v7+s29+$0x0], $0xffff  }
0x259: {  	v16 =	vadd.f32 v18, v16;
	v17 =	vadd.f32 v19, v17;
	v18 =	vld.idx.msk [tilespmem:v8+s29+$0x0], $0xffff  }
0x25a: {  	v19 =	vld.idx.msk [tilespmem:v9+s29+$0x0], $0xffff  }
0x25b: {  	v49 =	vld.idx.msk [tilespmem:v11+s29+$0x0], $0xffff;
	v16 =	vadd.f32 v20, v16;
	v17 =	vadd.f32 v21, v17  }
0x25c: {  	v20 =	vld.idx.msk [tilespmem:v10+s29+$0x0], $0xffff  }
0x25d: {  	v50 =	vld.idx.msk [tilespmem:v12+s29+$0x0], $0xffff;
	v16 =	vadd.f32 v22, v16;
	v17 =	vadd.f32 v23, v17  }
0x25e: {  	v51 =	vld.idx.msk [tilespmem:v13+s29+$0x0], $0xffff  }
0x25f: {  	v16 =	vadd.f32 v18, v16;
	v17 =	vadd.f32 v19, v17;
	v18 =	vld.idx.msk [tilespmem:v14+s29+$0x0], $0xffff  }
0x260: {  	v19 =	vld.idx.msk [tilespmem:v15+s29+$0x0], $0xffff  }
0x261: {  	v16 =	vadd.f32 v20, v16;
	v17 =	vadd.f32 v49, v17;
	_ =	sdelay $0x1  }
0x262: {  	v16 =	vadd.f32 v50, v16;
	v17 =	vadd.f32 v51, v17;
	_ =	sdelay $0x1  }
0x263: {  	v16 =	vadd.f32 v18, v16;
	v17 =	vadd.f32 v19, v17;
	_ =	sdelay $0x1  }
0x264: {  	v16 =	vadd.f32 v17, v16;
	_ =	sdelay $0x1  }
0x265: {  	s0 =	sadd.s32 $0xA0, s26;
	[tilespmem:s26+$0xED70] =	vst v16  }
0x266: {  	[tilespmem:s14], [sflag:$0x1] =	stream.indirect.gather [hbm4b:s3+s13], $0x40, s0, s13, $0xb8;
	[tilespmem:$0x11550] =	vst v63  }
0x267: {  	s23 =	sadd.s32 $0x27B0, s26  }
0x268: {  	[tilespmem:s15], [sflag:$0x1] =	stream.indirect.gather [hbm4b:s3+s13], $0x40, s23, s13, $0xb8;
	[tilespmem:$0x11550] =	vst v63  }
0x269: {  	s1 =	sadd.s32 $0x4EC0, s26  }
0x26a: {  	[tilespmem:s16], [sflag:$0x1] =	stream.indirect.gather [hbm4b:s4+s13], $0x40, s1, s13, $0xb8;
	[tilespmem:$0x11550] =	vst v63  }
0x26b: {  	_ =	swait.ge [sflag:s21], $0x1400  }
0x26c: {  	[sflag:s21] =	ssyncset.done $0x0  }
0x26d: {  	[sflag:s21] =	ssyncadd.s32 $0xFFFFEC00  }
0x26e: {  	_ =	swait.ge [sflag:s21], $0x1400  }
0x26f: {  	[sflag:s21] =	ssyncset.done $0x0  }
0x270: {  	[sflag:s21] =	ssyncadd.s32 $0xFFFFEC00  }
0x271: {  	_ =	swait.ge [sflag:s21], $0x1400  }
0x272: {  	[sflag:s21] =	ssyncset.done $0x0  }
0x273: {  	s23 =	simm.s32 $0xC570;
	[sflag:s21] =	ssyncadd.s32 $0xFFFFEC00  }
0x274: {  	v16 =	vld [tilespmem:s23+$0xFFFFFFD0]  }
0x275: {  	s1 =	simm.s32 $0xD970;
	v17 =	vld [tilespmem:s23+$0xFFFFFFC0]  }
0x276: {  	s30 =	simm.s32 $0xB170;
	v18 =	vld [tilespmem:s1+$0xFFFFFFC0]  }
0x277: {  	v19 =	vld [tilespmem:s30+$0xFFFFFFD0]  }
0x278: {  	v20 =	vld [tilespmem:s1+$0xFFFFFFD0]  }
0x279: {  	v52 =	vld [tilespmem:s30+$0xFFFFFFC0]  }
0x27a: {  	v53 =	vld [tilespmem:s30+$0xFFFFFFE0]  }
0x27b: {  	v54 =	vld [tilespmem:s1+$0xFFFFFFE0]  }
0x27c: {  	v24 =	vld [tilespmem:s1+$0xFFFFFFF0]  }
0x27d: {  	v25 =	vld [tilespmem:s30+$0xFFFFFFF0]  }
0x27e: {  	v19 =	vmul.bf16 v20, v19;
	v20 =	vld [tilespmem:s23+$0xFFFFFFE0]  }
0x27f: {  	v18 =	vmul.bf16 v18, v52  }
0x280: {  	v16 =	vmul.bf16 v19, v16;
	v19 =	vld [tilespmem:s23+$0xFFFFFFF0]  }
0x281: {  	v17 =	vmul.bf16 v18, v17;
	v18 =	vmul.bf16 v54, v53  }
0x282: {  	v57 =	vmul.bf16 v24, v25;
	v55 =	vunpack.i.u.bf16.f32 v16;
	v16 =	vunpack.i.l.bf16.f32 v16  }
0x283: {  	v56 =	vunpack.i.u.bf16.f32 v17;
	v17 =	vunpack.i.l.bf16.f32 v17;
	v18 =	vmul.bf16 v18, v20  }
0x284: {  	v17 =	vadd.f32 v17, v56;
	v16 =	vadd.f32 v16, v55  }
0x285: {  	v19 =	vmul.bf16 v57, v19;
	v20 =	vunpack.i.u.bf16.f32 v18;
	v18 =	vunpack.i.l.bf16.f32 v18  }
0x286: {  	v16 =	vadd.f32 v16, v17;
	v17 =	vadd.f32 v18, v20  }
0x287: {  	v18 =	vunpack.i.u.bf16.f32 v19;
	v19 =	vunpack.i.l.bf16.f32 v19  }
0x288: {  	v18 =	vadd.f32 v19, v18;
	v16 =	vadd.f32 v17, v16;
	_ =	sdelay $0x1  }
0x289: {  	v16 =	vadd.f32 v18, v16;
	_ =	sdelay $0x1  }
0x28a: {  	[tilespmem:s29+$0x0] =	vst v16  }
0x28b: {  	v16 =	vld [tilespmem:s30+$0x0]  }
0x28c: {  	v17 =	vld [tilespmem:s1+$0x0]  }
0x28d: {  	v18 =	vld [tilespmem:s30+$0x10]  }
0x28e: {  	v19 =	vld [tilespmem:s23+$0x0]  }
0x28f: {  	v20 =	vld [tilespmem:s1+$0x30]  }
0x290: {  	v58 =	vld [tilespmem:s1+$0x10]  }
0x291: {  	v59 =	vld [tilespmem:s1+$0x20]  }
0x292: {  	v60 =	vld [tilespmem:s23+$0x10]  }
0x293: {  	v61 =	vld [tilespmem:s30+$0x20]  }
0x294: {  	v16 =	vmul.bf16 v17, v16;
	v17 =	vld [tilespmem:s30+$0x30];
	_ =	sdelay $0x1  }
0x295: {  	v62 =	vld [tilespmem:s23+$0x20];
	v18 =	vmul.bf16 v58, v18  }
0x296: {  	v63 =	vld [tilespmem:s23+$0x30];
	v16 =	vmul.bf16 v16, v19  }
0x297: {  	v22 =	vmul.bf16 v59, v61;
	v18 =	vmul.bf16 v18, v60  }
0x298: {  	v19 =	vunpack.i.u.bf16.f32 v16;
	v16 =	vunpack.i.l.bf16.f32 v16;
	v17 =	vmul.bf16 v20, v17  }
0x299: {  	v16 =	vadd.f32 v16, v19;
	v19 =	vunpack.i.u.bf16.f32 v18;
	v18 =	vunpack.i.l.bf16.f32 v18  }
0x29a: {  	s31 =	simm.s32 $0x11440;
	v18 =	vadd.f32 v18, v19;
	v19 =	vmul.bf16 v22, v62  }
0x29b: {  	s0 =	simm.s32 $0xC5F0;
	s1 =	simm.s32 $0x0;
	s23 =	simm.s32 $0xD9F0;
	v17 =	vmul.bf16 v17, v63  }
.LBB2_13:
0x29c: {  	s1 =	sadd.s32 $0x2, s1;
	v20 =	vunpack.i.u.bf16.f32 v19;
	v19 =	vunpack.i.l.bf16.f32 v19;
	s29 =	sadd.s32 $0x22, s29;
	s30 =	sadd.s32 $0x80, s30  }
0x29d: {  	v16 =	vadd.f32 v18, v16;
	p0 =	slt.u32 s1, $0xE;
	v18 =	vadd.f32 v19, v20;
	v19 =	vunpack.i.u.bf16.f32 v17  }
0x29e: {  	v17 =	vunpack.i.l.bf16.f32 v17  }
0x29f: {  	v17 =	vadd.f32 v17, v19;
	v16 =	vadd.f32 v18, v16;
	_ =	sdelay $0x1  }
0x2a0: {  	v16 =	vadd.f32 v17, v16;
	_ =	sdelay $0x1  }
0x2a1: {  	[tilespmem:s31+$0x11] =	vst v16;
	s31 =	smov.u32 s29  }
0x2a2: {  	v16 =	vld [tilespmem:s0+$0xFFFFFFD0]  }
0x2a3: {  	v17 =	vld [tilespmem:s0+$0xFFFFFFC0]  }
0x2a4: {  	v18 =	vld [tilespmem:s23+$0xFFFFFFC0]  }
0x2a5: {  	v19 =	vld [tilespmem:s30+$0xFFFFFFD0]  }
0x2a6: {  	v20 =	vld [tilespmem:s23+$0xFFFFFFD0]  }
0x2a7: {  	v21 =	vld [tilespmem:s30+$0xFFFFFFC0]  }
0x2a8: {  	v22 =	vld [tilespmem:s30+$0xFFFFFFE0]  }
0x2a9: {  	v23 =	vld [tilespmem:s23+$0xFFFFFFE0]  }
0x2aa: {  	v24 =	vld [tilespmem:s23+$0xFFFFFFF0]  }
0x2ab: {  	v19 =	vmul.bf16 v20, v19;
	v20 =	vld [tilespmem:s30+$0xFFFFFFF0]  }
0x2ac: {  	v18 =	vmul.bf16 v18, v21;
	v21 =	vld [tilespmem:s0+$0xFFFFFFE0]  }
0x2ad: {  	v16 =	vmul.bf16 v19, v16;
	v19 =	vld [tilespmem:s0+$0xFFFFFFF0]  }
0x2ae: {  	v17 =	vmul.bf16 v18, v17;
	v18 =	vmul.bf16 v23, v22  }
0x2af: {  	v22 =	vunpack.i.u.bf16.f32 v16;
	v16 =	vunpack.i.l.bf16.f32 v16  }
0x2b0: {  	v23 =	vunpack.i.u.bf16.f32 v17;
	v17 =	vunpack.i.l.bf16.f32 v17;
	v20 =	vmul.bf16 v24, v20  }
0x2b1: {  	v16 =	vadd.f32 v16, v22;
	v17 =	vadd.f32 v17, v23;
	v18 =	vmul.bf16 v18, v21  }
0x2b2: {  	v19 =	vmul.bf16 v20, v19  }
0x2b3: {  	v16 =	vadd.f32 v16, v17;
	v17 =	vunpack.i.u.bf16.f32 v18;
	v18 =	vunpack.i.l.bf16.f32 v18  }
0x2b4: {  	v17 =	vadd.f32 v18, v17;
	v18 =	vunpack.i.u.bf16.f32 v19;
	v19 =	vunpack.i.l.bf16.f32 v19  }
0x2b5: {  	v18 =	vadd.f32 v19, v18  }
0x2b6: {  	v16 =	vadd.f32 v17, v16;
	_ =	sdelay $0x1  }
0x2b7: {  	v16 =	vadd.f32 v18, v16;
	_ =	sdelay $0x1  }
0x2b8: {  	[tilespmem:s29+$0x0] =	vst v16  }
0x2b9: {  	v16 =	vld [tilespmem:s30+$0x0]  }
0x2ba: {  	v17 =	vld [tilespmem:s23+$0x0]  }
0x2bb: {  	v18 =	vld [tilespmem:s30+$0x10]  }
0x2bc: {  	v19 =	vld [tilespmem:s0+$0x0]  }
0x2bd: {  	v20 =	vld [tilespmem:s23+$0x30]  }
0x2be: {  	v21 =	vld [tilespmem:s23+$0x10]  }
0x2bf: {  	v16 =	vmul.bf16 v17, v16;
	v17 =	vld [tilespmem:s23+$0x20]  }
0x2c0: {  	v22 =	vld [tilespmem:s0+$0x10]  }
0x2c1: {  	v16 =	vmul.bf16 v16, v19;
	v19 =	vld [tilespmem:s30+$0x20]  }
0x2c2: {  	v23 =	vld [tilespmem:s30+$0x30]  }
0x2c3: {  	v24 =	vunpack.i.u.bf16.f32 v16;
	v16 =	vunpack.i.l.bf16.f32 v16;
	v18 =	vmul.bf16 v21, v18;
	v21 =	vld [tilespmem:s0+$0x20]  }
0x2c4: {  	v16 =	vadd.f32 v16, v24;
	v24 =	vld [tilespmem:s0+$0x30]  }
.Ltmp5:
0x2c5: {  	v18 =	vmul.bf16 v18, v22;
	(pc) =	sbr.rel @p0 .LBB2_13-.Ltmp5, $4  }
0x2c6: {  	v17 =	vmul.bf16 v17, v19  }
0x2c7: {  	v19 =	vunpack.i.u.bf16.f32 v18;
	v18 =	vunpack.i.l.bf16.f32 v18;
	v20 =	vmul.bf16 v20, v23  }
0x2c8: {  	v18 =	vadd.f32 v18, v19;
	v19 =	vmul.bf16 v17, v21  }
0x2c9: {  	s23 =	sadd.s32 $0x80, s23;
	s0 =	sadd.s32 $0x80, s0;
	v17 =	vmul.bf16 v20, v24  }
0x2ca: {  	v20 =	vunpack.i.u.bf16.f32 v19;
	v19 =	vunpack.i.l.bf16.f32 v19  }
0x2cb: {  	v16 =	vadd.f32 v18, v16;
	v18 =	vadd.f32 v19, v20  }
0x2cc: {  	v19 =	vunpack.i.u.bf16.f32 v17;
	v17 =	vunpack.i.l.bf16.f32 v17  }
0x2cd: {  	v17 =	vadd.f32 v17, v19;
	v16 =	vadd.f32 v18, v16;
	_ =	sdelay $0x1  }
0x2ce: {  	v16 =	vadd.f32 v17, v16;
	_ =	sdelay $0x1  }
0x2cf: {  	s29 =	simm.s32 $0x11440;
	[tilespmem:s31+$0x11] =	vst v16  }
0x2d0: {  	v16 =	vld.idx.msk [tilespmem:v0+s29+$0x0], $0xffff  }
0x2d1: {  	v17 =	vld.idx.msk [tilespmem:v1+s29+$0x0], $0xffff  }
0x2d2: {  	v18 =	vld.idx.msk [tilespmem:v2+s29+$0x0], $0xffff  }
0x2d3: {  	v19 =	vld.idx.msk [tilespmem:v3+s29+$0x0], $0xffff  }
0x2d4: {  	v20 =	vld.idx.msk [tilespmem:v4+s29+$0x0], $0xffff  }
0x2d5: {  	v21 =	vld.idx.msk [tilespmem:v5+s29+$0x0], $0xffff  }
0x2d6: {  	v22 =	vld.idx.msk [tilespmem:v6+s29+$0x0], $0xffff  }
0x2d7: {  	v23 =	vld.idx.msk [tilespmem:v7+s29+$0x0], $0xffff  }
0x2d8: {  	v16 =	vadd.f32 v18, v16;
	v17 =	vadd.f32 v19, v17;
	v18 =	vld.idx.msk [tilespmem:v8+s29+$0x0], $0xffff  }
0x2d9: {  	v19 =	vld.idx.msk [tilespmem:v9+s29+$0x0], $0xffff  }
0x2da: {  	v49 =	vld.idx.msk [tilespmem:v11+s29+$0x0], $0xffff;
	v16 =	vadd.f32 v20, v16;
	v17 =	vadd.f32 v21, v17  }
0x2db: {  	v20 =	vld.idx.msk [tilespmem:v10+s29+$0x0], $0xffff  }
0x2dc: {  	v50 =	vld.idx.msk [tilespmem:v12+s29+$0x0], $0xffff;
	v16 =	vadd.f32 v22, v16;
	v17 =	vadd.f32 v23, v17  }
0x2dd: {  	v51 =	vld.idx.msk [tilespmem:v13+s29+$0x0], $0xffff  }
0x2de: {  	v16 =	vadd.f32 v18, v16;
	v17 =	vadd.f32 v19, v17;
	v18 =	vld.idx.msk [tilespmem:v14+s29+$0x0], $0xffff  }
0x2df: {  	v19 =	vld.idx.msk [tilespmem:v15+s29+$0x0], $0xffff  }
0x2e0: {  	v16 =	vadd.f32 v20, v16;
	v17 =	vadd.f32 v49, v17;
	_ =	sdelay $0x1  }
0x2e1: {  	v16 =	vadd.f32 v50, v16;
	v17 =	vadd.f32 v51, v17;
	_ =	sdelay $0x1  }
0x2e2: {  	v16 =	vadd.f32 v18, v16;
	v17 =	vadd.f32 v19, v17;
	_ =	sdelay $0x1  }
0x2e3: {  	v16 =	vadd.f32 v17, v16;
	_ =	sdelay $0x1  }
0x2e4: {  	s0 =	simm.s32 $0xC9A0;
	[tilespmem:s28+$0xED30] =	vst v16  }
0x2e5: {  	v16 =	vld [tilespmem:s0+$0xFFFFFFA0]  }
0x2e6: {  	s28 =	simm.s32 $0xDDA0;
	v17 =	vld [tilespmem:s0+$0xFFFFFF90]  }
0x2e7: {  	s1 =	simm.s32 $0xB5A0;
	v18 =	vld [tilespmem:s28+$0xFFFFFF90]  }
0x2e8: {  	v19 =	vld [tilespmem:s1+$0xFFFFFFA0]  }
0x2e9: {  	v20 =	vld [tilespmem:s28+$0xFFFFFFA0]  }
0x2ea: {  	v52 =	vld [tilespmem:s1+$0xFFFFFF90]  }
0x2eb: {  	v53 =	vld [tilespmem:s1+$0xFFFFFFB0]  }
0x2ec: {  	v54 =	vld [tilespmem:s28+$0xFFFFFFB0]  }
0x2ed: {  	v24 =	vld [tilespmem:s28+$0xFFFFFFC0]  }
0x2ee: {  	v25 =	vld [tilespmem:s1+$0xFFFFFFC0]  }
0x2ef: {  	v19 =	vmul.bf16 v20, v19;
	v20 =	vld [tilespmem:s0+$0xFFFFFFB0]  }
0x2f0: {  	v18 =	vmul.bf16 v18, v52  }
0x2f1: {  	v16 =	vmul.bf16 v19, v16;
	v19 =	vld [tilespmem:s0+$0xFFFFFFC0]  }
0x2f2: {  	v17 =	vmul.bf16 v18, v17;
	v18 =	vmul.bf16 v54, v53  }
0x2f3: {  	v57 =	vmul.bf16 v24, v25;
	v55 =	vunpack.i.u.bf16.f32 v16;
	v16 =	vunpack.i.l.bf16.f32 v16  }
0x2f4: {  	v56 =	vunpack.i.u.bf16.f32 v17;
	v17 =	vunpack.i.l.bf16.f32 v17;
	v18 =	vmul.bf16 v18, v20  }
0x2f5: {  	v17 =	vadd.f32 v17, v56;
	v16 =	vadd.f32 v16, v55  }
0x2f6: {  	v19 =	vmul.bf16 v57, v19;
	v20 =	vunpack.i.u.bf16.f32 v18;
	v18 =	vunpack.i.l.bf16.f32 v18  }
0x2f7: {  	v16 =	vadd.f32 v16, v17;
	v17 =	vadd.f32 v18, v20  }
0x2f8: {  	v18 =	vunpack.i.u.bf16.f32 v19;
	v19 =	vunpack.i.l.bf16.f32 v19  }
0x2f9: {  	v18 =	vadd.f32 v19, v18;
	v16 =	vadd.f32 v17, v16;
	_ =	sdelay $0x1  }
0x2fa: {  	v16 =	vadd.f32 v18, v16;
	_ =	sdelay $0x1  }
0x2fb: {  	[tilespmem:s29+$0x0] =	vst v16  }
0x2fc: {  	v16 =	vld [tilespmem:s1+$0xFFFFFFD0]  }
0x2fd: {  	v17 =	vld [tilespmem:s28+$0xFFFFFFD0]  }
0x2fe: {  	v18 =	vld [tilespmem:s1+$0xFFFFFFE0]  }
0x2ff: {  	v19 =	vld [tilespmem:s0+$0xFFFFFFD0]  }
0x300: {  	v20 =	vld [tilespmem:s28+$0x0]  }
0x301: {  	v58 =	vld [tilespmem:s28+$0xFFFFFFE0]  }
0x302: {  	v59 =	vld [tilespmem:s28+$0xFFFFFFF0]  }
0x303: {  	v60 =	vld [tilespmem:s0+$0xFFFFFFE0]  }
0x304: {  	v61 =	vld [tilespmem:s1+$0xFFFFFFF0]  }
0x305: {  	v16 =	vmul.bf16 v17, v16;
	v17 =	vld [tilespmem:s1+$0x0];
	_ =	sdelay $0x1  }
0x306: {  	v62 =	vld [tilespmem:s0+$0xFFFFFFF0];
	v18 =	vmul.bf16 v58, v18  }
0x307: {  	v63 =	vld [tilespmem:s0+$0x0];
	v16 =	vmul.bf16 v16, v19  }
0x308: {  	v22 =	vmul.bf16 v59, v61;
	v18 =	vmul.bf16 v18, v60  }
0x309: {  	v19 =	vunpack.i.u.bf16.f32 v16;
	v16 =	vunpack.i.l.bf16.f32 v16;
	v17 =	vmul.bf16 v20, v17  }
0x30a: {  	v16 =	vadd.f32 v16, v19;
	v19 =	vunpack.i.u.bf16.f32 v18;
	v18 =	vunpack.i.l.bf16.f32 v18  }
0x30b: {  	s23 =	simm.s32 $0xB620;
	v18 =	vadd.f32 v18, v19;
	v19 =	vmul.bf16 v22, v62  }
0x30c: {  	s30 =	simm.s32 $0x11440;
	s0 =	simm.s32 $0xCA20;
	s1 =	simm.s32 $0x0;
	v17 =	vmul.bf16 v17, v63  }
.LBB2_15:
0x30d: {  	s1 =	sadd.s32 $0x2, s1;
	v20 =	vunpack.i.u.bf16.f32 v19;
	v19 =	vunpack.i.l.bf16.f32 v19;
	s28 =	sadd.s32 $0x80, s28;
	s29 =	sadd.s32 $0x22, s29  }
0x30e: {  	v16 =	vadd.f32 v18, v16;
	p0 =	slt.u32 s1, $0xE;
	v18 =	vadd.f32 v19, v20;
	v19 =	vunpack.i.u.bf16.f32 v17  }
0x30f: {  	v17 =	vunpack.i.l.bf16.f32 v17  }
0x310: {  	v17 =	vadd.f32 v17, v19;
	v16 =	vadd.f32 v18, v16;
	_ =	sdelay $0x1  }
0x311: {  	v16 =	vadd.f32 v17, v16;
	_ =	sdelay $0x1  }
0x312: {  	[tilespmem:s30+$0x11] =	vst v16;
	s30 =	smov.u32 s29  }
0x313: {  	v16 =	vld [tilespmem:s0+$0xFFFFFFA0]  }
0x314: {  	v17 =	vld [tilespmem:s0+$0xFFFFFF90]  }
0x315: {  	v18 =	vld [tilespmem:s28+$0xFFFFFF90]  }
0x316: {  	v19 =	vld [tilespmem:s23+$0xFFFFFFA0]  }
0x317: {  	v20 =	vld [tilespmem:s28+$0xFFFFFFA0]  }
0x318: {  	v21 =	vld [tilespmem:s23+$0xFFFFFF90]  }
0x319: {  	v22 =	vld [tilespmem:s23+$0xFFFFFFB0]  }
0x31a: {  	v23 =	vld [tilespmem:s28+$0xFFFFFFB0]  }
0x31b: {  	v24 =	vld [tilespmem:s28+$0xFFFFFFC0]  }
0x31c: {  	v19 =	vmul.bf16 v20, v19;
	v20 =	vld [tilespmem:s23+$0xFFFFFFC0]  }
0x31d: {  	v18 =	vmul.bf16 v18, v21;
	v21 =	vld [tilespmem:s0+$0xFFFFFFB0]  }
0x31e: {  	v16 =	vmul.bf16 v19, v16;
	v19 =	vld [tilespmem:s0+$0xFFFFFFC0]  }
0x31f: {  	v17 =	vmul.bf16 v18, v17;
	v18 =	vmul.bf16 v23, v22  }
0x320: {  	v22 =	vunpack.i.u.bf16.f32 v16;
	v16 =	vunpack.i.l.bf16.f32 v16  }
0x321: {  	v23 =	vunpack.i.u.bf16.f32 v17;
	v17 =	vunpack.i.l.bf16.f32 v17;
	v20 =	vmul.bf16 v24, v20  }
0x322: {  	v16 =	vadd.f32 v16, v22;
	v17 =	vadd.f32 v17, v23;
	v18 =	vmul.bf16 v18, v21  }
0x323: {  	v19 =	vmul.bf16 v20, v19  }
0x324: {  	v16 =	vadd.f32 v16, v17;
	v17 =	vunpack.i.u.bf16.f32 v18;
	v18 =	vunpack.i.l.bf16.f32 v18  }
0x325: {  	v17 =	vadd.f32 v18, v17;
	v18 =	vunpack.i.u.bf16.f32 v19;
	v19 =	vunpack.i.l.bf16.f32 v19  }
0x326: {  	v18 =	vadd.f32 v19, v18  }
0x327: {  	v16 =	vadd.f32 v17, v16;
	_ =	sdelay $0x1  }
0x328: {  	v16 =	vadd.f32 v18, v16;
	_ =	sdelay $0x1  }
0x329: {  	[tilespmem:s29+$0x0] =	vst v16  }
0x32a: {  	v16 =	vld [tilespmem:s23+$0xFFFFFFD0]  }
0x32b: {  	v17 =	vld [tilespmem:s28+$0xFFFFFFD0]  }
0x32c: {  	v18 =	vld [tilespmem:s23+$0xFFFFFFE0]  }
0x32d: {  	v19 =	vld [tilespmem:s0+$0xFFFFFFD0]  }
0x32e: {  	v20 =	vld [tilespmem:s28+$0x0]  }
0x32f: {  	v21 =	vld [tilespmem:s28+$0xFFFFFFE0]  }
0x330: {  	v16 =	vmul.bf16 v17, v16;
	v17 =	vld [tilespmem:s28+$0xFFFFFFF0]  }
0x331: {  	v22 =	vld [tilespmem:s0+$0xFFFFFFE0]  }
0x332: {  	v16 =	vmul.bf16 v16, v19;
	v19 =	vld [tilespmem:s23+$0xFFFFFFF0]  }
0x333: {  	v23 =	vld [tilespmem:s23+$0x0]  }
0x334: {  	v24 =	vunpack.i.u.bf16.f32 v16;
	v16 =	vunpack.i.l.bf16.f32 v16;
	v18 =	vmul.bf16 v21, v18;
	v21 =	vld [tilespmem:s0+$0xFFFFFFF0]  }
0x335: {  	v16 =	vadd.f32 v16, v24;
	v24 =	vld [tilespmem:s0+$0x0]  }
.Ltmp6:
0x336: {  	v18 =	vmul.bf16 v18, v22;
	(pc) =	sbr.rel @p0 .LBB2_15-.Ltmp6, $4  }
0x337: {  	v17 =	vmul.bf16 v17, v19  }
0x338: {  	v19 =	vunpack.i.u.bf16.f32 v18;
	v18 =	vunpack.i.l.bf16.f32 v18;
	v20 =	vmul.bf16 v20, v23  }
0x339: {  	v18 =	vadd.f32 v18, v19;
	v19 =	vmul.bf16 v17, v21  }
0x33a: {  	s23 =	sadd.s32 $0x80, s23;
	s0 =	sadd.s32 $0x80, s0;
	v17 =	vmul.bf16 v20, v24  }
0x33b: {  	v20 =	vunpack.i.u.bf16.f32 v19;
	v19 =	vunpack.i.l.bf16.f32 v19  }
0x33c: {  	v16 =	vadd.f32 v18, v16;
	v18 =	vadd.f32 v19, v20  }
0x33d: {  	v19 =	vunpack.i.u.bf16.f32 v17;
	v17 =	vunpack.i.l.bf16.f32 v17  }
0x33e: {  	v17 =	vadd.f32 v17, v19;
	v16 =	vadd.f32 v18, v16;
	_ =	sdelay $0x1  }
0x33f: {  	v16 =	vadd.f32 v17, v16;
	_ =	sdelay $0x1  }
0x340: {  	s28 =	simm.s32 $0x11440;
	[tilespmem:s30+$0x11] =	vst v16  }
0x341: {  	v16 =	vld.idx.msk [tilespmem:v0+s28+$0x0], $0xffff  }
0x342: {  	v17 =	vld.idx.msk [tilespmem:v1+s28+$0x0], $0xffff  }
0x343: {  	v18 =	vld.idx.msk [tilespmem:v2+s28+$0x0], $0xffff  }
0x344: {  	v19 =	vld.idx.msk [tilespmem:v3+s28+$0x0], $0xffff  }
0x345: {  	v20 =	vld.idx.msk [tilespmem:v4+s28+$0x0], $0xffff  }
0x346: {  	v21 =	vld.idx.msk [tilespmem:v5+s28+$0x0], $0xffff  }
0x347: {  	v22 =	vld.idx.msk [tilespmem:v6+s28+$0x0], $0xffff  }
0x348: {  	v23 =	vld.idx.msk [tilespmem:v7+s28+$0x0], $0xffff  }
0x349: {  	v16 =	vadd.f32 v18, v16;
	v17 =	vadd.f32 v19, v17;
	v18 =	vld.idx.msk [tilespmem:v8+s28+$0x0], $0xffff  }
0x34a: {  	v19 =	vld.idx.msk [tilespmem:v9+s28+$0x0], $0xffff  }
0x34b: {  	v49 =	vld.idx.msk [tilespmem:v11+s28+$0x0], $0xffff;
	v16 =	vadd.f32 v20, v16;
	v17 =	vadd.f32 v21, v17  }
0x34c: {  	v20 =	vld.idx.msk [tilespmem:v10+s28+$0x0], $0xffff  }
0x34d: {  	v50 =	vld.idx.msk [tilespmem:v12+s28+$0x0], $0xffff;
	v16 =	vadd.f32 v22, v16;
	v17 =	vadd.f32 v23, v17  }
0x34e: {  	v51 =	vld.idx.msk [tilespmem:v13+s28+$0x0], $0xffff  }
0x34f: {  	v16 =	vadd.f32 v18, v16;
	v17 =	vadd.f32 v19, v17;
	v18 =	vld.idx.msk [tilespmem:v14+s28+$0x0], $0xffff  }
0x350: {  	v19 =	vld.idx.msk [tilespmem:v15+s28+$0x0], $0xffff  }
0x351: {  	v16 =	vadd.f32 v20, v16;
	v17 =	vadd.f32 v49, v17;
	_ =	sdelay $0x1  }
0x352: {  	v16 =	vadd.f32 v50, v16;
	v17 =	vadd.f32 v51, v17;
	_ =	sdelay $0x1  }
0x353: {  	v16 =	vadd.f32 v18, v16;
	v17 =	vadd.f32 v19, v17;
	_ =	sdelay $0x1  }
0x354: {  	v16 =	vadd.f32 v17, v16;
	_ =	sdelay $0x1  }
0x355: {  	s0 =	simm.s32 $0xCDA0;
	[tilespmem:s26+$0xED90] =	vst v16  }
0x356: {  	v16 =	vld [tilespmem:s0+$0xFFFFFFA0]  }
0x357: {  	s29 =	simm.s32 $0xE1A0;
	v17 =	vld [tilespmem:s0+$0xFFFFFF90]  }
0x358: {  	s1 =	simm.s32 $0xB9A0;
	v18 =	vld [tilespmem:s29+$0xFFFFFF90]  }
0x359: {  	v19 =	vld [tilespmem:s1+$0xFFFFFFA0]  }
0x35a: {  	v20 =	vld [tilespmem:s29+$0xFFFFFFA0]  }
0x35b: {  	v52 =	vld [tilespmem:s1+$0xFFFFFF90]  }
0x35c: {  	v53 =	vld [tilespmem:s1+$0xFFFFFFB0]  }
0x35d: {  	v54 =	vld [tilespmem:s29+$0xFFFFFFB0]  }
0x35e: {  	v24 =	vld [tilespmem:s29+$0xFFFFFFC0]  }
0x35f: {  	v25 =	vld [tilespmem:s1+$0xFFFFFFC0]  }
0x360: {  	v19 =	vmul.bf16 v20, v19;
	v20 =	vld [tilespmem:s0+$0xFFFFFFB0]  }
0x361: {  	v18 =	vmul.bf16 v18, v52  }
0x362: {  	v16 =	vmul.bf16 v19, v16;
	v19 =	vld [tilespmem:s0+$0xFFFFFFC0]  }
0x363: {  	v17 =	vmul.bf16 v18, v17;
	v18 =	vmul.bf16 v54, v53  }
0x364: {  	v57 =	vmul.bf16 v24, v25;
	v55 =	vunpack.i.u.bf16.f32 v16;
	v16 =	vunpack.i.l.bf16.f32 v16  }
0x365: {  	v56 =	vunpack.i.u.bf16.f32 v17;
	v17 =	vunpack.i.l.bf16.f32 v17;
	v18 =	vmul.bf16 v18, v20  }
0x366: {  	v17 =	vadd.f32 v17, v56;
	v16 =	vadd.f32 v16, v55  }
0x367: {  	v19 =	vmul.bf16 v57, v19;
	v20 =	vunpack.i.u.bf16.f32 v18;
	v18 =	vunpack.i.l.bf16.f32 v18  }
0x368: {  	v16 =	vadd.f32 v16, v17;
	v17 =	vadd.f32 v18, v20  }
0x369: {  	v18 =	vunpack.i.u.bf16.f32 v19;
	v19 =	vunpack.i.l.bf16.f32 v19  }
0x36a: {  	v18 =	vadd.f32 v19, v18;
	v16 =	vadd.f32 v17, v16;
	_ =	sdelay $0x1  }
0x36b: {  	v16 =	vadd.f32 v18, v16;
	_ =	sdelay $0x1  }
0x36c: {  	[tilespmem:s28+$0x0] =	vst v16  }
0x36d: {  	v16 =	vld [tilespmem:s1+$0xFFFFFFD0]  }
0x36e: {  	v17 =	vld [tilespmem:s29+$0xFFFFFFD0]  }
0x36f: {  	v18 =	vld [tilespmem:s1+$0xFFFFFFE0]  }
0x370: {  	v19 =	vld [tilespmem:s0+$0xFFFFFFD0]  }
0x371: {  	v20 =	vld [tilespmem:s29+$0x0]  }
0x372: {  	v58 =	vld [tilespmem:s29+$0xFFFFFFE0]  }
0x373: {  	v59 =	vld [tilespmem:s29+$0xFFFFFFF0]  }
0x374: {  	v60 =	vld [tilespmem:s0+$0xFFFFFFE0]  }
0x375: {  	v61 =	vld [tilespmem:s1+$0xFFFFFFF0]  }
0x376: {  	v16 =	vmul.bf16 v17, v16;
	v17 =	vld [tilespmem:s1+$0x0];
	_ =	sdelay $0x1  }
0x377: {  	v62 =	vld [tilespmem:s0+$0xFFFFFFF0];
	v18 =	vmul.bf16 v58, v18  }
0x378: {  	v63 =	vld [tilespmem:s0+$0x0];
	v16 =	vmul.bf16 v16, v19  }
0x379: {  	v22 =	vmul.bf16 v59, v61;
	v18 =	vmul.bf16 v18, v60  }
0x37a: {  	v19 =	vunpack.i.u.bf16.f32 v16;
	v16 =	vunpack.i.l.bf16.f32 v16;
	v17 =	vmul.bf16 v20, v17  }
0x37b: {  	v16 =	vadd.f32 v16, v19;
	v19 =	vunpack.i.u.bf16.f32 v18;
	v18 =	vunpack.i.l.bf16.f32 v18  }
0x37c: {  	s23 =	simm.s32 $0xBA20;
	v18 =	vadd.f32 v18, v19;
	v19 =	vmul.bf16 v22, v62  }
0x37d: {  	s30 =	simm.s32 $0x11440;
	s0 =	simm.s32 $0xCE20;
	s1 =	simm.s32 $0x0;
	v17 =	vmul.bf16 v17, v63  }
.LBB2_17:
0x37e: {  	s1 =	sadd.s32 $0x2, s1;
	v20 =	vunpack.i.u.bf16.f32 v19;
	v19 =	vunpack.i.l.bf16.f32 v19;
	s29 =	sadd.s32 $0x80, s29;
	s28 =	sadd.s32 $0x22, s28  }
0x37f: {  	v16 =	vadd.f32 v18, v16;
	p0 =	slt.u32 s1, $0xE;
	v18 =	vadd.f32 v19, v20;
	v19 =	vunpack.i.u.bf16.f32 v17  }
0x380: {  	v17 =	vunpack.i.l.bf16.f32 v17  }
0x381: {  	v17 =	vadd.f32 v17, v19;
	v16 =	vadd.f32 v18, v16;
	_ =	sdelay $0x1  }
0x382: {  	v16 =	vadd.f32 v17, v16;
	_ =	sdelay $0x1  }
0x383: {  	[tilespmem:s30+$0x11] =	vst v16;
	s30 =	smov.u32 s28  }
0x384: {  	v16 =	vld [tilespmem:s0+$0xFFFFFFA0]  }
0x385: {  	v17 =	vld [tilespmem:s0+$0xFFFFFF90]  }
0x386: {  	v18 =	vld [tilespmem:s29+$0xFFFFFF90]  }
0x387: {  	v19 =	vld [tilespmem:s23+$0xFFFFFFA0]  }
0x388: {  	v20 =	vld [tilespmem:s29+$0xFFFFFFA0]  }
0x389: {  	v21 =	vld [tilespmem:s23+$0xFFFFFF90]  }
0x38a: {  	v22 =	vld [tilespmem:s23+$0xFFFFFFB0]  }
0x38b: {  	v23 =	vld [tilespmem:s29+$0xFFFFFFB0]  }
0x38c: {  	v24 =	vld [tilespmem:s29+$0xFFFFFFC0]  }
0x38d: {  	v19 =	vmul.bf16 v20, v19;
	v20 =	vld [tilespmem:s23+$0xFFFFFFC0]  }
0x38e: {  	v18 =	vmul.bf16 v18, v21;
	v21 =	vld [tilespmem:s0+$0xFFFFFFB0]  }
0x38f: {  	v16 =	vmul.bf16 v19, v16;
	v19 =	vld [tilespmem:s0+$0xFFFFFFC0]  }
0x390: {  	v17 =	vmul.bf16 v18, v17;
	v18 =	vmul.bf16 v23, v22  }
0x391: {  	v22 =	vunpack.i.u.bf16.f32 v16;
	v16 =	vunpack.i.l.bf16.f32 v16  }
0x392: {  	v23 =	vunpack.i.u.bf16.f32 v17;
	v17 =	vunpack.i.l.bf16.f32 v17;
	v20 =	vmul.bf16 v24, v20  }
0x393: {  	v16 =	vadd.f32 v16, v22;
	v17 =	vadd.f32 v17, v23;
	v18 =	vmul.bf16 v18, v21  }
0x394: {  	v19 =	vmul.bf16 v20, v19  }
0x395: {  	v16 =	vadd.f32 v16, v17;
	v17 =	vunpack.i.u.bf16.f32 v18;
	v18 =	vunpack.i.l.bf16.f32 v18  }
0x396: {  	v17 =	vadd.f32 v18, v17;
	v18 =	vunpack.i.u.bf16.f32 v19;
	v19 =	vunpack.i.l.bf16.f32 v19  }
0x397: {  	v18 =	vadd.f32 v19, v18  }
0x398: {  	v16 =	vadd.f32 v17, v16;
	_ =	sdelay $0x1  }
0x399: {  	v16 =	vadd.f32 v18, v16;
	_ =	sdelay $0x1  }
0x39a: {  	[tilespmem:s28+$0x0] =	vst v16  }
0x39b: {  	v16 =	vld [tilespmem:s23+$0xFFFFFFD0]  }
0x39c: {  	v17 =	vld [tilespmem:s29+$0xFFFFFFD0]  }
0x39d: {  	v18 =	vld [tilespmem:s23+$0xFFFFFFE0]  }
0x39e: {  	v19 =	vld [tilespmem:s0+$0xFFFFFFD0]  }
0x39f: {  	v20 =	vld [tilespmem:s29+$0x0]  }
0x3a0: {  	v21 =	vld [tilespmem:s29+$0xFFFFFFE0]  }
0x3a1: {  	v16 =	vmul.bf16 v17, v16;
	v17 =	vld [tilespmem:s29+$0xFFFFFFF0]  }
0x3a2: {  	v22 =	vld [tilespmem:s0+$0xFFFFFFE0]  }
0x3a3: {  	v16 =	vmul.bf16 v16, v19;
	v19 =	vld [tilespmem:s23+$0xFFFFFFF0]  }
0x3a4: {  	v23 =	vld [tilespmem:s23+$0x0]  }
0x3a5: {  	v24 =	vunpack.i.u.bf16.f32 v16;
	v16 =	vunpack.i.l.bf16.f32 v16;
	v18 =	vmul.bf16 v21, v18;
	v21 =	vld [tilespmem:s0+$0xFFFFFFF0]  }
0x3a6: {  	v16 =	vadd.f32 v16, v24;
	v24 =	vld [tilespmem:s0+$0x0]  }
.Ltmp7:
0x3a7: {  	v18 =	vmul.bf16 v18, v22;
	(pc) =	sbr.rel @p0 .LBB2_17-.Ltmp7, $4  }
0x3a8: {  	v17 =	vmul.bf16 v17, v19  }
0x3a9: {  	v19 =	vunpack.i.u.bf16.f32 v18;
	v18 =	vunpack.i.l.bf16.f32 v18;
	v20 =	vmul.bf16 v20, v23  }
0x3aa: {  	v18 =	vadd.f32 v18, v19;
	v19 =	vmul.bf16 v17, v21  }
0x3ab: {  	s23 =	sadd.s32 $0x80, s23;
	s0 =	sadd.s32 $0x80, s0;
	v17 =	vmul.bf16 v20, v24  }
0x3ac: {  	v20 =	vunpack.i.u.bf16.f32 v19;
	v19 =	vunpack.i.l.bf16.f32 v19  }
0x3ad: {  	v16 =	vadd.f32 v18, v16;
	v18 =	vadd.f32 v19, v20  }
0x3ae: {  	v19 =	vunpack.i.u.bf16.f32 v17;
	v17 =	vunpack.i.l.bf16.f32 v17  }
0x3af: {  	v17 =	vadd.f32 v17, v19;
	v16 =	vadd.f32 v18, v16;
	_ =	sdelay $0x1  }
0x3b0: {  	v16 =	vadd.f32 v17, v16;
	_ =	sdelay $0x1  }
0x3b1: {  	s28 =	simm.s32 $0x11440;
	[tilespmem:s30+$0x11] =	vst v16  }
0x3b2: {  	v16 =	vld.idx.msk [tilespmem:v0+s28+$0x0], $0xffff  }
0x3b3: {  	v17 =	vld.idx.msk [tilespmem:v1+s28+$0x0], $0xffff  }
0x3b4: {  	v18 =	vld.idx.msk [tilespmem:v2+s28+$0x0], $0xffff  }
0x3b5: {  	v19 =	vld.idx.msk [tilespmem:v3+s28+$0x0], $0xffff  }
0x3b6: {  	v20 =	vld.idx.msk [tilespmem:v4+s28+$0x0], $0xffff  }
0x3b7: {  	v21 =	vld.idx.msk [tilespmem:v5+s28+$0x0], $0xffff  }
0x3b8: {  	v22 =	vld.idx.msk [tilespmem:v6+s28+$0x0], $0xffff  }
0x3b9: {  	v23 =	vld.idx.msk [tilespmem:v7+s28+$0x0], $0xffff  }
0x3ba: {  	v16 =	vadd.f32 v18, v16;
	v17 =	vadd.f32 v19, v17;
	v18 =	vld.idx.msk [tilespmem:v8+s28+$0x0], $0xffff  }
0x3bb: {  	v19 =	vld.idx.msk [tilespmem:v9+s28+$0x0], $0xffff  }
0x3bc: {  	v49 =	vld.idx.msk [tilespmem:v11+s28+$0x0], $0xffff;
	v16 =	vadd.f32 v20, v16;
	v17 =	vadd.f32 v21, v17  }
0x3bd: {  	v20 =	vld.idx.msk [tilespmem:v10+s28+$0x0], $0xffff  }
0x3be: {  	v50 =	vld.idx.msk [tilespmem:v12+s28+$0x0], $0xffff;
	v16 =	vadd.f32 v22, v16;
	v17 =	vadd.f32 v23, v17  }
0x3bf: {  	v51 =	vld.idx.msk [tilespmem:v13+s28+$0x0], $0xffff  }
0x3c0: {  	v16 =	vadd.f32 v18, v16;
	v17 =	vadd.f32 v19, v17;
	v18 =	vld.idx.msk [tilespmem:v14+s28+$0x0], $0xffff  }
0x3c1: {  	v19 =	vld.idx.msk [tilespmem:v15+s28+$0x0], $0xffff  }
0x3c2: {  	v16 =	vadd.f32 v20, v16;
	v17 =	vadd.f32 v49, v17;
	_ =	sdelay $0x1  }
0x3c3: {  	v16 =	vadd.f32 v50, v16;
	v17 =	vadd.f32 v51, v17;
	_ =	sdelay $0x1  }
0x3c4: {  	v16 =	vadd.f32 v18, v16;
	v17 =	vadd.f32 v19, v17;
	_ =	sdelay $0x1  }
0x3c5: {  	v16 =	vadd.f32 v17, v16;
	_ =	sdelay $0x1  }
0x3c6: {  	s0 =	simm.s32 $0xD1A0;
	[tilespmem:s26+$0xEDA0] =	vst v16  }
0x3c7: {  	v16 =	vld [tilespmem:s0+$0xFFFFFFA0]  }
0x3c8: {  	s29 =	simm.s32 $0xE5A0;
	v17 =	vld [tilespmem:s0+$0xFFFFFF90]  }
0x3c9: {  	s1 =	simm.s32 $0xBDA0;
	v18 =	vld [tilespmem:s29+$0xFFFFFF90]  }
0x3ca: {  	v19 =	vld [tilespmem:s1+$0xFFFFFFA0]  }
0x3cb: {  	v20 =	vld [tilespmem:s29+$0xFFFFFFA0]  }
0x3cc: {  	v52 =	vld [tilespmem:s1+$0xFFFFFF90]  }
0x3cd: {  	v53 =	vld [tilespmem:s1+$0xFFFFFFB0]  }
0x3ce: {  	v54 =	vld [tilespmem:s29+$0xFFFFFFB0]  }
0x3cf: {  	v24 =	vld [tilespmem:s29+$0xFFFFFFC0]  }
0x3d0: {  	v25 =	vld [tilespmem:s1+$0xFFFFFFC0]  }
0x3d1: {  	v19 =	vmul.bf16 v20, v19;
	v20 =	vld [tilespmem:s0+$0xFFFFFFB0]  }
0x3d2: {  	v18 =	vmul.bf16 v18, v52  }
0x3d3: {  	v16 =	vmul.bf16 v19, v16;
	v19 =	vld [tilespmem:s0+$0xFFFFFFC0]  }
0x3d4: {  	v17 =	vmul.bf16 v18, v17;
	v18 =	vmul.bf16 v54, v53  }
0x3d5: {  	v57 =	vmul.bf16 v24, v25;
	v55 =	vunpack.i.u.bf16.f32 v16;
	v16 =	vunpack.i.l.bf16.f32 v16  }
0x3d6: {  	v56 =	vunpack.i.u.bf16.f32 v17;
	v17 =	vunpack.i.l.bf16.f32 v17;
	v18 =	vmul.bf16 v18, v20  }
0x3d7: {  	v17 =	vadd.f32 v17, v56;
	v16 =	vadd.f32 v16, v55  }
0x3d8: {  	v19 =	vmul.bf16 v57, v19;
	v20 =	vunpack.i.u.bf16.f32 v18;
	v18 =	vunpack.i.l.bf16.f32 v18  }
0x3d9: {  	v16 =	vadd.f32 v16, v17;
	v17 =	vadd.f32 v18, v20  }
0x3da: {  	v18 =	vunpack.i.u.bf16.f32 v19;
	v19 =	vunpack.i.l.bf16.f32 v19  }
0x3db: {  	v18 =	vadd.f32 v19, v18;
	v16 =	vadd.f32 v17, v16;
	_ =	sdelay $0x1  }
0x3dc: {  	v16 =	vadd.f32 v18, v16;
	_ =	sdelay $0x1  }
0x3dd: {  	[tilespmem:s28+$0x0] =	vst v16  }
0x3de: {  	v16 =	vld [tilespmem:s1+$0xFFFFFFD0]  }
0x3df: {  	v17 =	vld [tilespmem:s29+$0xFFFFFFD0]  }
0x3e0: {  	v18 =	vld [tilespmem:s1+$0xFFFFFFE0]  }
0x3e1: {  	v19 =	vld [tilespmem:s0+$0xFFFFFFD0]  }
0x3e2: {  	v20 =	vld [tilespmem:s29+$0x0]  }
0x3e3: {  	v58 =	vld [tilespmem:s29+$0xFFFFFFE0]  }
0x3e4: {  	v59 =	vld [tilespmem:s29+$0xFFFFFFF0]  }
0x3e5: {  	v60 =	vld [tilespmem:s0+$0xFFFFFFE0]  }
0x3e6: {  	v61 =	vld [tilespmem:s1+$0xFFFFFFF0]  }
0x3e7: {  	v16 =	vmul.bf16 v17, v16;
	v17 =	vld [tilespmem:s1+$0x0];
	_ =	sdelay $0x1  }
0x3e8: {  	v62 =	vld [tilespmem:s0+$0xFFFFFFF0];
	v18 =	vmul.bf16 v58, v18  }
0x3e9: {  	v63 =	vld [tilespmem:s0+$0x0];
	v16 =	vmul.bf16 v16, v19  }
0x3ea: {  	v22 =	vmul.bf16 v59, v61;
	v18 =	vmul.bf16 v18, v60  }
0x3eb: {  	v19 =	vunpack.i.u.bf16.f32 v16;
	v16 =	vunpack.i.l.bf16.f32 v16;
	v17 =	vmul.bf16 v20, v17  }
0x3ec: {  	v16 =	vadd.f32 v16, v19;
	v19 =	vunpack.i.u.bf16.f32 v18;
	v18 =	vunpack.i.l.bf16.f32 v18  }
0x3ed: {  	s23 =	simm.s32 $0xBE20;
	v18 =	vadd.f32 v18, v19;
	v19 =	vmul.bf16 v22, v62  }
0x3ee: {  	s30 =	simm.s32 $0x11440;
	s0 =	simm.s32 $0xD220;
	s1 =	simm.s32 $0x0;
	v17 =	vmul.bf16 v17, v63  }
.LBB2_19:
0x3ef: {  	s1 =	sadd.s32 $0x2, s1;
	v20 =	vunpack.i.u.bf16.f32 v19;
	v19 =	vunpack.i.l.bf16.f32 v19;
	s29 =	sadd.s32 $0x80, s29;
	s28 =	sadd.s32 $0x22, s28  }
0x3f0: {  	v16 =	vadd.f32 v18, v16;
	p0 =	slt.u32 s1, $0xE;
	v18 =	vadd.f32 v19, v20;
	v19 =	vunpack.i.u.bf16.f32 v17  }
0x3f1: {  	v17 =	vunpack.i.l.bf16.f32 v17  }
0x3f2: {  	v17 =	vadd.f32 v17, v19;
	v16 =	vadd.f32 v18, v16;
	_ =	sdelay $0x1  }
0x3f3: {  	v16 =	vadd.f32 v17, v16;
	_ =	sdelay $0x1  }
0x3f4: {  	[tilespmem:s30+$0x11] =	vst v16;
	s30 =	smov.u32 s28  }
0x3f5: {  	v16 =	vld [tilespmem:s0+$0xFFFFFFA0]  }
0x3f6: {  	v17 =	vld [tilespmem:s0+$0xFFFFFF90]  }
0x3f7: {  	v18 =	vld [tilespmem:s29+$0xFFFFFF90]  }
0x3f8: {  	v19 =	vld [tilespmem:s23+$0xFFFFFFA0]  }
0x3f9: {  	v20 =	vld [tilespmem:s29+$0xFFFFFFA0]  }
0x3fa: {  	v21 =	vld [tilespmem:s23+$0xFFFFFF90]  }
0x3fb: {  	v22 =	vld [tilespmem:s23+$0xFFFFFFB0]  }
0x3fc: {  	v23 =	vld [tilespmem:s29+$0xFFFFFFB0]  }
0x3fd: {  	v24 =	vld [tilespmem:s29+$0xFFFFFFC0]  }
0x3fe: {  	v19 =	vmul.bf16 v20, v19;
	v20 =	vld [tilespmem:s23+$0xFFFFFFC0]  }
0x3ff: {  	v18 =	vmul.bf16 v18, v21;
	v21 =	vld [tilespmem:s0+$0xFFFFFFB0]  }
0x400: {  	v16 =	vmul.bf16 v19, v16;
	v19 =	vld [tilespmem:s0+$0xFFFFFFC0]  }
0x401: {  	v17 =	vmul.bf16 v18, v17;
	v18 =	vmul.bf16 v23, v22  }
0x402: {  	v22 =	vunpack.i.u.bf16.f32 v16;
	v16 =	vunpack.i.l.bf16.f32 v16  }
0x403: {  	v23 =	vunpack.i.u.bf16.f32 v17;
	v17 =	vunpack.i.l.bf16.f32 v17;
	v20 =	vmul.bf16 v24, v20  }
0x404: {  	v16 =	vadd.f32 v16, v22;
	v17 =	vadd.f32 v17, v23;
	v18 =	vmul.bf16 v18, v21  }
0x405: {  	v19 =	vmul.bf16 v20, v19  }
0x406: {  	v16 =	vadd.f32 v16, v17;
	v17 =	vunpack.i.u.bf16.f32 v18;
	v18 =	vunpack.i.l.bf16.f32 v18  }
0x407: {  	v17 =	vadd.f32 v18, v17;
	v18 =	vunpack.i.u.bf16.f32 v19;
	v19 =	vunpack.i.l.bf16.f32 v19  }
0x408: {  	v18 =	vadd.f32 v19, v18  }
0x409: {  	v16 =	vadd.f32 v17, v16;
	_ =	sdelay $0x1  }
0x40a: {  	v16 =	vadd.f32 v18, v16;
	_ =	sdelay $0x1  }
0x40b: {  	[tilespmem:s28+$0x0] =	vst v16  }
0x40c: {  	v16 =	vld [tilespmem:s23+$0xFFFFFFD0]  }
0x40d: {  	v17 =	vld [tilespmem:s29+$0xFFFFFFD0]  }
0x40e: {  	v18 =	vld [tilespmem:s23+$0xFFFFFFE0]  }
0x40f: {  	v19 =	vld [tilespmem:s0+$0xFFFFFFD0]  }
0x410: {  	v20 =	vld [tilespmem:s29+$0x0]  }
0x411: {  	v21 =	vld [tilespmem:s29+$0xFFFFFFE0]  }
0x412: {  	v16 =	vmul.bf16 v17, v16;
	v17 =	vld [tilespmem:s29+$0xFFFFFFF0]  }
0x413: {  	v22 =	vld [tilespmem:s0+$0xFFFFFFE0]  }
0x414: {  	v16 =	vmul.bf16 v16, v19;
	v19 =	vld [tilespmem:s23+$0xFFFFFFF0]  }
0x415: {  	v23 =	vld [tilespmem:s23+$0x0]  }
0x416: {  	v24 =	vunpack.i.u.bf16.f32 v16;
	v16 =	vunpack.i.l.bf16.f32 v16;
	v18 =	vmul.bf16 v21, v18;
	v21 =	vld [tilespmem:s0+$0xFFFFFFF0]  }
0x417: {  	v16 =	vadd.f32 v16, v24;
	v24 =	vld [tilespmem:s0+$0x0]  }
.Ltmp8:
0x418: {  	v18 =	vmul.bf16 v18, v22;
	(pc) =	sbr.rel @p0 .LBB2_19-.Ltmp8, $4  }
0x419: {  	v17 =	vmul.bf16 v17, v19  }
0x41a: {  	v19 =	vunpack.i.u.bf16.f32 v18;
	v18 =	vunpack.i.l.bf16.f32 v18;
	v20 =	vmul.bf16 v20, v23  }
0x41b: {  	v18 =	vadd.f32 v18, v19;
	v19 =	vmul.bf16 v17, v21  }
0x41c: {  	s23 =	sadd.s32 $0x80, s23;
	s0 =	sadd.s32 $0x80, s0;
	v17 =	vmul.bf16 v20, v24  }
0x41d: {  	v20 =	vunpack.i.u.bf16.f32 v19;
	v19 =	vunpack.i.l.bf16.f32 v19  }
0x41e: {  	v16 =	vadd.f32 v18, v16;
	v18 =	vadd.f32 v19, v20  }
0x41f: {  	v19 =	vunpack.i.u.bf16.f32 v17;
	v17 =	vunpack.i.l.bf16.f32 v17  }
0x420: {  	v17 =	vadd.f32 v17, v19;
	v16 =	vadd.f32 v18, v16;
	_ =	sdelay $0x1  }
0x421: {  	v16 =	vadd.f32 v17, v16;
	_ =	sdelay $0x1  }
0x422: {  	s28 =	simm.s32 $0x11440;
	[tilespmem:s30+$0x11] =	vst v16  }
0x423: {  	v16 =	vld.idx.msk [tilespmem:v0+s28+$0x0], $0xffff  }
0x424: {  	v17 =	vld.idx.msk [tilespmem:v1+s28+$0x0], $0xffff  }
0x425: {  	v18 =	vld.idx.msk [tilespmem:v2+s28+$0x0], $0xffff  }
0x426: {  	v19 =	vld.idx.msk [tilespmem:v3+s28+$0x0], $0xffff  }
0x427: {  	v20 =	vld.idx.msk [tilespmem:v4+s28+$0x0], $0xffff  }
0x428: {  	v21 =	vld.idx.msk [tilespmem:v5+s28+$0x0], $0xffff  }
0x429: {  	v22 =	vld.idx.msk [tilespmem:v6+s28+$0x0], $0xffff  }
0x42a: {  	v23 =	vld.idx.msk [tilespmem:v7+s28+$0x0], $0xffff  }
0x42b: {  	v16 =	vadd.f32 v18, v16;
	v17 =	vadd.f32 v19, v17;
	v18 =	vld.idx.msk [tilespmem:v8+s28+$0x0], $0xffff  }
0x42c: {  	v19 =	vld.idx.msk [tilespmem:v9+s28+$0x0], $0xffff  }
0x42d: {  	v49 =	vld.idx.msk [tilespmem:v11+s28+$0x0], $0xffff;
	v16 =	vadd.f32 v20, v16;
	v17 =	vadd.f32 v21, v17  }
0x42e: {  	v20 =	vld.idx.msk [tilespmem:v10+s28+$0x0], $0xffff  }
0x42f: {  	v50 =	vld.idx.msk [tilespmem:v12+s28+$0x0], $0xffff;
	v16 =	vadd.f32 v22, v16;
	v17 =	vadd.f32 v23, v17  }
0x430: {  	v51 =	vld.idx.msk [tilespmem:v13+s28+$0x0], $0xffff  }
0x431: {  	v16 =	vadd.f32 v18, v16;
	v17 =	vadd.f32 v19, v17;
	v18 =	vld.idx.msk [tilespmem:v14+s28+$0x0], $0xffff  }
0x432: {  	v19 =	vld.idx.msk [tilespmem:v15+s28+$0x0], $0xffff  }
0x433: {  	v16 =	vadd.f32 v20, v16;
	v17 =	vadd.f32 v49, v17;
	_ =	sdelay $0x1  }
0x434: {  	v16 =	vadd.f32 v50, v16;
	v17 =	vadd.f32 v51, v17;
	_ =	sdelay $0x1  }
0x435: {  	v16 =	vadd.f32 v18, v16;
	v17 =	vadd.f32 v19, v17;
	_ =	sdelay $0x1  }
0x436: {  	v16 =	vadd.f32 v17, v16;
	_ =	sdelay $0x1  }
0x437: {  	s0 =	simm.s32 $0xD5A0;
	[tilespmem:s26+$0xEDB0] =	vst v16  }
0x438: {  	v16 =	vld [tilespmem:s0+$0xFFFFFFA0]  }
0x439: {  	s29 =	simm.s32 $0xE9A0;
	v17 =	vld [tilespmem:s0+$0xFFFFFF90]  }
0x43a: {  	s1 =	simm.s32 $0xC1A0;
	v18 =	vld [tilespmem:s29+$0xFFFFFF90]  }
0x43b: {  	v19 =	vld [tilespmem:s1+$0xFFFFFFA0]  }
0x43c: {  	v20 =	vld [tilespmem:s29+$0xFFFFFFA0]  }
0x43d: {  	v52 =	vld [tilespmem:s1+$0xFFFFFF90]  }
0x43e: {  	v53 =	vld [tilespmem:s1+$0xFFFFFFB0]  }
0x43f: {  	v54 =	vld [tilespmem:s29+$0xFFFFFFB0]  }
0x440: {  	v24 =	vld [tilespmem:s29+$0xFFFFFFC0]  }
0x441: {  	v25 =	vld [tilespmem:s1+$0xFFFFFFC0]  }
0x442: {  	v19 =	vmul.bf16 v20, v19;
	v20 =	vld [tilespmem:s0+$0xFFFFFFB0]  }
0x443: {  	v18 =	vmul.bf16 v18, v52  }
0x444: {  	v16 =	vmul.bf16 v19, v16;
	v19 =	vld [tilespmem:s0+$0xFFFFFFC0]  }
0x445: {  	v17 =	vmul.bf16 v18, v17;
	v18 =	vmul.bf16 v54, v53  }
0x446: {  	v57 =	vmul.bf16 v24, v25;
	v55 =	vunpack.i.u.bf16.f32 v16;
	v16 =	vunpack.i.l.bf16.f32 v16  }
0x447: {  	v56 =	vunpack.i.u.bf16.f32 v17;
	v17 =	vunpack.i.l.bf16.f32 v17;
	v18 =	vmul.bf16 v18, v20  }
0x448: {  	v17 =	vadd.f32 v17, v56;
	v16 =	vadd.f32 v16, v55  }
0x449: {  	v19 =	vmul.bf16 v57, v19;
	v20 =	vunpack.i.u.bf16.f32 v18;
	v18 =	vunpack.i.l.bf16.f32 v18  }
0x44a: {  	v16 =	vadd.f32 v16, v17;
	v17 =	vadd.f32 v18, v20  }
0x44b: {  	v18 =	vunpack.i.u.bf16.f32 v19;
	v19 =	vunpack.i.l.bf16.f32 v19  }
0x44c: {  	v18 =	vadd.f32 v19, v18;
	v16 =	vadd.f32 v17, v16;
	_ =	sdelay $0x1  }
0x44d: {  	v16 =	vadd.f32 v18, v16;
	_ =	sdelay $0x1  }
0x44e: {  	[tilespmem:s28+$0x0] =	vst v16  }
0x44f: {  	v16 =	vld [tilespmem:s1+$0xFFFFFFD0]  }
0x450: {  	v17 =	vld [tilespmem:s29+$0xFFFFFFD0]  }
0x451: {  	v18 =	vld [tilespmem:s1+$0xFFFFFFE0]  }
0x452: {  	v19 =	vld [tilespmem:s0+$0xFFFFFFD0]  }
0x453: {  	v20 =	vld [tilespmem:s29+$0x0]  }
0x454: {  	v58 =	vld [tilespmem:s29+$0xFFFFFFE0]  }
0x455: {  	v59 =	vld [tilespmem:s29+$0xFFFFFFF0]  }
0x456: {  	v60 =	vld [tilespmem:s0+$0xFFFFFFE0]  }
0x457: {  	v61 =	vld [tilespmem:s1+$0xFFFFFFF0]  }
0x458: {  	v16 =	vmul.bf16 v17, v16;
	v17 =	vld [tilespmem:s1+$0x0];
	_ =	sdelay $0x1  }
0x459: {  	v62 =	vld [tilespmem:s0+$0xFFFFFFF0];
	v18 =	vmul.bf16 v58, v18  }
0x45a: {  	v63 =	vld [tilespmem:s0+$0x0];
	v16 =	vmul.bf16 v16, v19  }
0x45b: {  	v22 =	vmul.bf16 v59, v61;
	v18 =	vmul.bf16 v18, v60  }
0x45c: {  	v19 =	vunpack.i.u.bf16.f32 v16;
	v16 =	vunpack.i.l.bf16.f32 v16;
	v17 =	vmul.bf16 v20, v17  }
0x45d: {  	v16 =	vadd.f32 v16, v19;
	v19 =	vunpack.i.u.bf16.f32 v18;
	v18 =	vunpack.i.l.bf16.f32 v18  }
0x45e: {  	s23 =	simm.s32 $0xC220;
	v18 =	vadd.f32 v18, v19;
	v19 =	vmul.bf16 v22, v62  }
0x45f: {  	s30 =	simm.s32 $0x11440;
	s0 =	simm.s32 $0xD620;
	s1 =	simm.s32 $0x0;
	v17 =	vmul.bf16 v17, v63  }
.LBB2_21:
0x460: {  	s1 =	sadd.s32 $0x2, s1;
	v20 =	vunpack.i.u.bf16.f32 v19;
	v19 =	vunpack.i.l.bf16.f32 v19;
	s29 =	sadd.s32 $0x80, s29;
	s28 =	sadd.s32 $0x22, s28  }
0x461: {  	v16 =	vadd.f32 v18, v16;
	p0 =	slt.u32 s1, $0xE;
	v18 =	vadd.f32 v19, v20;
	v19 =	vunpack.i.u.bf16.f32 v17  }
0x462: {  	v17 =	vunpack.i.l.bf16.f32 v17  }
0x463: {  	v17 =	vadd.f32 v17, v19;
	v16 =	vadd.f32 v18, v16;
	_ =	sdelay $0x1  }
0x464: {  	v16 =	vadd.f32 v17, v16;
	_ =	sdelay $0x1  }
0x465: {  	[tilespmem:s30+$0x11] =	vst v16;
	s30 =	smov.u32 s28  }
0x466: {  	v16 =	vld [tilespmem:s0+$0xFFFFFFA0]  }
0x467: {  	v17 =	vld [tilespmem:s0+$0xFFFFFF90]  }
0x468: {  	v18 =	vld [tilespmem:s29+$0xFFFFFF90]  }
0x469: {  	v19 =	vld [tilespmem:s23+$0xFFFFFFA0]  }
0x46a: {  	v20 =	vld [tilespmem:s29+$0xFFFFFFA0]  }
0x46b: {  	v21 =	vld [tilespmem:s23+$0xFFFFFF90]  }
0x46c: {  	v22 =	vld [tilespmem:s23+$0xFFFFFFB0]  }
0x46d: {  	v23 =	vld [tilespmem:s29+$0xFFFFFFB0]  }
0x46e: {  	v24 =	vld [tilespmem:s29+$0xFFFFFFC0]  }
0x46f: {  	v19 =	vmul.bf16 v20, v19;
	v20 =	vld [tilespmem:s23+$0xFFFFFFC0]  }
0x470: {  	v18 =	vmul.bf16 v18, v21;
	v21 =	vld [tilespmem:s0+$0xFFFFFFB0]  }
0x471: {  	v16 =	vmul.bf16 v19, v16;
	v19 =	vld [tilespmem:s0+$0xFFFFFFC0]  }
0x472: {  	v17 =	vmul.bf16 v18, v17;
	v18 =	vmul.bf16 v23, v22  }
0x473: {  	v22 =	vunpack.i.u.bf16.f32 v16;
	v16 =	vunpack.i.l.bf16.f32 v16  }
0x474: {  	v23 =	vunpack.i.u.bf16.f32 v17;
	v17 =	vunpack.i.l.bf16.f32 v17;
	v20 =	vmul.bf16 v24, v20  }
0x475: {  	v16 =	vadd.f32 v16, v22;
	v17 =	vadd.f32 v17, v23;
	v18 =	vmul.bf16 v18, v21  }
0x476: {  	v19 =	vmul.bf16 v20, v19  }
0x477: {  	v16 =	vadd.f32 v16, v17;
	v17 =	vunpack.i.u.bf16.f32 v18;
	v18 =	vunpack.i.l.bf16.f32 v18  }
0x478: {  	v17 =	vadd.f32 v18, v17;
	v18 =	vunpack.i.u.bf16.f32 v19;
	v19 =	vunpack.i.l.bf16.f32 v19  }
0x479: {  	v18 =	vadd.f32 v19, v18  }
0x47a: {  	v16 =	vadd.f32 v17, v16;
	_ =	sdelay $0x1  }
0x47b: {  	v16 =	vadd.f32 v18, v16;
	_ =	sdelay $0x1  }
0x47c: {  	[tilespmem:s28+$0x0] =	vst v16  }
0x47d: {  	v16 =	vld [tilespmem:s23+$0xFFFFFFD0]  }
0x47e: {  	v17 =	vld [tilespmem:s29+$0xFFFFFFD0]  }
0x47f: {  	v18 =	vld [tilespmem:s23+$0xFFFFFFE0]  }
0x480: {  	v19 =	vld [tilespmem:s0+$0xFFFFFFD0]  }
0x481: {  	v20 =	vld [tilespmem:s29+$0x0]  }
0x482: {  	v21 =	vld [tilespmem:s29+$0xFFFFFFE0]  }
0x483: {  	v16 =	vmul.bf16 v17, v16;
	v17 =	vld [tilespmem:s29+$0xFFFFFFF0]  }
0x484: {  	v22 =	vld [tilespmem:s0+$0xFFFFFFE0]  }
0x485: {  	v16 =	vmul.bf16 v16, v19;
	v19 =	vld [tilespmem:s23+$0xFFFFFFF0]  }
0x486: {  	v23 =	vld [tilespmem:s23+$0x0]  }
0x487: {  	v24 =	vunpack.i.u.bf16.f32 v16;
	v16 =	vunpack.i.l.bf16.f32 v16;
	v18 =	vmul.bf16 v21, v18;
	v21 =	vld [tilespmem:s0+$0xFFFFFFF0]  }
0x488: {  	v16 =	vadd.f32 v16, v24;
	v24 =	vld [tilespmem:s0+$0x0]  }
.Ltmp9:
0x489: {  	v18 =	vmul.bf16 v18, v22;
	(pc) =	sbr.rel @p0 .LBB2_21-.Ltmp9, $4  }
0x48a: {  	v17 =	vmul.bf16 v17, v19  }
0x48b: {  	v19 =	vunpack.i.u.bf16.f32 v18;
	v18 =	vunpack.i.l.bf16.f32 v18;
	v20 =	vmul.bf16 v20, v23  }
0x48c: {  	v18 =	vadd.f32 v18, v19;
	v19 =	vmul.bf16 v17, v21  }
0x48d: {  	s23 =	sadd.s32 $0x80, s23;
	s0 =	sadd.s32 $0x80, s0;
	v17 =	vmul.bf16 v20, v24  }
0x48e: {  	v20 =	vunpack.i.u.bf16.f32 v19;
	v50 =	vunpack.i.l.bf16.f32 v19  }
0x48f: {  	v16 =	vadd.f32 v18, v16;
	v51 =	vadd.f32 v50, v20  }
0x490: {  	v52 =	vunpack.i.u.bf16.f32 v17;
	v17 =	vunpack.i.l.bf16.f32 v17  }
0x491: {  	v17 =	vadd.f32 v17, v52;
	v16 =	vadd.f32 v51, v16;
	_ =	sdelay $0x1  }
0x492: {  	v16 =	vadd.f32 v17, v16;
	_ =	sdelay $0x1  }
0x493: {  	[tilespmem:s30+$0x11] =	vst v16  }
0x494: {  	v16 =	vld.idx.msk [tilespmem:v0+s22+$0x0], $0xffff  }
0x495: {  	v17 =	vld.idx.msk [tilespmem:v1+s22+$0x0], $0xffff  }
0x496: {  	v53 =	vld.idx.msk [tilespmem:v2+s22+$0x0], $0xffff  }
0x497: {  	v54 =	vld.idx.msk [tilespmem:v3+s22+$0x0], $0xffff  }
0x498: {  	v55 =	vld.idx.msk [tilespmem:v4+s22+$0x0], $0xffff  }
0x499: {  	v21 =	vld.idx.msk [tilespmem:v5+s22+$0x0], $0xffff  }
0x49a: {  	v22 =	vld.idx.msk [tilespmem:v6+s22+$0x0], $0xffff  }
0x49b: {  	v23 =	vld.idx.msk [tilespmem:v7+s22+$0x0], $0xffff  }
0x49c: {  	v56 =	vld.idx.msk [tilespmem:v8+s22+$0x0], $0xffff;
	v16 =	vadd.f32 v53, v16;
	v17 =	vadd.f32 v54, v17  }
0x49d: {  	v57 =	vld.idx.msk [tilespmem:v9+s22+$0x0], $0xffff  }
0x49e: {  	v58 =	vld.idx.msk [tilespmem:v10+s22+$0x0], $0xffff;
	v16 =	vadd.f32 v55, v16;
	v17 =	vadd.f32 v21, v17  }
0x49f: {  	v59 =	vld.idx.msk [tilespmem:v11+s22+$0x0], $0xffff  }
0x4a0: {  	v60 =	vld.idx.msk [tilespmem:v12+s22+$0x0], $0xffff;
	v16 =	vadd.f32 v22, v16;
	v17 =	vadd.f32 v23, v17  }
0x4a1: {  	v61 =	vld.idx.msk [tilespmem:v13+s22+$0x0], $0xffff  }
0x4a2: {  	v62 =	vld.idx.msk [tilespmem:v14+s22+$0x0], $0xffff;
	v16 =	vadd.f32 v56, v16;
	v17 =	vadd.f32 v57, v17  }
0x4a3: {  	v63 =	vld.idx.msk [tilespmem:v15+s22+$0x0], $0xffff  }
0x4a4: {  	v16 =	vadd.f32 v58, v16;
	v17 =	vadd.f32 v59, v17;
	_ =	sdelay $0x1  }
0x4a5: {  	s25 =	sadd.s32 $0x1, s25;
	v16 =	vadd.f32 v60, v16;
	v17 =	vadd.f32 v61, v17  }
0x4a6: {  	p0 =	sne.s32 s25, $0x3E  }
.Ltmp10:
0x4a7: {  	v16 =	vadd.f32 v62, v16;
	v17 =	vadd.f32 v63, v17;
	(pc) =	sbr.rel @p0 .LBB2_2-.Ltmp10, $3  }
0x4a8: {  	_ = 	snop  }
0x4a9: {  	v16 =	vadd.f32 v17, v16;
	_ =	sdelay $0x1  }
0x4aa: {  	[tilespmem:s26+$0xEDC0] =	vst v16  }
0x4ab: {  	_ =	swait.ge [sflag:s20], $0x1400  }
0x4ac: {  	[sflag:s20] =	ssyncset.done $0x0  }
0x4ad: {  	[sflag:s20] =	ssyncadd.s32 $0xFFFFEC00  }
0x4ae: {  	_ =	swait.ge [sflag:s20], $0x1400  }
0x4af: {  	[sflag:s20] =	ssyncset.done $0x0  }
0x4b0: {  	[sflag:s20] =	ssyncadd.s32 $0xFFFFEC00  }
0x4b1: {  	_ =	swait.ge [sflag:s20], $0x1400  }
0x4b2: {  	[sflag:s20] =	ssyncset.done $0x0  }
0x4b3: {  	s0 =	simm.s32 $0x8970;
	[sflag:s20] =	ssyncadd.s32 $0xFFFFEC00  }
0x4b4: {  	v16 =	vld [tilespmem:s0+$0xFFFFFFD0]  }
0x4b5: {  	s1 =	simm.s32 $0x9D70;
	v17 =	vld [tilespmem:s0+$0xFFFFFFC0]  }
0x4b6: {  	s25 =	simm.s32 $0x7570;
	v18 =	vld [tilespmem:s1+$0xFFFFFFC0]  }
0x4b7: {  	v19 =	vld [tilespmem:s25+$0xFFFFFFD0]  }
0x4b8: {  	v20 =	vld [tilespmem:s1+$0xFFFFFFD0]  }
0x4b9: {  	v21 =	vld [tilespmem:s25+$0xFFFFFFC0]  }
0x4ba: {  	v22 =	vld [tilespmem:s25+$0xFFFFFFE0]  }
0x4bb: {  	v23 =	vld [tilespmem:s1+$0xFFFFFFE0]  }
0x4bc: {  	v24 =	vld [tilespmem:s1+$0xFFFFFFF0]  }
0x4bd: {  	v25 =	vld [tilespmem:s25+$0xFFFFFFF0]  }
0x4be: {  	v19 =	vmul.bf16 v20, v19;
	v20 =	vld [tilespmem:s0+$0xFFFFFFE0]  }
0x4bf: {  	v18 =	vmul.bf16 v18, v21  }
0x4c0: {  	v16 =	vmul.bf16 v19, v16;
	v19 =	vld [tilespmem:s0+$0xFFFFFFF0]  }
0x4c1: {  	v17 =	vmul.bf16 v18, v17;
	v18 =	vmul.bf16 v23, v22  }
0x4c2: {  	v57 =	vmul.bf16 v24, v25;
	v55 =	vunpack.i.u.bf16.f32 v16;
	v16 =	vunpack.i.l.bf16.f32 v16  }
0x4c3: {  	v56 =	vunpack.i.u.bf16.f32 v17;
	v17 =	vunpack.i.l.bf16.f32 v17;
	v18 =	vmul.bf16 v18, v20  }
0x4c4: {  	v17 =	vadd.f32 v17, v56;
	v16 =	vadd.f32 v16, v55  }
0x4c5: {  	v19 =	vmul.bf16 v57, v19;
	v20 =	vunpack.i.u.bf16.f32 v18;
	v18 =	vunpack.i.l.bf16.f32 v18  }
0x4c6: {  	v16 =	vadd.f32 v16, v17;
	v17 =	vadd.f32 v18, v20  }
0x4c7: {  	v18 =	vunpack.i.u.bf16.f32 v19;
	v19 =	vunpack.i.l.bf16.f32 v19  }
0x4c8: {  	v18 =	vadd.f32 v19, v18;
	v16 =	vadd.f32 v17, v16;
	_ =	sdelay $0x1  }
0x4c9: {  	v16 =	vadd.f32 v18, v16  }
0x4ca: {  	s26 =	simm.s32 $0x11440  }
0x4cb: {  	[tilespmem:s26+$0x0] =	vst v16  }
0x4cc: {  	v16 =	vld [tilespmem:s25+$0x0]  }
0x4cd: {  	v17 =	vld [tilespmem:s1+$0x0]  }
0x4ce: {  	v18 =	vld [tilespmem:s25+$0x10]  }
0x4cf: {  	v19 =	vld [tilespmem:s0+$0x0]  }
0x4d0: {  	v20 =	vld [tilespmem:s1+$0x30]  }
0x4d1: {  	v58 =	vld [tilespmem:s1+$0x10]  }
0x4d2: {  	v59 =	vld [tilespmem:s1+$0x20]  }
0x4d3: {  	v60 =	vld [tilespmem:s0+$0x10]  }
0x4d4: {  	v61 =	vld [tilespmem:s25+$0x20]  }
0x4d5: {  	v16 =	vmul.bf16 v17, v16;
	v17 =	vld [tilespmem:s25+$0x30];
	_ =	sdelay $0x1  }
0x4d6: {  	v62 =	vld [tilespmem:s0+$0x20];
	v18 =	vmul.bf16 v58, v18  }
0x4d7: {  	v63 =	vld [tilespmem:s0+$0x30];
	v16 =	vmul.bf16 v16, v19  }
0x4d8: {  	v22 =	vmul.bf16 v59, v61;
	v18 =	vmul.bf16 v18, v60  }
0x4d9: {  	v19 =	vunpack.i.u.bf16.f32 v16;
	v16 =	vunpack.i.l.bf16.f32 v16;
	v17 =	vmul.bf16 v20, v17  }
0x4da: {  	v16 =	vadd.f32 v16, v19;
	v19 =	vunpack.i.u.bf16.f32 v18;
	v18 =	vunpack.i.l.bf16.f32 v18  }
0x4db: {  	s23 =	simm.s32 $0x9DF0;
	v18 =	vadd.f32 v18, v19;
	v19 =	vmul.bf16 v22, v62  }
0x4dc: {  	s28 =	simm.s32 $0x11440;
	s1 =	simm.s32 $0x0;
	s0 =	simm.s32 $0x89F0;
	v17 =	vmul.bf16 v17, v63  }
.LBB2_24:
0x4dd: {  	s1 =	sadd.s32 $0x2, s1;
	v20 =	vunpack.i.u.bf16.f32 v19;
	v19 =	vunpack.i.l.bf16.f32 v19;
	s26 =	sadd.s32 $0x22, s26;
	s25 =	sadd.s32 $0x80, s25  }
0x4de: {  	v16 =	vadd.f32 v18, v16;
	p0 =	slt.u32 s1, $0xE;
	v18 =	vadd.f32 v19, v20;
	v19 =	vunpack.i.u.bf16.f32 v17  }
0x4df: {  	v17 =	vunpack.i.l.bf16.f32 v17  }
0x4e0: {  	v17 =	vadd.f32 v17, v19;
	v16 =	vadd.f32 v18, v16;
	_ =	sdelay $0x1  }
0x4e1: {  	v16 =	vadd.f32 v17, v16;
	_ =	sdelay $0x1  }
0x4e2: {  	[tilespmem:s28+$0x11] =	vst v16;
	s28 =	smov.u32 s26  }
0x4e3: {  	v16 =	vld [tilespmem:s0+$0xFFFFFFD0]  }
0x4e4: {  	v17 =	vld [tilespmem:s0+$0xFFFFFFC0]  }
0x4e5: {  	v18 =	vld [tilespmem:s23+$0xFFFFFFC0]  }
0x4e6: {  	v19 =	vld [tilespmem:s25+$0xFFFFFFD0]  }
0x4e7: {  	v20 =	vld [tilespmem:s23+$0xFFFFFFD0]  }
0x4e8: {  	v21 =	vld [tilespmem:s25+$0xFFFFFFC0]  }
0x4e9: {  	v22 =	vld [tilespmem:s25+$0xFFFFFFE0]  }
0x4ea: {  	v23 =	vld [tilespmem:s23+$0xFFFFFFE0]  }
0x4eb: {  	v24 =	vld [tilespmem:s23+$0xFFFFFFF0]  }
0x4ec: {  	v19 =	vmul.bf16 v20, v19;
	v20 =	vld [tilespmem:s25+$0xFFFFFFF0]  }
0x4ed: {  	v18 =	vmul.bf16 v18, v21;
	v21 =	vld [tilespmem:s0+$0xFFFFFFE0]  }
0x4ee: {  	v16 =	vmul.bf16 v19, v16;
	v19 =	vld [tilespmem:s0+$0xFFFFFFF0]  }
0x4ef: {  	v17 =	vmul.bf16 v18, v17;
	v18 =	vmul.bf16 v23, v22  }
0x4f0: {  	v22 =	vunpack.i.u.bf16.f32 v16;
	v16 =	vunpack.i.l.bf16.f32 v16  }
0x4f1: {  	v23 =	vunpack.i.u.bf16.f32 v17;
	v17 =	vunpack.i.l.bf16.f32 v17;
	v20 =	vmul.bf16 v24, v20  }
0x4f2: {  	v16 =	vadd.f32 v16, v22;
	v17 =	vadd.f32 v17, v23;
	v18 =	vmul.bf16 v18, v21  }
0x4f3: {  	v19 =	vmul.bf16 v20, v19  }
0x4f4: {  	v16 =	vadd.f32 v16, v17;
	v17 =	vunpack.i.u.bf16.f32 v18;
	v18 =	vunpack.i.l.bf16.f32 v18  }
0x4f5: {  	v17 =	vadd.f32 v18, v17;
	v18 =	vunpack.i.u.bf16.f32 v19;
	v19 =	vunpack.i.l.bf16.f32 v19  }
0x4f6: {  	v18 =	vadd.f32 v19, v18  }
0x4f7: {  	v16 =	vadd.f32 v17, v16;
	_ =	sdelay $0x1  }
0x4f8: {  	v16 =	vadd.f32 v18, v16;
	_ =	sdelay $0x1  }
0x4f9: {  	[tilespmem:s26+$0x0] =	vst v16  }
0x4fa: {  	v16 =	vld [tilespmem:s25+$0x0]  }
0x4fb: {  	v17 =	vld [tilespmem:s23+$0x0]  }
0x4fc: {  	v18 =	vld [tilespmem:s25+$0x10]  }
0x4fd: {  	v19 =	vld [tilespmem:s0+$0x0]  }
0x4fe: {  	v20 =	vld [tilespmem:s23+$0x30]  }
0x4ff: {  	v21 =	vld [tilespmem:s23+$0x10]  }
0x500: {  	v16 =	vmul.bf16 v17, v16;
	v17 =	vld [tilespmem:s23+$0x20]  }
0x501: {  	v22 =	vld [tilespmem:s0+$0x10]  }
0x502: {  	v16 =	vmul.bf16 v16, v19;
	v19 =	vld [tilespmem:s25+$0x20]  }
0x503: {  	v23 =	vld [tilespmem:s25+$0x30]  }
0x504: {  	v24 =	vunpack.i.u.bf16.f32 v16;
	v16 =	vunpack.i.l.bf16.f32 v16;
	v18 =	vmul.bf16 v21, v18;
	v21 =	vld [tilespmem:s0+$0x20]  }
0x505: {  	v16 =	vadd.f32 v16, v24;
	v24 =	vld [tilespmem:s0+$0x30]  }
.Ltmp11:
0x506: {  	v18 =	vmul.bf16 v18, v22;
	(pc) =	sbr.rel @p0 .LBB2_24-.Ltmp11, $4  }
0x507: {  	v17 =	vmul.bf16 v17, v19  }
0x508: {  	v19 =	vunpack.i.u.bf16.f32 v18;
	v18 =	vunpack.i.l.bf16.f32 v18;
	v20 =	vmul.bf16 v20, v23  }
0x509: {  	v18 =	vadd.f32 v18, v19;
	v19 =	vmul.bf16 v17, v21  }
0x50a: {  	s23 =	sadd.s32 $0x80, s23;
	s0 =	sadd.s32 $0x80, s0;
	v17 =	vmul.bf16 v20, v24  }
0x50b: {  	v20 =	vunpack.i.u.bf16.f32 v19;
	v19 =	vunpack.i.l.bf16.f32 v19  }
0x50c: {  	v16 =	vadd.f32 v18, v16;
	v18 =	vadd.f32 v19, v20  }
0x50d: {  	v19 =	vunpack.i.u.bf16.f32 v17;
	v17 =	vunpack.i.l.bf16.f32 v17  }
0x50e: {  	v17 =	vadd.f32 v17, v19;
	v16 =	vadd.f32 v18, v16;
	_ =	sdelay $0x1  }
0x50f: {  	v16 =	vadd.f32 v17, v16;
	_ =	sdelay $0x1  }
0x510: {  	s25 =	simm.s32 $0x11440;
	[tilespmem:s28+$0x11] =	vst v16  }
0x511: {  	v16 =	vld.idx.msk [tilespmem:v0+s25+$0x0], $0xffff  }
0x512: {  	v17 =	vld.idx.msk [tilespmem:v1+s25+$0x0], $0xffff  }
0x513: {  	v18 =	vld.idx.msk [tilespmem:v2+s25+$0x0], $0xffff  }
0x514: {  	v19 =	vld.idx.msk [tilespmem:v3+s25+$0x0], $0xffff  }
0x515: {  	v20 =	vld.idx.msk [tilespmem:v4+s25+$0x0], $0xffff  }
0x516: {  	v21 =	vld.idx.msk [tilespmem:v5+s25+$0x0], $0xffff  }
0x517: {  	v22 =	vld.idx.msk [tilespmem:v6+s25+$0x0], $0xffff  }
0x518: {  	v23 =	vld.idx.msk [tilespmem:v7+s25+$0x0], $0xffff  }
0x519: {  	v16 =	vadd.f32 v18, v16;
	v17 =	vadd.f32 v19, v17;
	v18 =	vld.idx.msk [tilespmem:v8+s25+$0x0], $0xffff  }
0x51a: {  	v19 =	vld.idx.msk [tilespmem:v9+s25+$0x0], $0xffff  }
0x51b: {  	v49 =	vld.idx.msk [tilespmem:v11+s25+$0x0], $0xffff;
	v16 =	vadd.f32 v20, v16;
	v17 =	vadd.f32 v21, v17  }
0x51c: {  	v20 =	vld.idx.msk [tilespmem:v10+s25+$0x0], $0xffff  }
0x51d: {  	v50 =	vld.idx.msk [tilespmem:v12+s25+$0x0], $0xffff;
	v16 =	vadd.f32 v22, v16;
	v17 =	vadd.f32 v23, v17  }
0x51e: {  	v51 =	vld.idx.msk [tilespmem:v13+s25+$0x0], $0xffff  }
0x51f: {  	v16 =	vadd.f32 v18, v16;
	v17 =	vadd.f32 v19, v17;
	v18 =	vld.idx.msk [tilespmem:v14+s25+$0x0], $0xffff  }
0x520: {  	v19 =	vld.idx.msk [tilespmem:v15+s25+$0x0], $0xffff  }
0x521: {  	v16 =	vadd.f32 v20, v16;
	v17 =	vadd.f32 v49, v17;
	_ =	sdelay $0x1  }
0x522: {  	v16 =	vadd.f32 v50, v16;
	v17 =	vadd.f32 v51, v17;
	_ =	sdelay $0x1  }
0x523: {  	v16 =	vadd.f32 v18, v16;
	v17 =	vadd.f32 v19, v17;
	_ =	sdelay $0x1  }
0x524: {  	v16 =	vadd.f32 v17, v16;
	_ =	sdelay $0x1  }
0x525: {  	s0 =	simm.s32 $0x8DA0;
	[tilespmem:$0x113F0] =	vst v16  }
0x526: {  	v16 =	vld [tilespmem:s0+$0xFFFFFFA0]  }
0x527: {  	s26 =	simm.s32 $0xA1A0;
	v17 =	vld [tilespmem:s0+$0xFFFFFF90]  }
0x528: {  	s1 =	simm.s32 $0x79A0;
	v18 =	vld [tilespmem:s26+$0xFFFFFF90]  }
0x529: {  	v19 =	vld [tilespmem:s1+$0xFFFFFFA0]  }
0x52a: {  	v20 =	vld [tilespmem:s26+$0xFFFFFFA0]  }
0x52b: {  	v52 =	vld [tilespmem:s1+$0xFFFFFF90]  }
0x52c: {  	v53 =	vld [tilespmem:s1+$0xFFFFFFB0]  }
0x52d: {  	v54 =	vld [tilespmem:s26+$0xFFFFFFB0]  }
0x52e: {  	v24 =	vld [tilespmem:s26+$0xFFFFFFC0]  }
0x52f: {  	v25 =	vld [tilespmem:s1+$0xFFFFFFC0]  }
0x530: {  	v19 =	vmul.bf16 v20, v19;
	v20 =	vld [tilespmem:s0+$0xFFFFFFB0]  }
0x531: {  	v18 =	vmul.bf16 v18, v52  }
0x532: {  	v16 =	vmul.bf16 v19, v16;
	v19 =	vld [tilespmem:s0+$0xFFFFFFC0]  }
0x533: {  	v17 =	vmul.bf16 v18, v17;
	v18 =	vmul.bf16 v54, v53  }
0x534: {  	v57 =	vmul.bf16 v24, v25;
	v55 =	vunpack.i.u.bf16.f32 v16;
	v16 =	vunpack.i.l.bf16.f32 v16  }
0x535: {  	v56 =	vunpack.i.u.bf16.f32 v17;
	v17 =	vunpack.i.l.bf16.f32 v17;
	v18 =	vmul.bf16 v18, v20  }
0x536: {  	v17 =	vadd.f32 v17, v56;
	v16 =	vadd.f32 v16, v55  }
0x537: {  	v19 =	vmul.bf16 v57, v19;
	v20 =	vunpack.i.u.bf16.f32 v18;
	v18 =	vunpack.i.l.bf16.f32 v18  }
0x538: {  	v16 =	vadd.f32 v16, v17;
	v17 =	vadd.f32 v18, v20  }
0x539: {  	v18 =	vunpack.i.u.bf16.f32 v19;
	v19 =	vunpack.i.l.bf16.f32 v19  }
0x53a: {  	v18 =	vadd.f32 v19, v18;
	v16 =	vadd.f32 v17, v16;
	_ =	sdelay $0x1  }
0x53b: {  	v16 =	vadd.f32 v18, v16;
	_ =	sdelay $0x1  }
0x53c: {  	[tilespmem:s25+$0x0] =	vst v16  }
0x53d: {  	v16 =	vld [tilespmem:s1+$0xFFFFFFD0]  }
0x53e: {  	v17 =	vld [tilespmem:s26+$0xFFFFFFD0]  }
0x53f: {  	v18 =	vld [tilespmem:s1+$0xFFFFFFE0]  }
0x540: {  	v19 =	vld [tilespmem:s0+$0xFFFFFFD0]  }
0x541: {  	v20 =	vld [tilespmem:s26+$0x0]  }
0x542: {  	v58 =	vld [tilespmem:s26+$0xFFFFFFE0]  }
0x543: {  	v59 =	vld [tilespmem:s26+$0xFFFFFFF0]  }
0x544: {  	v60 =	vld [tilespmem:s0+$0xFFFFFFE0]  }
0x545: {  	v61 =	vld [tilespmem:s1+$0xFFFFFFF0]  }
0x546: {  	v16 =	vmul.bf16 v17, v16;
	v17 =	vld [tilespmem:s1+$0x0];
	_ =	sdelay $0x1  }
0x547: {  	v62 =	vld [tilespmem:s0+$0xFFFFFFF0];
	v18 =	vmul.bf16 v58, v18  }
0x548: {  	v63 =	vld [tilespmem:s0+$0x0];
	v16 =	vmul.bf16 v16, v19  }
0x549: {  	v22 =	vmul.bf16 v59, v61;
	v18 =	vmul.bf16 v18, v60  }
0x54a: {  	v19 =	vunpack.i.u.bf16.f32 v16;
	v16 =	vunpack.i.l.bf16.f32 v16;
	v17 =	vmul.bf16 v20, v17  }
0x54b: {  	v16 =	vadd.f32 v16, v19;
	v19 =	vunpack.i.u.bf16.f32 v18;
	v18 =	vunpack.i.l.bf16.f32 v18  }
0x54c: {  	s23 =	simm.s32 $0x7A20;
	v18 =	vadd.f32 v18, v19;
	v19 =	vmul.bf16 v22, v62  }
0x54d: {  	s28 =	simm.s32 $0x11440;
	s0 =	simm.s32 $0x8E20;
	s1 =	simm.s32 $0x0;
	v17 =	vmul.bf16 v17, v63  }
.LBB2_26:
0x54e: {  	s1 =	sadd.s32 $0x2, s1;
	v20 =	vunpack.i.u.bf16.f32 v19;
	v19 =	vunpack.i.l.bf16.f32 v19;
	s26 =	sadd.s32 $0x80, s26;
	s25 =	sadd.s32 $0x22, s25  }
0x54f: {  	v16 =	vadd.f32 v18, v16;
	p0 =	slt.u32 s1, $0xE;
	v18 =	vadd.f32 v19, v20;
	v19 =	vunpack.i.u.bf16.f32 v17  }
0x550: {  	v17 =	vunpack.i.l.bf16.f32 v17  }
0x551: {  	v17 =	vadd.f32 v17, v19;
	v16 =	vadd.f32 v18, v16;
	_ =	sdelay $0x1  }
0x552: {  	v16 =	vadd.f32 v17, v16;
	_ =	sdelay $0x1  }
0x553: {  	[tilespmem:s28+$0x11] =	vst v16;
	s28 =	smov.u32 s25  }
0x554: {  	v16 =	vld [tilespmem:s0+$0xFFFFFFA0]  }
0x555: {  	v17 =	vld [tilespmem:s0+$0xFFFFFF90]  }
0x556: {  	v18 =	vld [tilespmem:s26+$0xFFFFFF90]  }
0x557: {  	v19 =	vld [tilespmem:s23+$0xFFFFFFA0]  }
0x558: {  	v20 =	vld [tilespmem:s26+$0xFFFFFFA0]  }
0x559: {  	v21 =	vld [tilespmem:s23+$0xFFFFFF90]  }
0x55a: {  	v22 =	vld [tilespmem:s23+$0xFFFFFFB0]  }
0x55b: {  	v23 =	vld [tilespmem:s26+$0xFFFFFFB0]  }
0x55c: {  	v24 =	vld [tilespmem:s26+$0xFFFFFFC0]  }
0x55d: {  	v19 =	vmul.bf16 v20, v19;
	v20 =	vld [tilespmem:s23+$0xFFFFFFC0]  }
0x55e: {  	v18 =	vmul.bf16 v18, v21;
	v21 =	vld [tilespmem:s0+$0xFFFFFFB0]  }
0x55f: {  	v16 =	vmul.bf16 v19, v16;
	v19 =	vld [tilespmem:s0+$0xFFFFFFC0]  }
0x560: {  	v17 =	vmul.bf16 v18, v17;
	v18 =	vmul.bf16 v23, v22  }
0x561: {  	v22 =	vunpack.i.u.bf16.f32 v16;
	v16 =	vunpack.i.l.bf16.f32 v16  }
0x562: {  	v23 =	vunpack.i.u.bf16.f32 v17;
	v17 =	vunpack.i.l.bf16.f32 v17;
	v20 =	vmul.bf16 v24, v20  }
0x563: {  	v16 =	vadd.f32 v16, v22;
	v17 =	vadd.f32 v17, v23;
	v18 =	vmul.bf16 v18, v21  }
0x564: {  	v19 =	vmul.bf16 v20, v19  }
0x565: {  	v16 =	vadd.f32 v16, v17;
	v17 =	vunpack.i.u.bf16.f32 v18;
	v18 =	vunpack.i.l.bf16.f32 v18  }
0x566: {  	v17 =	vadd.f32 v18, v17;
	v18 =	vunpack.i.u.bf16.f32 v19;
	v19 =	vunpack.i.l.bf16.f32 v19  }
0x567: {  	v18 =	vadd.f32 v19, v18  }
0x568: {  	v16 =	vadd.f32 v17, v16;
	_ =	sdelay $0x1  }
0x569: {  	v16 =	vadd.f32 v18, v16;
	_ =	sdelay $0x1  }
0x56a: {  	[tilespmem:s25+$0x0] =	vst v16  }
0x56b: {  	v16 =	vld [tilespmem:s23+$0xFFFFFFD0]  }
0x56c: {  	v17 =	vld [tilespmem:s26+$0xFFFFFFD0]  }
0x56d: {  	v18 =	vld [tilespmem:s23+$0xFFFFFFE0]  }
0x56e: {  	v19 =	vld [tilespmem:s0+$0xFFFFFFD0]  }
0x56f: {  	v20 =	vld [tilespmem:s26+$0x0]  }
0x570: {  	v21 =	vld [tilespmem:s26+$0xFFFFFFE0]  }
0x571: {  	v16 =	vmul.bf16 v17, v16;
	v17 =	vld [tilespmem:s26+$0xFFFFFFF0]  }
0x572: {  	v22 =	vld [tilespmem:s0+$0xFFFFFFE0]  }
0x573: {  	v16 =	vmul.bf16 v16, v19;
	v19 =	vld [tilespmem:s23+$0xFFFFFFF0]  }
0x574: {  	v23 =	vld [tilespmem:s23+$0x0]  }
0x575: {  	v24 =	vunpack.i.u.bf16.f32 v16;
	v16 =	vunpack.i.l.bf16.f32 v16;
	v18 =	vmul.bf16 v21, v18;
	v21 =	vld [tilespmem:s0+$0xFFFFFFF0]  }
0x576: {  	v16 =	vadd.f32 v16, v24;
	v24 =	vld [tilespmem:s0+$0x0]  }
.Ltmp12:
0x577: {  	v18 =	vmul.bf16 v18, v22;
	(pc) =	sbr.rel @p0 .LBB2_26-.Ltmp12, $4  }
0x578: {  	v17 =	vmul.bf16 v17, v19  }
0x579: {  	v19 =	vunpack.i.u.bf16.f32 v18;
	v18 =	vunpack.i.l.bf16.f32 v18;
	v20 =	vmul.bf16 v20, v23  }
0x57a: {  	v18 =	vadd.f32 v18, v19;
	v19 =	vmul.bf16 v17, v21  }
0x57b: {  	s23 =	sadd.s32 $0x80, s23;
	s0 =	sadd.s32 $0x80, s0;
	v17 =	vmul.bf16 v20, v24  }
0x57c: {  	v20 =	vunpack.i.u.bf16.f32 v19;
	v19 =	vunpack.i.l.bf16.f32 v19  }
0x57d: {  	v16 =	vadd.f32 v18, v16;
	v18 =	vadd.f32 v19, v20  }
0x57e: {  	v19 =	vunpack.i.u.bf16.f32 v17;
	v17 =	vunpack.i.l.bf16.f32 v17  }
0x57f: {  	v17 =	vadd.f32 v17, v19;
	v16 =	vadd.f32 v18, v16;
	_ =	sdelay $0x1  }
0x580: {  	v16 =	vadd.f32 v17, v16;
	_ =	sdelay $0x1  }
0x581: {  	s25 =	simm.s32 $0x11440;
	[tilespmem:s28+$0x11] =	vst v16  }
0x582: {  	v16 =	vld.idx.msk [tilespmem:v0+s25+$0x0], $0xffff  }
0x583: {  	v17 =	vld.idx.msk [tilespmem:v1+s25+$0x0], $0xffff  }
0x584: {  	v18 =	vld.idx.msk [tilespmem:v2+s25+$0x0], $0xffff  }
0x585: {  	v19 =	vld.idx.msk [tilespmem:v3+s25+$0x0], $0xffff  }
0x586: {  	v20 =	vld.idx.msk [tilespmem:v4+s25+$0x0], $0xffff  }
0x587: {  	v21 =	vld.idx.msk [tilespmem:v5+s25+$0x0], $0xffff  }
0x588: {  	v22 =	vld.idx.msk [tilespmem:v6+s25+$0x0], $0xffff  }
0x589: {  	v23 =	vld.idx.msk [tilespmem:v7+s25+$0x0], $0xffff  }
0x58a: {  	v16 =	vadd.f32 v18, v16;
	v17 =	vadd.f32 v19, v17;
	v18 =	vld.idx.msk [tilespmem:v8+s25+$0x0], $0xffff  }
0x58b: {  	v19 =	vld.idx.msk [tilespmem:v9+s25+$0x0], $0xffff  }
0x58c: {  	v49 =	vld.idx.msk [tilespmem:v11+s25+$0x0], $0xffff;
	v16 =	vadd.f32 v20, v16;
	v17 =	vadd.f32 v21, v17  }
0x58d: {  	v20 =	vld.idx.msk [tilespmem:v10+s25+$0x0], $0xffff  }
0x58e: {  	v50 =	vld.idx.msk [tilespmem:v12+s25+$0x0], $0xffff;
	v16 =	vadd.f32 v22, v16;
	v17 =	vadd.f32 v23, v17  }
0x58f: {  	v51 =	vld.idx.msk [tilespmem:v13+s25+$0x0], $0xffff  }
0x590: {  	v16 =	vadd.f32 v18, v16;
	v17 =	vadd.f32 v19, v17;
	v18 =	vld.idx.msk [tilespmem:v14+s25+$0x0], $0xffff  }
0x591: {  	v19 =	vld.idx.msk [tilespmem:v15+s25+$0x0], $0xffff  }
0x592: {  	v16 =	vadd.f32 v20, v16;
	v17 =	vadd.f32 v49, v17;
	_ =	sdelay $0x1  }
0x593: {  	v16 =	vadd.f32 v50, v16;
	v17 =	vadd.f32 v51, v17;
	_ =	sdelay $0x1  }
0x594: {  	v16 =	vadd.f32 v18, v16;
	v17 =	vadd.f32 v19, v17;
	_ =	sdelay $0x1  }
0x595: {  	v16 =	vadd.f32 v17, v16;
	_ =	sdelay $0x1  }
0x596: {  	s0 =	simm.s32 $0x91A0;
	[tilespmem:$0x11400] =	vst v16  }
0x597: {  	v16 =	vld [tilespmem:s0+$0xFFFFFFA0]  }
0x598: {  	s26 =	simm.s32 $0xA5A0;
	v17 =	vld [tilespmem:s0+$0xFFFFFF90]  }
0x599: {  	s1 =	simm.s32 $0x7DA0;
	v18 =	vld [tilespmem:s26+$0xFFFFFF90]  }
0x59a: {  	v19 =	vld [tilespmem:s1+$0xFFFFFFA0]  }
0x59b: {  	v20 =	vld [tilespmem:s26+$0xFFFFFFA0]  }
0x59c: {  	v52 =	vld [tilespmem:s1+$0xFFFFFF90]  }
0x59d: {  	v53 =	vld [tilespmem:s1+$0xFFFFFFB0]  }
0x59e: {  	v54 =	vld [tilespmem:s26+$0xFFFFFFB0]  }
0x59f: {  	v24 =	vld [tilespmem:s26+$0xFFFFFFC0]  }
0x5a0: {  	v25 =	vld [tilespmem:s1+$0xFFFFFFC0]  }
0x5a1: {  	v19 =	vmul.bf16 v20, v19;
	v20 =	vld [tilespmem:s0+$0xFFFFFFB0]  }
0x5a2: {  	v18 =	vmul.bf16 v18, v52  }
0x5a3: {  	v16 =	vmul.bf16 v19, v16;
	v19 =	vld [tilespmem:s0+$0xFFFFFFC0]  }
0x5a4: {  	v17 =	vmul.bf16 v18, v17;
	v18 =	vmul.bf16 v54, v53  }
0x5a5: {  	v57 =	vmul.bf16 v24, v25;
	v55 =	vunpack.i.u.bf16.f32 v16;
	v16 =	vunpack.i.l.bf16.f32 v16  }
0x5a6: {  	v56 =	vunpack.i.u.bf16.f32 v17;
	v17 =	vunpack.i.l.bf16.f32 v17;
	v18 =	vmul.bf16 v18, v20  }
0x5a7: {  	v17 =	vadd.f32 v17, v56;
	v16 =	vadd.f32 v16, v55  }
0x5a8: {  	v19 =	vmul.bf16 v57, v19;
	v20 =	vunpack.i.u.bf16.f32 v18;
	v18 =	vunpack.i.l.bf16.f32 v18  }
0x5a9: {  	v16 =	vadd.f32 v16, v17;
	v17 =	vadd.f32 v18, v20  }
0x5aa: {  	v18 =	vunpack.i.u.bf16.f32 v19;
	v19 =	vunpack.i.l.bf16.f32 v19  }
0x5ab: {  	v18 =	vadd.f32 v19, v18;
	v16 =	vadd.f32 v17, v16;
	_ =	sdelay $0x1  }
0x5ac: {  	v16 =	vadd.f32 v18, v16;
	_ =	sdelay $0x1  }
0x5ad: {  	[tilespmem:s25+$0x0] =	vst v16  }
0x5ae: {  	v16 =	vld [tilespmem:s1+$0xFFFFFFD0]  }
0x5af: {  	v17 =	vld [tilespmem:s26+$0xFFFFFFD0]  }
0x5b0: {  	v18 =	vld [tilespmem:s1+$0xFFFFFFE0]  }
0x5b1: {  	v19 =	vld [tilespmem:s0+$0xFFFFFFD0]  }
0x5b2: {  	v20 =	vld [tilespmem:s26+$0x0]  }
0x5b3: {  	v58 =	vld [tilespmem:s26+$0xFFFFFFE0]  }
0x5b4: {  	v59 =	vld [tilespmem:s26+$0xFFFFFFF0]  }
0x5b5: {  	v60 =	vld [tilespmem:s0+$0xFFFFFFE0]  }
0x5b6: {  	v61 =	vld [tilespmem:s1+$0xFFFFFFF0]  }
0x5b7: {  	v16 =	vmul.bf16 v17, v16;
	v17 =	vld [tilespmem:s1+$0x0];
	_ =	sdelay $0x1  }
0x5b8: {  	v62 =	vld [tilespmem:s0+$0xFFFFFFF0];
	v18 =	vmul.bf16 v58, v18  }
0x5b9: {  	v63 =	vld [tilespmem:s0+$0x0];
	v16 =	vmul.bf16 v16, v19  }
0x5ba: {  	v22 =	vmul.bf16 v59, v61;
	v18 =	vmul.bf16 v18, v60  }
0x5bb: {  	v19 =	vunpack.i.u.bf16.f32 v16;
	v16 =	vunpack.i.l.bf16.f32 v16;
	v17 =	vmul.bf16 v20, v17  }
0x5bc: {  	v16 =	vadd.f32 v16, v19;
	v19 =	vunpack.i.u.bf16.f32 v18;
	v18 =	vunpack.i.l.bf16.f32 v18  }
0x5bd: {  	s23 =	simm.s32 $0x7E20;
	v18 =	vadd.f32 v18, v19;
	v19 =	vmul.bf16 v22, v62  }
0x5be: {  	s28 =	simm.s32 $0x11440;
	s0 =	simm.s32 $0x9220;
	s1 =	simm.s32 $0x0;
	v17 =	vmul.bf16 v17, v63  }
.LBB2_28:
0x5bf: {  	s1 =	sadd.s32 $0x2, s1;
	v20 =	vunpack.i.u.bf16.f32 v19;
	v19 =	vunpack.i.l.bf16.f32 v19;
	s26 =	sadd.s32 $0x80, s26;
	s25 =	sadd.s32 $0x22, s25  }
0x5c0: {  	v16 =	vadd.f32 v18, v16;
	p0 =	slt.u32 s1, $0xE;
	v18 =	vadd.f32 v19, v20;
	v19 =	vunpack.i.u.bf16.f32 v17  }
0x5c1: {  	v17 =	vunpack.i.l.bf16.f32 v17  }
0x5c2: {  	v17 =	vadd.f32 v17, v19;
	v16 =	vadd.f32 v18, v16;
	_ =	sdelay $0x1  }
0x5c3: {  	v16 =	vadd.f32 v17, v16;
	_ =	sdelay $0x1  }
0x5c4: {  	[tilespmem:s28+$0x11] =	vst v16;
	s28 =	smov.u32 s25  }
0x5c5: {  	v16 =	vld [tilespmem:s0+$0xFFFFFFA0]  }
0x5c6: {  	v17 =	vld [tilespmem:s0+$0xFFFFFF90]  }
0x5c7: {  	v18 =	vld [tilespmem:s26+$0xFFFFFF90]  }
0x5c8: {  	v19 =	vld [tilespmem:s23+$0xFFFFFFA0]  }
0x5c9: {  	v20 =	vld [tilespmem:s26+$0xFFFFFFA0]  }
0x5ca: {  	v21 =	vld [tilespmem:s23+$0xFFFFFF90]  }
0x5cb: {  	v22 =	vld [tilespmem:s23+$0xFFFFFFB0]  }
0x5cc: {  	v23 =	vld [tilespmem:s26+$0xFFFFFFB0]  }
0x5cd: {  	v24 =	vld [tilespmem:s26+$0xFFFFFFC0]  }
0x5ce: {  	v19 =	vmul.bf16 v20, v19;
	v20 =	vld [tilespmem:s23+$0xFFFFFFC0]  }
0x5cf: {  	v18 =	vmul.bf16 v18, v21;
	v21 =	vld [tilespmem:s0+$0xFFFFFFB0]  }
0x5d0: {  	v16 =	vmul.bf16 v19, v16;
	v19 =	vld [tilespmem:s0+$0xFFFFFFC0]  }
0x5d1: {  	v17 =	vmul.bf16 v18, v17;
	v18 =	vmul.bf16 v23, v22  }
0x5d2: {  	v22 =	vunpack.i.u.bf16.f32 v16;
	v16 =	vunpack.i.l.bf16.f32 v16  }
0x5d3: {  	v23 =	vunpack.i.u.bf16.f32 v17;
	v17 =	vunpack.i.l.bf16.f32 v17;
	v20 =	vmul.bf16 v24, v20  }
0x5d4: {  	v16 =	vadd.f32 v16, v22;
	v17 =	vadd.f32 v17, v23;
	v18 =	vmul.bf16 v18, v21  }
0x5d5: {  	v19 =	vmul.bf16 v20, v19  }
0x5d6: {  	v16 =	vadd.f32 v16, v17;
	v17 =	vunpack.i.u.bf16.f32 v18;
	v18 =	vunpack.i.l.bf16.f32 v18  }
0x5d7: {  	v17 =	vadd.f32 v18, v17;
	v18 =	vunpack.i.u.bf16.f32 v19;
	v19 =	vunpack.i.l.bf16.f32 v19  }
0x5d8: {  	v18 =	vadd.f32 v19, v18  }
0x5d9: {  	v16 =	vadd.f32 v17, v16;
	_ =	sdelay $0x1  }
0x5da: {  	v16 =	vadd.f32 v18, v16;
	_ =	sdelay $0x1  }
0x5db: {  	[tilespmem:s25+$0x0] =	vst v16  }
0x5dc: {  	v16 =	vld [tilespmem:s23+$0xFFFFFFD0]  }
0x5dd: {  	v17 =	vld [tilespmem:s26+$0xFFFFFFD0]  }
0x5de: {  	v18 =	vld [tilespmem:s23+$0xFFFFFFE0]  }
0x5df: {  	v19 =	vld [tilespmem:s0+$0xFFFFFFD0]  }
0x5e0: {  	v20 =	vld [tilespmem:s26+$0x0]  }
0x5e1: {  	v21 =	vld [tilespmem:s26+$0xFFFFFFE0]  }
0x5e2: {  	v16 =	vmul.bf16 v17, v16;
	v17 =	vld [tilespmem:s26+$0xFFFFFFF0]  }
0x5e3: {  	v22 =	vld [tilespmem:s0+$0xFFFFFFE0]  }
0x5e4: {  	v16 =	vmul.bf16 v16, v19;
	v19 =	vld [tilespmem:s23+$0xFFFFFFF0]  }
0x5e5: {  	v23 =	vld [tilespmem:s23+$0x0]  }
0x5e6: {  	v24 =	vunpack.i.u.bf16.f32 v16;
	v16 =	vunpack.i.l.bf16.f32 v16;
	v18 =	vmul.bf16 v21, v18;
	v21 =	vld [tilespmem:s0+$0xFFFFFFF0]  }
0x5e7: {  	v16 =	vadd.f32 v16, v24;
	v24 =	vld [tilespmem:s0+$0x0]  }
.Ltmp13:
0x5e8: {  	v18 =	vmul.bf16 v18, v22;
	(pc) =	sbr.rel @p0 .LBB2_28-.Ltmp13, $4  }
0x5e9: {  	v17 =	vmul.bf16 v17, v19  }
0x5ea: {  	v19 =	vunpack.i.u.bf16.f32 v18;
	v18 =	vunpack.i.l.bf16.f32 v18;
	v20 =	vmul.bf16 v20, v23  }
0x5eb: {  	v18 =	vadd.f32 v18, v19;
	v19 =	vmul.bf16 v17, v21  }
0x5ec: {  	s23 =	sadd.s32 $0x80, s23;
	s0 =	sadd.s32 $0x80, s0;
	v17 =	vmul.bf16 v20, v24  }
0x5ed: {  	v20 =	vunpack.i.u.bf16.f32 v19;
	v19 =	vunpack.i.l.bf16.f32 v19  }
0x5ee: {  	v16 =	vadd.f32 v18, v16;
	v18 =	vadd.f32 v19, v20  }
0x5ef: {  	v19 =	vunpack.i.u.bf16.f32 v17;
	v17 =	vunpack.i.l.bf16.f32 v17  }
0x5f0: {  	v17 =	vadd.f32 v17, v19;
	v16 =	vadd.f32 v18, v16;
	_ =	sdelay $0x1  }
0x5f1: {  	v16 =	vadd.f32 v17, v16;
	_ =	sdelay $0x1  }
0x5f2: {  	s25 =	simm.s32 $0x11440;
	[tilespmem:s28+$0x11] =	vst v16  }
0x5f3: {  	v16 =	vld.idx.msk [tilespmem:v0+s25+$0x0], $0xffff  }
0x5f4: {  	v17 =	vld.idx.msk [tilespmem:v1+s25+$0x0], $0xffff  }
0x5f5: {  	v18 =	vld.idx.msk [tilespmem:v2+s25+$0x0], $0xffff  }
0x5f6: {  	v19 =	vld.idx.msk [tilespmem:v3+s25+$0x0], $0xffff  }
0x5f7: {  	v20 =	vld.idx.msk [tilespmem:v4+s25+$0x0], $0xffff  }
0x5f8: {  	v21 =	vld.idx.msk [tilespmem:v5+s25+$0x0], $0xffff  }
0x5f9: {  	v22 =	vld.idx.msk [tilespmem:v6+s25+$0x0], $0xffff  }
0x5fa: {  	v23 =	vld.idx.msk [tilespmem:v7+s25+$0x0], $0xffff  }
0x5fb: {  	v16 =	vadd.f32 v18, v16;
	v17 =	vadd.f32 v19, v17;
	v18 =	vld.idx.msk [tilespmem:v8+s25+$0x0], $0xffff  }
0x5fc: {  	v19 =	vld.idx.msk [tilespmem:v9+s25+$0x0], $0xffff  }
0x5fd: {  	v49 =	vld.idx.msk [tilespmem:v11+s25+$0x0], $0xffff;
	v16 =	vadd.f32 v20, v16;
	v17 =	vadd.f32 v21, v17  }
0x5fe: {  	v20 =	vld.idx.msk [tilespmem:v10+s25+$0x0], $0xffff  }
0x5ff: {  	v50 =	vld.idx.msk [tilespmem:v12+s25+$0x0], $0xffff;
	v16 =	vadd.f32 v22, v16;
	v17 =	vadd.f32 v23, v17  }
0x600: {  	v51 =	vld.idx.msk [tilespmem:v13+s25+$0x0], $0xffff  }
0x601: {  	v16 =	vadd.f32 v18, v16;
	v17 =	vadd.f32 v19, v17;
	v18 =	vld.idx.msk [tilespmem:v14+s25+$0x0], $0xffff  }
0x602: {  	v19 =	vld.idx.msk [tilespmem:v15+s25+$0x0], $0xffff  }
0x603: {  	v16 =	vadd.f32 v20, v16;
	v17 =	vadd.f32 v49, v17;
	_ =	sdelay $0x1  }
0x604: {  	v16 =	vadd.f32 v50, v16;
	v17 =	vadd.f32 v51, v17;
	_ =	sdelay $0x1  }
0x605: {  	v16 =	vadd.f32 v18, v16;
	v17 =	vadd.f32 v19, v17;
	_ =	sdelay $0x1  }
0x606: {  	v16 =	vadd.f32 v17, v16;
	_ =	sdelay $0x1  }
0x607: {  	s0 =	simm.s32 $0x95A0;
	[tilespmem:$0x11410] =	vst v16  }
0x608: {  	v16 =	vld [tilespmem:s0+$0xFFFFFFA0]  }
0x609: {  	s26 =	simm.s32 $0xA9A0;
	v17 =	vld [tilespmem:s0+$0xFFFFFF90]  }
0x60a: {  	s1 =	simm.s32 $0x81A0;
	v18 =	vld [tilespmem:s26+$0xFFFFFF90]  }
0x60b: {  	v19 =	vld [tilespmem:s1+$0xFFFFFFA0]  }
0x60c: {  	v20 =	vld [tilespmem:s26+$0xFFFFFFA0]  }
0x60d: {  	v52 =	vld [tilespmem:s1+$0xFFFFFF90]  }
0x60e: {  	v53 =	vld [tilespmem:s1+$0xFFFFFFB0]  }
0x60f: {  	v54 =	vld [tilespmem:s26+$0xFFFFFFB0]  }
0x610: {  	v24 =	vld [tilespmem:s26+$0xFFFFFFC0]  }
0x611: {  	v25 =	vld [tilespmem:s1+$0xFFFFFFC0]  }
0x612: {  	v19 =	vmul.bf16 v20, v19;
	v20 =	vld [tilespmem:s0+$0xFFFFFFB0]  }
0x613: {  	v18 =	vmul.bf16 v18, v52  }
0x614: {  	v16 =	vmul.bf16 v19, v16;
	v19 =	vld [tilespmem:s0+$0xFFFFFFC0]  }
0x615: {  	v17 =	vmul.bf16 v18, v17;
	v18 =	vmul.bf16 v54, v53  }
0x616: {  	v57 =	vmul.bf16 v24, v25;
	v55 =	vunpack.i.u.bf16.f32 v16;
	v16 =	vunpack.i.l.bf16.f32 v16  }
0x617: {  	v56 =	vunpack.i.u.bf16.f32 v17;
	v17 =	vunpack.i.l.bf16.f32 v17;
	v18 =	vmul.bf16 v18, v20  }
0x618: {  	v17 =	vadd.f32 v17, v56;
	v16 =	vadd.f32 v16, v55  }
0x619: {  	v19 =	vmul.bf16 v57, v19;
	v20 =	vunpack.i.u.bf16.f32 v18;
	v18 =	vunpack.i.l.bf16.f32 v18  }
0x61a: {  	v16 =	vadd.f32 v16, v17;
	v17 =	vadd.f32 v18, v20  }
0x61b: {  	v18 =	vunpack.i.u.bf16.f32 v19;
	v19 =	vunpack.i.l.bf16.f32 v19  }
0x61c: {  	v18 =	vadd.f32 v19, v18;
	v16 =	vadd.f32 v17, v16;
	_ =	sdelay $0x1  }
0x61d: {  	v16 =	vadd.f32 v18, v16;
	_ =	sdelay $0x1  }
0x61e: {  	[tilespmem:s25+$0x0] =	vst v16  }
0x61f: {  	v16 =	vld [tilespmem:s1+$0xFFFFFFD0]  }
0x620: {  	v17 =	vld [tilespmem:s26+$0xFFFFFFD0]  }
0x621: {  	v18 =	vld [tilespmem:s1+$0xFFFFFFE0]  }
0x622: {  	v19 =	vld [tilespmem:s0+$0xFFFFFFD0]  }
0x623: {  	v20 =	vld [tilespmem:s26+$0x0]  }
0x624: {  	v58 =	vld [tilespmem:s26+$0xFFFFFFE0]  }
0x625: {  	v59 =	vld [tilespmem:s26+$0xFFFFFFF0]  }
0x626: {  	v60 =	vld [tilespmem:s0+$0xFFFFFFE0]  }
0x627: {  	v61 =	vld [tilespmem:s1+$0xFFFFFFF0]  }
0x628: {  	v16 =	vmul.bf16 v17, v16;
	v17 =	vld [tilespmem:s1+$0x0];
	_ =	sdelay $0x1  }
0x629: {  	v62 =	vld [tilespmem:s0+$0xFFFFFFF0];
	v18 =	vmul.bf16 v58, v18  }
0x62a: {  	v63 =	vld [tilespmem:s0+$0x0];
	v16 =	vmul.bf16 v16, v19  }
0x62b: {  	v22 =	vmul.bf16 v59, v61;
	v18 =	vmul.bf16 v18, v60  }
0x62c: {  	v19 =	vunpack.i.u.bf16.f32 v16;
	v16 =	vunpack.i.l.bf16.f32 v16;
	v17 =	vmul.bf16 v20, v17  }
0x62d: {  	v16 =	vadd.f32 v16, v19;
	v19 =	vunpack.i.u.bf16.f32 v18;
	v18 =	vunpack.i.l.bf16.f32 v18  }
0x62e: {  	s23 =	simm.s32 $0x8220;
	v18 =	vadd.f32 v18, v19;
	v19 =	vmul.bf16 v22, v62  }
0x62f: {  	s28 =	simm.s32 $0x11440;
	s0 =	simm.s32 $0x9620;
	s1 =	simm.s32 $0x0;
	v17 =	vmul.bf16 v17, v63  }
.LBB2_30:
0x630: {  	s1 =	sadd.s32 $0x2, s1;
	v20 =	vunpack.i.u.bf16.f32 v19;
	v19 =	vunpack.i.l.bf16.f32 v19;
	s26 =	sadd.s32 $0x80, s26;
	s25 =	sadd.s32 $0x22, s25  }
0x631: {  	v16 =	vadd.f32 v18, v16;
	p0 =	slt.u32 s1, $0xE;
	v18 =	vadd.f32 v19, v20;
	v19 =	vunpack.i.u.bf16.f32 v17  }
0x632: {  	v17 =	vunpack.i.l.bf16.f32 v17  }
0x633: {  	v17 =	vadd.f32 v17, v19;
	v16 =	vadd.f32 v18, v16;
	_ =	sdelay $0x1  }
0x634: {  	v16 =	vadd.f32 v17, v16;
	_ =	sdelay $0x1  }
0x635: {  	[tilespmem:s28+$0x11] =	vst v16;
	s28 =	smov.u32 s25  }
0x636: {  	v16 =	vld [tilespmem:s0+$0xFFFFFFA0]  }
0x637: {  	v17 =	vld [tilespmem:s0+$0xFFFFFF90]  }
0x638: {  	v18 =	vld [tilespmem:s26+$0xFFFFFF90]  }
0x639: {  	v19 =	vld [tilespmem:s23+$0xFFFFFFA0]  }
0x63a: {  	v20 =	vld [tilespmem:s26+$0xFFFFFFA0]  }
0x63b: {  	v21 =	vld [tilespmem:s23+$0xFFFFFF90]  }
0x63c: {  	v22 =	vld [tilespmem:s23+$0xFFFFFFB0]  }
0x63d: {  	v23 =	vld [tilespmem:s26+$0xFFFFFFB0]  }
0x63e: {  	v24 =	vld [tilespmem:s26+$0xFFFFFFC0]  }
0x63f: {  	v19 =	vmul.bf16 v20, v19;
	v20 =	vld [tilespmem:s23+$0xFFFFFFC0]  }
0x640: {  	v18 =	vmul.bf16 v18, v21;
	v21 =	vld [tilespmem:s0+$0xFFFFFFB0]  }
0x641: {  	v16 =	vmul.bf16 v19, v16;
	v19 =	vld [tilespmem:s0+$0xFFFFFFC0]  }
0x642: {  	v17 =	vmul.bf16 v18, v17;
	v18 =	vmul.bf16 v23, v22  }
0x643: {  	v22 =	vunpack.i.u.bf16.f32 v16;
	v16 =	vunpack.i.l.bf16.f32 v16  }
0x644: {  	v23 =	vunpack.i.u.bf16.f32 v17;
	v17 =	vunpack.i.l.bf16.f32 v17;
	v20 =	vmul.bf16 v24, v20  }
0x645: {  	v16 =	vadd.f32 v16, v22;
	v17 =	vadd.f32 v17, v23;
	v18 =	vmul.bf16 v18, v21  }
0x646: {  	v19 =	vmul.bf16 v20, v19  }
0x647: {  	v16 =	vadd.f32 v16, v17;
	v17 =	vunpack.i.u.bf16.f32 v18;
	v18 =	vunpack.i.l.bf16.f32 v18  }
0x648: {  	v17 =	vadd.f32 v18, v17;
	v18 =	vunpack.i.u.bf16.f32 v19;
	v19 =	vunpack.i.l.bf16.f32 v19  }
0x649: {  	v18 =	vadd.f32 v19, v18  }
0x64a: {  	v16 =	vadd.f32 v17, v16;
	_ =	sdelay $0x1  }
0x64b: {  	v16 =	vadd.f32 v18, v16;
	_ =	sdelay $0x1  }
0x64c: {  	[tilespmem:s25+$0x0] =	vst v16  }
0x64d: {  	v16 =	vld [tilespmem:s23+$0xFFFFFFD0]  }
0x64e: {  	v17 =	vld [tilespmem:s26+$0xFFFFFFD0]  }
0x64f: {  	v18 =	vld [tilespmem:s23+$0xFFFFFFE0]  }
0x650: {  	v19 =	vld [tilespmem:s0+$0xFFFFFFD0]  }
0x651: {  	v20 =	vld [tilespmem:s26+$0x0]  }
0x652: {  	v21 =	vld [tilespmem:s26+$0xFFFFFFE0]  }
0x653: {  	v16 =	vmul.bf16 v17, v16;
	v17 =	vld [tilespmem:s26+$0xFFFFFFF0]  }
0x654: {  	v22 =	vld [tilespmem:s0+$0xFFFFFFE0]  }
0x655: {  	v16 =	vmul.bf16 v16, v19;
	v19 =	vld [tilespmem:s23+$0xFFFFFFF0]  }
0x656: {  	v23 =	vld [tilespmem:s23+$0x0]  }
0x657: {  	v24 =	vunpack.i.u.bf16.f32 v16;
	v16 =	vunpack.i.l.bf16.f32 v16;
	v18 =	vmul.bf16 v21, v18;
	v21 =	vld [tilespmem:s0+$0xFFFFFFF0]  }
0x658: {  	v16 =	vadd.f32 v16, v24;
	v24 =	vld [tilespmem:s0+$0x0]  }
.Ltmp14:
0x659: {  	v18 =	vmul.bf16 v18, v22;
	(pc) =	sbr.rel @p0 .LBB2_30-.Ltmp14, $4  }
0x65a: {  	v17 =	vmul.bf16 v17, v19  }
0x65b: {  	v19 =	vunpack.i.u.bf16.f32 v18;
	v18 =	vunpack.i.l.bf16.f32 v18;
	v20 =	vmul.bf16 v20, v23  }
0x65c: {  	v18 =	vadd.f32 v18, v19;
	v19 =	vmul.bf16 v17, v21  }
0x65d: {  	s23 =	sadd.s32 $0x80, s23;
	s0 =	sadd.s32 $0x80, s0;
	v17 =	vmul.bf16 v20, v24  }
0x65e: {  	v20 =	vunpack.i.u.bf16.f32 v19;
	v19 =	vunpack.i.l.bf16.f32 v19  }
0x65f: {  	v16 =	vadd.f32 v18, v16;
	v18 =	vadd.f32 v19, v20  }
0x660: {  	v19 =	vunpack.i.u.bf16.f32 v17;
	v17 =	vunpack.i.l.bf16.f32 v17  }
0x661: {  	v17 =	vadd.f32 v17, v19;
	v16 =	vadd.f32 v18, v16;
	_ =	sdelay $0x1  }
0x662: {  	v16 =	vadd.f32 v17, v16;
	_ =	sdelay $0x1  }
0x663: {  	s25 =	simm.s32 $0x11440;
	[tilespmem:s28+$0x11] =	vst v16  }
0x664: {  	v16 =	vld.idx.msk [tilespmem:v0+s25+$0x0], $0xffff  }
0x665: {  	v17 =	vld.idx.msk [tilespmem:v1+s25+$0x0], $0xffff  }
0x666: {  	v18 =	vld.idx.msk [tilespmem:v2+s25+$0x0], $0xffff  }
0x667: {  	v19 =	vld.idx.msk [tilespmem:v3+s25+$0x0], $0xffff  }
0x668: {  	v20 =	vld.idx.msk [tilespmem:v4+s25+$0x0], $0xffff  }
0x669: {  	v21 =	vld.idx.msk [tilespmem:v5+s25+$0x0], $0xffff  }
0x66a: {  	v22 =	vld.idx.msk [tilespmem:v6+s25+$0x0], $0xffff  }
0x66b: {  	v23 =	vld.idx.msk [tilespmem:v7+s25+$0x0], $0xffff  }
0x66c: {  	v16 =	vadd.f32 v18, v16;
	v17 =	vadd.f32 v19, v17;
	v18 =	vld.idx.msk [tilespmem:v8+s25+$0x0], $0xffff  }
0x66d: {  	v19 =	vld.idx.msk [tilespmem:v9+s25+$0x0], $0xffff  }
0x66e: {  	v49 =	vld.idx.msk [tilespmem:v11+s25+$0x0], $0xffff;
	v16 =	vadd.f32 v20, v16;
	v17 =	vadd.f32 v21, v17  }
0x66f: {  	v20 =	vld.idx.msk [tilespmem:v10+s25+$0x0], $0xffff  }
0x670: {  	v50 =	vld.idx.msk [tilespmem:v12+s25+$0x0], $0xffff;
	v16 =	vadd.f32 v22, v16;
	v17 =	vadd.f32 v23, v17  }
0x671: {  	v51 =	vld.idx.msk [tilespmem:v13+s25+$0x0], $0xffff  }
0x672: {  	v16 =	vadd.f32 v18, v16;
	v17 =	vadd.f32 v19, v17;
	v18 =	vld.idx.msk [tilespmem:v14+s25+$0x0], $0xffff  }
0x673: {  	v19 =	vld.idx.msk [tilespmem:v15+s25+$0x0], $0xffff  }
0x674: {  	v16 =	vadd.f32 v20, v16;
	v17 =	vadd.f32 v49, v17;
	_ =	sdelay $0x1  }
0x675: {  	v16 =	vadd.f32 v50, v16;
	v17 =	vadd.f32 v51, v17;
	_ =	sdelay $0x1  }
0x676: {  	v16 =	vadd.f32 v18, v16;
	v17 =	vadd.f32 v19, v17;
	_ =	sdelay $0x1  }
0x677: {  	v16 =	vadd.f32 v17, v16;
	_ =	sdelay $0x1  }
0x678: {  	s0 =	simm.s32 $0x99A0;
	[tilespmem:$0x11420] =	vst v16  }
0x679: {  	v16 =	vld [tilespmem:s0+$0xFFFFFFA0]  }
0x67a: {  	s26 =	simm.s32 $0xADA0;
	v17 =	vld [tilespmem:s0+$0xFFFFFF90]  }
0x67b: {  	s1 =	simm.s32 $0x85A0;
	v18 =	vld [tilespmem:s26+$0xFFFFFF90]  }
0x67c: {  	v19 =	vld [tilespmem:s1+$0xFFFFFFA0]  }
0x67d: {  	v20 =	vld [tilespmem:s26+$0xFFFFFFA0]  }
0x67e: {  	v52 =	vld [tilespmem:s1+$0xFFFFFF90]  }
0x67f: {  	v53 =	vld [tilespmem:s1+$0xFFFFFFB0]  }
0x680: {  	v54 =	vld [tilespmem:s26+$0xFFFFFFB0]  }
0x681: {  	v24 =	vld [tilespmem:s26+$0xFFFFFFC0]  }
0x682: {  	v25 =	vld [tilespmem:s1+$0xFFFFFFC0]  }
0x683: {  	v19 =	vmul.bf16 v20, v19;
	v20 =	vld [tilespmem:s0+$0xFFFFFFB0]  }
0x684: {  	v18 =	vmul.bf16 v18, v52  }
0x685: {  	v16 =	vmul.bf16 v19, v16;
	v19 =	vld [tilespmem:s0+$0xFFFFFFC0]  }
0x686: {  	v17 =	vmul.bf16 v18, v17;
	v18 =	vmul.bf16 v54, v53  }
0x687: {  	v57 =	vmul.bf16 v24, v25;
	v55 =	vunpack.i.u.bf16.f32 v16;
	v16 =	vunpack.i.l.bf16.f32 v16  }
0x688: {  	v56 =	vunpack.i.u.bf16.f32 v17;
	v17 =	vunpack.i.l.bf16.f32 v17;
	v18 =	vmul.bf16 v18, v20  }
0x689: {  	v17 =	vadd.f32 v17, v56;
	v16 =	vadd.f32 v16, v55  }
0x68a: {  	v19 =	vmul.bf16 v57, v19;
	v20 =	vunpack.i.u.bf16.f32 v18;
	v18 =	vunpack.i.l.bf16.f32 v18  }
0x68b: {  	v16 =	vadd.f32 v16, v17;
	v17 =	vadd.f32 v18, v20  }
0x68c: {  	v18 =	vunpack.i.u.bf16.f32 v19;
	v19 =	vunpack.i.l.bf16.f32 v19  }
0x68d: {  	v18 =	vadd.f32 v19, v18;
	v16 =	vadd.f32 v17, v16;
	_ =	sdelay $0x1  }
0x68e: {  	v16 =	vadd.f32 v18, v16;
	_ =	sdelay $0x1  }
0x68f: {  	[tilespmem:s25+$0x0] =	vst v16  }
0x690: {  	v16 =	vld [tilespmem:s1+$0xFFFFFFD0]  }
0x691: {  	v17 =	vld [tilespmem:s26+$0xFFFFFFD0]  }
0x692: {  	v18 =	vld [tilespmem:s1+$0xFFFFFFE0]  }
0x693: {  	v19 =	vld [tilespmem:s0+$0xFFFFFFD0]  }
0x694: {  	v20 =	vld [tilespmem:s26+$0x0]  }
0x695: {  	v58 =	vld [tilespmem:s26+$0xFFFFFFE0]  }
0x696: {  	v59 =	vld [tilespmem:s26+$0xFFFFFFF0]  }
0x697: {  	v60 =	vld [tilespmem:s0+$0xFFFFFFE0]  }
0x698: {  	v61 =	vld [tilespmem:s1+$0xFFFFFFF0]  }
0x699: {  	v16 =	vmul.bf16 v17, v16;
	v17 =	vld [tilespmem:s1+$0x0];
	_ =	sdelay $0x1  }
0x69a: {  	v62 =	vld [tilespmem:s0+$0xFFFFFFF0];
	v18 =	vmul.bf16 v58, v18  }
0x69b: {  	v63 =	vld [tilespmem:s0+$0x0];
	v16 =	vmul.bf16 v16, v19  }
0x69c: {  	v22 =	vmul.bf16 v59, v61;
	v18 =	vmul.bf16 v18, v60  }
0x69d: {  	v19 =	vunpack.i.u.bf16.f32 v16;
	v16 =	vunpack.i.l.bf16.f32 v16;
	v17 =	vmul.bf16 v20, v17  }
0x69e: {  	v16 =	vadd.f32 v16, v19;
	v19 =	vunpack.i.u.bf16.f32 v18;
	v18 =	vunpack.i.l.bf16.f32 v18  }
0x69f: {  	s23 =	simm.s32 $0x8620;
	v18 =	vadd.f32 v18, v19;
	v19 =	vmul.bf16 v22, v62  }
0x6a0: {  	s28 =	simm.s32 $0x11440;
	s0 =	simm.s32 $0x9A20;
	s1 =	simm.s32 $0x0;
	v17 =	vmul.bf16 v17, v63  }
.LBB2_32:
0x6a1: {  	s1 =	sadd.s32 $0x2, s1;
	v20 =	vunpack.i.u.bf16.f32 v19;
	v19 =	vunpack.i.l.bf16.f32 v19;
	s26 =	sadd.s32 $0x80, s26;
	s25 =	sadd.s32 $0x22, s25  }
0x6a2: {  	v16 =	vadd.f32 v18, v16;
	p0 =	slt.u32 s1, $0xE;
	v18 =	vadd.f32 v19, v20;
	v19 =	vunpack.i.u.bf16.f32 v17  }
0x6a3: {  	v17 =	vunpack.i.l.bf16.f32 v17  }
0x6a4: {  	v17 =	vadd.f32 v17, v19;
	v16 =	vadd.f32 v18, v16;
	_ =	sdelay $0x1  }
0x6a5: {  	v16 =	vadd.f32 v17, v16;
	_ =	sdelay $0x1  }
0x6a6: {  	[tilespmem:s28+$0x11] =	vst v16;
	s28 =	smov.u32 s25  }
0x6a7: {  	v16 =	vld [tilespmem:s0+$0xFFFFFFA0]  }
0x6a8: {  	v17 =	vld [tilespmem:s0+$0xFFFFFF90]  }
0x6a9: {  	v18 =	vld [tilespmem:s26+$0xFFFFFF90]  }
0x6aa: {  	v19 =	vld [tilespmem:s23+$0xFFFFFFA0]  }
0x6ab: {  	v20 =	vld [tilespmem:s26+$0xFFFFFFA0]  }
0x6ac: {  	v21 =	vld [tilespmem:s23+$0xFFFFFF90]  }
0x6ad: {  	v22 =	vld [tilespmem:s23+$0xFFFFFFB0]  }
0x6ae: {  	v23 =	vld [tilespmem:s26+$0xFFFFFFB0]  }
0x6af: {  	v24 =	vld [tilespmem:s26+$0xFFFFFFC0]  }
0x6b0: {  	v19 =	vmul.bf16 v20, v19;
	v20 =	vld [tilespmem:s23+$0xFFFFFFC0]  }
0x6b1: {  	v18 =	vmul.bf16 v18, v21;
	v21 =	vld [tilespmem:s0+$0xFFFFFFB0]  }
0x6b2: {  	v16 =	vmul.bf16 v19, v16;
	v19 =	vld [tilespmem:s0+$0xFFFFFFC0]  }
0x6b3: {  	v17 =	vmul.bf16 v18, v17;
	v18 =	vmul.bf16 v23, v22  }
0x6b4: {  	v22 =	vunpack.i.u.bf16.f32 v16;
	v16 =	vunpack.i.l.bf16.f32 v16  }
0x6b5: {  	v23 =	vunpack.i.u.bf16.f32 v17;
	v17 =	vunpack.i.l.bf16.f32 v17;
	v20 =	vmul.bf16 v24, v20  }
0x6b6: {  	v16 =	vadd.f32 v16, v22;
	v17 =	vadd.f32 v17, v23;
	v18 =	vmul.bf16 v18, v21  }
0x6b7: {  	v19 =	vmul.bf16 v20, v19  }
0x6b8: {  	v16 =	vadd.f32 v16, v17;
	v17 =	vunpack.i.u.bf16.f32 v18;
	v18 =	vunpack.i.l.bf16.f32 v18  }
0x6b9: {  	v17 =	vadd.f32 v18, v17;
	v18 =	vunpack.i.u.bf16.f32 v19;
	v19 =	vunpack.i.l.bf16.f32 v19  }
0x6ba: {  	v18 =	vadd.f32 v19, v18  }
0x6bb: {  	v16 =	vadd.f32 v17, v16;
	_ =	sdelay $0x1  }
0x6bc: {  	v16 =	vadd.f32 v18, v16;
	_ =	sdelay $0x1  }
0x6bd: {  	[tilespmem:s25+$0x0] =	vst v16  }
0x6be: {  	v16 =	vld [tilespmem:s23+$0xFFFFFFD0]  }
0x6bf: {  	v17 =	vld [tilespmem:s26+$0xFFFFFFD0]  }
0x6c0: {  	v18 =	vld [tilespmem:s23+$0xFFFFFFE0]  }
0x6c1: {  	v19 =	vld [tilespmem:s0+$0xFFFFFFD0]  }
0x6c2: {  	v20 =	vld [tilespmem:s26+$0x0]  }
0x6c3: {  	v21 =	vld [tilespmem:s26+$0xFFFFFFE0]  }
0x6c4: {  	v16 =	vmul.bf16 v17, v16;
	v17 =	vld [tilespmem:s26+$0xFFFFFFF0]  }
0x6c5: {  	v22 =	vld [tilespmem:s0+$0xFFFFFFE0]  }
0x6c6: {  	v16 =	vmul.bf16 v16, v19;
	v19 =	vld [tilespmem:s23+$0xFFFFFFF0]  }
0x6c7: {  	v23 =	vld [tilespmem:s23+$0x0]  }
0x6c8: {  	v24 =	vunpack.i.u.bf16.f32 v16;
	v16 =	vunpack.i.l.bf16.f32 v16;
	v18 =	vmul.bf16 v21, v18;
	v21 =	vld [tilespmem:s0+$0xFFFFFFF0]  }
0x6c9: {  	v16 =	vadd.f32 v16, v24;
	v24 =	vld [tilespmem:s0+$0x0]  }
.Ltmp15:
0x6ca: {  	v18 =	vmul.bf16 v18, v22;
	(pc) =	sbr.rel @p0 .LBB2_32-.Ltmp15, $4  }
0x6cb: {  	v17 =	vmul.bf16 v17, v19  }
0x6cc: {  	v19 =	vunpack.i.u.bf16.f32 v18;
	v18 =	vunpack.i.l.bf16.f32 v18;
	v20 =	vmul.bf16 v20, v23  }
0x6cd: {  	v18 =	vadd.f32 v18, v19;
	v19 =	vmul.bf16 v17, v21  }
0x6ce: {  	s23 =	sadd.s32 $0x80, s23;
	s0 =	sadd.s32 $0x80, s0;
	v17 =	vmul.bf16 v20, v24  }
0x6cf: {  	v20 =	vunpack.i.u.bf16.f32 v19;
	v50 =	vunpack.i.l.bf16.f32 v19  }
0x6d0: {  	v16 =	vadd.f32 v18, v16;
	v51 =	vadd.f32 v50, v20  }
0x6d1: {  	v52 =	vunpack.i.u.bf16.f32 v17;
	v17 =	vunpack.i.l.bf16.f32 v17  }
0x6d2: {  	v17 =	vadd.f32 v17, v52;
	v16 =	vadd.f32 v51, v16;
	_ =	sdelay $0x1  }
0x6d3: {  	v16 =	vadd.f32 v17, v16;
	_ =	sdelay $0x1  }
0x6d4: {  	[tilespmem:s28+$0x11] =	vst v16  }
0x6d5: {  	v16 =	vld.idx.msk [tilespmem:v0+s22+$0x0], $0xffff  }
0x6d6: {  	v17 =	vld.idx.msk [tilespmem:v1+s22+$0x0], $0xffff  }
0x6d7: {  	v53 =	vld.idx.msk [tilespmem:v2+s22+$0x0], $0xffff  }
0x6d8: {  	v54 =	vld.idx.msk [tilespmem:v3+s22+$0x0], $0xffff  }
0x6d9: {  	v55 =	vld.idx.msk [tilespmem:v4+s22+$0x0], $0xffff  }
0x6da: {  	v21 =	vld.idx.msk [tilespmem:v5+s22+$0x0], $0xffff  }
0x6db: {  	v22 =	vld.idx.msk [tilespmem:v6+s22+$0x0], $0xffff  }
0x6dc: {  	v23 =	vld.idx.msk [tilespmem:v7+s22+$0x0], $0xffff  }
0x6dd: {  	v56 =	vld.idx.msk [tilespmem:v8+s22+$0x0], $0xffff;
	v16 =	vadd.f32 v53, v16;
	v17 =	vadd.f32 v54, v17  }
0x6de: {  	v57 =	vld.idx.msk [tilespmem:v9+s22+$0x0], $0xffff  }
0x6df: {  	v58 =	vld.idx.msk [tilespmem:v10+s22+$0x0], $0xffff;
	v16 =	vadd.f32 v55, v16;
	v17 =	vadd.f32 v21, v17  }
0x6e0: {  	v59 =	vld.idx.msk [tilespmem:v11+s22+$0x0], $0xffff  }
0x6e1: {  	v60 =	vld.idx.msk [tilespmem:v12+s22+$0x0], $0xffff;
	v16 =	vadd.f32 v22, v16;
	v17 =	vadd.f32 v23, v17  }
0x6e2: {  	v61 =	vld.idx.msk [tilespmem:v13+s22+$0x0], $0xffff  }
0x6e3: {  	v62 =	vld.idx.msk [tilespmem:v14+s22+$0x0], $0xffff;
	v16 =	vadd.f32 v56, v16;
	v17 =	vadd.f32 v57, v17  }
0x6e4: {  	v63 =	vld.idx.msk [tilespmem:v15+s22+$0x0], $0xffff  }
0x6e5: {  	v16 =	vadd.f32 v58, v16;
	v17 =	vadd.f32 v59, v17;
	_ =	sdelay $0x1  }
0x6e6: {  	v16 =	vadd.f32 v60, v16;
	v17 =	vadd.f32 v61, v17;
	_ =	sdelay $0x1  }
0x6e7: {  	v16 =	vadd.f32 v62, v16;
	v17 =	vadd.f32 v63, v17;
	_ =	sdelay $0x1  }
0x6e8: {  	s24 =	sadd.s32 $0x1, s24;
	v16 =	vadd.f32 v17, v16  }
0x6e9: {  	p0 =	sne.s32 s24, s9  }
.Ltmp16:
0x6ea: {  	s0 =	simm.s32 $0xED30;
	[tilespmem:$0x11430] =	vst v16;
	(pc) =	sbr.rel @p0 .LBB2_1-.Ltmp16, $4  }
0x6eb: {  	[hbm4b:s8+s2] =	stream.linear.scatter [tilespmem:s0], [sflag:$0x3], $0x2710, $0x38;
	[tilespmem:$0x11550] =	vst v63  }
0x6ec: {  	_ =	swait.ge [sflag:s10], $0x2710  }
0x6ed: {  	[sflag:s10] =	ssyncset.done $0x0  }
0x6ee: {  	[sflag:s10] =	ssyncadd.s32 $0xFFFFD8F0  }
0x6ef: {  	_ =	sfence.sel $0x180000  }
0x6f0: {  	[bflag:$0x0] =	sbarrier.arrive $0xFFFF  }
0x6f1: {  	_ =	strace $0x90000047  }
0x6f2: {  	s0 =	stileid.u32;
	[bflag:$0x2] =	sbarrier.arrive $0xFFFF  }
0x6f3: {  	p0 =	sne.s32 s0, $0x0;
	s0 =	rddreg [dreg:$0x3]  }
0x6f4: {  	s0 =	sadd.s32 @!p0 $0x100000, s0  }
0x6f5: {  	[sflag:s0] =	ssyncadd.tile.s32 @!p0 $0x1;
	_ =	shalt  }
.Lfunc_end2:
_tile_overlayer_lowered:
.L_overlay_start_2:
0x6f6: {  	(tag) =	ssettag $0x2  }
0x6f7: {  	s0 =	rddreg [dreg:$0x0];
	s2 =	stileid.u32  }
0x6f8: {  	s1 =	rddreg [dreg:$0x1];
	p0 =	sne.s32 s2, $0x0  }
0x6f9: {  	s3 =	rddreg [dreg:$0x2];
	[bflag:$0x3] =	sbarrier.arrive $0xFFFF;
	s2 =	simm.s32 @!p0 $0x1C03  }
0x6fa: {  	[timem:s3], [sflag:s2] =	dma.local @!p0 [hbm:s0], s1  }
0x6fb: {  	s0 =	simm.s32 @!p0 $0x3  }
0x6fc: {  	_ =	swait.ge @!p0 [sflag:s0], s1  }
0x6fd: {  	s1 =	ssub.s32 @!p0 $0x0, s1;
	[sflag:s0] =	ssyncset.done @!p0 $0x0  }
0x6fe: {  	[sflag:s0] =	ssyncadd.s32 @!p0 s1  }
0x6ff: {  	[bflag:$0x3] =	sbarrier.arrive $0xFFFF  }
0x700: {  	_ =	shalt  }

</sc_bundles>
